<compile_context>
chip_gen: v7x
topology: tpu7x:2x2x1
jax: 0.10.2.dev20260603
libtpu: 0.0.44.dev20260713+nightly
codegen_flags: <defaults>
</compile_context>

<pallas_src>
import functools

import jax
import jax.numpy as jnp
from jax import lax
from jax.experimental import pallas as pl
from jax.experimental.pallas import tpu as pltpu
from jax.experimental.pallas import tpu_sc as plsc

_NC = 2
_NS = 16
_NW = _NC * _NS
_L = 16


@functools.lru_cache(maxsize=None)
def _make_sc_deg(n, e):
    per_w = e // _NW
    ch = 2000
    nch = per_w // ch
    rem = per_w - nch * ch
    assert rem % _L == 0 and n % _L == 0
    mesh = plsc.VectorSubcoreMesh(core_axis_name="c", subcore_axis_name="s")

    @functools.partial(
        pl.kernel,
        out_type=jax.ShapeDtypeStruct((_NW, n), jnp.float32),
        mesh=mesh,
        compiler_params=pltpu.CompilerParams(needs_layout_passes=False),
        scratch_types=[
            pltpu.VMEM((n,), jnp.float32),
            pltpu.VMEM((ch,), jnp.int32),
            pltpu.VMEM((ch,), jnp.float32),
        ],
    )
    def sc_deg(col_hbm, ew_hbm, out_hbm, hist, col_v, w_v):
        cid = lax.axis_index("c")
        sid = lax.axis_index("s")
        wid = sid * _NC + cid

        @pl.loop(0, n, step=_L)
        def _(i):
            hist[pl.ds(i, _L)] = jnp.zeros((_L,), jnp.float32)

        base_w = wid * per_w

        @pl.loop(0, nch)
        def _(t):
            b = base_w + t * ch
            pltpu.sync_copy(col_hbm.at[pl.ds(b, ch)], col_v)
            pltpu.sync_copy(ew_hbm.at[pl.ds(b, ch)], w_v)

            @pl.loop(0, ch, step=_L)
            def _(g):
                plsc.addupdate_scatter(
                    hist, [col_v[pl.ds(g, _L)]], w_v[pl.ds(g, _L)]
                )

        if rem:
            b = base_w + nch * ch
            pltpu.sync_copy(col_hbm.at[pl.ds(b, rem)], col_v.at[pl.ds(0, rem)])
            pltpu.sync_copy(ew_hbm.at[pl.ds(b, rem)], w_v.at[pl.ds(0, rem)])

            @pl.loop(0, rem, step=_L)
            def _(g):
                plsc.addupdate_scatter(
                    hist, [col_v[pl.ds(g, _L)]], w_v[pl.ds(g, _L)]
                )

        pltpu.sync_copy(hist, out_hbm.at[wid])

    return sc_deg


@functools.lru_cache(maxsize=None)
def _make_sc_scatter(n_pad, d, e, chunk):
    nchunk = e // chunk
    assert nchunk * chunk == e
    per_tile = n_pad // _NS
    ndump = per_tile // chunk
    assert ndump * chunk == per_tile
    jmax = (nchunk + _NW - 1) // _NW
    mesh = plsc.VectorSubcoreMesh(core_axis_name="c", subcore_axis_name="s")

    @functools.partial(
        pl.kernel,
        out_type=jax.ShapeDtypeStruct((_NC, n_pad, d), jnp.float32),
        mesh=mesh,
        scratch_types=[
            pltpu.VMEM((chunk,), jnp.int32),
            pltpu.VMEM((chunk,), jnp.int32),
            pltpu.VMEM((chunk,), jnp.float32),
            pltpu.VMEM((chunk, d), jnp.float32),
            pltpu.VMEM_SHARED((n_pad, d), jnp.float32),
            pltpu.SemaphoreType.DMA,
        ],
    )
    def sc_scatter(xs_hbm, row_hbm, col_hbm, ew_hbm, out_hbm,
                   row_v, col_v, w_v, rows_v, acc, sem):
        cid = lax.axis_index("c")
        sid = lax.axis_index("s")
        wid = sid * _NC + cid

        @pl.loop(0, chunk)
        def _(r):
            for f in range(d // _L):
                rows_v[r, pl.ds(f * _L, _L)] = jnp.zeros((_L,), jnp.float32)

        @pl.loop(0, ndump)
        def _(t):
            pltpu.sync_copy(
                rows_v, acc.at[pl.ds(sid * per_tile + t * chunk, chunk)]
            )

        plsc.subcore_barrier()

        @pl.loop(0, jmax)
        def _(j):
            c = wid + _NW * j

            @pl.when(c < nchunk)
            def _():
                base = c * chunk
                pltpu.sync_copy(row_hbm.at[pl.ds(base, chunk)], row_v)
                pltpu.sync_copy(col_hbm.at[pl.ds(base, chunk)], col_v)
                pltpu.sync_copy(ew_hbm.at[pl.ds(base, chunk)], w_v)
                pltpu.async_copy(xs_hbm.at[row_v], rows_v, sem).wait()

                @pl.loop(0, chunk, step=_L)
                def _(g):
                    wv16 = w_v[pl.ds(g, _L)]
                    for l in range(_L):
                        wvec = jnp.full((_L,), wv16[l], dtype=jnp.float32)
                        ee = g + l
                        for f in range(d // _L):
                            rows_v[ee, pl.ds(f * _L, _L)] = (
                                rows_v[ee, pl.ds(f * _L, _L)] * wvec
                            )

                pltpu.async_copy(rows_v, acc.at[col_v], sem, add=True).wait()

        plsc.subcore_barrier()

        @pl.loop(0, ndump)
        def _(t):
            r0 = sid * per_tile + t * chunk
            pltpu.sync_copy(acc.at[pl.ds(r0, chunk)],
                            out_hbm.at[cid, pl.ds(r0, chunk)])

    return sc_scatter


def _tc_dinv(degp):
    nw, n = degp.shape

    return pl.pallas_call(
        _tc_dinv_body,
        grid=(1,),
        in_specs=[pl.BlockSpec((nw, n), lambda i: (0, 0))],
        out_specs=pl.BlockSpec((n, 1), lambda i: (0, 0)),
        out_shape=jax.ShapeDtypeStruct((n, 1), jnp.float32),
    )(degp)


def _tc_dinv_body(degp_ref, dinv_ref):
    deg = jnp.sum(degp_ref[...], axis=0) + 1.0
    safe = jnp.where(deg > 0, deg, 1.0)
    dinv = jnp.where(deg > 0, lax.rsqrt(safe), 0.0)
    dinv_ref[...] = dinv[:, None]


def _tc_prep(x, dinv, w1):
    n, d_in = x.shape
    d_hid = w1.shape[1]
    r = 1000

    return pl.pallas_call(
        _tc_prep_body,
        grid=(n // r,),
        in_specs=[
            pl.BlockSpec((r, d_in), lambda i: (i, 0)),
            pl.BlockSpec((r, 1), lambda i: (i, 0)),
            pl.BlockSpec((d_in, d_hid), lambda i: (0, 0)),
        ],
        out_specs=pl.BlockSpec((r, d_hid), lambda i: (i, 0)),
        out_shape=jax.ShapeDtypeStruct((n, d_hid), jnp.float32),
    )(x, dinv, w1)


def _tc_prep_body(x_ref, dinv_ref, w_ref, xs_ref):
    xw = jnp.dot(x_ref[...], w_ref[...], preferred_element_type=jnp.float32)
    xs_ref[...] = xw * dinv_ref[...]


def _tc_mid(p, xs, dinv, b, w2):
    n, d = xs.shape
    d_out = w2.shape[1]
    r = 1000

    return pl.pallas_call(
        _tc_mid_body,
        grid=(n // r,),
        in_specs=[
            pl.BlockSpec((1, r, d), lambda i: (0, i, 0)),
            pl.BlockSpec((1, r, d), lambda i: (1, i, 0)),
            pl.BlockSpec((r, d), lambda i: (i, 0)),
            pl.BlockSpec((r, 1), lambda i: (i, 0)),
            pl.BlockSpec((1, d), lambda i: (0, 0)),
            pl.BlockSpec((d, d_out), lambda i: (0, 0)),
        ],
        out_specs=pl.BlockSpec((r, d_out), lambda i: (i, 0)),
        out_shape=jax.ShapeDtypeStruct((n, d_out), jnp.float32),
    )(p, p, xs, dinv, b, w2)


def _tc_mid_body(p0_ref, p1_ref, xs_ref, dinv_ref, b_ref, w_ref, out_ref):
    dinv = dinv_ref[...]
    accum = p0_ref[0] + p1_ref[0] + xs_ref[...]
    h = jnp.maximum(accum * dinv + b_ref[...], 0.0)
    hw = jnp.dot(h, w_ref[...], preferred_element_type=jnp.float32)
    out_ref[...] = hw * dinv


def _tc_fin(p, xs, dinv, b):
    n, d = xs.shape
    r = 1000

    return pl.pallas_call(
        _tc_fin_body,
        grid=(n // r,),
        in_specs=[
            pl.BlockSpec((1, r, d), lambda i: (0, i, 0)),
            pl.BlockSpec((1, r, d), lambda i: (1, i, 0)),
            pl.BlockSpec((r, d), lambda i: (i, 0)),
            pl.BlockSpec((r, 1), lambda i: (i, 0)),
            pl.BlockSpec((1, d), lambda i: (0, 0)),
        ],
        out_specs=pl.BlockSpec((r, d), lambda i: (i, 0)),
        out_shape=jax.ShapeDtypeStruct((n, d), jnp.float32),
    )(p, p, xs, dinv, b)


def _tc_fin_body(p0_ref, p1_ref, xs_ref, dinv_ref, b_ref, out_ref):
    accum = p0_ref[0] + p1_ref[0] + xs_ref[...]
    out_ref[...] = accum * dinv_ref[...] + b_ref[...]


def kernel(x, edge_index, edge_weight, W1, b1, W2, b2):
    n, _ = x.shape
    e = edge_weight.shape[0]
    d = W1.shape[1]
    edge_index = edge_index.astype(jnp.int32)
    row = edge_index[0]
    col = edge_index[1]
    chunk = 128
    n_pad = ((n + _NS * chunk - 1) // (_NS * chunk)) * (_NS * chunk)

    sc_deg = _make_sc_deg(n, e)
    sc_scatter = _make_sc_scatter(n_pad, d, e, chunk)

    degp = sc_deg(col, edge_weight)
    dinv = _tc_dinv(degp)
    xs1 = _tc_prep(x, dinv, W1)
    p1 = sc_scatter(xs1, row, col, edge_weight)
    xs2 = _tc_mid(p1, xs1, dinv, b1.reshape(1, -1), W2)
    p2 = sc_scatter(xs2, row, col, edge_weight)
    out = _tc_fin(p2, xs2, dinv, b2.reshape(1, -1))
    return out

# --- scband reference (transcript-rebuilt; emitter-appended) ---
"""Pipeline reference for scband-gcn-90477781058259 (READ-ONLY COPY).

The authoritative reference and input builder live on the scoring server;
editing this copy changes nothing except your own understanding.
"""

import jax, jax.numpy as jnp
import numpy as np

N = 10000
E = 320000
D_IN = 128
D_HID = 128
D_OUT = 128


def setup_inputs(seed: int = 0) -> dict:
    key = jax.random.key(seed)
    k1, k2, k3, k4, k5, k6, k7 = jax.random.split(key, 7)
    x = jax.random.normal(k1, (N, D_IN), dtype=jnp.float32)
    edge_index = jax.random.randint(k2, (2, E), 0, N)
    edge_weight = jax.random.uniform(k3, (E,), dtype=jnp.float32)
    s1 = (6.0 / (D_IN + D_HID)) ** 0.5
    s2 = (6.0 / (D_HID + D_OUT)) ** 0.5
    W1 = jax.random.uniform(k4, (D_IN, D_HID), dtype=jnp.float32, minval=-s1, maxval=s1)
    b1 = jnp.zeros((D_HID,), dtype=jnp.float32)
    W2 = jax.random.uniform(k5, (D_HID, D_OUT), dtype=jnp.float32, minval=-s2, maxval=s2)
    b2 = jnp.zeros((D_OUT,), dtype=jnp.float32)
    return {"x": x, "edge_index": edge_index, "edge_weight": edge_weight,
            "W1": W1, "b1": b1, "W2": W2, "b2": b2}


def _gcn_conv(x, edge_index, edge_weight, W, b):
    # Faithful PyG GCNConv: x @ W, add self-loops (weight 1), symmetric gcn_norm,
    # gather at source, scatter-add at target, add bias.
    n = x.shape[0]
    xw = x @ W
    row = edge_index[0]
    col = edge_index[1]
    loop = jnp.arange(n)
    row = jnp.concatenate([row, loop])
    col = jnp.concatenate([col, loop])
    ew = jnp.concatenate([edge_weight, jnp.ones((n,), dtype=x.dtype)])
    deg = jnp.zeros((n,), dtype=x.dtype).at[col].add(ew)
    deg_safe = jnp.where(deg > 0, deg, 1.0)
    dinv = jnp.where(deg > 0, jax.lax.rsqrt(deg_safe), 0.0)
    norm = dinv[row] * ew * dinv[col]
    msg = xw[row] * norm[:, None]
    out = jnp.zeros_like(xw).at[col].add(msg)
    return out + b


def reference(x, edge_index, edge_weight, W1, b1, W2, b2):
    # num_layers=2 -> conv1, relu, (dropout is identity in eval), conv2
    h = _gcn_conv(x, edge_index, edge_weight, W1, b1)
    h = jax.nn.relu(h)
    out = _gcn_conv(h, edge_index, edge_weight, W2, b2)
    return out

if __name__ == "__main__":
    import jax
    _d = setup_inputs()
    print(jax.jit(kernel)(*tuple(_d.values())))

</pallas_src>

<mosaic_0001>
#map = affine_map<(d0, d1) -> (0, 0)>
#map1 = affine_map<(d0, d1) -> (0)>
#map2 = affine_map<(d0, d1) -> (0, 0, 0)>
module attributes {stable_mosaic.version = 14 : i64} {
  func.func @sc_scatter(%arg0: i32, %arg1: i32, %arg2: memref<10000x128xf32, #tpu.memory_space<hbm>>, %arg3: memref<320000xi32, #tpu.memory_space<hbm>>, %arg4: memref<320000xi32, #tpu.memory_space<hbm>>, %arg5: memref<320000xf32, #tpu.memory_space<hbm>>, %arg6: memref<2x10240x128xf32, #tpu.memory_space<hbm>>, %arg7: memref<128xi32, #tpu.memory_space<vmem>>, %arg8: memref<128xi32, #tpu.memory_space<vmem>>, %arg9: memref<128xf32, #tpu.memory_space<vmem>>, %arg10: memref<128x128xf32, #tpu.memory_space<vmem>>, %arg11: memref<10240x128xf32, #tpu.memory_space<vmem_shared>>, %arg12: memref<!tpu.dma_semaphore, #tpu.memory_space<semaphore_mem>>) attributes {dimension_semantics = [#tpu.dimension_semantics<core_parallel>, #tpu.dimension_semantics<subcore_parallel>], iteration_bounds = array<i64: 2, 16>, scalar_prefetch = 0 : i64, scratch_operands = 6 : i64, tpu.core_type = #tpu.core_type<sc_vector_subcore>, window_params = [{transform_indices = #map}, {transform_indices = #map1}, {transform_indices = #map1}, {transform_indices = #map1}, {transform_indices = #map2}]} {
    %mul3A = arith.constant 2 : i32
    %mul3A_0 = arith.muli %arg1, %mul3A : i32
    %add3A = arith.addi %mul3A_0, %arg0 : i32
    %scan3A = arith.constant 0 : i32
    %scan3A_1 = arith.constant 128 : i32
    %scan3A_2 = arith.addi %scan3A, %scan3A_1 : i32
    %scan3A_3 = arith.constant 1 : i32
    scf.for %scan3A_21 = %scan3A to %scan3A_2 step %scan3A_3  : i32 {
      %mul3A_22 = arith.constant 1 : i32
      %mul3A_23 = arith.muli %scan3A_21, %mul3A_22 : i32
      %add3A_24 = arith.constant 0 : i32
      %add3A_25 = arith.addi %add3A_24, %mul3A_23 : i32
      %broadcast_in_dim3A = arith.constant 0.000000e+00 : f32
      %broadcast_in_dim3A_26 = vector.broadcast %broadcast_in_dim3A : f32 to vector<16xf32>
      %swap3A = arith.index_cast %add3A_25 : i32 to index
      %swap3A_27 = arith.constant 0 : index
      %swap3A_28 = tpu.vector_load %arg10[%swap3A, %swap3A_27] {strides = array<i32>} : memref<128x128xf32, #tpu.memory_space<vmem>>, vector<1x16xf32>,
      %swap3A_29 = vector.shape_cast %swap3A_28 : vector<1x16xf32> to vector<16xf32>
      %swap3A_30 = vector.shape_cast %broadcast_in_dim3A_26 : vector<16xf32> to vector<1x16xf32>
      tpu.vector_store %arg10[%swap3A, %swap3A_27], %swap3A_30 {strides = array<i32>} : memref<128x128xf32, #tpu.memory_space<vmem>>, vector<1x16xf32>,
      %broadcast_in_dim3A_31 = arith.constant 0.000000e+00 : f32
      %broadcast_in_dim3A_32 = vector.broadcast %broadcast_in_dim3A_31 : f32 to vector<16xf32>
      %swap3A_33 = arith.index_cast %add3A_25 : i32 to index
      %swap3A_34 = arith.constant 16 : index
      %swap3A_35 = tpu.vector_load %arg10[%swap3A_33, %swap3A_34] {strides = array<i32>} : memref<128x128xf32, #tpu.memory_space<vmem>>, vector<1x16xf32>,
      %swap3A_36 = vector.shape_cast %swap3A_35 : vector<1x16xf32> to vector<16xf32>
      %swap3A_37 = vector.shape_cast %broadcast_in_dim3A_32 : vector<16xf32> to vector<1x16xf32>
      tpu.vector_store %arg10[%swap3A_33, %swap3A_34], %swap3A_37 {strides = array<i32>} : memref<128x128xf32, #tpu.memory_space<vmem>>, vector<1x16xf32>,
      %broadcast_in_dim3A_38 = arith.constant 0.000000e+00 : f32
      %broadcast_in_dim3A_39 = vector.broadcast %broadcast_in_dim3A_38 : f32 to vector<16xf32>
      %swap3A_40 = arith.index_cast %add3A_25 : i32 to index
      %swap3A_41 = arith.constant 32 : index
      %swap3A_42 = tpu.vector_load %arg10[%swap3A_40, %swap3A_41] {strides = array<i32>} : memref<128x128xf32, #tpu.memory_space<vmem>>, vector<1x16xf32>,
      %swap3A_43 = vector.shape_cast %swap3A_42 : vector<1x16xf32> to vector<16xf32>
      %swap3A_44 = vector.shape_cast %broadcast_in_dim3A_39 : vector<16xf32> to vector<1x16xf32>
      tpu.vector_store %arg10[%swap3A_40, %swap3A_41], %swap3A_44 {strides = array<i32>} : memref<128x128xf32, #tpu.memory_space<vmem>>, vector<1x16xf32>,
      %broadcast_in_dim3A_45 = arith.constant 0.000000e+00 : f32
      %broadcast_in_dim3A_46 = vector.broadcast %broadcast_in_dim3A_45 : f32 to vector<16xf32>
      %swap3A_47 = arith.index_cast %add3A_25 : i32 to index
      %swap3A_48 = arith.constant 48 : index
      %swap3A_49 = tpu.vector_load %arg10[%swap3A_47, %swap3A_48] {strides = array<i32>} : memref<128x128xf32, #tpu.memory_space<vmem>>, vector<1x16xf32>,
      %swap3A_50 = vector.shape_cast %swap3A_49 : vector<1x16xf32> to vector<16xf32>
      %swap3A_51 = vector.shape_cast %broadcast_in_dim3A_46 : vector<16xf32> to vector<1x16xf32>
      tpu.vector_store %arg10[%swap3A_47, %swap3A_48], %swap3A_51 {strides = array<i32>} : memref<128x128xf32, #tpu.memory_space<vmem>>, vector<1x16xf32>,
      %broadcast_in_dim3A_52 = arith.constant 0.000000e+00 : f32
      %broadcast_in_dim3A_53 = vector.broadcast %broadcast_in_dim3A_52 : f32 to vector<16xf32>
      %swap3A_54 = arith.index_cast %add3A_25 : i32 to index
      %swap3A_55 = arith.constant 64 : index
      %swap3A_56 = tpu.vector_load %arg10[%swap3A_54, %swap3A_55] {strides = array<i32>} : memref<128x128xf32, #tpu.memory_space<vmem>>, vector<1x16xf32>,
      %swap3A_57 = vector.shape_cast %swap3A_56 : vector<1x16xf32> to vector<16xf32>
      %swap3A_58 = vector.shape_cast %broadcast_in_dim3A_53 : vector<16xf32> to vector<1x16xf32>
      tpu.vector_store %arg10[%swap3A_54, %swap3A_55], %swap3A_58 {strides = array<i32>} : memref<128x128xf32, #tpu.memory_space<vmem>>, vector<1x16xf32>,
      %broadcast_in_dim3A_59 = arith.constant 0.000000e+00 : f32
      %broadcast_in_dim3A_60 = vector.broadcast %broadcast_in_dim3A_59 : f32 to vector<16xf32>
      %swap3A_61 = arith.index_cast %add3A_25 : i32 to index
      %swap3A_62 = arith.constant 80 : index
      %swap3A_63 = tpu.vector_load %arg10[%swap3A_61, %swap3A_62] {strides = array<i32>} : memref<128x128xf32, #tpu.memory_space<vmem>>, vector<1x16xf32>,
      %swap3A_64 = vector.shape_cast %swap3A_63 : vector<1x16xf32> to vector<16xf32>
      %swap3A_65 = vector.shape_cast %broadcast_in_dim3A_60 : vector<16xf32> to vector<1x16xf32>
      tpu.vector_store %arg10[%swap3A_61, %swap3A_62], %swap3A_65 {strides = array<i32>} : memref<128x128xf32, #tpu.memory_space<vmem>>, vector<1x16xf32>,
      %broadcast_in_dim3A_66 = arith.constant 0.000000e+00 : f32
      %broadcast_in_dim3A_67 = vector.broadcast %broadcast_in_dim3A_66 : f32 to vector<16xf32>
      %swap3A_68 = arith.index_cast %add3A_25 : i32 to index
      %swap3A_69 = arith.constant 96 : index
      %swap3A_70 = tpu.vector_load %arg10[%swap3A_68, %swap3A_69] {strides = array<i32>} : memref<128x128xf32, #tpu.memory_space<vmem>>, vector<1x16xf32>,
      %swap3A_71 = vector.shape_cast %swap3A_70 : vector<1x16xf32> to vector<16xf32>
      %swap3A_72 = vector.shape_cast %broadcast_in_dim3A_67 : vector<16xf32> to vector<1x16xf32>
      tpu.vector_store %arg10[%swap3A_68, %swap3A_69], %swap3A_72 {strides = array<i32>} : memref<128x128xf32, #tpu.memory_space<vmem>>, vector<1x16xf32>,
      %broadcast_in_dim3A_73 = arith.constant 0.000000e+00 : f32
      %broadcast_in_dim3A_74 = vector.broadcast %broadcast_in_dim3A_73 : f32 to vector<16xf32>
      %swap3A_75 = arith.index_cast %add3A_25 : i32 to index
      %swap3A_76 = arith.constant 112 : index
      %swap3A_77 = tpu.vector_load %arg10[%swap3A_75, %swap3A_76] {strides = array<i32>} : memref<128x128xf32, #tpu.memory_space<vmem>>, vector<1x16xf32>,
      %swap3A_78 = vector.shape_cast %swap3A_77 : vector<1x16xf32> to vector<16xf32>
      %swap3A_79 = vector.shape_cast %broadcast_in_dim3A_74 : vector<16xf32> to vector<1x16xf32>
      tpu.vector_store %arg10[%swap3A_75, %swap3A_76], %swap3A_79 {strides = array<i32>} : memref<128x128xf32, #tpu.memory_space<vmem>>, vector<1x16xf32>,
    }
    %scan3A_4 = arith.constant 128 : i32
    %scan3A_5 = arith.constant 0 : i32
    %scan3A_6 = arith.constant 5 : i32
    %scan3A_7 = arith.addi %scan3A_5, %scan3A_6 : i32
    %scan3A_8 = arith.constant 1 : i32
    scf.for %scan3A_21 = %scan3A_5 to %scan3A_7 step %scan3A_8  : i32 {
      %mul3A_22 = arith.constant 1 : i32
      %mul3A_23 = arith.muli %scan3A_21, %mul3A_22 : i32
      %add3A_24 = arith.constant 0 : i32
      %add3A_25 = arith.addi %add3A_24, %mul3A_23 : i32
      %mul3A_26 = arith.constant 640 : i32
      %mul3A_27 = arith.muli %arg1, %mul3A_26 : i32
      %mul3A_28 = arith.constant 128 : i32
      %mul3A_29 = arith.muli %add3A_25, %mul3A_28 : i32
      %add3A_30 = arith.addi %mul3A_27, %mul3A_29 : i32
      "tpu.region"() ({
        %run_scoped3A = tpu.sem_alloc : memref<!tpu.dma_semaphore, #tpu.memory_space<semaphore_mem>>
        %dma_start3A = arith.constant 0 : i32
        %dma_start3A_31 = tpu.memref_slice %arg11[%add3A_30, %dma_start3A] : memref<10240x128xf32, #tpu.memory_space<vmem_shared>> -> memref<128x128xf32, #tpu.memory_space<vmem_shared>>
        %dma_start3A_32 = arith.constant 0 : i32
        %dma_start3A_33 = tpu.memref_slice %arg11[%add3A_30, %dma_start3A_32] : memref<10240x128xf32, #tpu.memory_space<vmem_shared>> -> memref<128x128xf32, #tpu.memory_space<vmem_shared>>
        tpu.enqueue_dma source(%arg10 : memref<128x128xf32, #tpu.memory_space<vmem>>) target(%dma_start3A_33 : memref<128x128xf32, #tpu.memory_space<vmem_shared>>) target_semaphore(%run_scoped3A : memref<!tpu.dma_semaphore, #tpu.memory_space<semaphore_mem>>)
        %dma_wait3A = arith.constant 0 : i32
        %dma_wait3A_34 = tpu.memref_slice %arg11[%add3A_30, %dma_wait3A] : memref<10240x128xf32, #tpu.memory_space<vmem_shared>> -> memref<128x128xf32, #tpu.memory_space<vmem_shared>>
        %dma_wait3A_35 = arith.constant 0 : i32
        %dma_wait3A_36 = tpu.memref_slice %arg11[%add3A_30, %dma_wait3A_35] : memref<10240x128xf32, #tpu.memory_space<vmem_shared>> -> memref<128x128xf32, #tpu.memory_space<vmem_shared>>
        tpu.wait_dma2 semaphore(%run_scoped3A : memref<!tpu.dma_semaphore, #tpu.memory_space<semaphore_mem>>) src(%arg10 : memref<128x128xf32, #tpu.memory_space<vmem>>) dst(%dma_wait3A_36 : memref<128x128xf32, #tpu.memory_space<vmem_shared>>)
        tpu.yield
      }) : () -> ()
    }
    %scan3A_9 = arith.constant 5 : i32
    %barrier3A = arith.constant 0 : index
    tpu.barrier barrier_id(%barrier3A)
    %scan3A_10 = arith.constant 0 : i32
    %scan3A_11 = arith.constant 79 : i32
    %scan3A_12 = arith.addi %scan3A_10, %scan3A_11 : i32
    %scan3A_13 = arith.constant 1 : i32
    scf.for %scan3A_21 = %scan3A_10 to %scan3A_12 step %scan3A_13  : i32 {
      %mul3A_22 = arith.constant 1 : i32
      %mul3A_23 = arith.muli %scan3A_21, %mul3A_22 : i32
      %add3A_24 = arith.constant 0 : i32
      %add3A_25 = arith.addi %add3A_24, %mul3A_23 : i32
      %mul3A_26 = arith.constant 32 : i32
      %mul3A_27 = arith.muli %mul3A_26, %add3A_25 : i32
      %add3A_28 = arith.addi %add3A, %mul3A_27 : i32
      %lt3A = arith.constant 2500 : i32
      %lt3A_29 = arith.cmpi slt, %add3A_28, %lt3A : i32
      %convert_element_type3A = arith.extui %lt3A_29 : i1 to i32
      %cond3A = arith.constant 0 : i32
      %cond3A_30 = arith.cmpi ne, %convert_element_type3A, %cond3A : i32
      scf.if %cond3A_30 {
        %mul3A_31 = arith.constant 128 : i32
        %mul3A_32 = arith.muli %add3A_28, %mul3A_31 : i32
        "tpu.region"() ({
          %run_scoped3A = tpu.sem_alloc : memref<!tpu.dma_semaphore, #tpu.memory_space<semaphore_mem>>
          %dma_start3A_48 = tpu.memref_slice %arg3[%mul3A_32] : memref<320000xi32, #tpu.memory_space<hbm>> -> memref<128xi32, #tpu.memory_space<hbm>>
          %dma_start3A_49 = tpu.memref_slice %arg3[%mul3A_32] : memref<320000xi32, #tpu.memory_space<hbm>> -> memref<128xi32, #tpu.memory_space<hbm>>
          tpu.enqueue_dma source(%dma_start3A_49 : memref<128xi32, #tpu.memory_space<hbm>>) target(%arg7 : memref<128xi32, #tpu.memory_space<vmem>>) target_semaphore(%run_scoped3A : memref<!tpu.dma_semaphore, #tpu.memory_space<semaphore_mem>>)
          %dma_wait3A_50 = tpu.memref_slice %arg3[%mul3A_32] : memref<320000xi32, #tpu.memory_space<hbm>> -> memref<128xi32, #tpu.memory_space<hbm>>
          %dma_wait3A_51 = tpu.memref_slice %arg3[%mul3A_32] : memref<320000xi32, #tpu.memory_space<hbm>> -> memref<128xi32, #tpu.memory_space<hbm>>
          tpu.wait_dma2 semaphore(%run_scoped3A : memref<!tpu.dma_semaphore, #tpu.memory_space<semaphore_mem>>) src(%dma_wait3A_51 : memref<128xi32, #tpu.memory_space<hbm>>) dst(%arg7 : memref<128xi32, #tpu.memory_space<vmem>>)
          tpu.yield
        }) : () -> ()
        "tpu.region"() ({
          %run_scoped3A = tpu.sem_alloc : memref<!tpu.dma_semaphore, #tpu.memory_space<semaphore_mem>>
          %dma_start3A_48 = tpu.memref_slice %arg4[%mul3A_32] : memref<320000xi32, #tpu.memory_space<hbm>> -> memref<128xi32, #tpu.memory_space<hbm>>
          %dma_start3A_49 = tpu.memref_slice %arg4[%mul3A_32] : memref<320000xi32, #tpu.memory_space<hbm>> -> memref<128xi32, #tpu.memory_space<hbm>>
          tpu.enqueue_dma source(%dma_start3A_49 : memref<128xi32, #tpu.memory_space<hbm>>) target(%arg8 : memref<128xi32, #tpu.memory_space<vmem>>) target_semaphore(%run_scoped3A : memref<!tpu.dma_semaphore, #tpu.memory_space<semaphore_mem>>)
          %dma_wait3A_50 = tpu.memref_slice %arg4[%mul3A_32] : memref<320000xi32, #tpu.memory_space<hbm>> -> memref<128xi32, #tpu.memory_space<hbm>>
          %dma_wait3A_51 = tpu.memref_slice %arg4[%mul3A_32] : memref<320000xi32, #tpu.memory_space<hbm>> -> memref<128xi32, #tpu.memory_space<hbm>>
          tpu.wait_dma2 semaphore(%run_scoped3A : memref<!tpu.dma_semaphore, #tpu.memory_space<semaphore_mem>>) src(%dma_wait3A_51 : memref<128xi32, #tpu.memory_space<hbm>>) dst(%arg8 : memref<128xi32, #tpu.memory_space<vmem>>)
          tpu.yield
        }) : () -> ()
        "tpu.region"() ({
          %run_scoped3A = tpu.sem_alloc : memref<!tpu.dma_semaphore, #tpu.memory_space<semaphore_mem>>
          %dma_start3A_48 = tpu.memref_slice %arg5[%mul3A_32] : memref<320000xf32, #tpu.memory_space<hbm>> -> memref<128xf32, #tpu.memory_space<hbm>>
          %dma_start3A_49 = tpu.memref_slice %arg5[%mul3A_32] : memref<320000xf32, #tpu.memory_space<hbm>> -> memref<128xf32, #tpu.memory_space<hbm>>
          tpu.enqueue_dma source(%dma_start3A_49 : memref<128xf32, #tpu.memory_space<hbm>>) target(%arg9 : memref<128xf32, #tpu.memory_space<vmem>>) target_semaphore(%run_scoped3A : memref<!tpu.dma_semaphore, #tpu.memory_space<semaphore_mem>>)
          %dma_wait3A_50 = tpu.memref_slice %arg5[%mul3A_32] : memref<320000xf32, #tpu.memory_space<hbm>> -> memref<128xf32, #tpu.memory_space<hbm>>
          %dma_wait3A_51 = tpu.memref_slice %arg5[%mul3A_32] : memref<320000xf32, #tpu.memory_space<hbm>> -> memref<128xf32, #tpu.memory_space<hbm>>
          tpu.wait_dma2 semaphore(%run_scoped3A : memref<!tpu.dma_semaphore, #tpu.memory_space<semaphore_mem>>) src(%dma_wait3A_51 : memref<128xf32, #tpu.memory_space<hbm>>) dst(%arg9 : memref<128xf32, #tpu.memory_space<vmem>>)
          tpu.yield
        }) : () -> ()
        %dma_start3A = arith.constant 0 : i32
        %dma_start3A_33 = arith.constant 0 : i32
        %dma_start3A_34 = tpu.memref_slice %arg2[%dma_start3A, %dma_start3A_33] : memref<10000x128xf32, #tpu.memory_space<hbm>> -> memref<10000x128xf32, #tpu.memory_space<hbm>>
        tpu.enqueue_indirect_dma source(%dma_start3A_34 : memref<10000x128xf32, #tpu.memory_space<hbm>>) target(%arg10 : memref<128x128xf32, #tpu.memory_space<vmem>>) offsets(%arg7 : memref<128xi32, #tpu.memory_space<vmem>>) semaphore(%arg12 : memref<!tpu.dma_semaphore, #tpu.memory_space<semaphore_mem>>)
        %dma_wait3A = arith.constant 0 : i32
        %dma_wait3A_35 = arith.constant 0 : i32
        %dma_wait3A_36 = tpu.memref_slice %arg2[%dma_wait3A, %dma_wait3A_35] : memref<10000x128xf32, #tpu.memory_space<hbm>> -> memref<10000x128xf32, #tpu.memory_space<hbm>>
        tpu.wait_indirect_dma semaphore(%arg12 : memref<!tpu.dma_semaphore, #tpu.memory_space<semaphore_mem>>) src(%dma_wait3A_36 : memref<10000x128xf32, #tpu.memory_space<hbm>>) dst(%arg10 : memref<128x128xf32, #tpu.memory_space<vmem>>)
        %scan3A_37 = arith.constant 0 : i32
        %scan3A_38 = arith.constant 8 : i32
        %scan3A_39 = arith.addi %scan3A_37, %scan3A_38 : i32
        %scan3A_40 = arith.constant 1 : i32
        scf.for %scan3A_48 = %scan3A_37 to %scan3A_39 step %scan3A_40  : i32 {
          %mul3A_49 = arith.constant 16 : i32
          %mul3A_50 = arith.muli %scan3A_48, %mul3A_49 : i32
          %add3A_51 = arith.constant 0 : i32
          %add3A_52 = arith.addi %add3A_51, %mul3A_50 : i32
          %get3A = arith.index_cast %add3A_52 : i32 to index
          %get3A_53 = tpu.vector_load %arg9[%get3A] {strides = array<i32>} : memref<128xf32, #tpu.memory_space<vmem>>, vector<16xf32>,
          %get3A_54 = vector.shape_cast %get3A_53 : vector<16xf32> to vector<16xf32>
          %slice3A = vector.extract_strided_slice %get3A_54 {offsets = [0], sizes = [1], strides = [1]} : vector<16xf32> to vector<1xf32>
          %squeeze3A = vector.extract %slice3A[0] : f32 from vector<1xf32>
          %broadcast_in_dim3A = vector.broadcast %squeeze3A : f32 to vector<16xf32>
          %add3A_55 = arith.constant 0 : i32
          %add3A_56 = arith.addi %add3A_52, %add3A_55 : i32
          %get3A_57 = arith.index_cast %add3A_56 : i32 to index
          %get3A_58 = arith.constant 0 : index
          %get3A_59 = tpu.vector_load %arg10[%get3A_57, %get3A_58] {strides = array<i32>} : memref<128x128xf32, #tpu.memory_space<vmem>>, vector<1x16xf32>,
          %get3A_60 = vector.shape_cast %get3A_59 : vector<1x16xf32> to vector<16xf32>
          %mul3A_61 = arith.mulf %get3A_60, %broadcast_in_dim3A : vector<16xf32>
          %swap3A = arith.index_cast %add3A_56 : i32 to index
          %swap3A_62 = arith.constant 0 : index
          %swap3A_63 = tpu.vector_load %arg10[%swap3A, %swap3A_62] {strides = array<i32>} : memref<128x128xf32, #tpu.memory_space<vmem>>, vector<1x16xf32>,
          %swap3A_64 = vector.shape_cast %swap3A_63 : vector<1x16xf32> to vector<16xf32>
          %swap3A_65 = vector.shape_cast %mul3A_61 : vector<16xf32> to vector<1x16xf32>
          tpu.vector_store %arg10[%swap3A, %swap3A_62], %swap3A_65 {strides = array<i32>} : memref<128x128xf32, #tpu.memory_space<vmem>>, vector<1x16xf32>,
          %get3A_66 = arith.index_cast %add3A_56 : i32 to index
          %get3A_67 = arith.constant 16 : index
          %get3A_68 = tpu.vector_load %arg10[%get3A_66, %get3A_67] {strides = array<i32>} : memref<128x128xf32, #tpu.memory_space<vmem>>, vector<1x16xf32>,
          %get3A_69 = vector.shape_cast %get3A_68 : vector<1x16xf32> to vector<16xf32>
          %mul3A_70 = arith.mulf %get3A_69, %broadcast_in_dim3A : vector<16xf32>
          %swap3A_71 = arith.index_cast %add3A_56 : i32 to index
          %swap3A_72 = arith.constant 16 : index
          %swap3A_73 = tpu.vector_load %arg10[%swap3A_71, %swap3A_72] {strides = array<i32>} : memref<128x128xf32, #tpu.memory_space<vmem>>, vector<1x16xf32>,
          %swap3A_74 = vector.shape_cast %swap3A_73 : vector<1x16xf32> to vector<16xf32>
          %swap3A_75 = vector.shape_cast %mul3A_70 : vector<16xf32> to vector<1x16xf32>
          tpu.vector_store %arg10[%swap3A_71, %swap3A_72], %swap3A_75 {strides = array<i32>} : memref<128x128xf32, #tpu.memory_space<vmem>>, vector<1x16xf32>,
          %get3A_76 = arith.index_cast %add3A_56 : i32 to index
          %get3A_77 = arith.constant 32 : index
          %get3A_78 = tpu.vector_load %arg10[%get3A_76, %get3A_77] {strides = array<i32>} : memref<128x128xf32, #tpu.memory_space<vmem>>, vector<1x16xf32>,
          %get3A_79 = vector.shape_cast %get3A_78 : vector<1x16xf32> to vector<16xf32>
          %mul3A_80 = arith.mulf %get3A_79, %broadcast_in_dim3A : vector<16xf32>
          %swap3A_81 = arith.index_cast %add3A_56 : i32 to index
          %swap3A_82 = arith.constant 32 : index
          %swap3A_83 = tpu.vector_load %arg10[%swap3A_81, %swap3A_82] {strides = array<i32>} : memref<128x128xf32, #tpu.memory_space<vmem>>, vector<1x16xf32>,
          %swap3A_84 = vector.shape_cast %swap3A_83 : vector<1x16xf32> to vector<16xf32>
          %swap3A_85 = vector.shape_cast %mul3A_80 : vector<16xf32> to vector<1x16xf32>
          tpu.vector_store %arg10[%swap3A_81, %swap3A_82], %swap3A_85 {strides = array<i32>} : memref<128x128xf32, #tpu.memory_space<vmem>>, vector<1x16xf32>,
          %get3A_86 = arith.index_cast %add3A_56 : i32 to index
          %get3A_87 = arith.constant 48 : index
          %get3A_88 = tpu.vector_load %arg10[%get3A_86, %get3A_87] {strides = array<i32>} : memref<128x128xf32, #tpu.memory_space<vmem>>, vector<1x16xf32>,
          %get3A_89 = vector.shape_cast %get3A_88 : vector<1x16xf32> to vector<16xf32>
          %mul3A_90 = arith.mulf %get3A_89, %broadcast_in_dim3A : vector<16xf32>
          %swap3A_91 = arith.index_cast %add3A_56 : i32 to index
          %swap3A_92 = arith.constant 48 : index
          %swap3A_93 = tpu.vector_load %arg10[%swap3A_91, %swap3A_92] {strides = array<i32>} : memref<128x128xf32, #tpu.memory_space<vmem>>, vector<1x16xf32>,
          %swap3A_94 = vector.shape_cast %swap3A_93 : vector<1x16xf32> to vector<16xf32>
          %swap3A_95 = vector.shape_cast %mul3A_90 : vector<16xf32> to vector<1x16xf32>
          tpu.vector_store %arg10[%swap3A_91, %swap3A_92], %swap3A_95 {strides = array<i32>} : memref<128x128xf32, #tpu.memory_space<vmem>>, vector<1x16xf32>,
          %get3A_96 = arith.index_cast %add3A_56 : i32 to index
          %get3A_97 = arith.constant 64 : index
          %get3A_98 = tpu.vector_load %arg10[%get3A_96, %get3A_97] {strides = array<i32>} : memref<128x128xf32, #tpu.memory_space<vmem>>, vector<1x16xf32>,
          %get3A_99 = vector.shape_cast %get3A_98 : vector<1x16xf32> to vector<16xf32>
          %mul3A_100 = arith.mulf %get3A_99, %broadcast_in_dim3A : vector<16xf32>
          %swap3A_101 = arith.index_cast %add3A_56 : i32 to index
          %swap3A_102 = arith.constant 64 : index
          %swap3A_103 = tpu.vector_load %arg10[%swap3A_101, %swap3A_102] {strides = array<i32>} : memref<128x128xf32, #tpu.memory_space<vmem>>, vector<1x16xf32>,
          %swap3A_104 = vector.shape_cast %swap3A_103 : vector<1x16xf32> to vector<16xf32>
          %swap3A_105 = vector.shape_cast %mul3A_100 : vector<16xf32> to vector<1x16xf32>
          tpu.vector_store %arg10[%swap3A_101, %swap3A_102], %swap3A_105 {strides = array<i32>} : memref<128x128xf32, #tpu.memory_space<vmem>>, vector<1x16xf32>,
          %get3A_106 = arith.index_cast %add3A_56 : i32 to index
          %get3A_107 = arith.constant 80 : index
          %get3A_108 = tpu.vector_load %arg10[%get3A_106, %get3A_107] {strides = array<i32>} : memref<128x128xf32, #tpu.memory_space<vmem>>, vector<1x16xf32>,
          %get3A_109 = vector.shape_cast %get3A_108 : vector<1x16xf32> to vector<16xf32>
          %mul3A_110 = arith.mulf %get3A_109, %broadcast_in_dim3A : vector<16xf32>
          %swap3A_111 = arith.index_cast %add3A_56 : i32 to index
          %swap3A_112 = arith.constant 80 : index
          %swap3A_113 = tpu.vector_load %arg10[%swap3A_111, %swap3A_112] {strides = array<i32>} : memref<128x128xf32, #tpu.memory_space<vmem>>, vector<1x16xf32>,
          %swap3A_114 = vector.shape_cast %swap3A_113 : vector<1x16xf32> to vector<16xf32>
          %swap3A_115 = vector.shape_cast %mul3A_110 : vector<16xf32> to vector<1x16xf32>
          tpu.vector_store %arg10[%swap3A_111, %swap3A_112], %swap3A_115 {strides = array<i32>} : memref<128x128xf32, #tpu.memory_space<vmem>>, vector<1x16xf32>,
          %get3A_116 = arith.index_cast %add3A_56 : i32 to index
          %get3A_117 = arith.constant 96 : index
          %get3A_118 = tpu.vector_load %arg10[%get3A_116, %get3A_117] {strides = array<i32>} : memref<128x128xf32, #tpu.memory_space<vmem>>, vector<1x16xf32>,
          %get3A_119 = vector.shape_cast %get3A_118 : vector<1x16xf32> to vector<16xf32>
          %mul3A_120 = arith.mulf %get3A_119, %broadcast_in_dim3A : vector<16xf32>
          %swap3A_121 = arith.index_cast %add3A_56 : i32 to index
          %swap3A_122 = arith.constant 96 : index
          %swap3A_123 = tpu.vector_load %arg10[%swap3A_121, %swap3A_122] {strides = array<i32>} : memref<128x128xf32, #tpu.memory_space<vmem>>, vector<1x16xf32>,
          %swap3A_124 = vector.shape_cast %swap3A_123 : vector<1x16xf32> to vector<16xf32>
          %swap3A_125 = vector.shape_cast %mul3A_120 : vector<16xf32> to vector<1x16xf32>
          tpu.vector_store %arg10[%swap3A_121, %swap3A_122], %swap3A_125 {strides = array<i32>} : memref<128x128xf32, #tpu.memory_space<vmem>>, vector<1x16xf32>,
          %get3A_126 = arith.index_cast %add3A_56 : i32 to index
          %get3A_127 = arith.constant 112 : index
          %get3A_128 = tpu.vector_load %arg10[%get3A_126, %get3A_127] {strides = array<i32>} : memref<128x128xf32, #tpu.memory_space<vmem>>, vector<1x16xf32>,
          %get3A_129 = vector.shape_cast %get3A_128 : vector<1x16xf32> to vector<16xf32>
          %mul3A_130 = arith.mulf %get3A_129, %broadcast_in_dim3A : vector<16xf32>
          %swap3A_131 = arith.index_cast %add3A_56 : i32 to index
          %swap3A_132 = arith.constant 112 : index
          %swap3A_133 = tpu.vector_load %arg10[%swap3A_131, %swap3A_132] {strides = array<i32>} : memref<128x128xf32, #tpu.memory_space<vmem>>, vector<1x16xf32>,
          %swap3A_134 = vector.shape_cast %swap3A_133 : vector<1x16xf32> to vector<16xf32>
          %swap3A_135 = vector.shape_cast %mul3A_130 : vector<16xf32> to vector<1x16xf32>
          tpu.vector_store %arg10[%swap3A_131, %swap3A_132], %swap3A_135 {strides = array<i32>} : memref<128x128xf32, #tpu.memory_space<vmem>>, vector<1x16xf32>,
          %slice3A_136 = vector.extract_strided_slice %get3A_54 {offsets = [1], sizes = [1], strides = [1]} : vector<16xf32> to vector<1xf32>
          %squeeze3A_137 = vector.extract %slice3A_136[0] : f32 from vector<1xf32>
          %broadcast_in_dim3A_138 = vector.broadcast %squeeze3A_137 : f32 to vector<16xf32>
          %add3A_139 = arith.constant 1 : i32
          %add3A_140 = arith.addi %add3A_52, %add3A_139 : i32
          %get3A_141 = arith.index_cast %add3A_140 : i32 to index
          %get3A_142 = arith.constant 0 : index
          %get3A_143 = tpu.vector_load %arg10[%get3A_141, %get3A_142] {strides = array<i32>} : memref<128x128xf32, #tpu.memory_space<vmem>>, vector<1x16xf32>,
          %get3A_144 = vector.shape_cast %get3A_143 : vector<1x16xf32> to vector<16xf32>
          %mul3A_145 = arith.mulf %get3A_144, %broadcast_in_dim3A_138 : vector<16xf32>
          %swap3A_146 = arith.index_cast %add3A_140 : i32 to index
          %swap3A_147 = arith.constant 0 : index
          %swap3A_148 = tpu.vector_load %arg10[%swap3A_146, %swap3A_147] {strides = array<i32>} : memref<128x128xf32, #tpu.memory_space<vmem>>, vector<1x16xf32>,
          %swap3A_149 = vector.shape_cast %swap3A_148 : vector<1x16xf32> to vector<16xf32>
          %swap3A_150 = vector.shape_cast %mul3A_145 : vector<16xf32> to vector<1x16xf32>
          tpu.vector_store %arg10[%swap3A_146, %swap3A_147], %swap3A_150 {strides = array<i32>} : memref<128x128xf32, #tpu.memory_space<vmem>>, vector<1x16xf32>,
          %get3A_151 = arith.index_cast %add3A_140 : i32 to index
          %get3A_152 = arith.constant 16 : index
          %get3A_153 = tpu.vector_load %arg10[%get3A_151, %get3A_152] {strides = array<i32>} : memref<128x128xf32, #tpu.memory_space<vmem>>, vector<1x16xf32>,
          %get3A_154 = vector.shape_cast %get3A_153 : vector<1x16xf32> to vector<16xf32>
          %mul3A_155 = arith.mulf %get3A_154, %broadcast_in_dim3A_138 : vector<16xf32>
          %swap3A_156 = arith.index_cast %add3A_140 : i32 to index
          %swap3A_157 = arith.constant 16 : index
          %swap3A_158 = tpu.vector_load %arg10[%swap3A_156, %swap3A_157] {strides = array<i32>} : memref<128x128xf32, #tpu.memory_space<vmem>>, vector<1x16xf32>,
          %swap3A_159 = vector.shape_cast %swap3A_158 : vector<1x16xf32> to vector<16xf32>
          %swap3A_160 = vector.shape_cast %mul3A_155 : vector<16xf32> to vector<1x16xf32>
          tpu.vector_store %arg10[%swap3A_156, %swap3A_157], %swap3A_160 {strides = array<i32>} : memref<128x128xf32, #tpu.memory_space<vmem>>, vector<1x16xf32>,
          %get3A_161 = arith.index_cast %add3A_140 : i32 to index
          %get3A_162 = arith.constant 32 : index
          %get3A_163 = tpu.vector_load %arg10[%get3A_161, %get3A_162] {strides = array<i32>} : memref<128x128xf32, #tpu.memory_space<vmem>>, vector<1x16xf32>,
          %get3A_164 = vector.shape_cast %get3A_163 : vector<1x16xf32> to vector<16xf32>
          %mul3A_165 = arith.mulf %get3A_164, %broadcast_in_dim3A_138 : vector<16xf32>
          %swap3A_166 = arith.index_cast %add3A_140 : i32 to index
          %swap3A_167 = arith.constant 32 : index
          %swap3A_168 = tpu.vector_load %arg10[%swap3A_166, %swap3A_167] {strides = array<i32>} : memref<128x128xf32, #tpu.memory_space<vmem>>, vector<1x16xf32>,
          %swap3A_169 = vector.shape_cast %swap3A_168 : vector<1x16xf32> to vector<16xf32>
          %swap3A_170 = vector.shape_cast %mul3A_165 : vector<16xf32> to vector<1x16xf32>
          tpu.vector_store %arg10[%swap3A_166, %swap3A_167], %swap3A_170 {strides = array<i32>} : memref<128x128xf32, #tpu.memory_space<vmem>>, vector<1x16xf32>,
          %get3A_171 = arith.index_cast %add3A_140 : i32 to index
          %get3A_172 = arith.constant 48 : index
          %get3A_173 = tpu.vector_load %arg10[%get3A_171, %get3A_172] {strides = array<i32>} : memref<128x128xf32, #tpu.memory_space<vmem>>, vector<1x16xf32>,
          %get3A_174 = vector.shape_cast %get3A_173 : vector<1x16xf32> to vector<16xf32>
          %mul3A_175 = arith.mulf %get3A_174, %broadcast_in_dim3A_138 : vector<16xf32>
          %swap3A_176 = arith.index_cast %add3A_140 : i32 to index
          %swap3A_177 = arith.constant 48 : index
          %swap3A_178 = tpu.vector_load %arg10[%swap3A_176, %swap3A_177] {strides = array<i32>} : memref<128x128xf32, #tpu.memory_space<vmem>>, vector<1x16xf32>,
          %swap3A_179 = vector.shape_cast %swap3A_178 : vector<1x16xf32> to vector<16xf32>
          %swap3A_180 = vector.shape_cast %mul3A_175 : vector<16xf32> to vector<1x16xf32>
          tpu.vector_store %arg10[%swap3A_176, %swap3A_177], %swap3A_180 {strides = array<i32>} : memref<128x128xf32, #tpu.memory_space<vmem>>, vector<1x16xf32>,
          %get3A_181 = arith.index_cast %add3A_140 : i32 to index
          %get3A_182 = arith.constant 64 : index
          %get3A_183 = tpu.vector_load %arg10[%get3A_181, %get3A_182] {strides = array<i32>} : memref<128x128xf32, #tpu.memory_space<vmem>>, vector<1x16xf32>,
          %get3A_184 = vector.shape_cast %get3A_183 : vector<1x16xf32> to vector<16xf32>
          %mul3A_185 = arith.mulf %get3A_184, %broadcast_in_dim3A_138 : vector<16xf32>
          %swap3A_186 = arith.index_cast %add3A_140 : i32 to index
          %swap3A_187 = arith.constant 64 : index
          %swap3A_188 = tpu.vector_load %arg10[%swap3A_186, %swap3A_187] {strides = array<i32>} : memref<128x128xf32, #tpu.memory_space<vmem>>, vector<1x16xf32>,
          %swap3A_189 = vector.shape_cast %swap3A_188 : vector<1x16xf32> to vector<16xf32>
          %swap3A_190 = vector.shape_cast %mul3A_185 : vector<16xf32> to vector<1x16xf32>
          tpu.vector_store %arg10[%swap3A_186, %swap3A_187], %swap3A_190 {strides = array<i32>} : memref<128x128xf32, #tpu.memory_space<vmem>>, vector<1x16xf32>,
          %get3A_191 = arith.index_cast %add3A_140 : i32 to index
          %get3A_192 = arith.constant 80 : index
          %get3A_193 = tpu.vector_load %arg10[%get3A_191, %get3A_192] {strides = array<i32>} : memref<128x128xf32, #tpu.memory_space<vmem>>, vector<1x16xf32>,
          %get3A_194 = vector.shape_cast %get3A_193 : vector<1x16xf32> to vector<16xf32>
          %mul3A_195 = arith.mulf %get3A_194, %broadcast_in_dim3A_138 : vector<16xf32>
          %swap3A_196 = arith.index_cast %add3A_140 : i32 to index
          %swap3A_197 = arith.constant 80 : index
          %swap3A_198 = tpu.vector_load %arg10[%swap3A_196, %swap3A_197] {strides = array<i32>} : memref<128x128xf32, #tpu.memory_space<vmem>>, vector<1x16xf32>,
          %swap3A_199 = vector.shape_cast %swap3A_198 : vector<1x16xf32> to vector<16xf32>
          %swap3A_200 = vector.shape_cast %mul3A_195 : vector<16xf32> to vector<1x16xf32>
          tpu.vector_store %arg10[%swap3A_196, %swap3A_197], %swap3A_200 {strides = array<i32>} : memref<128x128xf32, #tpu.memory_space<vmem>>, vector<1x16xf32>,
          %get3A_201 = arith.index_cast %add3A_140 : i32 to index
          %get3A_202 = arith.constant 96 : index
          %get3A_203 = tpu.vector_load %arg10[%get3A_201, %get3A_202] {strides = array<i32>} : memref<128x128xf32, #tpu.memory_space<vmem>>, vector<1x16xf32>,
          %get3A_204 = vector.shape_cast %get3A_203 : vector<1x16xf32> to vector<16xf32>
          %mul3A_205 = arith.mulf %get3A_204, %broadcast_in_dim3A_138 : vector<16xf32>
          %swap3A_206 = arith.index_cast %add3A_140 : i32 to index
          %swap3A_207 = arith.constant 96 : index
          %swap3A_208 = tpu.vector_load %arg10[%swap3A_206, %swap3A_207] {strides = array<i32>} : memref<128x128xf32, #tpu.memory_space<vmem>>, vector<1x16xf32>,
          %swap3A_209 = vector.shape_cast %swap3A_208 : vector<1x16xf32> to vector<16xf32>
          %swap3A_210 = vector.shape_cast %mul3A_205 : vector<16xf32> to vector<1x16xf32>
          tpu.vector_store %arg10[%swap3A_206, %swap3A_207], %swap3A_210 {strides = array<i32>} : memref<128x128xf32, #tpu.memory_space<vmem>>, vector<1x16xf32>,
          %get3A_211 = arith.index_cast %add3A_140 : i32 to index
          %get3A_212 = arith.constant 112 : index
          %get3A_213 = tpu.vector_load %arg10[%get3A_211, %get3A_212] {strides = array<i32>} : memref<128x128xf32, #tpu.memory_space<vmem>>, vector<1x16xf32>,
          %get3A_214 = vector.shape_cast %get3A_213 : vector<1x16xf32> to vector<16xf32>
          %mul3A_215 = arith.mulf %get3A_214, %broadcast_in_dim3A_138 : vector<16xf32>
          %swap3A_216 = arith.index_cast %add3A_140 : i32 to index
          %swap3A_217 = arith.constant 112 : index
          %swap3A_218 = tpu.vector_load %arg10[%swap3A_216, %swap3A_217] {strides = array<i32>} : memref<128x128xf32, #tpu.memory_space<vmem>>, vector<1x16xf32>,
          %swap3A_219 = vector.shape_cast %swap3A_218 : vector<1x16xf32> to vector<16xf32>
          %swap3A_220 = vector.shape_cast %mul3A_215 : vector<16xf32> to vector<1x16xf32>
          tpu.vector_store %arg10[%swap3A_216, %swap3A_217], %swap3A_220 {strides = array<i32>} : memref<128x128xf32, #tpu.memory_space<vmem>>, vector<1x16xf32>,
          %slice3A_221 = vector.extract_strided_slice %get3A_54 {offsets = [2], sizes = [1], strides = [1]} : vector<16xf32> to vector<1xf32>
          %squeeze3A_222 = vector.extract %slice3A_221[0] : f32 from vector<1xf32>
          %broadcast_in_dim3A_223 = vector.broadcast %squeeze3A_222 : f32 to vector<16xf32>
          %add3A_224 = arith.constant 2 : i32
          %add3A_225 = arith.addi %add3A_52, %add3A_224 : i32
          %get3A_226 = arith.index_cast %add3A_225 : i32 to index
          %get3A_227 = arith.constant 0 : index
          %get3A_228 = tpu.vector_load %arg10[%get3A_226, %get3A_227] {strides = array<i32>} : memref<128x128xf32, #tpu.memory_space<vmem>>, vector<1x16xf32>,
          %get3A_229 = vector.shape_cast %get3A_228 : vector<1x16xf32> to vector<16xf32>
          %mul3A_230 = arith.mulf %get3A_229, %broadcast_in_dim3A_223 : vector<16xf32>
          %swap3A_231 = arith.index_cast %add3A_225 : i32 to index
          %swap3A_232 = arith.constant 0 : index
          %swap3A_233 = tpu.vector_load %arg10[%swap3A_231, %swap3A_232] {strides = array<i32>} : memref<128x128xf32, #tpu.memory_space<vmem>>, vector<1x16xf32>,
          %swap3A_234 = vector.shape_cast %swap3A_233 : vector<1x16xf32> to vector<16xf32>
          %swap3A_235 = vector.shape_cast %mul3A_230 : vector<16xf32> to vector<1x16xf32>
          tpu.vector_store %arg10[%swap3A_231, %swap3A_232], %swap3A_235 {strides = array<i32>} : memref<128x128xf32, #tpu.memory_space<vmem>>, vector<1x16xf32>,
          %get3A_236 = arith.index_cast %add3A_225 : i32 to index
          %get3A_237 = arith.constant 16 : index
          %get3A_238 = tpu.vector_load %arg10[%get3A_236, %get3A_237] {strides = array<i32>} : memref<128x128xf32, #tpu.memory_space<vmem>>, vector<1x16xf32>,
          %get3A_239 = vector.shape_cast %get3A_238 : vector<1x16xf32> to vector<16xf32>
          %mul3A_240 = arith.mulf %get3A_239, %broadcast_in_dim3A_223 : vector<16xf32>
          %swap3A_241 = arith.index_cast %add3A_225 : i32 to index
          %swap3A_242 = arith.constant 16 : index
          %swap3A_243 = tpu.vector_load %arg10[%swap3A_241, %swap3A_242] {strides = array<i32>} : memref<128x128xf32, #tpu.memory_space<vmem>>, vector<1x16xf32>,
          %swap3A_244 = vector.shape_cast %swap3A_243 : vector<1x16xf32> to vector<16xf32>
          %swap3A_245 = vector.shape_cast %mul3A_240 : vector<16xf32> to vector<1x16xf32>
          tpu.vector_store %arg10[%swap3A_241, %swap3A_242], %swap3A_245 {strides = array<i32>} : memref<128x128xf32, #tpu.memory_space<vmem>>, vector<1x16xf32>,
          %get3A_246 = arith.index_cast %add3A_225 : i32 to index
          %get3A_247 = arith.constant 32 : index
          %get3A_248 = tpu.vector_load %arg10[%get3A_246, %get3A_247] {strides = array<i32>} : memref<128x128xf32, #tpu.memory_space<vmem>>, vector<1x16xf32>,
          %get3A_249 = vector.shape_cast %get3A_248 : vector<1x16xf32> to vector<16xf32>
          %mul3A_250 = arith.mulf %get3A_249, %broadcast_in_dim3A_223 : vector<16xf32>
          %swap3A_251 = arith.index_cast %add3A_225 : i32 to index
          %swap3A_252 = arith.constant 32 : index
          %swap3A_253 = tpu.vector_load %arg10[%swap3A_251, %swap3A_252] {strides = array<i32>} : memref<128x128xf32, #tpu.memory_space<vmem>>, vector<1x16xf32>,
          %swap3A_254 = vector.shape_cast %swap3A_253 : vector<1x16xf32> to vector<16xf32>
          %swap3A_255 = vector.shape_cast %mul3A_250 : vector<16xf32> to vector<1x16xf32>
          tpu.vector_store %arg10[%swap3A_251, %swap3A_252], %swap3A_255 {strides = array<i32>} : memref<128x128xf32, #tpu.memory_space<vmem>>, vector<1x16xf32>,
          %get3A_256 = arith.index_cast %add3A_225 : i32 to index
          %get3A_257 = arith.constant 48 : index
          %get3A_258 = tpu.vector_load %arg10[%get3A_256, %get3A_257] {strides = array<i32>} : memref<128x128xf32, #tpu.memory_space<vmem>>, vector<1x16xf32>,
          %get3A_259 = vector.shape_cast %get3A_258 : vector<1x16xf32> to vector<16xf32>
          %mul3A_260 = arith.mulf %get3A_259, %broadcast_in_dim3A_223 : vector<16xf32>
          %swap3A_261 = arith.index_cast %add3A_225 : i32 to index
          %swap3A_262 = arith.constant 48 : index
          %swap3A_263 = tpu.vector_load %arg10[%swap3A_261, %swap3A_262] {strides = array<i32>} : memref<128x128xf32, #tpu.memory_space<vmem>>, vector<1x16xf32>,
          %swap3A_264 = vector.shape_cast %swap3A_263 : vector<1x16xf32> to vector<16xf32>
          %swap3A_265 = vector.shape_cast %mul3A_260 : vector<16xf32> to vector<1x16xf32>
          tpu.vector_store %arg10[%swap3A_261, %swap3A_262], %swap3A_265 {strides = array<i32>} : memref<128x128xf32, #tpu.memory_space<vmem>>, vector<1x16xf32>,
          %get3A_266 = arith.index_cast %add3A_225 : i32 to index
          %get3A_267 = arith.constant 64 : index
          %get3A_268 = tpu.vector_load %arg10[%get3A_266, %get3A_267] {strides = array<i32>} : memref<128x128xf32, #tpu.memory_space<vmem>>, vector<1x16xf32>,
          %get3A_269 = vector.shape_cast %get3A_268 : vector<1x16xf32> to vector<16xf32>
          %mul3A_270 = arith.mulf %get3A_269, %broadcast_in_dim3A_223 : vector<16xf32>
          %swap3A_271 = arith.index_cast %add3A_225 : i32 to index
          %swap3A_272 = arith.constant 64 : index
          %swap3A_273 = tpu.vector_load %arg10[%swap3A_271, %swap3A_272] {strides = array<i32>} : memref<128x128xf32, #tpu.memory_space<vmem>>, vector<1x16xf32>,
          %swap3A_274 = vector.shape_cast %swap3A_273 : vector<1x16xf32> to vector<16xf32>
          %swap3A_275 = vector.shape_cast %mul3A_270 : vector<16xf32> to vector<1x16xf32>
          tpu.vector_store %arg10[%swap3A_271, %swap3A_272], %swap3A_275 {strides = array<i32>} : memref<128x128xf32, #tpu.memory_space<vmem>>, vector<1x16xf32>,
          %get3A_276 = arith.index_cast %add3A_225 : i32 to index
          %get3A_277 = arith.constant 80 : index
          %get3A_278 = tpu.vector_load %arg10[%get3A_276, %get3A_277] {strides = array<i32>} : memref<128x128xf32, #tpu.memory_space<vmem>>, vector<1x16xf32>,
          %get3A_279 = vector.shape_cast %get3A_278 : vector<1x16xf32> to vector<16xf32>
          %mul3A_280 = arith.mulf %get3A_279, %broadcast_in_dim3A_223 : vector<16xf32>
          %swap3A_281 = arith.index_cast %add3A_225 : i32 to index
          %swap3A_282 = arith.constant 80 : index
          %swap3A_283 = tpu.vector_load %arg10[%swap3A_281, %swap3A_282] {strides = array<i32>} : memref<128x128xf32, #tpu.memory_space<vmem>>, vector<1x16xf32>,
          %swap3A_284 = vector.shape_cast %swap3A_283 : vector<1x16xf32> to vector<16xf32>
          %swap3A_285 = vector.shape_cast %mul3A_280 : vector<16xf32> to vector<1x16xf32>
          tpu.vector_store %arg10[%swap3A_281, %swap3A_282], %swap3A_285 {strides = array<i32>} : memref<128x128xf32, #tpu.memory_space<vmem>>, vector<1x16xf32>,
          %get3A_286 = arith.index_cast %add3A_225 : i32 to index
          %get3A_287 = arith.constant 96 : index
          %get3A_288 = tpu.vector_load %arg10[%get3A_286, %get3A_287] {strides = array<i32>} : memref<128x128xf32, #tpu.memory_space<vmem>>, vector<1x16xf32>,
          %get3A_289 = vector.shape_cast %get3A_288 : vector<1x16xf32> to vector<16xf32>
          %mul3A_290 = arith.mulf %get3A_289, %broadcast_in_dim3A_223 : vector<16xf32>
          %swap3A_291 = arith.index_cast %add3A_225 : i32 to index
          %swap3A_292 = arith.constant 96 : index
          %swap3A_293 = tpu.vector_load %arg10[%swap3A_291, %swap3A_292] {strides = array<i32>} : memref<128x128xf32, #tpu.memory_space<vmem>>, vector<1x16xf32>,
          %swap3A_294 = vector.shape_cast %swap3A_293 : vector<1x16xf32> to vector<16xf32>
          %swap3A_295 = vector.shape_cast %mul3A_290 : vector<16xf32> to vector<1x16xf32>
          tpu.vector_store %arg10[%swap3A_291, %swap3A_292], %swap3A_295 {strides = array<i32>} : memref<128x128xf32, #tpu.memory_space<vmem>>, vector<1x16xf32>,
          %get3A_296 = arith.index_cast %add3A_225 : i32 to index
          %get3A_297 = arith.constant 112 : index
          %get3A_298 = tpu.vector_load %arg10[%get3A_296, %get3A_297] {strides = array<i32>} : memref<128x128xf32, #tpu.memory_space<vmem>>, vector<1x16xf32>,
          %get3A_299 = vector.shape_cast %get3A_298 : vector<1x16xf32> to vector<16xf32>
          %mul3A_300 = arith.mulf %get3A_299, %broadcast_in_dim3A_223 : vector<16xf32>
          %swap3A_301 = arith.index_cast %add3A_225 : i32 to index
          %swap3A_302 = arith.constant 112 : index
          %swap3A_303 = tpu.vector_load %arg10[%swap3A_301, %swap3A_302] {strides = array<i32>} : memref<128x128xf32, #tpu.memory_space<vmem>>, vector<1x16xf32>,
          %swap3A_304 = vector.shape_cast %swap3A_303 : vector<1x16xf32> to vector<16xf32>
          %swap3A_305 = vector.shape_cast %mul3A_300 : vector<16xf32> to vector<1x16xf32>
          tpu.vector_store %arg10[%swap3A_301, %swap3A_302], %swap3A_305 {strides = array<i32>} : memref<128x128xf32, #tpu.memory_space<vmem>>, vector<1x16xf32>,
          %slice3A_306 = vector.extract_strided_slice %get3A_54 {offsets = [3], sizes = [1], strides = [1]} : vector<16xf32> to vector<1xf32>
          %squeeze3A_307 = vector.extract %slice3A_306[0] : f32 from vector<1xf32>
          %broadcast_in_dim3A_308 = vector.broadcast %squeeze3A_307 : f32 to vector<16xf32>
          %add3A_309 = arith.constant 3 : i32
          %add3A_310 = arith.addi %add3A_52, %add3A_309 : i32
          %get3A_311 = arith.index_cast %add3A_310 : i32 to index
          %get3A_312 = arith.constant 0 : index
          %get3A_313 = tpu.vector_load %arg10[%get3A_311, %get3A_312] {strides = array<i32>} : memref<128x128xf32, #tpu.memory_space<vmem>>, vector<1x16xf32>,
          %get3A_314 = vector.shape_cast %get3A_313 : vector<1x16xf32> to vector<16xf32>
          %mul3A_315 = arith.mulf %get3A_314, %broadcast_in_dim3A_308 : vector<16xf32>
          %swap3A_316 = arith.index_cast %add3A_310 : i32 to index
          %swap3A_317 = arith.constant 0 : index
          %swap3A_318 = tpu.vector_load %arg10[%swap3A_316, %swap3A_317] {strides = array<i32>} : memref<128x128xf32, #tpu.memory_space<vmem>>, vector<1x16xf32>,
          %swap3A_319 = vector.shape_cast %swap3A_318 : vector<1x16xf32> to vector<16xf32>
          %swap3A_320 = vector.shape_cast %mul3A_315 : vector<16xf32> to vector<1x16xf32>
          tpu.vector_store %arg10[%swap3A_316, %swap3A_317], %swap3A_320 {strides = array<i32>} : memref<128x128xf32, #tpu.memory_space<vmem>>, vector<1x16xf32>,
          %get3A_321 = arith.index_cast %add3A_310 : i32 to index
          %get3A_322 = arith.constant 16 : index
          %get3A_323 = tpu.vector_load %arg10[%get3A_321, %get3A_322] {strides = array<i32>} : memref<128x128xf32, #tpu.memory_space<vmem>>, vector<1x16xf32>,
          %get3A_324 = vector.shape_cast %get3A_323 : vector<1x16xf32> to vector<16xf32>
          %mul3A_325 = arith.mulf %get3A_324, %broadcast_in_dim3A_308 : vector<16xf32>
          %swap3A_326 = arith.index_cast %add3A_310 : i32 to index
          %swap3A_327 = arith.constant 16 : index
          %swap3A_328 = tpu.vector_load %arg10[%swap3A_326, %swap3A_327] {strides = array<i32>} : memref<128x128xf32, #tpu.memory_space<vmem>>, vector<1x16xf32>,
          %swap3A_329 = vector.shape_cast %swap3A_328 : vector<1x16xf32> to vector<16xf32>
          %swap3A_330 = vector.shape_cast %mul3A_325 : vector<16xf32> to vector<1x16xf32>
          tpu.vector_store %arg10[%swap3A_326, %swap3A_327], %swap3A_330 {strides = array<i32>} : memref<128x128xf32, #tpu.memory_space<vmem>>, vector<1x16xf32>,
          %get3A_331 = arith.index_cast %add3A_310 : i32 to index
          %get3A_332 = arith.constant 32 : index
          %get3A_333 = tpu.vector_load %arg10[%get3A_331, %get3A_332] {strides = array<i32>} : memref<128x128xf32, #tpu.memory_space<vmem>>, vector<1x16xf32>,
          %get3A_334 = vector.shape_cast %get3A_333 : vector<1x16xf32> to vector<16xf32>
          %mul3A_335 = arith.mulf %get3A_334, %broadcast_in_dim3A_308 : vector<16xf32>
          %swap3A_336 = arith.index_cast %add3A_310 : i32 to index
          %swap3A_337 = arith.constant 32 : index
          %swap3A_338 = tpu.vector_load %arg10[%swap3A_336, %swap3A_337] {strides = array<i32>} : memref<128x128xf32, #tpu.memory_space<vmem>>, vector<1x16xf32>,
          %swap3A_339 = vector.shape_cast %swap3A_338 : vector<1x16xf32> to vector<16xf32>
          %swap3A_340 = vector.shape_cast %mul3A_335 : vector<16xf32> to vector<1x16xf32>
          tpu.vector_store %arg10[%swap3A_336, %swap3A_337], %swap3A_340 {strides = array<i32>} : memref<128x128xf32, #tpu.memory_space<vmem>>, vector<1x16xf32>,
          %get3A_341 = arith.index_cast %add3A_310 : i32 to index
          %get3A_342 = arith.constant 48 : index
          %get3A_343 = tpu.vector_load %arg10[%get3A_341, %get3A_342] {strides = array<i32>} : memref<128x128xf32, #tpu.memory_space<vmem>>, vector<1x16xf32>,
          %get3A_344 = vector.shape_cast %get3A_343 : vector<1x16xf32> to vector<16xf32>
          %mul3A_345 = arith.mulf %get3A_344, %broadcast_in_dim3A_308 : vector<16xf32>
          %swap3A_346 = arith.index_cast %add3A_310 : i32 to index
          %swap3A_347 = arith.constant 48 : index
          %swap3A_348 = tpu.vector_load %arg10[%swap3A_346, %swap3A_347] {strides = array<i32>} : memref<128x128xf32, #tpu.memory_space<vmem>>, vector<1x16xf32>,
          %swap3A_349 = vector.shape_cast %swap3A_348 : vector<1x16xf32> to vector<16xf32>
          %swap3A_350 = vector.shape_cast %mul3A_345 : vector<16xf32> to vector<1x16xf32>
          tpu.vector_store %arg10[%swap3A_346, %swap3A_347], %swap3A_350 {strides = array<i32>} : memref<128x128xf32, #tpu.memory_space<vmem>>, vector<1x16xf32>,
          %get3A_351 = arith.index_cast %add3A_310 : i32 to index
          %get3A_352 = arith.constant 64 : index
          %get3A_353 = tpu.vector_load %arg10[%get3A_351, %get3A_352] {strides = array<i32>} : memref<128x128xf32, #tpu.memory_space<vmem>>, vector<1x16xf32>,
          %get3A_354 = vector.shape_cast %get3A_353 : vector<1x16xf32> to vector<16xf32>
          %mul3A_355 = arith.mulf %get3A_354, %broadcast_in_dim3A_308 : vector<16xf32>
          %swap3A_356 = arith.index_cast %add3A_310 : i32 to index
          %swap3A_357 = arith.constant 64 : index
          %swap3A_358 = tpu.vector_load %arg10[%swap3A_356, %swap3A_357] {strides = array<i32>} : memref<128x128xf32, #tpu.memory_space<vmem>>, vector<1x16xf32>,
          %swap3A_359 = vector.shape_cast %swap3A_358 : vector<1x16xf32> to vector<16xf32>
          %swap3A_360 = vector.shape_cast %mul3A_355 : vector<16xf32> to vector<1x16xf32>
          tpu.vector_store %arg10[%swap3A_356, %swap3A_357], %swap3A_360 {strides = array<i32>} : memref<128x128xf32, #tpu.memory_space<vmem>>, vector<1x16xf32>,
          %get3A_361 = arith.index_cast %add3A_310 : i32 to index
          %get3A_362 = arith.constant 80 : index
          %get3A_363 = tpu.vector_load %arg10[%get3A_361, %get3A_362] {strides = array<i32>} : memref<128x128xf32, #tpu.memory_space<vmem>>, vector<1x16xf32>,
          %get3A_364 = vector.shape_cast %get3A_363 : vector<1x16xf32> to vector<16xf32>
          %mul3A_365 = arith.mulf %get3A_364, %broadcast_in_dim3A_308 : vector<16xf32>
          %swap3A_366 = arith.index_cast %add3A_310 : i32 to index
          %swap3A_367 = arith.constant 80 : index
          %swap3A_368 = tpu.vector_load %arg10[%swap3A_366, %swap3A_367] {strides = array<i32>} : memref<128x128xf32, #tpu.memory_space<vmem>>, vector<1x16xf32>,
          %swap3A_369 = vector.shape_cast %swap3A_368 : vector<1x16xf32> to vector<16xf32>
          %swap3A_370 = vector.shape_cast %mul3A_365 : vector<16xf32> to vector<1x16xf32>
          tpu.vector_store %arg10[%swap3A_366, %swap3A_367], %swap3A_370 {strides = array<i32>} : memref<128x128xf32, #tpu.memory_space<vmem>>, vector<1x16xf32>,
          %get3A_371 = arith.index_cast %add3A_310 : i32 to index
          %get3A_372 = arith.constant 96 : index
          %get3A_373 = tpu.vector_load %arg10[%get3A_371, %get3A_372] {strides = array<i32>} : memref<128x128xf32, #tpu.memory_space<vmem>>, vector<1x16xf32>,
          %get3A_374 = vector.shape_cast %get3A_373 : vector<1x16xf32> to vector<16xf32>
          %mul3A_375 = arith.mulf %get3A_374, %broadcast_in_dim3A_308 : vector<16xf32>
          %swap3A_376 = arith.index_cast %add3A_310 : i32 to index
          %swap3A_377 = arith.constant 96 : index
          %swap3A_378 = tpu.vector_load %arg10[%swap3A_376, %swap3A_377] {strides = array<i32>} : memref<128x128xf32, #tpu.memory_space<vmem>>, vector<1x16xf32>,
          %swap3A_379 = vector.shape_cast %swap3A_378 : vector<1x16xf32> to vector<16xf32>
          %swap3A_380 = vector.shape_cast %mul3A_375 : vector<16xf32> to vector<1x16xf32>
          tpu.vector_store %arg10[%swap3A_376, %swap3A_377], %swap3A_380 {strides = array<i32>} : memref<128x128xf32, #tpu.memory_space<vmem>>, vector<1x16xf32>,
          %get3A_381 = arith.index_cast %add3A_310 : i32 to index
          %get3A_382 = arith.constant 112 : index
          %get3A_383 = tpu.vector_load %arg10[%get3A_381, %get3A_382] {strides = array<i32>} : memref<128x128xf32, #tpu.memory_space<vmem>>, vector<1x16xf32>,
          %get3A_384 = vector.shape_cast %get3A_383 : vector<1x16xf32> to vector<16xf32>
          %mul3A_385 = arith.mulf %get3A_384, %broadcast_in_dim3A_308 : vector<16xf32>
          %swap3A_386 = arith.index_cast %add3A_310 : i32 to index
          %swap3A_387 = arith.constant 112 : index
          %swap3A_388 = tpu.vector_load %arg10[%swap3A_386, %swap3A_387] {strides = array<i32>} : memref<128x128xf32, #tpu.memory_space<vmem>>, vector<1x16xf32>,
          %swap3A_389 = vector.shape_cast %swap3A_388 : vector<1x16xf32> to vector<16xf32>
          %swap3A_390 = vector.shape_cast %mul3A_385 : vector<16xf32> to vector<1x16xf32>
          tpu.vector_store %arg10[%swap3A_386, %swap3A_387], %swap3A_390 {strides = array<i32>} : memref<128x128xf32, #tpu.memory_space<vmem>>, vector<1x16xf32>,
          %slice3A_391 = vector.extract_strided_slice %get3A_54 {offsets = [4], sizes = [1], strides = [1]} : vector<16xf32> to vector<1xf32>
          %squeeze3A_392 = vector.extract %slice3A_391[0] : f32 from vector<1xf32>
          %broadcast_in_dim3A_393 = vector.broadcast %squeeze3A_392 : f32 to vector<16xf32>
          %add3A_394 = arith.constant 4 : i32
          %add3A_395 = arith.addi %add3A_52, %add3A_394 : i32
          %get3A_396 = arith.index_cast %add3A_395 : i32 to index
          %get3A_397 = arith.constant 0 : index
          %get3A_398 = tpu.vector_load %arg10[%get3A_396, %get3A_397] {strides = array<i32>} : memref<128x128xf32, #tpu.memory_space<vmem>>, vector<1x16xf32>,
          %get3A_399 = vector.shape_cast %get3A_398 : vector<1x16xf32> to vector<16xf32>
          %mul3A_400 = arith.mulf %get3A_399, %broadcast_in_dim3A_393 : vector<16xf32>
          %swap3A_401 = arith.index_cast %add3A_395 : i32 to index
          %swap3A_402 = arith.constant 0 : index
          %swap3A_403 = tpu.vector_load %arg10[%swap3A_401, %swap3A_402] {strides = array<i32>} : memref<128x128xf32, #tpu.memory_space<vmem>>, vector<1x16xf32>,
          %swap3A_404 = vector.shape_cast %swap3A_403 : vector<1x16xf32> to vector<16xf32>
          %swap3A_405 = vector.shape_cast %mul3A_400 : vector<16xf32> to vector<1x16xf32>
          tpu.vector_store %arg10[%swap3A_401, %swap3A_402], %swap3A_405 {strides = array<i32>} : memref<128x128xf32, #tpu.memory_space<vmem>>, vector<1x16xf32>,
          %get3A_406 = arith.index_cast %add3A_395 : i32 to index
          %get3A_407 = arith.constant 16 : index
          %get3A_408 = tpu.vector_load %arg10[%get3A_406, %get3A_407] {strides = array<i32>} : memref<128x128xf32, #tpu.memory_space<vmem>>, vector<1x16xf32>,
          %get3A_409 = vector.shape_cast %get3A_408 : vector<1x16xf32> to vector<16xf32>
          %mul3A_410 = arith.mulf %get3A_409, %broadcast_in_dim3A_393 : vector<16xf32>
          %swap3A_411 = arith.index_cast %add3A_395 : i32 to index
          %swap3A_412 = arith.constant 16 : index
          %swap3A_413 = tpu.vector_load %arg10[%swap3A_411, %swap3A_412] {strides = array<i32>} : memref<128x128xf32, #tpu.memory_space<vmem>>, vector<1x16xf32>,
          %swap3A_414 = vector.shape_cast %swap3A_413 : vector<1x16xf32> to vector<16xf32>
          %swap3A_415 = vector.shape_cast %mul3A_410 : vector<16xf32> to vector<1x16xf32>
          tpu.vector_store %arg10[%swap3A_411, %swap3A_412], %swap3A_415 {strides = array<i32>} : memref<128x128xf32, #tpu.memory_space<vmem>>, vector<1x16xf32>,
          %get3A_416 = arith.index_cast %add3A_395 : i32 to index
          %get3A_417 = arith.constant 32 : index
          %get3A_418 = tpu.vector_load %arg10[%get3A_416, %get3A_417] {strides = array<i32>} : memref<128x128xf32, #tpu.memory_space<vmem>>, vector<1x16xf32>,
          %get3A_419 = vector.shape_cast %get3A_418 : vector<1x16xf32> to vector<16xf32>
          %mul3A_420 = arith.mulf %get3A_419, %broadcast_in_dim3A_393 : vector<16xf32>
          %swap3A_421 = arith.index_cast %add3A_395 : i32 to index
          %swap3A_422 = arith.constant 32 : index
          %swap3A_423 = tpu.vector_load %arg10[%swap3A_421, %swap3A_422] {strides = array<i32>} : memref<128x128xf32, #tpu.memory_space<vmem>>, vector<1x16xf32>,
          %swap3A_424 = vector.shape_cast %swap3A_423 : vector<1x16xf32> to vector<16xf32>
          %swap3A_425 = vector.shape_cast %mul3A_420 : vector<16xf32> to vector<1x16xf32>
          tpu.vector_store %arg10[%swap3A_421, %swap3A_422], %swap3A_425 {strides = array<i32>} : memref<128x128xf32, #tpu.memory_space<vmem>>, vector<1x16xf32>,
          %get3A_426 = arith.index_cast %add3A_395 : i32 to index
          %get3A_427 = arith.constant 48 : index
          %get3A_428 = tpu.vector_load %arg10[%get3A_426, %get3A_427] {strides = array<i32>} : memref<128x128xf32, #tpu.memory_space<vmem>>, vector<1x16xf32>,
          %get3A_429 = vector.shape_cast %get3A_428 : vector<1x16xf32> to vector<16xf32>
          %mul3A_430 = arith.mulf %get3A_429, %broadcast_in_dim3A_393 : vector<16xf32>
          %swap3A_431 = arith.index_cast %add3A_395 : i32 to index
          %swap3A_432 = arith.constant 48 : index
          %swap3A_433 = tpu.vector_load %arg10[%swap3A_431, %swap3A_432] {strides = array<i32>} : memref<128x128xf32, #tpu.memory_space<vmem>>, vector<1x16xf32>,
          %swap3A_434 = vector.shape_cast %swap3A_433 : vector<1x16xf32> to vector<16xf32>
          %swap3A_435 = vector.shape_cast %mul3A_430 : vector<16xf32> to vector<1x16xf32>
          tpu.vector_store %arg10[%swap3A_431, %swap3A_432], %swap3A_435 {strides = array<i32>} : memref<128x128xf32, #tpu.memory_space<vmem>>, vector<1x16xf32>,
          %get3A_436 = arith.index_cast %add3A_395 : i32 to index
          %get3A_437 = arith.constant 64 : index
          %get3A_438 = tpu.vector_load %arg10[%get3A_436, %get3A_437] {strides = array<i32>} : memref<128x128xf32, #tpu.memory_space<vmem>>, vector<1x16xf32>,
          %get3A_439 = vector.shape_cast %get3A_438 : vector<1x16xf32> to vector<16xf32>
          %mul3A_440 = arith.mulf %get3A_439, %broadcast_in_dim3A_393 : vector<16xf32>
          %swap3A_441 = arith.index_cast %add3A_395 : i32 to index
          %swap3A_442 = arith.constant 64 : index
          %swap3A_443 = tpu.vector_load %arg10[%swap3A_441, %swap3A_442] {strides = array<i32>} : memref<128x128xf32, #tpu.memory_space<vmem>>, vector<1x16xf32>,
          %swap3A_444 = vector.shape_cast %swap3A_443 : vector<1x16xf32> to vector<16xf32>
          %swap3A_445 = vector.shape_cast %mul3A_440 : vector<16xf32> to vector<1x16xf32>
          tpu.vector_store %arg10[%swap3A_441, %swap3A_442], %swap3A_445 {strides = array<i32>} : memref<128x128xf32, #tpu.memory_space<vmem>>, vector<1x16xf32>,
          %get3A_446 = arith.index_cast %add3A_395 : i32 to index
          %get3A_447 = arith.constant 80 : index
          %get3A_448 = tpu.vector_load %arg10[%get3A_446, %get3A_447] {strides = array<i32>} : memref<128x128xf32, #tpu.memory_space<vmem>>, vector<1x16xf32>,
          %get3A_449 = vector.shape_cast %get3A_448 : vector<1x16xf32> to vector<16xf32>
          %mul3A_450 = arith.mulf %get3A_449, %broadcast_in_dim3A_393 : vector<16xf32>
          %swap3A_451 = arith.index_cast %add3A_395 : i32 to index
          %swap3A_452 = arith.constant 80 : index
          %swap3A_453 = tpu.vector_load %arg10[%swap3A_451, %swap3A_452] {strides = array<i32>} : memref<128x128xf32, #tpu.memory_space<vmem>>, vector<1x16xf32>,
          %swap3A_454 = vector.shape_cast %swap3A_453 : vector<1x16xf32> to vector<16xf32>
          %swap3A_455 = vector.shape_cast %mul3A_450 : vector<16xf32> to vector<1x16xf32>
          tpu.vector_store %arg10[%swap3A_451, %swap3A_452], %swap3A_455 {strides = array<i32>} : memref<128x128xf32, #tpu.memory_space<vmem>>, vector<1x16xf32>,
          %get3A_456 = arith.index_cast %add3A_395 : i32 to index
          %get3A_457 = arith.constant 96 : index
          %get3A_458 = tpu.vector_load %arg10[%get3A_456, %get3A_457] {strides = array<i32>} : memref<128x128xf32, #tpu.memory_space<vmem>>, vector<1x16xf32>,
          %get3A_459 = vector.shape_cast %get3A_458 : vector<1x16xf32> to vector<16xf32>
          %mul3A_460 = arith.mulf %get3A_459, %broadcast_in_dim3A_393 : vector<16xf32>
          %swap3A_461 = arith.index_cast %add3A_395 : i32 to index
          %swap3A_462 = arith.constant 96 : index
          %swap3A_463 = tpu.vector_load %arg10[%swap3A_461, %swap3A_462] {strides = array<i32>} : memref<128x128xf32, #tpu.memory_space<vmem>>, vector<1x16xf32>,
          %swap3A_464 = vector.shape_cast %swap3A_463 : vector<1x16xf32> to vector<16xf32>
          %swap3A_465 = vector.shape_cast %mul3A_460 : vector<16xf32> to vector<1x16xf32>
          tpu.vector_store %arg10[%swap3A_461, %swap3A_462], %swap3A_465 {strides = array<i32>} : memref<128x128xf32, #tpu.memory_space<vmem>>, vector<1x16xf32>,
          %get3A_466 = arith.index_cast %add3A_395 : i32 to index
          %get3A_467 = arith.constant 112 : index
          %get3A_468 = tpu.vector_load %arg10[%get3A_466, %get3A_467] {strides = array<i32>} : memref<128x128xf32, #tpu.memory_space<vmem>>, vector<1x16xf32>,
          %get3A_469 = vector.shape_cast %get3A_468 : vector<1x16xf32> to vector<16xf32>
          %mul3A_470 = arith.mulf %get3A_469, %broadcast_in_dim3A_393 : vector<16xf32>
          %swap3A_471 = arith.index_cast %add3A_395 : i32 to index
          %swap3A_472 = arith.constant 112 : index
          %swap3A_473 = tpu.vector_load %arg10[%swap3A_471, %swap3A_472] {strides = array<i32>} : memref<128x128xf32, #tpu.memory_space<vmem>>, vector<1x16xf32>,
          %swap3A_474 = vector.shape_cast %swap3A_473 : vector<1x16xf32> to vector<16xf32>
          %swap3A_475 = vector.shape_cast %mul3A_470 : vector<16xf32> to vector<1x16xf32>
          tpu.vector_store %arg10[%swap3A_471, %swap3A_472], %swap3A_475 {strides = array<i32>} : memref<128x128xf32, #tpu.memory_space<vmem>>, vector<1x16xf32>,
          %slice3A_476 = vector.extract_strided_slice %get3A_54 {offsets = [5], sizes = [1], strides = [1]} : vector<16xf32> to vector<1xf32>
          %squeeze3A_477 = vector.extract %slice3A_476[0] : f32 from vector<1xf32>
          %broadcast_in_dim3A_478 = vector.broadcast %squeeze3A_477 : f32 to vector<16xf32>
          %add3A_479 = arith.constant 5 : i32
          %add3A_480 = arith.addi %add3A_52, %add3A_479 : i32
          %get3A_481 = arith.index_cast %add3A_480 : i32 to index
          %get3A_482 = arith.constant 0 : index
          %get3A_483 = tpu.vector_load %arg10[%get3A_481, %get3A_482] {strides = array<i32>} : memref<128x128xf32, #tpu.memory_space<vmem>>, vector<1x16xf32>,
          %get3A_484 = vector.shape_cast %get3A_483 : vector<1x16xf32> to vector<16xf32>
          %mul3A_485 = arith.mulf %get3A_484, %broadcast_in_dim3A_478 : vector<16xf32>
          %swap3A_486 = arith.index_cast %add3A_480 : i32 to index
          %swap3A_487 = arith.constant 0 : index
          %swap3A_488 = tpu.vector_load %arg10[%swap3A_486, %swap3A_487] {strides = array<i32>} : memref<128x128xf32, #tpu.memory_space<vmem>>, vector<1x16xf32>,
          %swap3A_489 = vector.shape_cast %swap3A_488 : vector<1x16xf32> to vector<16xf32>
          %swap3A_490 = vector.shape_cast %mul3A_485 : vector<16xf32> to vector<1x16xf32>
          tpu.vector_store %arg10[%swap3A_486, %swap3A_487], %swap3A_490 {strides = array<i32>} : memref<128x128xf32, #tpu.memory_space<vmem>>, vector<1x16xf32>,
          %get3A_491 = arith.index_cast %add3A_480 : i32 to index
          %get3A_492 = arith.constant 16 : index
          %get3A_493 = tpu.vector_load %arg10[%get3A_491, %get3A_492] {strides = array<i32>} : memref<128x128xf32, #tpu.memory_space<vmem>>, vector<1x16xf32>,
          %get3A_494 = vector.shape_cast %get3A_493 : vector<1x16xf32> to vector<16xf32>
          %mul3A_495 = arith.mulf %get3A_494, %broadcast_in_dim3A_478 : vector<16xf32>
          %swap3A_496 = arith.index_cast %add3A_480 : i32 to index
          %swap3A_497 = arith.constant 16 : index
          %swap3A_498 = tpu.vector_load %arg10[%swap3A_496, %swap3A_497] {strides = array<i32>} : memref<128x128xf32, #tpu.memory_space<vmem>>, vector<1x16xf32>,
          %swap3A_499 = vector.shape_cast %swap3A_498 : vector<1x16xf32> to vector<16xf32>
          %swap3A_500 = vector.shape_cast %mul3A_495 : vector<16xf32> to vector<1x16xf32>
          tpu.vector_store %arg10[%swap3A_496, %swap3A_497], %swap3A_500 {strides = array<i32>} : memref<128x128xf32, #tpu.memory_space<vmem>>, vector<1x16xf32>,
          %get3A_501 = arith.index_cast %add3A_480 : i32 to index
          %get3A_502 = arith.constant 32 : index
          %get3A_503 = tpu.vector_load %arg10[%get3A_501, %get3A_502] {strides = array<i32>} : memref<128x128xf32, #tpu.memory_space<vmem>>, vector<1x16xf32>,
          %get3A_504 = vector.shape_cast %get3A_503 : vector<1x16xf32> to vector<16xf32>
          %mul3A_505 = arith.mulf %get3A_504, %broadcast_in_dim3A_478 : vector<16xf32>
          %swap3A_506 = arith.index_cast %add3A_480 : i32 to index
          %swap3A_507 = arith.constant 32 : index
          %swap3A_508 = tpu.vector_load %arg10[%swap3A_506, %swap3A_507] {strides = array<i32>} : memref<128x128xf32, #tpu.memory_space<vmem>>, vector<1x16xf32>,
          %swap3A_509 = vector.shape_cast %swap3A_508 : vector<1x16xf32> to vector<16xf32>
          %swap3A_510 = vector.shape_cast %mul3A_505 : vector<16xf32> to vector<1x16xf32>
          tpu.vector_store %arg10[%swap3A_506, %swap3A_507], %swap3A_510 {strides = array<i32>} : memref<128x128xf32, #tpu.memory_space<vmem>>, vector<1x16xf32>,
          %get3A_511 = arith.index_cast %add3A_480 : i32 to index
          %get3A_512 = arith.constant 48 : index
          %get3A_513 = tpu.vector_load %arg10[%get3A_511, %get3A_512] {strides = array<i32>} : memref<128x128xf32, #tpu.memory_space<vmem>>, vector<1x16xf32>,
          %get3A_514 = vector.shape_cast %get3A_513 : vector<1x16xf32> to vector<16xf32>
          %mul3A_515 = arith.mulf %get3A_514, %broadcast_in_dim3A_478 : vector<16xf32>
          %swap3A_516 = arith.index_cast %add3A_480 : i32 to index
          %swap3A_517 = arith.constant 48 : index
          %swap3A_518 = tpu.vector_load %arg10[%swap3A_516, %swap3A_517] {strides = array<i32>} : memref<128x128xf32, #tpu.memory_space<vmem>>, vector<1x16xf32>,
          %swap3A_519 = vector.shape_cast %swap3A_518 : vector<1x16xf32> to vector<16xf32>
          %swap3A_520 = vector.shape_cast %mul3A_515 : vector<16xf32> to vector<1x16xf32>
          tpu.vector_store %arg10[%swap3A_516, %swap3A_517], %swap3A_520 {strides = array<i32>} : memref<128x128xf32, #tpu.memory_space<vmem>>, vector<1x16xf32>,
          %get3A_521 = arith.index_cast %add3A_480 : i32 to index
          %get3A_522 = arith.constant 64 : index
          %get3A_523 = tpu.vector_load %arg10[%get3A_521, %get3A_522] {strides = array<i32>} : memref<128x128xf32, #tpu.memory_space<vmem>>, vector<1x16xf32>,
          %get3A_524 = vector.shape_cast %get3A_523 : vector<1x16xf32> to vector<16xf32>
          %mul3A_525 = arith.mulf %get3A_524, %broadcast_in_dim3A_478 : vector<16xf32>
          %swap3A_526 = arith.index_cast %add3A_480 : i32 to index
          %swap3A_527 = arith.constant 64 : index
          %swap3A_528 = tpu.vector_load %arg10[%swap3A_526, %swap3A_527] {strides = array<i32>} : memref<128x128xf32, #tpu.memory_space<vmem>>, vector<1x16xf32>,
          %swap3A_529 = vector.shape_cast %swap3A_528 : vector<1x16xf32> to vector<16xf32>
          %swap3A_530 = vector.shape_cast %mul3A_525 : vector<16xf32> to vector<1x16xf32>
          tpu.vector_store %arg10[%swap3A_526, %swap3A_527], %swap3A_530 {strides = array<i32>} : memref<128x128xf32, #tpu.memory_space<vmem>>, vector<1x16xf32>,
          %get3A_531 = arith.index_cast %add3A_480 : i32 to index
          %get3A_532 = arith.constant 80 : index
          %get3A_533 = tpu.vector_load %arg10[%get3A_531, %get3A_532] {strides = array<i32>} : memref<128x128xf32, #tpu.memory_space<vmem>>, vector<1x16xf32>,
          %get3A_534 = vector.shape_cast %get3A_533 : vector<1x16xf32> to vector<16xf32>
          %mul3A_535 = arith.mulf %get3A_534, %broadcast_in_dim3A_478 : vector<16xf32>
          %swap3A_536 = arith.index_cast %add3A_480 : i32 to index
          %swap3A_537 = arith.constant 80 : index
          %swap3A_538 = tpu.vector_load %arg10[%swap3A_536, %swap3A_537] {strides = array<i32>} : memref<128x128xf32, #tpu.memory_space<vmem>>, vector<1x16xf32>,
          %swap3A_539 = vector.shape_cast %swap3A_538 : vector<1x16xf32> to vector<16xf32>
          %swap3A_540 = vector.shape_cast %mul3A_535 : vector<16xf32> to vector<1x16xf32>
          tpu.vector_store %arg10[%swap3A_536, %swap3A_537], %swap3A_540 {strides = array<i32>} : memref<128x128xf32, #tpu.memory_space<vmem>>, vector<1x16xf32>,
          %get3A_541 = arith.index_cast %add3A_480 : i32 to index
          %get3A_542 = arith.constant 96 : index
          %get3A_543 = tpu.vector_load %arg10[%get3A_541, %get3A_542] {strides = array<i32>} : memref<128x128xf32, #tpu.memory_space<vmem>>, vector<1x16xf32>,
          %get3A_544 = vector.shape_cast %get3A_543 : vector<1x16xf32> to vector<16xf32>
          %mul3A_545 = arith.mulf %get3A_544, %broadcast_in_dim3A_478 : vector<16xf32>
          %swap3A_546 = arith.index_cast %add3A_480 : i32 to index
          %swap3A_547 = arith.constant 96 : index
          %swap3A_548 = tpu.vector_load %arg10[%swap3A_546, %swap3A_547] {strides = array<i32>} : memref<128x128xf32, #tpu.memory_space<vmem>>, vector<1x16xf32>,
          %swap3A_549 = vector.shape_cast %swap3A_548 : vector<1x16xf32> to vector<16xf32>
          %swap3A_550 = vector.shape_cast %mul3A_545 : vector<16xf32> to vector<1x16xf32>
          tpu.vector_store %arg10[%swap3A_546, %swap3A_547], %swap3A_550 {strides = array<i32>} : memref<128x128xf32, #tpu.memory_space<vmem>>, vector<1x16xf32>,
          %get3A_551 = arith.index_cast %add3A_480 : i32 to index
          %get3A_552 = arith.constant 112 : index
          %get3A_553 = tpu.vector_load %arg10[%get3A_551, %get3A_552] {strides = array<i32>} : memref<128x128xf32, #tpu.memory_space<vmem>>, vector<1x16xf32>,
          %get3A_554 = vector.shape_cast %get3A_553 : vector<1x16xf32> to vector<16xf32>
          %mul3A_555 = arith.mulf %get3A_554, %broadcast_in_dim3A_478 : vector<16xf32>
          %swap3A_556 = arith.index_cast %add3A_480 : i32 to index
          %swap3A_557 = arith.constant 112 : index
          %swap3A_558 = tpu.vector_load %arg10[%swap3A_556, %swap3A_557] {strides = array<i32>} : memref<128x128xf32, #tpu.memory_space<vmem>>, vector<1x16xf32>,
          %swap3A_559 = vector.shape_cast %swap3A_558 : vector<1x16xf32> to vector<16xf32>
          %swap3A_560 = vector.shape_cast %mul3A_555 : vector<16xf32> to vector<1x16xf32>
          tpu.vector_store %arg10[%swap3A_556, %swap3A_557], %swap3A_560 {strides = array<i32>} : memref<128x128xf32, #tpu.memory_space<vmem>>, vector<1x16xf32>,
          %slice3A_561 = vector.extract_strided_slice %get3A_54 {offsets = [6], sizes = [1], strides = [1]} : vector<16xf32> to vector<1xf32>
          %squeeze3A_562 = vector.extract %slice3A_561[0] : f32 from vector<1xf32>
          %broadcast_in_dim3A_563 = vector.broadcast %squeeze3A_562 : f32 to vector<16xf32>
          %add3A_564 = arith.constant 6 : i32
          %add3A_565 = arith.addi %add3A_52, %add3A_564 : i32
          %get3A_566 = arith.index_cast %add3A_565 : i32 to index
          %get3A_567 = arith.constant 0 : index
          %get3A_568 = tpu.vector_load %arg10[%get3A_566, %get3A_567] {strides = array<i32>} : memref<128x128xf32, #tpu.memory_space<vmem>>, vector<1x16xf32>,
          %get3A_569 = vector.shape_cast %get3A_568 : vector<1x16xf32> to vector<16xf32>
          %mul3A_570 = arith.mulf %get3A_569, %broadcast_in_dim3A_563 : vector<16xf32>
          %swap3A_571 = arith.index_cast %add3A_565 : i32 to index
          %swap3A_572 = arith.constant 0 : index
          %swap3A_573 = tpu.vector_load %arg10[%swap3A_571, %swap3A_572] {strides = array<i32>} : memref<128x128xf32, #tpu.memory_space<vmem>>, vector<1x16xf32>,
          %swap3A_574 = vector.shape_cast %swap3A_573 : vector<1x16xf32> to vector<16xf32>
          %swap3A_575 = vector.shape_cast %mul3A_570 : vector<16xf32> to vector<1x16xf32>
          tpu.vector_store %arg10[%swap3A_571, %swap3A_572], %swap3A_575 {strides = array<i32>} : memref<128x128xf32, #tpu.memory_space<vmem>>, vector<1x16xf32>,
          %get3A_576 = arith.index_cast %add3A_565 : i32 to index
          %get3A_577 = arith.constant 16 : index
          %get3A_578 = tpu.vector_load %arg10[%get3A_576, %get3A_577] {strides = array<i32>} : memref<128x128xf32, #tpu.memory_space<vmem>>, vector<1x16xf32>,
          %get3A_579 = vector.shape_cast %get3A_578 : vector<1x16xf32> to vector<16xf32>
          %mul3A_580 = arith.mulf %get3A_579, %broadcast_in_dim3A_563 : vector<16xf32>
          %swap3A_581 = arith.index_cast %add3A_565 : i32 to index
          %swap3A_582 = arith.constant 16 : index
          %swap3A_583 = tpu.vector_load %arg10[%swap3A_581, %swap3A_582] {strides = array<i32>} : memref<128x128xf32, #tpu.memory_space<vmem>>, vector<1x16xf32>,
          %swap3A_584 = vector.shape_cast %swap3A_583 : vector<1x16xf32> to vector<16xf32>
          %swap3A_585 = vector.shape_cast %mul3A_580 : vector<16xf32> to vector<1x16xf32>
          tpu.vector_store %arg10[%swap3A_581, %swap3A_582], %swap3A_585 {strides = array<i32>} : memref<128x128xf32, #tpu.memory_space<vmem>>, vector<1x16xf32>,
          %get3A_586 = arith.index_cast %add3A_565 : i32 to index
          %get3A_587 = arith.constant 32 : index
          %get3A_588 = tpu.vector_load %arg10[%get3A_586, %get3A_587] {strides = array<i32>} : memref<128x128xf32, #tpu.memory_space<vmem>>, vector<1x16xf32>,
          %get3A_589 = vector.shape_cast %get3A_588 : vector<1x16xf32> to vector<16xf32>
          %mul3A_590 = arith.mulf %get3A_589, %broadcast_in_dim3A_563 : vector<16xf32>
          %swap3A_591 = arith.index_cast %add3A_565 : i32 to index
          %swap3A_592 = arith.constant 32 : index
          %swap3A_593 = tpu.vector_load %arg10[%swap3A_591, %swap3A_592] {strides = array<i32>} : memref<128x128xf32, #tpu.memory_space<vmem>>, vector<1x16xf32>,
          %swap3A_594 = vector.shape_cast %swap3A_593 : vector<1x16xf32> to vector<16xf32>
          %swap3A_595 = vector.shape_cast %mul3A_590 : vector<16xf32> to vector<1x16xf32>
          tpu.vector_store %arg10[%swap3A_591, %swap3A_592], %swap3A_595 {strides = array<i32>} : memref<128x128xf32, #tpu.memory_space<vmem>>, vector<1x16xf32>,
          %get3A_596 = arith.index_cast %add3A_565 : i32 to index
          %get3A_597 = arith.constant 48 : index
          %get3A_598 = tpu.vector_load %arg10[%get3A_596, %get3A_597] {strides = array<i32>} : memref<128x128xf32, #tpu.memory_space<vmem>>, vector<1x16xf32>,
          %get3A_599 = vector.shape_cast %get3A_598 : vector<1x16xf32> to vector<16xf32>
          %mul3A_600 = arith.mulf %get3A_599, %broadcast_in_dim3A_563 : vector<16xf32>
          %swap3A_601 = arith.index_cast %add3A_565 : i32 to index
          %swap3A_602 = arith.constant 48 : index
          %swap3A_603 = tpu.vector_load %arg10[%swap3A_601, %swap3A_602] {strides = array<i32>} : memref<128x128xf32, #tpu.memory_space<vmem>>, vector<1x16xf32>,
          %swap3A_604 = vector.shape_cast %swap3A_603 : vector<1x16xf32> to vector<16xf32>
          %swap3A_605 = vector.shape_cast %mul3A_600 : vector<16xf32> to vector<1x16xf32>
          tpu.vector_store %arg10[%swap3A_601, %swap3A_602], %swap3A_605 {strides = array<i32>} : memref<128x128xf32, #tpu.memory_space<vmem>>, vector<1x16xf32>,
          %get3A_606 = arith.index_cast %add3A_565 : i32 to index
          %get3A_607 = arith.constant 64 : index
          %get3A_608 = tpu.vector_load %arg10[%get3A_606, %get3A_607] {strides = array<i32>} : memref<128x128xf32, #tpu.memory_space<vmem>>, vector<1x16xf32>,
          %get3A_609 = vector.shape_cast %get3A_608 : vector<1x16xf32> to vector<16xf32>
          %mul3A_610 = arith.mulf %get3A_609, %broadcast_in_dim3A_563 : vector<16xf32>
          %swap3A_611 = arith.index_cast %add3A_565 : i32 to index
          %swap3A_612 = arith.constant 64 : index
          %swap3A_613 = tpu.vector_load %arg10[%swap3A_611, %swap3A_612] {strides = array<i32>} : memref<128x128xf32, #tpu.memory_space<vmem>>, vector<1x16xf32>,
          %swap3A_614 = vector.shape_cast %swap3A_613 : vector<1x16xf32> to vector<16xf32>
          %swap3A_615 = vector.shape_cast %mul3A_610 : vector<16xf32> to vector<1x16xf32>
          tpu.vector_store %arg10[%swap3A_611, %swap3A_612], %swap3A_615 {strides = array<i32>} : memref<128x128xf32, #tpu.memory_space<vmem>>, vector<1x16xf32>,
          %get3A_616 = arith.index_cast %add3A_565 : i32 to index
          %get3A_617 = arith.constant 80 : index
          %get3A_618 = tpu.vector_load %arg10[%get3A_616, %get3A_617] {strides = array<i32>} : memref<128x128xf32, #tpu.memory_space<vmem>>, vector<1x16xf32>,
          %get3A_619 = vector.shape_cast %get3A_618 : vector<1x16xf32> to vector<16xf32>
          %mul3A_620 = arith.mulf %get3A_619, %broadcast_in_dim3A_563 : vector<16xf32>
          %swap3A_621 = arith.index_cast %add3A_565 : i32 to index
          %swap3A_622 = arith.constant 80 : index
          %swap3A_623 = tpu.vector_load %arg10[%swap3A_621, %swap3A_622] {strides = array<i32>} : memref<128x128xf32, #tpu.memory_space<vmem>>, vector<1x16xf32>,
          %swap3A_624 = vector.shape_cast %swap3A_623 : vector<1x16xf32> to vector<16xf32>
          %swap3A_625 = vector.shape_cast %mul3A_620 : vector<16xf32> to vector<1x16xf32>
          tpu.vector_store %arg10[%swap3A_621, %swap3A_622], %swap3A_625 {strides = array<i32>} : memref<128x128xf32, #tpu.memory_space<vmem>>, vector<1x16xf32>,
          %get3A_626 = arith.index_cast %add3A_565 : i32 to index
          %get3A_627 = arith.constant 96 : index
          %get3A_628 = tpu.vector_load %arg10[%get3A_626, %get3A_627] {strides = array<i32>} : memref<128x128xf32, #tpu.memory_space<vmem>>, vector<1x16xf32>,
          %get3A_629 = vector.shape_cast %get3A_628 : vector<1x16xf32> to vector<16xf32>
          %mul3A_630 = arith.mulf %get3A_629, %broadcast_in_dim3A_563 : vector<16xf32>
          %swap3A_631 = arith.index_cast %add3A_565 : i32 to index
          %swap3A_632 = arith.constant 96 : index
          %swap3A_633 = tpu.vector_load %arg10[%swap3A_631, %swap3A_632] {strides = array<i32>} : memref<128x128xf32, #tpu.memory_space<vmem>>, vector<1x16xf32>,
          %swap3A_634 = vector.shape_cast %swap3A_633 : vector<1x16xf32> to vector<16xf32>
          %swap3A_635 = vector.shape_cast %mul3A_630 : vector<16xf32> to vector<1x16xf32>
          tpu.vector_store %arg10[%swap3A_631, %swap3A_632], %swap3A_635 {strides = array<i32>} : memref<128x128xf32, #tpu.memory_space<vmem>>, vector<1x16xf32>,
          %get3A_636 = arith.index_cast %add3A_565 : i32 to index
          %get3A_637 = arith.constant 112 : index
          %get3A_638 = tpu.vector_load %arg10[%get3A_636, %get3A_637] {strides = array<i32>} : memref<128x128xf32, #tpu.memory_space<vmem>>, vector<1x16xf32>,
          %get3A_639 = vector.shape_cast %get3A_638 : vector<1x16xf32> to vector<16xf32>
          %mul3A_640 = arith.mulf %get3A_639, %broadcast_in_dim3A_563 : vector<16xf32>
          %swap3A_641 = arith.index_cast %add3A_565 : i32 to index
          %swap3A_642 = arith.constant 112 : index
          %swap3A_643 = tpu.vector_load %arg10[%swap3A_641, %swap3A_642] {strides = array<i32>} : memref<128x128xf32, #tpu.memory_space<vmem>>, vector<1x16xf32>,
          %swap3A_644 = vector.shape_cast %swap3A_643 : vector<1x16xf32> to vector<16xf32>
          %swap3A_645 = vector.shape_cast %mul3A_640 : vector<16xf32> to vector<1x16xf32>
          tpu.vector_store %arg10[%swap3A_641, %swap3A_642], %swap3A_645 {strides = array<i32>} : memref<128x128xf32, #tpu.memory_space<vmem>>, vector<1x16xf32>,
          %slice3A_646 = vector.extract_strided_slice %get3A_54 {offsets = [7], sizes = [1], strides = [1]} : vector<16xf32> to vector<1xf32>
          %squeeze3A_647 = vector.extract %slice3A_646[0] : f32 from vector<1xf32>
          %broadcast_in_dim3A_648 = vector.broadcast %squeeze3A_647 : f32 to vector<16xf32>
          %add3A_649 = arith.constant 7 : i32
          %add3A_650 = arith.addi %add3A_52, %add3A_649 : i32
          %get3A_651 = arith.index_cast %add3A_650 : i32 to index
          %get3A_652 = arith.constant 0 : index
          %get3A_653 = tpu.vector_load %arg10[%get3A_651, %get3A_652] {strides = array<i32>} : memref<128x128xf32, #tpu.memory_space<vmem>>, vector<1x16xf32>,
          %get3A_654 = vector.shape_cast %get3A_653 : vector<1x16xf32> to vector<16xf32>
          %mul3A_655 = arith.mulf %get3A_654, %broadcast_in_dim3A_648 : vector<16xf32>
          %swap3A_656 = arith.index_cast %add3A_650 : i32 to index
          %swap3A_657 = arith.constant 0 : index
          %swap3A_658 = tpu.vector_load %arg10[%swap3A_656, %swap3A_657] {strides = array<i32>} : memref<128x128xf32, #tpu.memory_space<vmem>>, vector<1x16xf32>,
          %swap3A_659 = vector.shape_cast %swap3A_658 : vector<1x16xf32> to vector<16xf32>
          %swap3A_660 = vector.shape_cast %mul3A_655 : vector<16xf32> to vector<1x16xf32>
          tpu.vector_store %arg10[%swap3A_656, %swap3A_657], %swap3A_660 {strides = array<i32>} : memref<128x128xf32, #tpu.memory_space<vmem>>, vector<1x16xf32>,
          %get3A_661 = arith.index_cast %add3A_650 : i32 to index
          %get3A_662 = arith.constant 16 : index
          %get3A_663 = tpu.vector_load %arg10[%get3A_661, %get3A_662] {strides = array<i32>} : memref<128x128xf32, #tpu.memory_space<vmem>>, vector<1x16xf32>,
          %get3A_664 = vector.shape_cast %get3A_663 : vector<1x16xf32> to vector<16xf32>
          %mul3A_665 = arith.mulf %get3A_664, %broadcast_in_dim3A_648 : vector<16xf32>
          %swap3A_666 = arith.index_cast %add3A_650 : i32 to index
          %swap3A_667 = arith.constant 16 : index
          %swap3A_668 = tpu.vector_load %arg10[%swap3A_666, %swap3A_667] {strides = array<i32>} : memref<128x128xf32, #tpu.memory_space<vmem>>, vector<1x16xf32>,
          %swap3A_669 = vector.shape_cast %swap3A_668 : vector<1x16xf32> to vector<16xf32>
          %swap3A_670 = vector.shape_cast %mul3A_665 : vector<16xf32> to vector<1x16xf32>
          tpu.vector_store %arg10[%swap3A_666, %swap3A_667], %swap3A_670 {strides = array<i32>} : memref<128x128xf32, #tpu.memory_space<vmem>>, vector<1x16xf32>,
          %get3A_671 = arith.index_cast %add3A_650 : i32 to index
          %get3A_672 = arith.constant 32 : index
          %get3A_673 = tpu.vector_load %arg10[%get3A_671, %get3A_672] {strides = array<i32>} : memref<128x128xf32, #tpu.memory_space<vmem>>, vector<1x16xf32>,
          %get3A_674 = vector.shape_cast %get3A_673 : vector<1x16xf32> to vector<16xf32>
          %mul3A_675 = arith.mulf %get3A_674, %broadcast_in_dim3A_648 : vector<16xf32>
          %swap3A_676 = arith.index_cast %add3A_650 : i32 to index
          %swap3A_677 = arith.constant 32 : index
          %swap3A_678 = tpu.vector_load %arg10[%swap3A_676, %swap3A_677] {strides = array<i32>} : memref<128x128xf32, #tpu.memory_space<vmem>>, vector<1x16xf32>,
          %swap3A_679 = vector.shape_cast %swap3A_678 : vector<1x16xf32> to vector<16xf32>
          %swap3A_680 = vector.shape_cast %mul3A_675 : vector<16xf32> to vector<1x16xf32>
          tpu.vector_store %arg10[%swap3A_676, %swap3A_677], %swap3A_680 {strides = array<i32>} : memref<128x128xf32, #tpu.memory_space<vmem>>, vector<1x16xf32>,
          %get3A_681 = arith.index_cast %add3A_650 : i32 to index
          %get3A_682 = arith.constant 48 : index
          %get3A_683 = tpu.vector_load %arg10[%get3A_681, %get3A_682] {strides = array<i32>} : memref<128x128xf32, #tpu.memory_space<vmem>>, vector<1x16xf32>,
          %get3A_684 = vector.shape_cast %get3A_683 : vector<1x16xf32> to vector<16xf32>
          %mul3A_685 = arith.mulf %get3A_684, %broadcast_in_dim3A_648 : vector<16xf32>
          %swap3A_686 = arith.index_cast %add3A_650 : i32 to index
          %swap3A_687 = arith.constant 48 : index
          %swap3A_688 = tpu.vector_load %arg10[%swap3A_686, %swap3A_687] {strides = array<i32>} : memref<128x128xf32, #tpu.memory_space<vmem>>, vector<1x16xf32>,
          %swap3A_689 = vector.shape_cast %swap3A_688 : vector<1x16xf32> to vector<16xf32>
          %swap3A_690 = vector.shape_cast %mul3A_685 : vector<16xf32> to vector<1x16xf32>
          tpu.vector_store %arg10[%swap3A_686, %swap3A_687], %swap3A_690 {strides = array<i32>} : memref<128x128xf32, #tpu.memory_space<vmem>>, vector<1x16xf32>,
          %get3A_691 = arith.index_cast %add3A_650 : i32 to index
          %get3A_692 = arith.constant 64 : index
          %get3A_693 = tpu.vector_load %arg10[%get3A_691, %get3A_692] {strides = array<i32>} : memref<128x128xf32, #tpu.memory_space<vmem>>, vector<1x16xf32>,
          %get3A_694 = vector.shape_cast %get3A_693 : vector<1x16xf32> to vector<16xf32>
          %mul3A_695 = arith.mulf %get3A_694, %broadcast_in_dim3A_648 : vector<16xf32>
          %swap3A_696 = arith.index_cast %add3A_650 : i32 to index
          %swap3A_697 = arith.constant 64 : index
          %swap3A_698 = tpu.vector_load %arg10[%swap3A_696, %swap3A_697] {strides = array<i32>} : memref<128x128xf32, #tpu.memory_space<vmem>>, vector<1x16xf32>,
          %swap3A_699 = vector.shape_cast %swap3A_698 : vector<1x16xf32> to vector<16xf32>
          %swap3A_700 = vector.shape_cast %mul3A_695 : vector<16xf32> to vector<1x16xf32>
          tpu.vector_store %arg10[%swap3A_696, %swap3A_697], %swap3A_700 {strides = array<i32>} : memref<128x128xf32, #tpu.memory_space<vmem>>, vector<1x16xf32>,
          %get3A_701 = arith.index_cast %add3A_650 : i32 to index
          %get3A_702 = arith.constant 80 : index
          %get3A_703 = tpu.vector_load %arg10[%get3A_701, %get3A_702] {strides = array<i32>} : memref<128x128xf32, #tpu.memory_space<vmem>>, vector<1x16xf32>,
          %get3A_704 = vector.shape_cast %get3A_703 : vector<1x16xf32> to vector<16xf32>
          %mul3A_705 = arith.mulf %get3A_704, %broadcast_in_dim3A_648 : vector<16xf32>
          %swap3A_706 = arith.index_cast %add3A_650 : i32 to index
          %swap3A_707 = arith.constant 80 : index
          %swap3A_708 = tpu.vector_load %arg10[%swap3A_706, %swap3A_707] {strides = array<i32>} : memref<128x128xf32, #tpu.memory_space<vmem>>, vector<1x16xf32>,
          %swap3A_709 = vector.shape_cast %swap3A_708 : vector<1x16xf32> to vector<16xf32>
          %swap3A_710 = vector.shape_cast %mul3A_705 : vector<16xf32> to vector<1x16xf32>
          tpu.vector_store %arg10[%swap3A_706, %swap3A_707], %swap3A_710 {strides = array<i32>} : memref<128x128xf32, #tpu.memory_space<vmem>>, vector<1x16xf32>,
          %get3A_711 = arith.index_cast %add3A_650 : i32 to index
          %get3A_712 = arith.constant 96 : index
          %get3A_713 = tpu.vector_load %arg10[%get3A_711, %get3A_712] {strides = array<i32>} : memref<128x128xf32, #tpu.memory_space<vmem>>, vector<1x16xf32>,
          %get3A_714 = vector.shape_cast %get3A_713 : vector<1x16xf32> to vector<16xf32>
          %mul3A_715 = arith.mulf %get3A_714, %broadcast_in_dim3A_648 : vector<16xf32>
          %swap3A_716 = arith.index_cast %add3A_650 : i32 to index
          %swap3A_717 = arith.constant 96 : index
          %swap3A_718 = tpu.vector_load %arg10[%swap3A_716, %swap3A_717] {strides = array<i32>} : memref<128x128xf32, #tpu.memory_space<vmem>>, vector<1x16xf32>,
          %swap3A_719 = vector.shape_cast %swap3A_718 : vector<1x16xf32> to vector<16xf32>
          %swap3A_720 = vector.shape_cast %mul3A_715 : vector<16xf32> to vector<1x16xf32>
          tpu.vector_store %arg10[%swap3A_716, %swap3A_717], %swap3A_720 {strides = array<i32>} : memref<128x128xf32, #tpu.memory_space<vmem>>, vector<1x16xf32>,
          %get3A_721 = arith.index_cast %add3A_650 : i32 to index
          %get3A_722 = arith.constant 112 : index
          %get3A_723 = tpu.vector_load %arg10[%get3A_721, %get3A_722] {strides = array<i32>} : memref<128x128xf32, #tpu.memory_space<vmem>>, vector<1x16xf32>,
          %get3A_724 = vector.shape_cast %get3A_723 : vector<1x16xf32> to vector<16xf32>
          %mul3A_725 = arith.mulf %get3A_724, %broadcast_in_dim3A_648 : vector<16xf32>
          %swap3A_726 = arith.index_cast %add3A_650 : i32 to index
          %swap3A_727 = arith.constant 112 : index
          %swap3A_728 = tpu.vector_load %arg10[%swap3A_726, %swap3A_727] {strides = array<i32>} : memref<128x128xf32, #tpu.memory_space<vmem>>, vector<1x16xf32>,
          %swap3A_729 = vector.shape_cast %swap3A_728 : vector<1x16xf32> to vector<16xf32>
          %swap3A_730 = vector.shape_cast %mul3A_725 : vector<16xf32> to vector<1x16xf32>
          tpu.vector_store %arg10[%swap3A_726, %swap3A_727], %swap3A_730 {strides = array<i32>} : memref<128x128xf32, #tpu.memory_space<vmem>>, vector<1x16xf32>,
          %slice3A_731 = vector.extract_strided_slice %get3A_54 {offsets = [8], sizes = [1], strides = [1]} : vector<16xf32> to vector<1xf32>
          %squeeze3A_732 = vector.extract %slice3A_731[0] : f32 from vector<1xf32>
          %broadcast_in_dim3A_733 = vector.broadcast %squeeze3A_732 : f32 to vector<16xf32>
          %add3A_734 = arith.constant 8 : i32
          %add3A_735 = arith.addi %add3A_52, %add3A_734 : i32
          %get3A_736 = arith.index_cast %add3A_735 : i32 to index
          %get3A_737 = arith.constant 0 : index
          %get3A_738 = tpu.vector_load %arg10[%get3A_736, %get3A_737] {strides = array<i32>} : memref<128x128xf32, #tpu.memory_space<vmem>>, vector<1x16xf32>,
          %get3A_739 = vector.shape_cast %get3A_738 : vector<1x16xf32> to vector<16xf32>
          %mul3A_740 = arith.mulf %get3A_739, %broadcast_in_dim3A_733 : vector<16xf32>
          %swap3A_741 = arith.index_cast %add3A_735 : i32 to index
          %swap3A_742 = arith.constant 0 : index
          %swap3A_743 = tpu.vector_load %arg10[%swap3A_741, %swap3A_742] {strides = array<i32>} : memref<128x128xf32, #tpu.memory_space<vmem>>, vector<1x16xf32>,
          %swap3A_744 = vector.shape_cast %swap3A_743 : vector<1x16xf32> to vector<16xf32>
          %swap3A_745 = vector.shape_cast %mul3A_740 : vector<16xf32> to vector<1x16xf32>
          tpu.vector_store %arg10[%swap3A_741, %swap3A_742], %swap3A_745 {strides = array<i32>} : memref<128x128xf32, #tpu.memory_space<vmem>>, vector<1x16xf32>,
          %get3A_746 = arith.index_cast %add3A_735 : i32 to index
          %get3A_747 = arith.constant 16 : index
          %get3A_748 = tpu.vector_load %arg10[%get3A_746, %get3A_747] {strides = array<i32>} : memref<128x128xf32, #tpu.memory_space<vmem>>, vector<1x16xf32>,
          %get3A_749 = vector.shape_cast %get3A_748 : vector<1x16xf32> to vector<16xf32>
          %mul3A_750 = arith.mulf %get3A_749, %broadcast_in_dim3A_733 : vector<16xf32>
          %swap3A_751 = arith.index_cast %add3A_735 : i32 to index
          %swap3A_752 = arith.constant 16 : index
          %swap3A_753 = tpu.vector_load %arg10[%swap3A_751, %swap3A_752] {strides = array<i32>} : memref<128x128xf32, #tpu.memory_space<vmem>>, vector<1x16xf32>,
          %swap3A_754 = vector.shape_cast %swap3A_753 : vector<1x16xf32> to vector<16xf32>
          %swap3A_755 = vector.shape_cast %mul3A_750 : vector<16xf32> to vector<1x16xf32>
          tpu.vector_store %arg10[%swap3A_751, %swap3A_752], %swap3A_755 {strides = array<i32>} : memref<128x128xf32, #tpu.memory_space<vmem>>, vector<1x16xf32>,
          %get3A_756 = arith.index_cast %add3A_735 : i32 to index
          %get3A_757 = arith.constant 32 : index
          %get3A_758 = tpu.vector_load %arg10[%get3A_756, %get3A_757] {strides = array<i32>} : memref<128x128xf32, #tpu.memory_space<vmem>>, vector<1x16xf32>,
          %get3A_759 = vector.shape_cast %get3A_758 : vector<1x16xf32> to vector<16xf32>
          %mul3A_760 = arith.mulf %get3A_759, %broadcast_in_dim3A_733 : vector<16xf32>
          %swap3A_761 = arith.index_cast %add3A_735 : i32 to index
          %swap3A_762 = arith.constant 32 : index
          %swap3A_763 = tpu.vector_load %arg10[%swap3A_761, %swap3A_762] {strides = array<i32>} : memref<128x128xf32, #tpu.memory_space<vmem>>, vector<1x16xf32>,
          %swap3A_764 = vector.shape_cast %swap3A_763 : vector<1x16xf32> to vector<16xf32>
          %swap3A_765 = vector.shape_cast %mul3A_760 : vector<16xf32> to vector<1x16xf32>
          tpu.vector_store %arg10[%swap3A_761, %swap3A_762], %swap3A_765 {strides = array<i32>} : memref<128x128xf32, #tpu.memory_space<vmem>>, vector<1x16xf32>,
          %get3A_766 = arith.index_cast %add3A_735 : i32 to index
          %get3A_767 = arith.constant 48 : index
          %get3A_768 = tpu.vector_load %arg10[%get3A_766, %get3A_767] {strides = array<i32>} : memref<128x128xf32, #tpu.memory_space<vmem>>, vector<1x16xf32>,
          %get3A_769 = vector.shape_cast %get3A_768 : vector<1x16xf32> to vector<16xf32>
          %mul3A_770 = arith.mulf %get3A_769, %broadcast_in_dim3A_733 : vector<16xf32>
          %swap3A_771 = arith.index_cast %add3A_735 : i32 to index
          %swap3A_772 = arith.constant 48 : index
          %swap3A_773 = tpu.vector_load %arg10[%swap3A_771, %swap3A_772] {strides = array<i32>} : memref<128x128xf32, #tpu.memory_space<vmem>>, vector<1x16xf32>,
          %swap3A_774 = vector.shape_cast %swap3A_773 : vector<1x16xf32> to vector<16xf32>
          %swap3A_775 = vector.shape_cast %mul3A_770 : vector<16xf32> to vector<1x16xf32>
          tpu.vector_store %arg10[%swap3A_771, %swap3A_772], %swap3A_775 {strides = array<i32>} : memref<128x128xf32, #tpu.memory_space<vmem>>, vector<1x16xf32>,
          %get3A_776 = arith.index_cast %add3A_735 : i32 to index
          %get3A_777 = arith.constant 64 : index
          %get3A_778 = tpu.vector_load %arg10[%get3A_776, %get3A_777] {strides = array<i32>} : memref<128x128xf32, #tpu.memory_space<vmem>>, vector<1x16xf32>,
          %get3A_779 = vector.shape_cast %get3A_778 : vector<1x16xf32> to vector<16xf32>
          %mul3A_780 = arith.mulf %get3A_779, %broadcast_in_dim3A_733 : vector<16xf32>
          %swap3A_781 = arith.index_cast %add3A_735 : i32 to index
          %swap3A_782 = arith.constant 64 : index
          %swap3A_783 = tpu.vector_load %arg10[%swap3A_781, %swap3A_782] {strides = array<i32>} : memref<128x128xf32, #tpu.memory_space<vmem>>, vector<1x16xf32>,
          %swap3A_784 = vector.shape_cast %swap3A_783 : vector<1x16xf32> to vector<16xf32>
          %swap3A_785 = vector.shape_cast %mul3A_780 : vector<16xf32> to vector<1x16xf32>
          tpu.vector_store %arg10[%swap3A_781, %swap3A_782], %swap3A_785 {strides = array<i32>} : memref<128x128xf32, #tpu.memory_space<vmem>>, vector<1x16xf32>,
          %get3A_786 = arith.index_cast %add3A_735 : i32 to index
          %get3A_787 = arith.constant 80 : index
          %get3A_788 = tpu.vector_load %arg10[%get3A_786, %get3A_787] {strides = array<i32>} : memref<128x128xf32, #tpu.memory_space<vmem>>, vector<1x16xf32>,
          %get3A_789 = vector.shape_cast %get3A_788 : vector<1x16xf32> to vector<16xf32>
          %mul3A_790 = arith.mulf %get3A_789, %broadcast_in_dim3A_733 : vector<16xf32>
          %swap3A_791 = arith.index_cast %add3A_735 : i32 to index
          %swap3A_792 = arith.constant 80 : index
          %swap3A_793 = tpu.vector_load %arg10[%swap3A_791, %swap3A_792] {strides = array<i32>} : memref<128x128xf32, #tpu.memory_space<vmem>>, vector<1x16xf32>,
          %swap3A_794 = vector.shape_cast %swap3A_793 : vector<1x16xf32> to vector<16xf32>
          %swap3A_795 = vector.shape_cast %mul3A_790 : vector<16xf32> to vector<1x16xf32>
          tpu.vector_store %arg10[%swap3A_791, %swap3A_792], %swap3A_795 {strides = array<i32>} : memref<128x128xf32, #tpu.memory_space<vmem>>, vector<1x16xf32>,
          %get3A_796 = arith.index_cast %add3A_735 : i32 to index
          %get3A_797 = arith.constant 96 : index
          %get3A_798 = tpu.vector_load %arg10[%get3A_796, %get3A_797] {strides = array<i32>} : memref<128x128xf32, #tpu.memory_space<vmem>>, vector<1x16xf32>,
          %get3A_799 = vector.shape_cast %get3A_798 : vector<1x16xf32> to vector<16xf32>
          %mul3A_800 = arith.mulf %get3A_799, %broadcast_in_dim3A_733 : vector<16xf32>
          %swap3A_801 = arith.index_cast %add3A_735 : i32 to index
          %swap3A_802 = arith.constant 96 : index
          %swap3A_803 = tpu.vector_load %arg10[%swap3A_801, %swap3A_802] {strides = array<i32>} : memref<128x128xf32, #tpu.memory_space<vmem>>, vector<1x16xf32>,
          %swap3A_804 = vector.shape_cast %swap3A_803 : vector<1x16xf32> to vector<16xf32>
          %swap3A_805 = vector.shape_cast %mul3A_800 : vector<16xf32> to vector<1x16xf32>
          tpu.vector_store %arg10[%swap3A_801, %swap3A_802], %swap3A_805 {strides = array<i32>} : memref<128x128xf32, #tpu.memory_space<vmem>>, vector<1x16xf32>,
          %get3A_806 = arith.index_cast %add3A_735 : i32 to index
          %get3A_807 = arith.constant 112 : index
          %get3A_808 = tpu.vector_load %arg10[%get3A_806, %get3A_807] {strides = array<i32>} : memref<128x128xf32, #tpu.memory_space<vmem>>, vector<1x16xf32>,
          %get3A_809 = vector.shape_cast %get3A_808 : vector<1x16xf32> to vector<16xf32>
          %mul3A_810 = arith.mulf %get3A_809, %broadcast_in_dim3A_733 : vector<16xf32>
          %swap3A_811 = arith.index_cast %add3A_735 : i32 to index
          %swap3A_812 = arith.constant 112 : index
          %swap3A_813 = tpu.vector_load %arg10[%swap3A_811, %swap3A_812] {strides = array<i32>} : memref<128x128xf32, #tpu.memory_space<vmem>>, vector<1x16xf32>,
          %swap3A_814 = vector.shape_cast %swap3A_813 : vector<1x16xf32> to vector<16xf32>
          %swap3A_815 = vector.shape_cast %mul3A_810 : vector<16xf32> to vector<1x16xf32>
          tpu.vector_store %arg10[%swap3A_811, %swap3A_812], %swap3A_815 {strides = array<i32>} : memref<128x128xf32, #tpu.memory_space<vmem>>, vector<1x16xf32>,
          %slice3A_816 = vector.extract_strided_slice %get3A_54 {offsets = [9], sizes = [1], strides = [1]} : vector<16xf32> to vector<1xf32>
          %squeeze3A_817 = vector.extract %slice3A_816[0] : f32 from vector<1xf32>
          %broadcast_in_dim3A_818 = vector.broadcast %squeeze3A_817 : f32 to vector<16xf32>
          %add3A_819 = arith.constant 9 : i32
          %add3A_820 = arith.addi %add3A_52, %add3A_819 : i32
          %get3A_821 = arith.index_cast %add3A_820 : i32 to index
          %get3A_822 = arith.constant 0 : index
          %get3A_823 = tpu.vector_load %arg10[%get3A_821, %get3A_822] {strides = array<i32>} : memref<128x128xf32, #tpu.memory_space<vmem>>, vector<1x16xf32>,
          %get3A_824 = vector.shape_cast %get3A_823 : vector<1x16xf32> to vector<16xf32>
          %mul3A_825 = arith.mulf %get3A_824, %broadcast_in_dim3A_818 : vector<16xf32>
          %swap3A_826 = arith.index_cast %add3A_820 : i32 to index
          %swap3A_827 = arith.constant 0 : index
          %swap3A_828 = tpu.vector_load %arg10[%swap3A_826, %swap3A_827] {strides = array<i32>} : memref<128x128xf32, #tpu.memory_space<vmem>>, vector<1x16xf32>,
          %swap3A_829 = vector.shape_cast %swap3A_828 : vector<1x16xf32> to vector<16xf32>
          %swap3A_830 = vector.shape_cast %mul3A_825 : vector<16xf32> to vector<1x16xf32>
          tpu.vector_store %arg10[%swap3A_826, %swap3A_827], %swap3A_830 {strides = array<i32>} : memref<128x128xf32, #tpu.memory_space<vmem>>, vector<1x16xf32>,
          %get3A_831 = arith.index_cast %add3A_820 : i32 to index
          %get3A_832 = arith.constant 16 : index
          %get3A_833 = tpu.vector_load %arg10[%get3A_831, %get3A_832] {strides = array<i32>} : memref<128x128xf32, #tpu.memory_space<vmem>>, vector<1x16xf32>,
          %get3A_834 = vector.shape_cast %get3A_833 : vector<1x16xf32> to vector<16xf32>
          %mul3A_835 = arith.mulf %get3A_834, %broadcast_in_dim3A_818 : vector<16xf32>
          %swap3A_836 = arith.index_cast %add3A_820 : i32 to index
          %swap3A_837 = arith.constant 16 : index
          %swap3A_838 = tpu.vector_load %arg10[%swap3A_836, %swap3A_837] {strides = array<i32>} : memref<128x128xf32, #tpu.memory_space<vmem>>, vector<1x16xf32>,
          %swap3A_839 = vector.shape_cast %swap3A_838 : vector<1x16xf32> to vector<16xf32>
          %swap3A_840 = vector.shape_cast %mul3A_835 : vector<16xf32> to vector<1x16xf32>
          tpu.vector_store %arg10[%swap3A_836, %swap3A_837], %swap3A_840 {strides = array<i32>} : memref<128x128xf32, #tpu.memory_space<vmem>>, vector<1x16xf32>,
          %get3A_841 = arith.index_cast %add3A_820 : i32 to index
          %get3A_842 = arith.constant 32 : index
          %get3A_843 = tpu.vector_load %arg10[%get3A_841, %get3A_842] {strides = array<i32>} : memref<128x128xf32, #tpu.memory_space<vmem>>, vector<1x16xf32>,
          %get3A_844 = vector.shape_cast %get3A_843 : vector<1x16xf32> to vector<16xf32>
          %mul3A_845 = arith.mulf %get3A_844, %broadcast_in_dim3A_818 : vector<16xf32>
          %swap3A_846 = arith.index_cast %add3A_820 : i32 to index
          %swap3A_847 = arith.constant 32 : index
          %swap3A_848 = tpu.vector_load %arg10[%swap3A_846, %swap3A_847] {strides = array<i32>} : memref<128x128xf32, #tpu.memory_space<vmem>>, vector<1x16xf32>,
          %swap3A_849 = vector.shape_cast %swap3A_848 : vector<1x16xf32> to vector<16xf32>
          %swap3A_850 = vector.shape_cast %mul3A_845 : vector<16xf32> to vector<1x16xf32>
          tpu.vector_store %arg10[%swap3A_846, %swap3A_847], %swap3A_850 {strides = array<i32>} : memref<128x128xf32, #tpu.memory_space<vmem>>, vector<1x16xf32>,
          %get3A_851 = arith.index_cast %add3A_820 : i32 to index
          %get3A_852 = arith.constant 48 : index
          %get3A_853 = tpu.vector_load %arg10[%get3A_851, %get3A_852] {strides = array<i32>} : memref<128x128xf32, #tpu.memory_space<vmem>>, vector<1x16xf32>,
          %get3A_854 = vector.shape_cast %get3A_853 : vector<1x16xf32> to vector<16xf32>
          %mul3A_855 = arith.mulf %get3A_854, %broadcast_in_dim3A_818 : vector<16xf32>
          %swap3A_856 = arith.index_cast %add3A_820 : i32 to index
          %swap3A_857 = arith.constant 48 : index
          %swap3A_858 = tpu.vector_load %arg10[%swap3A_856, %swap3A_857] {strides = array<i32>} : memref<128x128xf32, #tpu.memory_space<vmem>>, vector<1x16xf32>,
          %swap3A_859 = vector.shape_cast %swap3A_858 : vector<1x16xf32> to vector<16xf32>
          %swap3A_860 = vector.shape_cast %mul3A_855 : vector<16xf32> to vector<1x16xf32>
          tpu.vector_store %arg10[%swap3A_856, %swap3A_857], %swap3A_860 {strides = array<i32>} : memref<128x128xf32, #tpu.memory_space<vmem>>, vector<1x16xf32>,
          %get3A_861 = arith.index_cast %add3A_820 : i32 to index
          %get3A_862 = arith.constant 64 : index
          %get3A_863 = tpu.vector_load %arg10[%get3A_861, %get3A_862] {strides = array<i32>} : memref<128x128xf32, #tpu.memory_space<vmem>>, vector<1x16xf32>,
          %get3A_864 = vector.shape_cast %get3A_863 : vector<1x16xf32> to vector<16xf32>
          %mul3A_865 = arith.mulf %get3A_864, %broadcast_in_dim3A_818 : vector<16xf32>
          %swap3A_866 = arith.index_cast %add3A_820 : i32 to index
          %swap3A_867 = arith.constant 64 : index
          %swap3A_868 = tpu.vector_load %arg10[%swap3A_866, %swap3A_867] {strides = array<i32>} : memref<128x128xf32, #tpu.memory_space<vmem>>, vector<1x16xf32>,
          %swap3A_869 = vector.shape_cast %swap3A_868 : vector<1x16xf32> to vector<16xf32>
          %swap3A_870 = vector.shape_cast %mul3A_865 : vector<16xf32> to vector<1x16xf32>
          tpu.vector_store %arg10[%swap3A_866, %swap3A_867], %swap3A_870 {strides = array<i32>} : memref<128x128xf32, #tpu.memory_space<vmem>>, vector<1x16xf32>,
          %get3A_871 = arith.index_cast %add3A_820 : i32 to index
          %get3A_872 = arith.constant 80 : index
          %get3A_873 = tpu.vector_load %arg10[%get3A_871, %get3A_872] {strides = array<i32>} : memref<128x128xf32, #tpu.memory_space<vmem>>, vector<1x16xf32>,
          %get3A_874 = vector.shape_cast %get3A_873 : vector<1x16xf32> to vector<16xf32>
          %mul3A_875 = arith.mulf %get3A_874, %broadcast_in_dim3A_818 : vector<16xf32>
          %swap3A_876 = arith.index_cast %add3A_820 : i32 to index
          %swap3A_877 = arith.constant 80 : index
          %swap3A_878 = tpu.vector_load %arg10[%swap3A_876, %swap3A_877] {strides = array<i32>} : memref<128x128xf32, #tpu.memory_space<vmem>>, vector<1x16xf32>,
          %swap3A_879 = vector.shape_cast %swap3A_878 : vector<1x16xf32> to vector<16xf32>
          %swap3A_880 = vector.shape_cast %mul3A_875 : vector<16xf32> to vector<1x16xf32>
          tpu.vector_store %arg10[%swap3A_876, %swap3A_877], %swap3A_880 {strides = array<i32>} : memref<128x128xf32, #tpu.memory_space<vmem>>, vector<1x16xf32>,
          %get3A_881 = arith.index_cast %add3A_820 : i32 to index
          %get3A_882 = arith.constant 96 : index
          %get3A_883 = tpu.vector_load %arg10[%get3A_881, %get3A_882] {strides = array<i32>} : memref<128x128xf32, #tpu.memory_space<vmem>>, vector<1x16xf32>,
          %get3A_884 = vector.shape_cast %get3A_883 : vector<1x16xf32> to vector<16xf32>
          %mul3A_885 = arith.mulf %get3A_884, %broadcast_in_dim3A_818 : vector<16xf32>
          %swap3A_886 = arith.index_cast %add3A_820 : i32 to index
          %swap3A_887 = arith.constant 96 : index
          %swap3A_888 = tpu.vector_load %arg10[%swap3A_886, %swap3A_887] {strides = array<i32>} : memref<128x128xf32, #tpu.memory_space<vmem>>, vector<1x16xf32>,
          %swap3A_889 = vector.shape_cast %swap3A_888 : vector<1x16xf32> to vector<16xf32>
          %swap3A_890 = vector.shape_cast %mul3A_885 : vector<16xf32> to vector<1x16xf32>
          tpu.vector_store %arg10[%swap3A_886, %swap3A_887], %swap3A_890 {strides = array<i32>} : memref<128x128xf32, #tpu.memory_space<vmem>>, vector<1x16xf32>,
          %get3A_891 = arith.index_cast %add3A_820 : i32 to index
          %get3A_892 = arith.constant 112 : index
          %get3A_893 = tpu.vector_load %arg10[%get3A_891, %get3A_892] {strides = array<i32>} : memref<128x128xf32, #tpu.memory_space<vmem>>, vector<1x16xf32>,
          %get3A_894 = vector.shape_cast %get3A_893 : vector<1x16xf32> to vector<16xf32>
          %mul3A_895 = arith.mulf %get3A_894, %broadcast_in_dim3A_818 : vector<16xf32>
          %swap3A_896 = arith.index_cast %add3A_820 : i32 to index
          %swap3A_897 = arith.constant 112 : index
          %swap3A_898 = tpu.vector_load %arg10[%swap3A_896, %swap3A_897] {strides = array<i32>} : memref<128x128xf32, #tpu.memory_space<vmem>>, vector<1x16xf32>,
          %swap3A_899 = vector.shape_cast %swap3A_898 : vector<1x16xf32> to vector<16xf32>
          %swap3A_900 = vector.shape_cast %mul3A_895 : vector<16xf32> to vector<1x16xf32>
          tpu.vector_store %arg10[%swap3A_896, %swap3A_897], %swap3A_900 {strides = array<i32>} : memref<128x128xf32, #tpu.memory_space<vmem>>, vector<1x16xf32>,
          %slice3A_901 = vector.extract_strided_slice %get3A_54 {offsets = [10], sizes = [1], strides = [1]} : vector<16xf32> to vector<1xf32>
          %squeeze3A_902 = vector.extract %slice3A_901[0] : f32 from vector<1xf32>
          %broadcast_in_dim3A_903 = vector.broadcast %squeeze3A_902 : f32 to vector<16xf32>
          %add3A_904 = arith.constant 10 : i32
          %add3A_905 = arith.addi %add3A_52, %add3A_904 : i32
          %get3A_906 = arith.index_cast %add3A_905 : i32 to index
          %get3A_907 = arith.constant 0 : index
          %get3A_908 = tpu.vector_load %arg10[%get3A_906, %get3A_907] {strides = array<i32>} : memref<128x128xf32, #tpu.memory_space<vmem>>, vector<1x16xf32>,
          %get3A_909 = vector.shape_cast %get3A_908 : vector<1x16xf32> to vector<16xf32>
          %mul3A_910 = arith.mulf %get3A_909, %broadcast_in_dim3A_903 : vector<16xf32>
          %swap3A_911 = arith.index_cast %add3A_905 : i32 to index
          %swap3A_912 = arith.constant 0 : index
          %swap3A_913 = tpu.vector_load %arg10[%swap3A_911, %swap3A_912] {strides = array<i32>} : memref<128x128xf32, #tpu.memory_space<vmem>>, vector<1x16xf32>,
          %swap3A_914 = vector.shape_cast %swap3A_913 : vector<1x16xf32> to vector<16xf32>
          %swap3A_915 = vector.shape_cast %mul3A_910 : vector<16xf32> to vector<1x16xf32>
          tpu.vector_store %arg10[%swap3A_911, %swap3A_912], %swap3A_915 {strides = array<i32>} : memref<128x128xf32, #tpu.memory_space<vmem>>, vector<1x16xf32>,
          %get3A_916 = arith.index_cast %add3A_905 : i32 to index
          %get3A_917 = arith.constant 16 : index
          %get3A_918 = tpu.vector_load %arg10[%get3A_916, %get3A_917] {strides = array<i32>} : memref<128x128xf32, #tpu.memory_space<vmem>>, vector<1x16xf32>,
          %get3A_919 = vector.shape_cast %get3A_918 : vector<1x16xf32> to vector<16xf32>
          %mul3A_920 = arith.mulf %get3A_919, %broadcast_in_dim3A_903 : vector<16xf32>
          %swap3A_921 = arith.index_cast %add3A_905 : i32 to index
          %swap3A_922 = arith.constant 16 : index
          %swap3A_923 = tpu.vector_load %arg10[%swap3A_921, %swap3A_922] {strides = array<i32>} : memref<128x128xf32, #tpu.memory_space<vmem>>, vector<1x16xf32>,
          %swap3A_924 = vector.shape_cast %swap3A_923 : vector<1x16xf32> to vector<16xf32>
          %swap3A_925 = vector.shape_cast %mul3A_920 : vector<16xf32> to vector<1x16xf32>
          tpu.vector_store %arg10[%swap3A_921, %swap3A_922], %swap3A_925 {strides = array<i32>} : memref<128x128xf32, #tpu.memory_space<vmem>>, vector<1x16xf32>,
          %get3A_926 = arith.index_cast %add3A_905 : i32 to index
          %get3A_927 = arith.constant 32 : index
          %get3A_928 = tpu.vector_load %arg10[%get3A_926, %get3A_927] {strides = array<i32>} : memref<128x128xf32, #tpu.memory_space<vmem>>, vector<1x16xf32>,
          %get3A_929 = vector.shape_cast %get3A_928 : vector<1x16xf32> to vector<16xf32>
          %mul3A_930 = arith.mulf %get3A_929, %broadcast_in_dim3A_903 : vector<16xf32>
          %swap3A_931 = arith.index_cast %add3A_905 : i32 to index
          %swap3A_932 = arith.constant 32 : index
          %swap3A_933 = tpu.vector_load %arg10[%swap3A_931, %swap3A_932] {strides = array<i32>} : memref<128x128xf32, #tpu.memory_space<vmem>>, vector<1x16xf32>,
          %swap3A_934 = vector.shape_cast %swap3A_933 : vector<1x16xf32> to vector<16xf32>
          %swap3A_935 = vector.shape_cast %mul3A_930 : vector<16xf32> to vector<1x16xf32>
          tpu.vector_store %arg10[%swap3A_931, %swap3A_932], %swap3A_935 {strides = array<i32>} : memref<128x128xf32, #tpu.memory_space<vmem>>, vector<1x16xf32>,
          %get3A_936 = arith.index_cast %add3A_905 : i32 to index
          %get3A_937 = arith.constant 48 : index
          %get3A_938 = tpu.vector_load %arg10[%get3A_936, %get3A_937] {strides = array<i32>} : memref<128x128xf32, #tpu.memory_space<vmem>>, vector<1x16xf32>,
          %get3A_939 = vector.shape_cast %get3A_938 : vector<1x16xf32> to vector<16xf32>
          %mul3A_940 = arith.mulf %get3A_939, %broadcast_in_dim3A_903 : vector<16xf32>
          %swap3A_941 = arith.index_cast %add3A_905 : i32 to index
          %swap3A_942 = arith.constant 48 : index
          %swap3A_943 = tpu.vector_load %arg10[%swap3A_941, %swap3A_942] {strides = array<i32>} : memref<128x128xf32, #tpu.memory_space<vmem>>, vector<1x16xf32>,
          %swap3A_944 = vector.shape_cast %swap3A_943 : vector<1x16xf32> to vector<16xf32>
          %swap3A_945 = vector.shape_cast %mul3A_940 : vector<16xf32> to vector<1x16xf32>
          tpu.vector_store %arg10[%swap3A_941, %swap3A_942], %swap3A_945 {strides = array<i32>} : memref<128x128xf32, #tpu.memory_space<vmem>>, vector<1x16xf32>,
          %get3A_946 = arith.index_cast %add3A_905 : i32 to index
          %get3A_947 = arith.constant 64 : index
          %get3A_948 = tpu.vector_load %arg10[%get3A_946, %get3A_947] {strides = array<i32>} : memref<128x128xf32, #tpu.memory_space<vmem>>, vector<1x16xf32>,
          %get3A_949 = vector.shape_cast %get3A_948 : vector<1x16xf32> to vector<16xf32>
          %mul3A_950 = arith.mulf %get3A_949, %broadcast_in_dim3A_903 : vector<16xf32>
          %swap3A_951 = arith.index_cast %add3A_905 : i32 to index
          %swap3A_952 = arith.constant 64 : index
          %swap3A_953 = tpu.vector_load %arg10[%swap3A_951, %swap3A_952] {strides = array<i32>} : memref<128x128xf32, #tpu.memory_space<vmem>>, vector<1x16xf32>,
          %swap3A_954 = vector.shape_cast %swap3A_953 : vector<1x16xf32> to vector<16xf32>
          %swap3A_955 = vector.shape_cast %mul3A_950 : vector<16xf32> to vector<1x16xf32>
          tpu.vector_store %arg10[%swap3A_951, %swap3A_952], %swap3A_955 {strides = array<i32>} : memref<128x128xf32, #tpu.memory_space<vmem>>, vector<1x16xf32>,
          %get3A_956 = arith.index_cast %add3A_905 : i32 to index
          %get3A_957 = arith.constant 80 : index
          %get3A_958 = tpu.vector_load %arg10[%get3A_956, %get3A_957] {strides = array<i32>} : memref<128x128xf32, #tpu.memory_space<vmem>>, vector<1x16xf32>,
          %get3A_959 = vector.shape_cast %get3A_958 : vector<1x16xf32> to vector<16xf32>
          %mul3A_960 = arith.mulf %get3A_959, %broadcast_in_dim3A_903 : vector<16xf32>
          %swap3A_961 = arith.index_cast %add3A_905 : i32 to index
          %swap3A_962 = arith.constant 80 : index
          %swap3A_963 = tpu.vector_load %arg10[%swap3A_961, %swap3A_962] {strides = array<i32>} : memref<128x128xf32, #tpu.memory_space<vmem>>, vector<1x16xf32>,
          %swap3A_964 = vector.shape_cast %swap3A_963 : vector<1x16xf32> to vector<16xf32>
          %swap3A_965 = vector.shape_cast %mul3A_960 : vector<16xf32> to vector<1x16xf32>
          tpu.vector_store %arg10[%swap3A_961, %swap3A_962], %swap3A_965 {strides = array<i32>} : memref<128x128xf32, #tpu.memory_space<vmem>>, vector<1x16xf32>,
          %get3A_966 = arith.index_cast %add3A_905 : i32 to index
          %get3A_967 = arith.constant 96 : index
          %get3A_968 = tpu.vector_load %arg10[%get3A_966, %get3A_967] {strides = array<i32>} : memref<128x128xf32, #tpu.memory_space<vmem>>, vector<1x16xf32>,
          %get3A_969 = vector.shape_cast %get3A_968 : vector<1x16xf32> to vector<16xf32>
          %mul3A_970 = arith.mulf %get3A_969, %broadcast_in_dim3A_903 : vector<16xf32>
          %swap3A_971 = arith.index_cast %add3A_905 : i32 to index
          %swap3A_972 = arith.constant 96 : index
          %swap3A_973 = tpu.vector_load %arg10[%swap3A_971, %swap3A_972] {strides = array<i32>} : memref<128x128xf32, #tpu.memory_space<vmem>>, vector<1x16xf32>,
          %swap3A_974 = vector.shape_cast %swap3A_973 : vector<1x16xf32> to vector<16xf32>
          %swap3A_975 = vector.shape_cast %mul3A_970 : vector<16xf32> to vector<1x16xf32>
          tpu.vector_store %arg10[%swap3A_971, %swap3A_972], %swap3A_975 {strides = array<i32>} : memref<128x128xf32, #tpu.memory_space<vmem>>, vector<1x16xf32>,
          %get3A_976 = arith.index_cast %add3A_905 : i32 to index
          %get3A_977 = arith.constant 112 : index
          %get3A_978 = tpu.vector_load %arg10[%get3A_976, %get3A_977] {strides = array<i32>} : memref<128x128xf32, #tpu.memory_space<vmem>>, vector<1x16xf32>,
          %get3A_979 = vector.shape_cast %get3A_978 : vector<1x16xf32> to vector<16xf32>
          %mul3A_980 = arith.mulf %get3A_979, %broadcast_in_dim3A_903 : vector<16xf32>
          %swap3A_981 = arith.index_cast %add3A_905 : i32 to index
          %swap3A_982 = arith.constant 112 : index
          %swap3A_983 = tpu.vector_load %arg10[%swap3A_981, %swap3A_982] {strides = array<i32>} : memref<128x128xf32, #tpu.memory_space<vmem>>, vector<1x16xf32>,
          %swap3A_984 = vector.shape_cast %swap3A_983 : vector<1x16xf32> to vector<16xf32>
          %swap3A_985 = vector.shape_cast %mul3A_980 : vector<16xf32> to vector<1x16xf32>
          tpu.vector_store %arg10[%swap3A_981, %swap3A_982], %swap3A_985 {strides = array<i32>} : memref<128x128xf32, #tpu.memory_space<vmem>>, vector<1x16xf32>,
          %slice3A_986 = vector.extract_strided_slice %get3A_54 {offsets = [11], sizes = [1], strides = [1]} : vector<16xf32> to vector<1xf32>
          %squeeze3A_987 = vector.extract %slice3A_986[0] : f32 from vector<1xf32>
          %broadcast_in_dim3A_988 = vector.broadcast %squeeze3A_987 : f32 to vector<16xf32>
          %add3A_989 = arith.constant 11 : i32
          %add3A_990 = arith.addi %add3A_52, %add3A_989 : i32
          %get3A_991 = arith.index_cast %add3A_990 : i32 to index
          %get3A_992 = arith.constant 0 : index
          %get3A_993 = tpu.vector_load %arg10[%get3A_991, %get3A_992] {strides = array<i32>} : memref<128x128xf32, #tpu.memory_space<vmem>>, vector<1x16xf32>,
          %get3A_994 = vector.shape_cast %get3A_993 : vector<1x16xf32> to vector<16xf32>
          %mul3A_995 = arith.mulf %get3A_994, %broadcast_in_dim3A_988 : vector<16xf32>
          %swap3A_996 = arith.index_cast %add3A_990 : i32 to index
          %swap3A_997 = arith.constant 0 : index
          %swap3A_998 = tpu.vector_load %arg10[%swap3A_996, %swap3A_997] {strides = array<i32>} : memref<128x128xf32, #tpu.memory_space<vmem>>, vector<1x16xf32>,
          %swap3A_999 = vector.shape_cast %swap3A_998 : vector<1x16xf32> to vector<16xf32>
          %swap3A_1000 = vector.shape_cast %mul3A_995 : vector<16xf32> to vector<1x16xf32>
          tpu.vector_store %arg10[%swap3A_996, %swap3A_997], %swap3A_1000 {strides = array<i32>} : memref<128x128xf32, #tpu.memory_space<vmem>>, vector<1x16xf32>,
          %get3A_1001 = arith.index_cast %add3A_990 : i32 to index
          %get3A_1002 = arith.constant 16 : index
          %get3A_1003 = tpu.vector_load %arg10[%get3A_1001, %get3A_1002] {strides = array<i32>} : memref<128x128xf32, #tpu.memory_space<vmem>>, vector<1x16xf32>,
          %get3A_1004 = vector.shape_cast %get3A_1003 : vector<1x16xf32> to vector<16xf32>
          %mul3A_1005 = arith.mulf %get3A_1004, %broadcast_in_dim3A_988 : vector<16xf32>
          %swap3A_1006 = arith.index_cast %add3A_990 : i32 to index
          %swap3A_1007 = arith.constant 16 : index
          %swap3A_1008 = tpu.vector_load %arg10[%swap3A_1006, %swap3A_1007] {strides = array<i32>} : memref<128x128xf32, #tpu.memory_space<vmem>>, vector<1x16xf32>,
          %swap3A_1009 = vector.shape_cast %swap3A_1008 : vector<1x16xf32> to vector<16xf32>
          %swap3A_1010 = vector.shape_cast %mul3A_1005 : vector<16xf32> to vector<1x16xf32>
          tpu.vector_store %arg10[%swap3A_1006, %swap3A_1007], %swap3A_1010 {strides = array<i32>} : memref<128x128xf32, #tpu.memory_space<vmem>>, vector<1x16xf32>,
          %get3A_1011 = arith.index_cast %add3A_990 : i32 to index
          %get3A_1012 = arith.constant 32 : index
          %get3A_1013 = tpu.vector_load %arg10[%get3A_1011, %get3A_1012] {strides = array<i32>} : memref<128x128xf32, #tpu.memory_space<vmem>>, vector<1x16xf32>,
          %get3A_1014 = vector.shape_cast %get3A_1013 : vector<1x16xf32> to vector<16xf32>
          %mul3A_1015 = arith.mulf %get3A_1014, %broadcast_in_dim3A_988 : vector<16xf32>
          %swap3A_1016 = arith.index_cast %add3A_990 : i32 to index
          %swap3A_1017 = arith.constant 32 : index
          %swap3A_1018 = tpu.vector_load %arg10[%swap3A_1016, %swap3A_1017] {strides = array<i32>} : memref<128x128xf32, #tpu.memory_space<vmem>>, vector<1x16xf32>,
          %swap3A_1019 = vector.shape_cast %swap3A_1018 : vector<1x16xf32> to vector<16xf32>
          %swap3A_1020 = vector.shape_cast %mul3A_1015 : vector<16xf32> to vector<1x16xf32>
          tpu.vector_store %arg10[%swap3A_1016, %swap3A_1017], %swap3A_1020 {strides = array<i32>} : memref<128x128xf32, #tpu.memory_space<vmem>>, vector<1x16xf32>,
          %get3A_1021 = arith.index_cast %add3A_990 : i32 to index
          %get3A_1022 = arith.constant 48 : index
          %get3A_1023 = tpu.vector_load %arg10[%get3A_1021, %get3A_1022] {strides = array<i32>} : memref<128x128xf32, #tpu.memory_space<vmem>>, vector<1x16xf32>,
          %get3A_1024 = vector.shape_cast %get3A_1023 : vector<1x16xf32> to vector<16xf32>
          %mul3A_1025 = arith.mulf %get3A_1024, %broadcast_in_dim3A_988 : vector<16xf32>
          %swap3A_1026 = arith.index_cast %add3A_990 : i32 to index
          %swap3A_1027 = arith.constant 48 : index
          %swap3A_1028 = tpu.vector_load %arg10[%swap3A_1026, %swap3A_1027] {strides = array<i32>} : memref<128x128xf32, #tpu.memory_space<vmem>>, vector<1x16xf32>,
          %swap3A_1029 = vector.shape_cast %swap3A_1028 : vector<1x16xf32> to vector<16xf32>
          %swap3A_1030 = vector.shape_cast %mul3A_1025 : vector<16xf32> to vector<1x16xf32>
          tpu.vector_store %arg10[%swap3A_1026, %swap3A_1027], %swap3A_1030 {strides = array<i32>} : memref<128x128xf32, #tpu.memory_space<vmem>>, vector<1x16xf32>,
          %get3A_1031 = arith.index_cast %add3A_990 : i32 to index
          %get3A_1032 = arith.constant 64 : index
          %get3A_1033 = tpu.vector_load %arg10[%get3A_1031, %get3A_1032] {strides = array<i32>} : memref<128x128xf32, #tpu.memory_space<vmem>>, vector<1x16xf32>,
          %get3A_1034 = vector.shape_cast %get3A_1033 : vector<1x16xf32> to vector<16xf32>
          %mul3A_1035 = arith.mulf %get3A_1034, %broadcast_in_dim3A_988 : vector<16xf32>
          %swap3A_1036 = arith.index_cast %add3A_990 : i32 to index
          %swap3A_1037 = arith.constant 64 : index
          %swap3A_1038 = tpu.vector_load %arg10[%swap3A_1036, %swap3A_1037] {strides = array<i32>} : memref<128x128xf32, #tpu.memory_space<vmem>>, vector<1x16xf32>,
          %swap3A_1039 = vector.shape_cast %swap3A_1038 : vector<1x16xf32> to vector<16xf32>
          %swap3A_1040 = vector.shape_cast %mul3A_1035 : vector<16xf32> to vector<1x16xf32>
          tpu.vector_store %arg10[%swap3A_1036, %swap3A_1037], %swap3A_1040 {strides = array<i32>} : memref<128x128xf32, #tpu.memory_space<vmem>>, vector<1x16xf32>,
          %get3A_1041 = arith.index_cast %add3A_990 : i32 to index
          %get3A_1042 = arith.constant 80 : index
          %get3A_1043 = tpu.vector_load %arg10[%get3A_1041, %get3A_1042] {strides = array<i32>} : memref<128x128xf32, #tpu.memory_space<vmem>>, vector<1x16xf32>,
          %get3A_1044 = vector.shape_cast %get3A_1043 : vector<1x16xf32> to vector<16xf32>
          %mul3A_1045 = arith.mulf %get3A_1044, %broadcast_in_dim3A_988 : vector<16xf32>
          %swap3A_1046 = arith.index_cast %add3A_990 : i32 to index
          %swap3A_1047 = arith.constant 80 : index
          %swap3A_1048 = tpu.vector_load %arg10[%swap3A_1046, %swap3A_1047] {strides = array<i32>} : memref<128x128xf32, #tpu.memory_space<vmem>>, vector<1x16xf32>,
          %swap3A_1049 = vector.shape_cast %swap3A_1048 : vector<1x16xf32> to vector<16xf32>
          %swap3A_1050 = vector.shape_cast %mul3A_1045 : vector<16xf32> to vector<1x16xf32>
          tpu.vector_store %arg10[%swap3A_1046, %swap3A_1047], %swap3A_1050 {strides = array<i32>} : memref<128x128xf32, #tpu.memory_space<vmem>>, vector<1x16xf32>,
          %get3A_1051 = arith.index_cast %add3A_990 : i32 to index
          %get3A_1052 = arith.constant 96 : index
          %get3A_1053 = tpu.vector_load %arg10[%get3A_1051, %get3A_1052] {strides = array<i32>} : memref<128x128xf32, #tpu.memory_space<vmem>>, vector<1x16xf32>,
          %get3A_1054 = vector.shape_cast %get3A_1053 : vector<1x16xf32> to vector<16xf32>
          %mul3A_1055 = arith.mulf %get3A_1054, %broadcast_in_dim3A_988 : vector<16xf32>
          %swap3A_1056 = arith.index_cast %add3A_990 : i32 to index
          %swap3A_1057 = arith.constant 96 : index
          %swap3A_1058 = tpu.vector_load %arg10[%swap3A_1056, %swap3A_1057] {strides = array<i32>} : memref<128x128xf32, #tpu.memory_space<vmem>>, vector<1x16xf32>,
          %swap3A_1059 = vector.shape_cast %swap3A_1058 : vector<1x16xf32> to vector<16xf32>
          %swap3A_1060 = vector.shape_cast %mul3A_1055 : vector<16xf32> to vector<1x16xf32>
          tpu.vector_store %arg10[%swap3A_1056, %swap3A_1057], %swap3A_1060 {strides = array<i32>} : memref<128x128xf32, #tpu.memory_space<vmem>>, vector<1x16xf32>,
          %get3A_1061 = arith.index_cast %add3A_990 : i32 to index
          %get3A_1062 = arith.constant 112 : index
          %get3A_1063 = tpu.vector_load %arg10[%get3A_1061, %get3A_1062] {strides = array<i32>} : memref<128x128xf32, #tpu.memory_space<vmem>>, vector<1x16xf32>,
          %get3A_1064 = vector.shape_cast %get3A_1063 : vector<1x16xf32> to vector<16xf32>
          %mul3A_1065 = arith.mulf %get3A_1064, %broadcast_in_dim3A_988 : vector<16xf32>
          %swap3A_1066 = arith.index_cast %add3A_990 : i32 to index
          %swap3A_1067 = arith.constant 112 : index
          %swap3A_1068 = tpu.vector_load %arg10[%swap3A_1066, %swap3A_1067] {strides = array<i32>} : memref<128x128xf32, #tpu.memory_space<vmem>>, vector<1x16xf32>,
          %swap3A_1069 = vector.shape_cast %swap3A_1068 : vector<1x16xf32> to vector<16xf32>
          %swap3A_1070 = vector.shape_cast %mul3A_1065 : vector<16xf32> to vector<1x16xf32>
          tpu.vector_store %arg10[%swap3A_1066, %swap3A_1067], %swap3A_1070 {strides = array<i32>} : memref<128x128xf32, #tpu.memory_space<vmem>>, vector<1x16xf32>,
          %slice3A_1071 = vector.extract_strided_slice %get3A_54 {offsets = [12], sizes = [1], strides = [1]} : vector<16xf32> to vector<1xf32>
          %squeeze3A_1072 = vector.extract %slice3A_1071[0] : f32 from vector<1xf32>
          %broadcast_in_dim3A_1073 = vector.broadcast %squeeze3A_1072 : f32 to vector<16xf32>
          %add3A_1074 = arith.constant 12 : i32
          %add3A_1075 = arith.addi %add3A_52, %add3A_1074 : i32
          %get3A_1076 = arith.index_cast %add3A_1075 : i32 to index
          %get3A_1077 = arith.constant 0 : index
          %get3A_1078 = tpu.vector_load %arg10[%get3A_1076, %get3A_1077] {strides = array<i32>} : memref<128x128xf32, #tpu.memory_space<vmem>>, vector<1x16xf32>,
          %get3A_1079 = vector.shape_cast %get3A_1078 : vector<1x16xf32> to vector<16xf32>
          %mul3A_1080 = arith.mulf %get3A_1079, %broadcast_in_dim3A_1073 : vector<16xf32>
          %swap3A_1081 = arith.index_cast %add3A_1075 : i32 to index
          %swap3A_1082 = arith.constant 0 : index
          %swap3A_1083 = tpu.vector_load %arg10[%swap3A_1081, %swap3A_1082] {strides = array<i32>} : memref<128x128xf32, #tpu.memory_space<vmem>>, vector<1x16xf32>,
          %swap3A_1084 = vector.shape_cast %swap3A_1083 : vector<1x16xf32> to vector<16xf32>
          %swap3A_1085 = vector.shape_cast %mul3A_1080 : vector<16xf32> to vector<1x16xf32>
          tpu.vector_store %arg10[%swap3A_1081, %swap3A_1082], %swap3A_1085 {strides = array<i32>} : memref<128x128xf32, #tpu.memory_space<vmem>>, vector<1x16xf32>,
          %get3A_1086 = arith.index_cast %add3A_1075 : i32 to index
          %get3A_1087 = arith.constant 16 : index
          %get3A_1088 = tpu.vector_load %arg10[%get3A_1086, %get3A_1087] {strides = array<i32>} : memref<128x128xf32, #tpu.memory_space<vmem>>, vector<1x16xf32>,
          %get3A_1089 = vector.shape_cast %get3A_1088 : vector<1x16xf32> to vector<16xf32>
          %mul3A_1090 = arith.mulf %get3A_1089, %broadcast_in_dim3A_1073 : vector<16xf32>
          %swap3A_1091 = arith.index_cast %add3A_1075 : i32 to index
          %swap3A_1092 = arith.constant 16 : index
          %swap3A_1093 = tpu.vector_load %arg10[%swap3A_1091, %swap3A_1092] {strides = array<i32>} : memref<128x128xf32, #tpu.memory_space<vmem>>, vector<1x16xf32>,
          %swap3A_1094 = vector.shape_cast %swap3A_1093 : vector<1x16xf32> to vector<16xf32>
          %swap3A_1095 = vector.shape_cast %mul3A_1090 : vector<16xf32> to vector<1x16xf32>
          tpu.vector_store %arg10[%swap3A_1091, %swap3A_1092], %swap3A_1095 {strides = array<i32>} : memref<128x128xf32, #tpu.memory_space<vmem>>, vector<1x16xf32>,
          %get3A_1096 = arith.index_cast %add3A_1075 : i32 to index
          %get3A_1097 = arith.constant 32 : index
          %get3A_1098 = tpu.vector_load %arg10[%get3A_1096, %get3A_1097] {strides = array<i32>} : memref<128x128xf32, #tpu.memory_space<vmem>>, vector<1x16xf32>,
          %get3A_1099 = vector.shape_cast %get3A_1098 : vector<1x16xf32> to vector<16xf32>
          %mul3A_1100 = arith.mulf %get3A_1099, %broadcast_in_dim3A_1073 : vector<16xf32>
          %swap3A_1101 = arith.index_cast %add3A_1075 : i32 to index
          %swap3A_1102 = arith.constant 32 : index
          %swap3A_1103 = tpu.vector_load %arg10[%swap3A_1101, %swap3A_1102] {strides = array<i32>} : memref<128x128xf32, #tpu.memory_space<vmem>>, vector<1x16xf32>,
          %swap3A_1104 = vector.shape_cast %swap3A_1103 : vector<1x16xf32> to vector<16xf32>
          %swap3A_1105 = vector.shape_cast %mul3A_1100 : vector<16xf32> to vector<1x16xf32>
          tpu.vector_store %arg10[%swap3A_1101, %swap3A_1102], %swap3A_1105 {strides = array<i32>} : memref<128x128xf32, #tpu.memory_space<vmem>>, vector<1x16xf32>,
          %get3A_1106 = arith.index_cast %add3A_1075 : i32 to index
          %get3A_1107 = arith.constant 48 : index
          %get3A_1108 = tpu.vector_load %arg10[%get3A_1106, %get3A_1107] {strides = array<i32>} : memref<128x128xf32, #tpu.memory_space<vmem>>, vector<1x16xf32>,
          %get3A_1109 = vector.shape_cast %get3A_1108 : vector<1x16xf32> to vector<16xf32>
          %mul3A_1110 = arith.mulf %get3A_1109, %broadcast_in_dim3A_1073 : vector<16xf32>
          %swap3A_1111 = arith.index_cast %add3A_1075 : i32 to index
          %swap3A_1112 = arith.constant 48 : index
          %swap3A_1113 = tpu.vector_load %arg10[%swap3A_1111, %swap3A_1112] {strides = array<i32>} : memref<128x128xf32, #tpu.memory_space<vmem>>, vector<1x16xf32>,
          %swap3A_1114 = vector.shape_cast %swap3A_1113 : vector<1x16xf32> to vector<16xf32>
          %swap3A_1115 = vector.shape_cast %mul3A_1110 : vector<16xf32> to vector<1x16xf32>
          tpu.vector_store %arg10[%swap3A_1111, %swap3A_1112], %swap3A_1115 {strides = array<i32>} : memref<128x128xf32, #tpu.memory_space<vmem>>, vector<1x16xf32>,
          %get3A_1116 = arith.index_cast %add3A_1075 : i32 to index
          %get3A_1117 = arith.constant 64 : index
          %get3A_1118 = tpu.vector_load %arg10[%get3A_1116, %get3A_1117] {strides = array<i32>} : memref<128x128xf32, #tpu.memory_space<vmem>>, vector<1x16xf32>,
          %get3A_1119 = vector.shape_cast %get3A_1118 : vector<1x16xf32> to vector<16xf32>
          %mul3A_1120 = arith.mulf %get3A_1119, %broadcast_in_dim3A_1073 : vector<16xf32>
          %swap3A_1121 = arith.index_cast %add3A_1075 : i32 to index
          %swap3A_1122 = arith.constant 64 : index
          %swap3A_1123 = tpu.vector_load %arg10[%swap3A_1121, %swap3A_1122] {strides = array<i32>} : memref<128x128xf32, #tpu.memory_space<vmem>>, vector<1x16xf32>,
          %swap3A_1124 = vector.shape_cast %swap3A_1123 : vector<1x16xf32> to vector<16xf32>
          %swap3A_1125 = vector.shape_cast %mul3A_1120 : vector<16xf32> to vector<1x16xf32>
          tpu.vector_store %arg10[%swap3A_1121, %swap3A_1122], %swap3A_1125 {strides = array<i32>} : memref<128x128xf32, #tpu.memory_space<vmem>>, vector<1x16xf32>,
          %get3A_1126 = arith.index_cast %add3A_1075 : i32 to index
          %get3A_1127 = arith.constant 80 : index
          %get3A_1128 = tpu.vector_load %arg10[%get3A_1126, %get3A_1127] {strides = array<i32>} : memref<128x128xf32, #tpu.memory_space<vmem>>, vector<1x16xf32>,
          %get3A_1129 = vector.shape_cast %get3A_1128 : vector<1x16xf32> to vector<16xf32>
          %mul3A_1130 = arith.mulf %get3A_1129, %broadcast_in_dim3A_1073 : vector<16xf32>
          %swap3A_1131 = arith.index_cast %add3A_1075 : i32 to index
          %swap3A_1132 = arith.constant 80 : index
          %swap3A_1133 = tpu.vector_load %arg10[%swap3A_1131, %swap3A_1132] {strides = array<i32>} : memref<128x128xf32, #tpu.memory_space<vmem>>, vector<1x16xf32>,
          %swap3A_1134 = vector.shape_cast %swap3A_1133 : vector<1x16xf32> to vector<16xf32>
          %swap3A_1135 = vector.shape_cast %mul3A_1130 : vector<16xf32> to vector<1x16xf32>
          tpu.vector_store %arg10[%swap3A_1131, %swap3A_1132], %swap3A_1135 {strides = array<i32>} : memref<128x128xf32, #tpu.memory_space<vmem>>, vector<1x16xf32>,
          %get3A_1136 = arith.index_cast %add3A_1075 : i32 to index
          %get3A_1137 = arith.constant 96 : index
          %get3A_1138 = tpu.vector_load %arg10[%get3A_1136, %get3A_1137] {strides = array<i32>} : memref<128x128xf32, #tpu.memory_space<vmem>>, vector<1x16xf32>,
          %get3A_1139 = vector.shape_cast %get3A_1138 : vector<1x16xf32> to vector<16xf32>
          %mul3A_1140 = arith.mulf %get3A_1139, %broadcast_in_dim3A_1073 : vector<16xf32>
          %swap3A_1141 = arith.index_cast %add3A_1075 : i32 to index
          %swap3A_1142 = arith.constant 96 : index
          %swap3A_1143 = tpu.vector_load %arg10[%swap3A_1141, %swap3A_1142] {strides = array<i32>} : memref<128x128xf32, #tpu.memory_space<vmem>>, vector<1x16xf32>,
          %swap3A_1144 = vector.shape_cast %swap3A_1143 : vector<1x16xf32> to vector<16xf32>
          %swap3A_1145 = vector.shape_cast %mul3A_1140 : vector<16xf32> to vector<1x16xf32>
          tpu.vector_store %arg10[%swap3A_1141, %swap3A_1142], %swap3A_1145 {strides = array<i32>} : memref<128x128xf32, #tpu.memory_space<vmem>>, vector<1x16xf32>,
          %get3A_1146 = arith.index_cast %add3A_1075 : i32 to index
          %get3A_1147 = arith.constant 112 : index
          %get3A_1148 = tpu.vector_load %arg10[%get3A_1146, %get3A_1147] {strides = array<i32>} : memref<128x128xf32, #tpu.memory_space<vmem>>, vector<1x16xf32>,
          %get3A_1149 = vector.shape_cast %get3A_1148 : vector<1x16xf32> to vector<16xf32>
          %mul3A_1150 = arith.mulf %get3A_1149, %broadcast_in_dim3A_1073 : vector<16xf32>
          %swap3A_1151 = arith.index_cast %add3A_1075 : i32 to index
          %swap3A_1152 = arith.constant 112 : index
          %swap3A_1153 = tpu.vector_load %arg10[%swap3A_1151, %swap3A_1152] {strides = array<i32>} : memref<128x128xf32, #tpu.memory_space<vmem>>, vector<1x16xf32>,
          %swap3A_1154 = vector.shape_cast %swap3A_1153 : vector<1x16xf32> to vector<16xf32>
          %swap3A_1155 = vector.shape_cast %mul3A_1150 : vector<16xf32> to vector<1x16xf32>
          tpu.vector_store %arg10[%swap3A_1151, %swap3A_1152], %swap3A_1155 {strides = array<i32>} : memref<128x128xf32, #tpu.memory_space<vmem>>, vector<1x16xf32>,
          %slice3A_1156 = vector.extract_strided_slice %get3A_54 {offsets = [13], sizes = [1], strides = [1]} : vector<16xf32> to vector<1xf32>
          %squeeze3A_1157 = vector.extract %slice3A_1156[0] : f32 from vector<1xf32>
          %broadcast_in_dim3A_1158 = vector.broadcast %squeeze3A_1157 : f32 to vector<16xf32>
          %add3A_1159 = arith.constant 13 : i32
          %add3A_1160 = arith.addi %add3A_52, %add3A_1159 : i32
          %get3A_1161 = arith.index_cast %add3A_1160 : i32 to index
          %get3A_1162 = arith.constant 0 : index
          %get3A_1163 = tpu.vector_load %arg10[%get3A_1161, %get3A_1162] {strides = array<i32>} : memref<128x128xf32, #tpu.memory_space<vmem>>, vector<1x16xf32>,
          %get3A_1164 = vector.shape_cast %get3A_1163 : vector<1x16xf32> to vector<16xf32>
          %mul3A_1165 = arith.mulf %get3A_1164, %broadcast_in_dim3A_1158 : vector<16xf32>
          %swap3A_1166 = arith.index_cast %add3A_1160 : i32 to index
          %swap3A_1167 = arith.constant 0 : index
          %swap3A_1168 = tpu.vector_load %arg10[%swap3A_1166, %swap3A_1167] {strides = array<i32>} : memref<128x128xf32, #tpu.memory_space<vmem>>, vector<1x16xf32>,
          %swap3A_1169 = vector.shape_cast %swap3A_1168 : vector<1x16xf32> to vector<16xf32>
          %swap3A_1170 = vector.shape_cast %mul3A_1165 : vector<16xf32> to vector<1x16xf32>
          tpu.vector_store %arg10[%swap3A_1166, %swap3A_1167], %swap3A_1170 {strides = array<i32>} : memref<128x128xf32, #tpu.memory_space<vmem>>, vector<1x16xf32>,
          %get3A_1171 = arith.index_cast %add3A_1160 : i32 to index
          %get3A_1172 = arith.constant 16 : index
          %get3A_1173 = tpu.vector_load %arg10[%get3A_1171, %get3A_1172] {strides = array<i32>} : memref<128x128xf32, #tpu.memory_space<vmem>>, vector<1x16xf32>,
          %get3A_1174 = vector.shape_cast %get3A_1173 : vector<1x16xf32> to vector<16xf32>
          %mul3A_1175 = arith.mulf %get3A_1174, %broadcast_in_dim3A_1158 : vector<16xf32>
          %swap3A_1176 = arith.index_cast %add3A_1160 : i32 to index
          %swap3A_1177 = arith.constant 16 : index
          %swap3A_1178 = tpu.vector_load %arg10[%swap3A_1176, %swap3A_1177] {strides = array<i32>} : memref<128x128xf32, #tpu.memory_space<vmem>>, vector<1x16xf32>,
          %swap3A_1179 = vector.shape_cast %swap3A_1178 : vector<1x16xf32> to vector<16xf32>
          %swap3A_1180 = vector.shape_cast %mul3A_1175 : vector<16xf32> to vector<1x16xf32>
          tpu.vector_store %arg10[%swap3A_1176, %swap3A_1177], %swap3A_1180 {strides = array<i32>} : memref<128x128xf32, #tpu.memory_space<vmem>>, vector<1x16xf32>,
          %get3A_1181 = arith.index_cast %add3A_1160 : i32 to index
          %get3A_1182 = arith.constant 32 : index
          %get3A_1183 = tpu.vector_load %arg10[%get3A_1181, %get3A_1182] {strides = array<i32>} : memref<128x128xf32, #tpu.memory_space<vmem>>, vector<1x16xf32>,
          %get3A_1184 = vector.shape_cast %get3A_1183 : vector<1x16xf32> to vector<16xf32>
          %mul3A_1185 = arith.mulf %get3A_1184, %broadcast_in_dim3A_1158 : vector<16xf32>
          %swap3A_1186 = arith.index_cast %add3A_1160 : i32 to index
          %swap3A_1187 = arith.constant 32 : index
          %swap3A_1188 = tpu.vector_load %arg10[%swap3A_1186, %swap3A_1187] {strides = array<i32>} : memref<128x128xf32, #tpu.memory_space<vmem>>, vector<1x16xf32>,
          %swap3A_1189 = vector.shape_cast %swap3A_1188 : vector<1x16xf32> to vector<16xf32>
          %swap3A_1190 = vector.shape_cast %mul3A_1185 : vector<16xf32> to vector<1x16xf32>
          tpu.vector_store %arg10[%swap3A_1186, %swap3A_1187], %swap3A_1190 {strides = array<i32>} : memref<128x128xf32, #tpu.memory_space<vmem>>, vector<1x16xf32>,
          %get3A_1191 = arith.index_cast %add3A_1160 : i32 to index
          %get3A_1192 = arith.constant 48 : index
          %get3A_1193 = tpu.vector_load %arg10[%get3A_1191, %get3A_1192] {strides = array<i32>} : memref<128x128xf32, #tpu.memory_space<vmem>>, vector<1x16xf32>,
          %get3A_1194 = vector.shape_cast %get3A_1193 : vector<1x16xf32> to vector<16xf32>
          %mul3A_1195 = arith.mulf %get3A_1194, %broadcast_in_dim3A_1158 : vector<16xf32>
          %swap3A_1196 = arith.index_cast %add3A_1160 : i32 to index
          %swap3A_1197 = arith.constant 48 : index
          %swap3A_1198 = tpu.vector_load %arg10[%swap3A_1196, %swap3A_1197] {strides = array<i32>} : memref<128x128xf32, #tpu.memory_space<vmem>>, vector<1x16xf32>,
          %swap3A_1199 = vector.shape_cast %swap3A_1198 : vector<1x16xf32> to vector<16xf32>
          %swap3A_1200 = vector.shape_cast %mul3A_1195 : vector<16xf32> to vector<1x16xf32>
          tpu.vector_store %arg10[%swap3A_1196, %swap3A_1197], %swap3A_1200 {strides = array<i32>} : memref<128x128xf32, #tpu.memory_space<vmem>>, vector<1x16xf32>,
          %get3A_1201 = arith.index_cast %add3A_1160 : i32 to index
          %get3A_1202 = arith.constant 64 : index
          %get3A_1203 = tpu.vector_load %arg10[%get3A_1201, %get3A_1202] {strides = array<i32>} : memref<128x128xf32, #tpu.memory_space<vmem>>, vector<1x16xf32>,
          %get3A_1204 = vector.shape_cast %get3A_1203 : vector<1x16xf32> to vector<16xf32>
          %mul3A_1205 = arith.mulf %get3A_1204, %broadcast_in_dim3A_1158 : vector<16xf32>
          %swap3A_1206 = arith.index_cast %add3A_1160 : i32 to index
          %swap3A_1207 = arith.constant 64 : index
          %swap3A_1208 = tpu.vector_load %arg10[%swap3A_1206, %swap3A_1207] {strides = array<i32>} : memref<128x128xf32, #tpu.memory_space<vmem>>, vector<1x16xf32>,
          %swap3A_1209 = vector.shape_cast %swap3A_1208 : vector<1x16xf32> to vector<16xf32>
          %swap3A_1210 = vector.shape_cast %mul3A_1205 : vector<16xf32> to vector<1x16xf32>
          tpu.vector_store %arg10[%swap3A_1206, %swap3A_1207], %swap3A_1210 {strides = array<i32>} : memref<128x128xf32, #tpu.memory_space<vmem>>, vector<1x16xf32>,
          %get3A_1211 = arith.index_cast %add3A_1160 : i32 to index
          %get3A_1212 = arith.constant 80 : index
          %get3A_1213 = tpu.vector_load %arg10[%get3A_1211, %get3A_1212] {strides = array<i32>} : memref<128x128xf32, #tpu.memory_space<vmem>>, vector<1x16xf32>,
          %get3A_1214 = vector.shape_cast %get3A_1213 : vector<1x16xf32> to vector<16xf32>
          %mul3A_1215 = arith.mulf %get3A_1214, %broadcast_in_dim3A_1158 : vector<16xf32>
          %swap3A_1216 = arith.index_cast %add3A_1160 : i32 to index
          %swap3A_1217 = arith.constant 80 : index
          %swap3A_1218 = tpu.vector_load %arg10[%swap3A_1216, %swap3A_1217] {strides = array<i32>} : memref<128x128xf32, #tpu.memory_space<vmem>>, vector<1x16xf32>,
          %swap3A_1219 = vector.shape_cast %swap3A_1218 : vector<1x16xf32> to vector<16xf32>
          %swap3A_1220 = vector.shape_cast %mul3A_1215 : vector<16xf32> to vector<1x16xf32>
          tpu.vector_store %arg10[%swap3A_1216, %swap3A_1217], %swap3A_1220 {strides = array<i32>} : memref<128x128xf32, #tpu.memory_space<vmem>>, vector<1x16xf32>,
          %get3A_1221 = arith.index_cast %add3A_1160 : i32 to index
          %get3A_1222 = arith.constant 96 : index
          %get3A_1223 = tpu.vector_load %arg10[%get3A_1221, %get3A_1222] {strides = array<i32>} : memref<128x128xf32, #tpu.memory_space<vmem>>, vector<1x16xf32>,
          %get3A_1224 = vector.shape_cast %get3A_1223 : vector<1x16xf32> to vector<16xf32>
          %mul3A_1225 = arith.mulf %get3A_1224, %broadcast_in_dim3A_1158 : vector<16xf32>
          %swap3A_1226 = arith.index_cast %add3A_1160 : i32 to index
          %swap3A_1227 = arith.constant 96 : index
          %swap3A_1228 = tpu.vector_load %arg10[%swap3A_1226, %swap3A_1227] {strides = array<i32>} : memref<128x128xf32, #tpu.memory_space<vmem>>, vector<1x16xf32>,
          %swap3A_1229 = vector.shape_cast %swap3A_1228 : vector<1x16xf32> to vector<16xf32>
          %swap3A_1230 = vector.shape_cast %mul3A_1225 : vector<16xf32> to vector<1x16xf32>
          tpu.vector_store %arg10[%swap3A_1226, %swap3A_1227], %swap3A_1230 {strides = array<i32>} : memref<128x128xf32, #tpu.memory_space<vmem>>, vector<1x16xf32>,
          %get3A_1231 = arith.index_cast %add3A_1160 : i32 to index
          %get3A_1232 = arith.constant 112 : index
          %get3A_1233 = tpu.vector_load %arg10[%get3A_1231, %get3A_1232] {strides = array<i32>} : memref<128x128xf32, #tpu.memory_space<vmem>>, vector<1x16xf32>,
          %get3A_1234 = vector.shape_cast %get3A_1233 : vector<1x16xf32> to vector<16xf32>
          %mul3A_1235 = arith.mulf %get3A_1234, %broadcast_in_dim3A_1158 : vector<16xf32>
          %swap3A_1236 = arith.index_cast %add3A_1160 : i32 to index
          %swap3A_1237 = arith.constant 112 : index
          %swap3A_1238 = tpu.vector_load %arg10[%swap3A_1236, %swap3A_1237] {strides = array<i32>} : memref<128x128xf32, #tpu.memory_space<vmem>>, vector<1x16xf32>,
          %swap3A_1239 = vector.shape_cast %swap3A_1238 : vector<1x16xf32> to vector<16xf32>
          %swap3A_1240 = vector.shape_cast %mul3A_1235 : vector<16xf32> to vector<1x16xf32>
          tpu.vector_store %arg10[%swap3A_1236, %swap3A_1237], %swap3A_1240 {strides = array<i32>} : memref<128x128xf32, #tpu.memory_space<vmem>>, vector<1x16xf32>,
          %slice3A_1241 = vector.extract_strided_slice %get3A_54 {offsets = [14], sizes = [1], strides = [1]} : vector<16xf32> to vector<1xf32>
          %squeeze3A_1242 = vector.extract %slice3A_1241[0] : f32 from vector<1xf32>
          %broadcast_in_dim3A_1243 = vector.broadcast %squeeze3A_1242 : f32 to vector<16xf32>
          %add3A_1244 = arith.constant 14 : i32
          %add3A_1245 = arith.addi %add3A_52, %add3A_1244 : i32
          %get3A_1246 = arith.index_cast %add3A_1245 : i32 to index
          %get3A_1247 = arith.constant 0 : index
          %get3A_1248 = tpu.vector_load %arg10[%get3A_1246, %get3A_1247] {strides = array<i32>} : memref<128x128xf32, #tpu.memory_space<vmem>>, vector<1x16xf32>,
          %get3A_1249 = vector.shape_cast %get3A_1248 : vector<1x16xf32> to vector<16xf32>
          %mul3A_1250 = arith.mulf %get3A_1249, %broadcast_in_dim3A_1243 : vector<16xf32>
          %swap3A_1251 = arith.index_cast %add3A_1245 : i32 to index
          %swap3A_1252 = arith.constant 0 : index
          %swap3A_1253 = tpu.vector_load %arg10[%swap3A_1251, %swap3A_1252] {strides = array<i32>} : memref<128x128xf32, #tpu.memory_space<vmem>>, vector<1x16xf32>,
          %swap3A_1254 = vector.shape_cast %swap3A_1253 : vector<1x16xf32> to vector<16xf32>
          %swap3A_1255 = vector.shape_cast %mul3A_1250 : vector<16xf32> to vector<1x16xf32>
          tpu.vector_store %arg10[%swap3A_1251, %swap3A_1252], %swap3A_1255 {strides = array<i32>} : memref<128x128xf32, #tpu.memory_space<vmem>>, vector<1x16xf32>,
          %get3A_1256 = arith.index_cast %add3A_1245 : i32 to index
          %get3A_1257 = arith.constant 16 : index
          %get3A_1258 = tpu.vector_load %arg10[%get3A_1256, %get3A_1257] {strides = array<i32>} : memref<128x128xf32, #tpu.memory_space<vmem>>, vector<1x16xf32>,
          %get3A_1259 = vector.shape_cast %get3A_1258 : vector<1x16xf32> to vector<16xf32>
          %mul3A_1260 = arith.mulf %get3A_1259, %broadcast_in_dim3A_1243 : vector<16xf32>
          %swap3A_1261 = arith.index_cast %add3A_1245 : i32 to index
          %swap3A_1262 = arith.constant 16 : index
          %swap3A_1263 = tpu.vector_load %arg10[%swap3A_1261, %swap3A_1262] {strides = array<i32>} : memref<128x128xf32, #tpu.memory_space<vmem>>, vector<1x16xf32>,
          %swap3A_1264 = vector.shape_cast %swap3A_1263 : vector<1x16xf32> to vector<16xf32>
          %swap3A_1265 = vector.shape_cast %mul3A_1260 : vector<16xf32> to vector<1x16xf32>
          tpu.vector_store %arg10[%swap3A_1261, %swap3A_1262], %swap3A_1265 {strides = array<i32>} : memref<128x128xf32, #tpu.memory_space<vmem>>, vector<1x16xf32>,
          %get3A_1266 = arith.index_cast %add3A_1245 : i32 to index
          %get3A_1267 = arith.constant 32 : index
          %get3A_1268 = tpu.vector_load %arg10[%get3A_1266, %get3A_1267] {strides = array<i32>} : memref<128x128xf32, #tpu.memory_space<vmem>>, vector<1x16xf32>,
          %get3A_1269 = vector.shape_cast %get3A_1268 : vector<1x16xf32> to vector<16xf32>
          %mul3A_1270 = arith.mulf %get3A_1269, %broadcast_in_dim3A_1243 : vector<16xf32>
          %swap3A_1271 = arith.index_cast %add3A_1245 : i32 to index
          %swap3A_1272 = arith.constant 32 : index
          %swap3A_1273 = tpu.vector_load %arg10[%swap3A_1271, %swap3A_1272] {strides = array<i32>} : memref<128x128xf32, #tpu.memory_space<vmem>>, vector<1x16xf32>,
          %swap3A_1274 = vector.shape_cast %swap3A_1273 : vector<1x16xf32> to vector<16xf32>
          %swap3A_1275 = vector.shape_cast %mul3A_1270 : vector<16xf32> to vector<1x16xf32>
          tpu.vector_store %arg10[%swap3A_1271, %swap3A_1272], %swap3A_1275 {strides = array<i32>} : memref<128x128xf32, #tpu.memory_space<vmem>>, vector<1x16xf32>,
          %get3A_1276 = arith.index_cast %add3A_1245 : i32 to index
          %get3A_1277 = arith.constant 48 : index
          %get3A_1278 = tpu.vector_load %arg10[%get3A_1276, %get3A_1277] {strides = array<i32>} : memref<128x128xf32, #tpu.memory_space<vmem>>, vector<1x16xf32>,
          %get3A_1279 = vector.shape_cast %get3A_1278 : vector<1x16xf32> to vector<16xf32>
          %mul3A_1280 = arith.mulf %get3A_1279, %broadcast_in_dim3A_1243 : vector<16xf32>
          %swap3A_1281 = arith.index_cast %add3A_1245 : i32 to index
          %swap3A_1282 = arith.constant 48 : index
          %swap3A_1283 = tpu.vector_load %arg10[%swap3A_1281, %swap3A_1282] {strides = array<i32>} : memref<128x128xf32, #tpu.memory_space<vmem>>, vector<1x16xf32>,
          %swap3A_1284 = vector.shape_cast %swap3A_1283 : vector<1x16xf32> to vector<16xf32>
          %swap3A_1285 = vector.shape_cast %mul3A_1280 : vector<16xf32> to vector<1x16xf32>
          tpu.vector_store %arg10[%swap3A_1281, %swap3A_1282], %swap3A_1285 {strides = array<i32>} : memref<128x128xf32, #tpu.memory_space<vmem>>, vector<1x16xf32>,
          %get3A_1286 = arith.index_cast %add3A_1245 : i32 to index
          %get3A_1287 = arith.constant 64 : index
          %get3A_1288 = tpu.vector_load %arg10[%get3A_1286, %get3A_1287] {strides = array<i32>} : memref<128x128xf32, #tpu.memory_space<vmem>>, vector<1x16xf32>,
          %get3A_1289 = vector.shape_cast %get3A_1288 : vector<1x16xf32> to vector<16xf32>
          %mul3A_1290 = arith.mulf %get3A_1289, %broadcast_in_dim3A_1243 : vector<16xf32>
          %swap3A_1291 = arith.index_cast %add3A_1245 : i32 to index
          %swap3A_1292 = arith.constant 64 : index
          %swap3A_1293 = tpu.vector_load %arg10[%swap3A_1291, %swap3A_1292] {strides = array<i32>} : memref<128x128xf32, #tpu.memory_space<vmem>>, vector<1x16xf32>,
          %swap3A_1294 = vector.shape_cast %swap3A_1293 : vector<1x16xf32> to vector<16xf32>
          %swap3A_1295 = vector.shape_cast %mul3A_1290 : vector<16xf32> to vector<1x16xf32>
          tpu.vector_store %arg10[%swap3A_1291, %swap3A_1292], %swap3A_1295 {strides = array<i32>} : memref<128x128xf32, #tpu.memory_space<vmem>>, vector<1x16xf32>,
          %get3A_1296 = arith.index_cast %add3A_1245 : i32 to index
          %get3A_1297 = arith.constant 80 : index
          %get3A_1298 = tpu.vector_load %arg10[%get3A_1296, %get3A_1297] {strides = array<i32>} : memref<128x128xf32, #tpu.memory_space<vmem>>, vector<1x16xf32>,
          %get3A_1299 = vector.shape_cast %get3A_1298 : vector<1x16xf32> to vector<16xf32>
          %mul3A_1300 = arith.mulf %get3A_1299, %broadcast_in_dim3A_1243 : vector<16xf32>
          %swap3A_1301 = arith.index_cast %add3A_1245 : i32 to index
          %swap3A_1302 = arith.constant 80 : index
          %swap3A_1303 = tpu.vector_load %arg10[%swap3A_1301, %swap3A_1302] {strides = array<i32>} : memref<128x128xf32, #tpu.memory_space<vmem>>, vector<1x16xf32>,
          %swap3A_1304 = vector.shape_cast %swap3A_1303 : vector<1x16xf32> to vector<16xf32>
          %swap3A_1305 = vector.shape_cast %mul3A_1300 : vector<16xf32> to vector<1x16xf32>
          tpu.vector_store %arg10[%swap3A_1301, %swap3A_1302], %swap3A_1305 {strides = array<i32>} : memref<128x128xf32, #tpu.memory_space<vmem>>, vector<1x16xf32>,
          %get3A_1306 = arith.index_cast %add3A_1245 : i32 to index
          %get3A_1307 = arith.constant 96 : index
          %get3A_1308 = tpu.vector_load %arg10[%get3A_1306, %get3A_1307] {strides = array<i32>} : memref<128x128xf32, #tpu.memory_space<vmem>>, vector<1x16xf32>,
          %get3A_1309 = vector.shape_cast %get3A_1308 : vector<1x16xf32> to vector<16xf32>
          %mul3A_1310 = arith.mulf %get3A_1309, %broadcast_in_dim3A_1243 : vector<16xf32>
          %swap3A_1311 = arith.index_cast %add3A_1245 : i32 to index
          %swap3A_1312 = arith.constant 96 : index
          %swap3A_1313 = tpu.vector_load %arg10[%swap3A_1311, %swap3A_1312] {strides = array<i32>} : memref<128x128xf32, #tpu.memory_space<vmem>>, vector<1x16xf32>,
          %swap3A_1314 = vector.shape_cast %swap3A_1313 : vector<1x16xf32> to vector<16xf32>
          %swap3A_1315 = vector.shape_cast %mul3A_1310 : vector<16xf32> to vector<1x16xf32>
          tpu.vector_store %arg10[%swap3A_1311, %swap3A_1312], %swap3A_1315 {strides = array<i32>} : memref<128x128xf32, #tpu.memory_space<vmem>>, vector<1x16xf32>,
          %get3A_1316 = arith.index_cast %add3A_1245 : i32 to index
          %get3A_1317 = arith.constant 112 : index
          %get3A_1318 = tpu.vector_load %arg10[%get3A_1316, %get3A_1317] {strides = array<i32>} : memref<128x128xf32, #tpu.memory_space<vmem>>, vector<1x16xf32>,
          %get3A_1319 = vector.shape_cast %get3A_1318 : vector<1x16xf32> to vector<16xf32>
          %mul3A_1320 = arith.mulf %get3A_1319, %broadcast_in_dim3A_1243 : vector<16xf32>
          %swap3A_1321 = arith.index_cast %add3A_1245 : i32 to index
          %swap3A_1322 = arith.constant 112 : index
          %swap3A_1323 = tpu.vector_load %arg10[%swap3A_1321, %swap3A_1322] {strides = array<i32>} : memref<128x128xf32, #tpu.memory_space<vmem>>, vector<1x16xf32>,
          %swap3A_1324 = vector.shape_cast %swap3A_1323 : vector<1x16xf32> to vector<16xf32>
          %swap3A_1325 = vector.shape_cast %mul3A_1320 : vector<16xf32> to vector<1x16xf32>
          tpu.vector_store %arg10[%swap3A_1321, %swap3A_1322], %swap3A_1325 {strides = array<i32>} : memref<128x128xf32, #tpu.memory_space<vmem>>, vector<1x16xf32>,
          %slice3A_1326 = vector.extract_strided_slice %get3A_54 {offsets = [15], sizes = [1], strides = [1]} : vector<16xf32> to vector<1xf32>
          %squeeze3A_1327 = vector.extract %slice3A_1326[0] : f32 from vector<1xf32>
          %broadcast_in_dim3A_1328 = vector.broadcast %squeeze3A_1327 : f32 to vector<16xf32>
          %add3A_1329 = arith.constant 15 : i32
          %add3A_1330 = arith.addi %add3A_52, %add3A_1329 : i32
          %get3A_1331 = arith.index_cast %add3A_1330 : i32 to index
          %get3A_1332 = arith.constant 0 : index
          %get3A_1333 = tpu.vector_load %arg10[%get3A_1331, %get3A_1332] {strides = array<i32>} : memref<128x128xf32, #tpu.memory_space<vmem>>, vector<1x16xf32>,
          %get3A_1334 = vector.shape_cast %get3A_1333 : vector<1x16xf32> to vector<16xf32>
          %mul3A_1335 = arith.mulf %get3A_1334, %broadcast_in_dim3A_1328 : vector<16xf32>
          %swap3A_1336 = arith.index_cast %add3A_1330 : i32 to index
          %swap3A_1337 = arith.constant 0 : index
          %swap3A_1338 = tpu.vector_load %arg10[%swap3A_1336, %swap3A_1337] {strides = array<i32>} : memref<128x128xf32, #tpu.memory_space<vmem>>, vector<1x16xf32>,
          %swap3A_1339 = vector.shape_cast %swap3A_1338 : vector<1x16xf32> to vector<16xf32>
          %swap3A_1340 = vector.shape_cast %mul3A_1335 : vector<16xf32> to vector<1x16xf32>
          tpu.vector_store %arg10[%swap3A_1336, %swap3A_1337], %swap3A_1340 {strides = array<i32>} : memref<128x128xf32, #tpu.memory_space<vmem>>, vector<1x16xf32>,
          %get3A_1341 = arith.index_cast %add3A_1330 : i32 to index
          %get3A_1342 = arith.constant 16 : index
          %get3A_1343 = tpu.vector_load %arg10[%get3A_1341, %get3A_1342] {strides = array<i32>} : memref<128x128xf32, #tpu.memory_space<vmem>>, vector<1x16xf32>,
          %get3A_1344 = vector.shape_cast %get3A_1343 : vector<1x16xf32> to vector<16xf32>
          %mul3A_1345 = arith.mulf %get3A_1344, %broadcast_in_dim3A_1328 : vector<16xf32>
          %swap3A_1346 = arith.index_cast %add3A_1330 : i32 to index
          %swap3A_1347 = arith.constant 16 : index
          %swap3A_1348 = tpu.vector_load %arg10[%swap3A_1346, %swap3A_1347] {strides = array<i32>} : memref<128x128xf32, #tpu.memory_space<vmem>>, vector<1x16xf32>,
          %swap3A_1349 = vector.shape_cast %swap3A_1348 : vector<1x16xf32> to vector<16xf32>
          %swap3A_1350 = vector.shape_cast %mul3A_1345 : vector<16xf32> to vector<1x16xf32>
          tpu.vector_store %arg10[%swap3A_1346, %swap3A_1347], %swap3A_1350 {strides = array<i32>} : memref<128x128xf32, #tpu.memory_space<vmem>>, vector<1x16xf32>,
          %get3A_1351 = arith.index_cast %add3A_1330 : i32 to index
          %get3A_1352 = arith.constant 32 : index
          %get3A_1353 = tpu.vector_load %arg10[%get3A_1351, %get3A_1352] {strides = array<i32>} : memref<128x128xf32, #tpu.memory_space<vmem>>, vector<1x16xf32>,
          %get3A_1354 = vector.shape_cast %get3A_1353 : vector<1x16xf32> to vector<16xf32>
          %mul3A_1355 = arith.mulf %get3A_1354, %broadcast_in_dim3A_1328 : vector<16xf32>
          %swap3A_1356 = arith.index_cast %add3A_1330 : i32 to index
          %swap3A_1357 = arith.constant 32 : index
          %swap3A_1358 = tpu.vector_load %arg10[%swap3A_1356, %swap3A_1357] {strides = array<i32>} : memref<128x128xf32, #tpu.memory_space<vmem>>, vector<1x16xf32>,
          %swap3A_1359 = vector.shape_cast %swap3A_1358 : vector<1x16xf32> to vector<16xf32>
          %swap3A_1360 = vector.shape_cast %mul3A_1355 : vector<16xf32> to vector<1x16xf32>
          tpu.vector_store %arg10[%swap3A_1356, %swap3A_1357], %swap3A_1360 {strides = array<i32>} : memref<128x128xf32, #tpu.memory_space<vmem>>, vector<1x16xf32>,
          %get3A_1361 = arith.index_cast %add3A_1330 : i32 to index
          %get3A_1362 = arith.constant 48 : index
          %get3A_1363 = tpu.vector_load %arg10[%get3A_1361, %get3A_1362] {strides = array<i32>} : memref<128x128xf32, #tpu.memory_space<vmem>>, vector<1x16xf32>,
          %get3A_1364 = vector.shape_cast %get3A_1363 : vector<1x16xf32> to vector<16xf32>
          %mul3A_1365 = arith.mulf %get3A_1364, %broadcast_in_dim3A_1328 : vector<16xf32>
          %swap3A_1366 = arith.index_cast %add3A_1330 : i32 to index
          %swap3A_1367 = arith.constant 48 : index
          %swap3A_1368 = tpu.vector_load %arg10[%swap3A_1366, %swap3A_1367] {strides = array<i32>} : memref<128x128xf32, #tpu.memory_space<vmem>>, vector<1x16xf32>,
          %swap3A_1369 = vector.shape_cast %swap3A_1368 : vector<1x16xf32> to vector<16xf32>
          %swap3A_1370 = vector.shape_cast %mul3A_1365 : vector<16xf32> to vector<1x16xf32>
          tpu.vector_store %arg10[%swap3A_1366, %swap3A_1367], %swap3A_1370 {strides = array<i32>} : memref<128x128xf32, #tpu.memory_space<vmem>>, vector<1x16xf32>,
          %get3A_1371 = arith.index_cast %add3A_1330 : i32 to index
          %get3A_1372 = arith.constant 64 : index
          %get3A_1373 = tpu.vector_load %arg10[%get3A_1371, %get3A_1372] {strides = array<i32>} : memref<128x128xf32, #tpu.memory_space<vmem>>, vector<1x16xf32>,
          %get3A_1374 = vector.shape_cast %get3A_1373 : vector<1x16xf32> to vector<16xf32>
          %mul3A_1375 = arith.mulf %get3A_1374, %broadcast_in_dim3A_1328 : vector<16xf32>
          %swap3A_1376 = arith.index_cast %add3A_1330 : i32 to index
          %swap3A_1377 = arith.constant 64 : index
          %swap3A_1378 = tpu.vector_load %arg10[%swap3A_1376, %swap3A_1377] {strides = array<i32>} : memref<128x128xf32, #tpu.memory_space<vmem>>, vector<1x16xf32>,
          %swap3A_1379 = vector.shape_cast %swap3A_1378 : vector<1x16xf32> to vector<16xf32>
          %swap3A_1380 = vector.shape_cast %mul3A_1375 : vector<16xf32> to vector<1x16xf32>
          tpu.vector_store %arg10[%swap3A_1376, %swap3A_1377], %swap3A_1380 {strides = array<i32>} : memref<128x128xf32, #tpu.memory_space<vmem>>, vector<1x16xf32>,
          %get3A_1381 = arith.index_cast %add3A_1330 : i32 to index
          %get3A_1382 = arith.constant 80 : index
          %get3A_1383 = tpu.vector_load %arg10[%get3A_1381, %get3A_1382] {strides = array<i32>} : memref<128x128xf32, #tpu.memory_space<vmem>>, vector<1x16xf32>,
          %get3A_1384 = vector.shape_cast %get3A_1383 : vector<1x16xf32> to vector<16xf32>
          %mul3A_1385 = arith.mulf %get3A_1384, %broadcast_in_dim3A_1328 : vector<16xf32>
          %swap3A_1386 = arith.index_cast %add3A_1330 : i32 to index
          %swap3A_1387 = arith.constant 80 : index
          %swap3A_1388 = tpu.vector_load %arg10[%swap3A_1386, %swap3A_1387] {strides = array<i32>} : memref<128x128xf32, #tpu.memory_space<vmem>>, vector<1x16xf32>,
          %swap3A_1389 = vector.shape_cast %swap3A_1388 : vector<1x16xf32> to vector<16xf32>
          %swap3A_1390 = vector.shape_cast %mul3A_1385 : vector<16xf32> to vector<1x16xf32>
          tpu.vector_store %arg10[%swap3A_1386, %swap3A_1387], %swap3A_1390 {strides = array<i32>} : memref<128x128xf32, #tpu.memory_space<vmem>>, vector<1x16xf32>,
          %get3A_1391 = arith.index_cast %add3A_1330 : i32 to index
          %get3A_1392 = arith.constant 96 : index
          %get3A_1393 = tpu.vector_load %arg10[%get3A_1391, %get3A_1392] {strides = array<i32>} : memref<128x128xf32, #tpu.memory_space<vmem>>, vector<1x16xf32>,
          %get3A_1394 = vector.shape_cast %get3A_1393 : vector<1x16xf32> to vector<16xf32>
          %mul3A_1395 = arith.mulf %get3A_1394, %broadcast_in_dim3A_1328 : vector<16xf32>
          %swap3A_1396 = arith.index_cast %add3A_1330 : i32 to index
          %swap3A_1397 = arith.constant 96 : index
          %swap3A_1398 = tpu.vector_load %arg10[%swap3A_1396, %swap3A_1397] {strides = array<i32>} : memref<128x128xf32, #tpu.memory_space<vmem>>, vector<1x16xf32>,
          %swap3A_1399 = vector.shape_cast %swap3A_1398 : vector<1x16xf32> to vector<16xf32>
          %swap3A_1400 = vector.shape_cast %mul3A_1395 : vector<16xf32> to vector<1x16xf32>
          tpu.vector_store %arg10[%swap3A_1396, %swap3A_1397], %swap3A_1400 {strides = array<i32>} : memref<128x128xf32, #tpu.memory_space<vmem>>, vector<1x16xf32>,
          %get3A_1401 = arith.index_cast %add3A_1330 : i32 to index
          %get3A_1402 = arith.constant 112 : index
          %get3A_1403 = tpu.vector_load %arg10[%get3A_1401, %get3A_1402] {strides = array<i32>} : memref<128x128xf32, #tpu.memory_space<vmem>>, vector<1x16xf32>,
          %get3A_1404 = vector.shape_cast %get3A_1403 : vector<1x16xf32> to vector<16xf32>
          %mul3A_1405 = arith.mulf %get3A_1404, %broadcast_in_dim3A_1328 : vector<16xf32>
          %swap3A_1406 = arith.index_cast %add3A_1330 : i32 to index
          %swap3A_1407 = arith.constant 112 : index
          %swap3A_1408 = tpu.vector_load %arg10[%swap3A_1406, %swap3A_1407] {strides = array<i32>} : memref<128x128xf32, #tpu.memory_space<vmem>>, vector<1x16xf32>,
          %swap3A_1409 = vector.shape_cast %swap3A_1408 : vector<1x16xf32> to vector<16xf32>
          %swap3A_1410 = vector.shape_cast %mul3A_1405 : vector<16xf32> to vector<1x16xf32>
          tpu.vector_store %arg10[%swap3A_1406, %swap3A_1407], %swap3A_1410 {strides = array<i32>} : memref<128x128xf32, #tpu.memory_space<vmem>>, vector<1x16xf32>,
        }
        %scan3A_41 = arith.constant 8 : i32
        %dma_start3A_42 = arith.constant 0 : i32
        %dma_start3A_43 = arith.constant 0 : i32
        %dma_start3A_44 = tpu.memref_slice %arg11[%dma_start3A_42, %dma_start3A_43] : memref<10240x128xf32, #tpu.memory_space<vmem_shared>> -> memref<10240x128xf32, #tpu.memory_space<vmem_shared>>
        tpu.enqueue_indirect_dma source(%arg10 : memref<128x128xf32, #tpu.memory_space<vmem>>) target(%dma_start3A_44 : memref<10240x128xf32, #tpu.memory_space<vmem_shared>>) offsets(%arg8 : memref<128xi32, #tpu.memory_space<vmem>>) semaphore(%arg12 : memref<!tpu.dma_semaphore, #tpu.memory_space<semaphore_mem>>) {add = true}
        %dma_wait3A_45 = arith.constant 0 : i32
        %dma_wait3A_46 = arith.constant 0 : i32
        %dma_wait3A_47 = tpu.memref_slice %arg11[%dma_wait3A_45, %dma_wait3A_46] : memref<10240x128xf32, #tpu.memory_space<vmem_shared>> -> memref<10240x128xf32, #tpu.memory_space<vmem_shared>>
        tpu.wait_indirect_dma semaphore(%arg12 : memref<!tpu.dma_semaphore, #tpu.memory_space<semaphore_mem>>) src(%arg10 : memref<128x128xf32, #tpu.memory_space<vmem>>) dst(%dma_wait3A_47 : memref<10240x128xf32, #tpu.memory_space<vmem_shared>>)
      } else {
      }
    }
    %scan3A_14 = arith.constant 79 : i32
    %barrier3A_15 = arith.constant 0 : index
    tpu.barrier barrier_id(%barrier3A_15)
    %scan3A_16 = arith.constant 0 : i32
    %scan3A_17 = arith.constant 5 : i32
    %scan3A_18 = arith.addi %scan3A_16, %scan3A_17 : i32
    %scan3A_19 = arith.constant 1 : i32
    scf.for %scan3A_21 = %scan3A_16 to %scan3A_18 step %scan3A_19  : i32 {
      %mul3A_22 = arith.constant 1 : i32
      %mul3A_23 = arith.muli %scan3A_21, %mul3A_22 : i32
      %add3A_24 = arith.constant 0 : i32
      %add3A_25 = arith.addi %add3A_24, %mul3A_23 : i32
      %mul3A_26 = arith.constant 640 : i32
      %mul3A_27 = arith.muli %arg1, %mul3A_26 : i32
      %mul3A_28 = arith.constant 128 : i32
      %mul3A_29 = arith.muli %add3A_25, %mul3A_28 : i32
      %add3A_30 = arith.addi %mul3A_27, %mul3A_29 : i32
      "tpu.region"() ({
        %run_scoped3A = tpu.sem_alloc : memref<!tpu.dma_semaphore, #tpu.memory_space<semaphore_mem>>
        %dma_start3A = arith.constant 0 : i32
        %dma_start3A_31 = tpu.memref_slice %arg6[%arg0, %add3A_30, %dma_start3A] : memref<2x10240x128xf32, #tpu.memory_space<hbm>> -> memref<1x128x128xf32, #tpu.memory_space<hbm>>
        %dma_start3A_32 = tpu.memref_squeeze %dma_start3A_31 : memref<1x128x128xf32, #tpu.memory_space<hbm>> -> memref<128x128xf32, #tpu.memory_space<hbm>>
        %dma_start3A_33 = arith.constant 0 : i32
        %dma_start3A_34 = tpu.memref_slice %arg11[%add3A_30, %dma_start3A_33] : memref<10240x128xf32, #tpu.memory_space<vmem_shared>> -> memref<128x128xf32, #tpu.memory_space<vmem_shared>>
        tpu.enqueue_dma source(%dma_start3A_34 : memref<128x128xf32, #tpu.memory_space<vmem_shared>>) target(%dma_start3A_32 : memref<128x128xf32, #tpu.memory_space<hbm>>) target_semaphore(%run_scoped3A : memref<!tpu.dma_semaphore, #tpu.memory_space<semaphore_mem>>)
        %dma_wait3A = arith.constant 0 : i32
        %dma_wait3A_35 = tpu.memref_slice %arg6[%arg0, %add3A_30, %dma_wait3A] : memref<2x10240x128xf32, #tpu.memory_space<hbm>> -> memref<1x128x128xf32, #tpu.memory_space<hbm>>
        %dma_wait3A_36 = tpu.memref_squeeze %dma_wait3A_35 : memref<1x128x128xf32, #tpu.memory_space<hbm>> -> memref<128x128xf32, #tpu.memory_space<hbm>>
        %dma_wait3A_37 = arith.constant 0 : i32
        %dma_wait3A_38 = tpu.memref_slice %arg11[%add3A_30, %dma_wait3A_37] : memref<10240x128xf32, #tpu.memory_space<vmem_shared>> -> memref<128x128xf32, #tpu.memory_space<vmem_shared>>
        tpu.wait_dma2 semaphore(%run_scoped3A : memref<!tpu.dma_semaphore, #tpu.memory_space<semaphore_mem>>) src(%dma_wait3A_38 : memref<128x128xf32, #tpu.memory_space<vmem_shared>>) dst(%dma_wait3A_36 : memref<128x128xf32, #tpu.memory_space<hbm>>)
        tpu.yield
      }) : () -> ()
    }
    %scan3A_20 = arith.constant 5 : i32
    return
  }
}

#map = affine_map<(d0, d1) -> (0)>
#map1 = affine_map<(d0, d1) -> (0, 0)>
module attributes {stable_mosaic.version = 14 : i64} {
  func.func @sc_deg(%arg0: i32, %arg1: i32, %arg2: memref<320000xi32, #tpu.memory_space<hbm>>, %arg3: memref<320000xf32, #tpu.memory_space<hbm>>, %arg4: memref<32x10000xf32, #tpu.memory_space<hbm>>, %arg5: memref<10000xf32, #tpu.memory_space<vmem>>, %arg6: memref<2000xi32, #tpu.memory_space<vmem>>, %arg7: memref<2000xf32, #tpu.memory_space<vmem>>) attributes {dimension_semantics = [#tpu.dimension_semantics<core_parallel>, #tpu.dimension_semantics<subcore_parallel>], iteration_bounds = array<i64: 2, 16>, scalar_prefetch = 0 : i64, scratch_operands = 3 : i64, tpu.core_type = #tpu.core_type<sc_vector_subcore>, window_params = [{transform_indices = #map}, {transform_indices = #map}, {transform_indices = #map1}]} {
    %mul3A = arith.constant 2 : i32
    %mul3A_0 = arith.muli %arg1, %mul3A : i32
    %add3A = arith.addi %mul3A_0, %arg0 : i32
    %scan3A = arith.constant 0 : i32
    %scan3A_1 = arith.constant 625 : i32
    %scan3A_2 = arith.addi %scan3A, %scan3A_1 : i32
    %scan3A_3 = arith.constant 1 : i32
    scf.for %scan3A_12 = %scan3A to %scan3A_2 step %scan3A_3  : i32 {
      %mul3A_13 = arith.constant 16 : i32
      %mul3A_14 = arith.muli %scan3A_12, %mul3A_13 : i32
      %add3A_15 = arith.constant 0 : i32
      %add3A_16 = arith.addi %add3A_15, %mul3A_14 : i32
      %broadcast_in_dim3A = arith.constant 0.000000e+00 : f32
      %broadcast_in_dim3A_17 = vector.broadcast %broadcast_in_dim3A : f32 to vector<16xf32>
      %swap3A = arith.index_cast %add3A_16 : i32 to index
      %swap3A_18 = tpu.vector_load %arg5[%swap3A] {strides = array<i32>} : memref<10000xf32, #tpu.memory_space<vmem>>, vector<16xf32>,
      tpu.vector_store %arg5[%swap3A], %broadcast_in_dim3A_17 {strides = array<i32>} : memref<10000xf32, #tpu.memory_space<vmem>>, vector<16xf32>,
    }
    %scan3A_4 = arith.constant 625 : i32
    %mul3A_5 = arith.constant 10000 : i32
    %mul3A_6 = arith.muli %add3A, %mul3A_5 : i32
    %scan3A_7 = arith.constant 0 : i32
    %scan3A_8 = arith.constant 5 : i32
    %scan3A_9 = arith.addi %scan3A_7, %scan3A_8 : i32
    %scan3A_10 = arith.constant 1 : i32
    scf.for %scan3A_12 = %scan3A_7 to %scan3A_9 step %scan3A_10  : i32 {
      %mul3A_13 = arith.constant 1 : i32
      %mul3A_14 = arith.muli %scan3A_12, %mul3A_13 : i32
      %add3A_15 = arith.constant 0 : i32
      %add3A_16 = arith.addi %add3A_15, %mul3A_14 : i32
      %mul3A_17 = arith.constant 2000 : i32
      %mul3A_18 = arith.muli %add3A_16, %mul3A_17 : i32
      %add3A_19 = arith.addi %mul3A_6, %mul3A_18 : i32
      "tpu.region"() ({
        %run_scoped3A = tpu.sem_alloc : memref<!tpu.dma_semaphore, #tpu.memory_space<semaphore_mem>>
        %dma_start3A = tpu.memref_slice %arg2[%add3A_19] : memref<320000xi32, #tpu.memory_space<hbm>> -> memref<2000xi32, #tpu.memory_space<hbm>>
        %dma_start3A_25 = tpu.memref_slice %arg2[%add3A_19] : memref<320000xi32, #tpu.memory_space<hbm>> -> memref<2000xi32, #tpu.memory_space<hbm>>
        tpu.enqueue_dma source(%dma_start3A_25 : memref<2000xi32, #tpu.memory_space<hbm>>) target(%arg6 : memref<2000xi32, #tpu.memory_space<vmem>>) target_semaphore(%run_scoped3A : memref<!tpu.dma_semaphore, #tpu.memory_space<semaphore_mem>>)
        %dma_wait3A = tpu.memref_slice %arg2[%add3A_19] : memref<320000xi32, #tpu.memory_space<hbm>> -> memref<2000xi32, #tpu.memory_space<hbm>>
        %dma_wait3A_26 = tpu.memref_slice %arg2[%add3A_19] : memref<320000xi32, #tpu.memory_space<hbm>> -> memref<2000xi32, #tpu.memory_space<hbm>>
        tpu.wait_dma2 semaphore(%run_scoped3A : memref<!tpu.dma_semaphore, #tpu.memory_space<semaphore_mem>>) src(%dma_wait3A_26 : memref<2000xi32, #tpu.memory_space<hbm>>) dst(%arg6 : memref<2000xi32, #tpu.memory_space<vmem>>)
        tpu.yield
      }) : () -> ()
      "tpu.region"() ({
        %run_scoped3A = tpu.sem_alloc : memref<!tpu.dma_semaphore, #tpu.memory_space<semaphore_mem>>
        %dma_start3A = tpu.memref_slice %arg3[%add3A_19] : memref<320000xf32, #tpu.memory_space<hbm>> -> memref<2000xf32, #tpu.memory_space<hbm>>
        %dma_start3A_25 = tpu.memref_slice %arg3[%add3A_19] : memref<320000xf32, #tpu.memory_space<hbm>> -> memref<2000xf32, #tpu.memory_space<hbm>>
        tpu.enqueue_dma source(%dma_start3A_25 : memref<2000xf32, #tpu.memory_space<hbm>>) target(%arg7 : memref<2000xf32, #tpu.memory_space<vmem>>) target_semaphore(%run_scoped3A : memref<!tpu.dma_semaphore, #tpu.memory_space<semaphore_mem>>)
        %dma_wait3A = tpu.memref_slice %arg3[%add3A_19] : memref<320000xf32, #tpu.memory_space<hbm>> -> memref<2000xf32, #tpu.memory_space<hbm>>
        %dma_wait3A_26 = tpu.memref_slice %arg3[%add3A_19] : memref<320000xf32, #tpu.memory_space<hbm>> -> memref<2000xf32, #tpu.memory_space<hbm>>
        tpu.wait_dma2 semaphore(%run_scoped3A : memref<!tpu.dma_semaphore, #tpu.memory_space<semaphore_mem>>) src(%dma_wait3A_26 : memref<2000xf32, #tpu.memory_space<hbm>>) dst(%arg7 : memref<2000xf32, #tpu.memory_space<vmem>>)
        tpu.yield
      }) : () -> ()
      %scan3A_20 = arith.constant 0 : i32
      %scan3A_21 = arith.constant 125 : i32
      %scan3A_22 = arith.addi %scan3A_20, %scan3A_21 : i32
      %scan3A_23 = arith.constant 1 : i32
      scf.for %scan3A_25 = %scan3A_20 to %scan3A_22 step %scan3A_23  : i32 {
        %mul3A_26 = arith.constant 16 : i32
        %mul3A_27 = arith.muli %scan3A_25, %mul3A_26 : i32
        %add3A_28 = arith.constant 0 : i32
        %add3A_29 = arith.addi %add3A_28, %mul3A_27 : i32
        %get3A = arith.index_cast %add3A_29 : i32 to index
        %get3A_30 = tpu.vector_load %arg6[%get3A] {strides = array<i32>} : memref<2000xi32, #tpu.memory_space<vmem>>, vector<16xi32>,
        %get3A_31 = arith.index_cast %add3A_29 : i32 to index
        %get3A_32 = tpu.vector_load %arg7[%get3A_31] {strides = array<i32>} : memref<2000xf32, #tpu.memory_space<vmem>>, vector<16xf32>,
        tpu.vector_store_idx %arg5[%get3A_30], %get3A_32 {add = true} : memref<10000xf32, #tpu.memory_space<vmem>>[vector<16xi32>], vector<16xf32>,
      }
      %scan3A_24 = arith.constant 125 : i32
    }
    %scan3A_11 = arith.constant 5 : i32
    "tpu.region"() ({
      %run_scoped3A = tpu.sem_alloc : memref<!tpu.dma_semaphore, #tpu.memory_space<semaphore_mem>>
      %dma_start3A = arith.constant 0 : i32
      %dma_start3A_12 = tpu.memref_slice %arg4[%add3A, %dma_start3A] : memref<32x10000xf32, #tpu.memory_space<hbm>> -> memref<1x10000xf32, #tpu.memory_space<hbm>>
      %dma_start3A_13 = tpu.memref_squeeze %dma_start3A_12 : memref<1x10000xf32, #tpu.memory_space<hbm>> -> memref<10000xf32, #tpu.memory_space<hbm>>
      %dma_start3A_14 = arith.constant 0 : i32
      %dma_start3A_15 = tpu.memref_slice %arg4[%add3A, %dma_start3A_14] : memref<32x10000xf32, #tpu.memory_space<hbm>> -> memref<1x10000xf32, #tpu.memory_space<hbm>>
      %dma_start3A_16 = tpu.memref_squeeze %dma_start3A_15 : memref<1x10000xf32, #tpu.memory_space<hbm>> -> memref<10000xf32, #tpu.memory_space<hbm>>
      tpu.enqueue_dma source(%arg5 : memref<10000xf32, #tpu.memory_space<vmem>>) target(%dma_start3A_16 : memref<10000xf32, #tpu.memory_space<hbm>>) target_semaphore(%run_scoped3A : memref<!tpu.dma_semaphore, #tpu.memory_space<semaphore_mem>>)
      %dma_wait3A = arith.constant 0 : i32
      %dma_wait3A_17 = tpu.memref_slice %arg4[%add3A, %dma_wait3A] : memref<32x10000xf32, #tpu.memory_space<hbm>> -> memref<1x10000xf32, #tpu.memory_space<hbm>>
      %dma_wait3A_18 = tpu.memref_squeeze %dma_wait3A_17 : memref<1x10000xf32, #tpu.memory_space<hbm>> -> memref<10000xf32, #tpu.memory_space<hbm>>
      %dma_wait3A_19 = arith.constant 0 : i32
      %dma_wait3A_20 = tpu.memref_slice %arg4[%add3A, %dma_wait3A_19] : memref<32x10000xf32, #tpu.memory_space<hbm>> -> memref<1x10000xf32, #tpu.memory_space<hbm>>
      %dma_wait3A_21 = tpu.memref_squeeze %dma_wait3A_20 : memref<1x10000xf32, #tpu.memory_space<hbm>> -> memref<10000xf32, #tpu.memory_space<hbm>>
      tpu.wait_dma2 semaphore(%run_scoped3A : memref<!tpu.dma_semaphore, #tpu.memory_space<semaphore_mem>>) src(%arg5 : memref<10000xf32, #tpu.memory_space<vmem>>) dst(%dma_wait3A_21 : memref<10000xf32, #tpu.memory_space<hbm>>)
      tpu.yield
    }) : () -> ()
    return
  }
}

#map = affine_map<(d0, d1) -> (0, 0)>
#map1 = affine_map<(d0, d1) -> (0)>
#map2 = affine_map<(d0, d1) -> (0, 0, 0)>
module attributes {stable_mosaic.version = 14 : i64} {
  func.func @sc_scatter(%arg0: i32, %arg1: i32, %arg2: memref<10000x128xf32, #tpu.memory_space<hbm>>, %arg3: memref<320000xi32, #tpu.memory_space<hbm>>, %arg4: memref<320000xi32, #tpu.memory_space<hbm>>, %arg5: memref<320000xf32, #tpu.memory_space<hbm>>, %arg6: memref<2x10240x128xf32, #tpu.memory_space<hbm>>, %arg7: memref<128xi32, #tpu.memory_space<vmem>>, %arg8: memref<128xi32, #tpu.memory_space<vmem>>, %arg9: memref<128xf32, #tpu.memory_space<vmem>>, %arg10: memref<128x128xf32, #tpu.memory_space<vmem>>, %arg11: memref<10240x128xf32, #tpu.memory_space<vmem_shared>>, %arg12: memref<!tpu.dma_semaphore, #tpu.memory_space<semaphore_mem>>) attributes {dimension_semantics = [#tpu.dimension_semantics<core_parallel>, #tpu.dimension_semantics<subcore_parallel>], iteration_bounds = array<i64: 2, 16>, scalar_prefetch = 0 : i64, scratch_operands = 6 : i64, tpu.core_type = #tpu.core_type<sc_vector_subcore>, window_params = [{transform_indices = #map}, {transform_indices = #map1}, {transform_indices = #map1}, {transform_indices = #map1}, {transform_indices = #map2}]} {
    %mul3A = arith.constant 2 : i32
    %mul3A_0 = arith.muli %arg1, %mul3A : i32
    %add3A = arith.addi %mul3A_0, %arg0 : i32
    %scan3A = arith.constant 0 : i32
    %scan3A_1 = arith.constant 128 : i32
    %scan3A_2 = arith.addi %scan3A, %scan3A_1 : i32
    %scan3A_3 = arith.constant 1 : i32
    scf.for %scan3A_21 = %scan3A to %scan3A_2 step %scan3A_3  : i32 {
      %mul3A_22 = arith.constant 1 : i32
      %mul3A_23 = arith.muli %scan3A_21, %mul3A_22 : i32
      %add3A_24 = arith.constant 0 : i32
      %add3A_25 = arith.addi %add3A_24, %mul3A_23 : i32
      %broadcast_in_dim3A = arith.constant 0.000000e+00 : f32
      %broadcast_in_dim3A_26 = vector.broadcast %broadcast_in_dim3A : f32 to vector<16xf32>
      %swap3A = arith.index_cast %add3A_25 : i32 to index
      %swap3A_27 = arith.constant 0 : index
      %swap3A_28 = tpu.vector_load %arg10[%swap3A, %swap3A_27] {strides = array<i32>} : memref<128x128xf32, #tpu.memory_space<vmem>>, vector<1x16xf32>,
      %swap3A_29 = vector.shape_cast %swap3A_28 : vector<1x16xf32> to vector<16xf32>
      %swap3A_30 = vector.shape_cast %broadcast_in_dim3A_26 : vector<16xf32> to vector<1x16xf32>
      tpu.vector_store %arg10[%swap3A, %swap3A_27], %swap3A_30 {strides = array<i32>} : memref<128x128xf32, #tpu.memory_space<vmem>>, vector<1x16xf32>,
      %broadcast_in_dim3A_31 = arith.constant 0.000000e+00 : f32
      %broadcast_in_dim3A_32 = vector.broadcast %broadcast_in_dim3A_31 : f32 to vector<16xf32>
      %swap3A_33 = arith.index_cast %add3A_25 : i32 to index
      %swap3A_34 = arith.constant 16 : index
      %swap3A_35 = tpu.vector_load %arg10[%swap3A_33, %swap3A_34] {strides = array<i32>} : memref<128x128xf32, #tpu.memory_space<vmem>>, vector<1x16xf32>,
      %swap3A_36 = vector.shape_cast %swap3A_35 : vector<1x16xf32> to vector<16xf32>
      %swap3A_37 = vector.shape_cast %broadcast_in_dim3A_32 : vector<16xf32> to vector<1x16xf32>
      tpu.vector_store %arg10[%swap3A_33, %swap3A_34], %swap3A_37 {strides = array<i32>} : memref<128x128xf32, #tpu.memory_space<vmem>>, vector<1x16xf32>,
      %broadcast_in_dim3A_38 = arith.constant 0.000000e+00 : f32
      %broadcast_in_dim3A_39 = vector.broadcast %broadcast_in_dim3A_38 : f32 to vector<16xf32>
      %swap3A_40 = arith.index_cast %add3A_25 : i32 to index
      %swap3A_41 = arith.constant 32 : index
      %swap3A_42 = tpu.vector_load %arg10[%swap3A_40, %swap3A_41] {strides = array<i32>} : memref<128x128xf32, #tpu.memory_space<vmem>>, vector<1x16xf32>,
      %swap3A_43 = vector.shape_cast %swap3A_42 : vector<1x16xf32> to vector<16xf32>
      %swap3A_44 = vector.shape_cast %broadcast_in_dim3A_39 : vector<16xf32> to vector<1x16xf32>
      tpu.vector_store %arg10[%swap3A_40, %swap3A_41], %swap3A_44 {strides = array<i32>} : memref<128x128xf32, #tpu.memory_space<vmem>>, vector<1x16xf32>,
      %broadcast_in_dim3A_45 = arith.constant 0.000000e+00 : f32
      %broadcast_in_dim3A_46 = vector.broadcast %broadcast_in_dim3A_45 : f32 to vector<16xf32>
      %swap3A_47 = arith.index_cast %add3A_25 : i32 to index
      %swap3A_48 = arith.constant 48 : index
      %swap3A_49 = tpu.vector_load %arg10[%swap3A_47, %swap3A_48] {strides = array<i32>} : memref<128x128xf32, #tpu.memory_space<vmem>>, vector<1x16xf32>,
      %swap3A_50 = vector.shape_cast %swap3A_49 : vector<1x16xf32> to vector<16xf32>
      %swap3A_51 = vector.shape_cast %broadcast_in_dim3A_46 : vector<16xf32> to vector<1x16xf32>
      tpu.vector_store %arg10[%swap3A_47, %swap3A_48], %swap3A_51 {strides = array<i32>} : memref<128x128xf32, #tpu.memory_space<vmem>>, vector<1x16xf32>,
      %broadcast_in_dim3A_52 = arith.constant 0.000000e+00 : f32
      %broadcast_in_dim3A_53 = vector.broadcast %broadcast_in_dim3A_52 : f32 to vector<16xf32>
      %swap3A_54 = arith.index_cast %add3A_25 : i32 to index
      %swap3A_55 = arith.constant 64 : index
      %swap3A_56 = tpu.vector_load %arg10[%swap3A_54, %swap3A_55] {strides = array<i32>} : memref<128x128xf32, #tpu.memory_space<vmem>>, vector<1x16xf32>,
      %swap3A_57 = vector.shape_cast %swap3A_56 : vector<1x16xf32> to vector<16xf32>
      %swap3A_58 = vector.shape_cast %broadcast_in_dim3A_53 : vector<16xf32> to vector<1x16xf32>
      tpu.vector_store %arg10[%swap3A_54, %swap3A_55], %swap3A_58 {strides = array<i32>} : memref<128x128xf32, #tpu.memory_space<vmem>>, vector<1x16xf32>,
      %broadcast_in_dim3A_59 = arith.constant 0.000000e+00 : f32
      %broadcast_in_dim3A_60 = vector.broadcast %broadcast_in_dim3A_59 : f32 to vector<16xf32>
      %swap3A_61 = arith.index_cast %add3A_25 : i32 to index
      %swap3A_62 = arith.constant 80 : index
      %swap3A_63 = tpu.vector_load %arg10[%swap3A_61, %swap3A_62] {strides = array<i32>} : memref<128x128xf32, #tpu.memory_space<vmem>>, vector<1x16xf32>,
      %swap3A_64 = vector.shape_cast %swap3A_63 : vector<1x16xf32> to vector<16xf32>
      %swap3A_65 = vector.shape_cast %broadcast_in_dim3A_60 : vector<16xf32> to vector<1x16xf32>
      tpu.vector_store %arg10[%swap3A_61, %swap3A_62], %swap3A_65 {strides = array<i32>} : memref<128x128xf32, #tpu.memory_space<vmem>>, vector<1x16xf32>,
      %broadcast_in_dim3A_66 = arith.constant 0.000000e+00 : f32
      %broadcast_in_dim3A_67 = vector.broadcast %broadcast_in_dim3A_66 : f32 to vector<16xf32>
      %swap3A_68 = arith.index_cast %add3A_25 : i32 to index
      %swap3A_69 = arith.constant 96 : index
      %swap3A_70 = tpu.vector_load %arg10[%swap3A_68, %swap3A_69] {strides = array<i32>} : memref<128x128xf32, #tpu.memory_space<vmem>>, vector<1x16xf32>,
      %swap3A_71 = vector.shape_cast %swap3A_70 : vector<1x16xf32> to vector<16xf32>
      %swap3A_72 = vector.shape_cast %broadcast_in_dim3A_67 : vector<16xf32> to vector<1x16xf32>
      tpu.vector_store %arg10[%swap3A_68, %swap3A_69], %swap3A_72 {strides = array<i32>} : memref<128x128xf32, #tpu.memory_space<vmem>>, vector<1x16xf32>,
      %broadcast_in_dim3A_73 = arith.constant 0.000000e+00 : f32
      %broadcast_in_dim3A_74 = vector.broadcast %broadcast_in_dim3A_73 : f32 to vector<16xf32>
      %swap3A_75 = arith.index_cast %add3A_25 : i32 to index
      %swap3A_76 = arith.constant 112 : index
      %swap3A_77 = tpu.vector_load %arg10[%swap3A_75, %swap3A_76] {strides = array<i32>} : memref<128x128xf32, #tpu.memory_space<vmem>>, vector<1x16xf32>,
      %swap3A_78 = vector.shape_cast %swap3A_77 : vector<1x16xf32> to vector<16xf32>
      %swap3A_79 = vector.shape_cast %broadcast_in_dim3A_74 : vector<16xf32> to vector<1x16xf32>
      tpu.vector_store %arg10[%swap3A_75, %swap3A_76], %swap3A_79 {strides = array<i32>} : memref<128x128xf32, #tpu.memory_space<vmem>>, vector<1x16xf32>,
    }
    %scan3A_4 = arith.constant 128 : i32
    %scan3A_5 = arith.constant 0 : i32
    %scan3A_6 = arith.constant 5 : i32
    %scan3A_7 = arith.addi %scan3A_5, %scan3A_6 : i32
    %scan3A_8 = arith.constant 1 : i32
    scf.for %scan3A_21 = %scan3A_5 to %scan3A_7 step %scan3A_8  : i32 {
      %mul3A_22 = arith.constant 1 : i32
      %mul3A_23 = arith.muli %scan3A_21, %mul3A_22 : i32
      %add3A_24 = arith.constant 0 : i32
      %add3A_25 = arith.addi %add3A_24, %mul3A_23 : i32
      %mul3A_26 = arith.constant 640 : i32
      %mul3A_27 = arith.muli %arg1, %mul3A_26 : i32
      %mul3A_28 = arith.constant 128 : i32
      %mul3A_29 = arith.muli %add3A_25, %mul3A_28 : i32
      %add3A_30 = arith.addi %mul3A_27, %mul3A_29 : i32
      "tpu.region"() ({
        %run_scoped3A = tpu.sem_alloc : memref<!tpu.dma_semaphore, #tpu.memory_space<semaphore_mem>>
        %dma_start3A = arith.constant 0 : i32
        %dma_start3A_31 = tpu.memref_slice %arg11[%add3A_30, %dma_start3A] : memref<10240x128xf32, #tpu.memory_space<vmem_shared>> -> memref<128x128xf32, #tpu.memory_space<vmem_shared>>
        %dma_start3A_32 = arith.constant 0 : i32
        %dma_start3A_33 = tpu.memref_slice %arg11[%add3A_30, %dma_start3A_32] : memref<10240x128xf32, #tpu.memory_space<vmem_shared>> -> memref<128x128xf32, #tpu.memory_space<vmem_shared>>
        tpu.enqueue_dma source(%arg10 : memref<128x128xf32, #tpu.memory_space<vmem>>) target(%dma_start3A_33 : memref<128x128xf32, #tpu.memory_space<vmem_shared>>) target_semaphore(%run_scoped3A : memref<!tpu.dma_semaphore, #tpu.memory_space<semaphore_mem>>)
        %dma_wait3A = arith.constant 0 : i32
        %dma_wait3A_34 = tpu.memref_slice %arg11[%add3A_30, %dma_wait3A] : memref<10240x128xf32, #tpu.memory_space<vmem_shared>> -> memref<128x128xf32, #tpu.memory_space<vmem_shared>>
        %dma_wait3A_35 = arith.constant 0 : i32
        %dma_wait3A_36 = tpu.memref_slice %arg11[%add3A_30, %dma_wait3A_35] : memref<10240x128xf32, #tpu.memory_space<vmem_shared>> -> memref<128x128xf32, #tpu.memory_space<vmem_shared>>
        tpu.wait_dma2 semaphore(%run_scoped3A : memref<!tpu.dma_semaphore, #tpu.memory_space<semaphore_mem>>) src(%arg10 : memref<128x128xf32, #tpu.memory_space<vmem>>) dst(%dma_wait3A_36 : memref<128x128xf32, #tpu.memory_space<vmem_shared>>)
        tpu.yield
      }) : () -> ()
    }
    %scan3A_9 = arith.constant 5 : i32
    %barrier3A = arith.constant 0 : index
    tpu.barrier barrier_id(%barrier3A)
    %scan3A_10 = arith.constant 0 : i32
    %scan3A_11 = arith.constant 79 : i32
    %scan3A_12 = arith.addi %scan3A_10, %scan3A_11 : i32
    %scan3A_13 = arith.constant 1 : i32
    scf.for %scan3A_21 = %scan3A_10 to %scan3A_12 step %scan3A_13  : i32 {
      %mul3A_22 = arith.constant 1 : i32
      %mul3A_23 = arith.muli %scan3A_21, %mul3A_22 : i32
      %add3A_24 = arith.constant 0 : i32
      %add3A_25 = arith.addi %add3A_24, %mul3A_23 : i32
      %mul3A_26 = arith.constant 32 : i32
      %mul3A_27 = arith.muli %mul3A_26, %add3A_25 : i32
      %add3A_28 = arith.addi %add3A, %mul3A_27 : i32
      %lt3A = arith.constant 2500 : i32
      %lt3A_29 = arith.cmpi slt, %add3A_28, %lt3A : i32
      %convert_element_type3A = arith.extui %lt3A_29 : i1 to i32
      %cond3A = arith.constant 0 : i32
      %cond3A_30 = arith.cmpi ne, %convert_element_type3A, %cond3A : i32
      scf.if %cond3A_30 {
        %mul3A_31 = arith.constant 128 : i32
        %mul3A_32 = arith.muli %add3A_28, %mul3A_31 : i32
        "tpu.region"() ({
          %run_scoped3A = tpu.sem_alloc : memref<!tpu.dma_semaphore, #tpu.memory_space<semaphore_mem>>
          %dma_start3A_48 = tpu.memref_slice %arg3[%mul3A_32] : memref<320000xi32, #tpu.memory_space<hbm>> -> memref<128xi32, #tpu.memory_space<hbm>>
          %dma_start3A_49 = tpu.memref_slice %arg3[%mul3A_32] : memref<320000xi32, #tpu.memory_space<hbm>> -> memref<128xi32, #tpu.memory_space<hbm>>
          tpu.enqueue_dma source(%dma_start3A_49 : memref<128xi32, #tpu.memory_space<hbm>>) target(%arg7 : memref<128xi32, #tpu.memory_space<vmem>>) target_semaphore(%run_scoped3A : memref<!tpu.dma_semaphore, #tpu.memory_space<semaphore_mem>>)
          %dma_wait3A_50 = tpu.memref_slice %arg3[%mul3A_32] : memref<320000xi32, #tpu.memory_space<hbm>> -> memref<128xi32, #tpu.memory_space<hbm>>
          %dma_wait3A_51 = tpu.memref_slice %arg3[%mul3A_32] : memref<320000xi32, #tpu.memory_space<hbm>> -> memref<128xi32, #tpu.memory_space<hbm>>
          tpu.wait_dma2 semaphore(%run_scoped3A : memref<!tpu.dma_semaphore, #tpu.memory_space<semaphore_mem>>) src(%dma_wait3A_51 : memref<128xi32, #tpu.memory_space<hbm>>) dst(%arg7 : memref<128xi32, #tpu.memory_space<vmem>>)
          tpu.yield
        }) : () -> ()
        "tpu.region"() ({
          %run_scoped3A = tpu.sem_alloc : memref<!tpu.dma_semaphore, #tpu.memory_space<semaphore_mem>>
          %dma_start3A_48 = tpu.memref_slice %arg4[%mul3A_32] : memref<320000xi32, #tpu.memory_space<hbm>> -> memref<128xi32, #tpu.memory_space<hbm>>
          %dma_start3A_49 = tpu.memref_slice %arg4[%mul3A_32] : memref<320000xi32, #tpu.memory_space<hbm>> -> memref<128xi32, #tpu.memory_space<hbm>>
          tpu.enqueue_dma source(%dma_start3A_49 : memref<128xi32, #tpu.memory_space<hbm>>) target(%arg8 : memref<128xi32, #tpu.memory_space<vmem>>) target_semaphore(%run_scoped3A : memref<!tpu.dma_semaphore, #tpu.memory_space<semaphore_mem>>)
          %dma_wait3A_50 = tpu.memref_slice %arg4[%mul3A_32] : memref<320000xi32, #tpu.memory_space<hbm>> -> memref<128xi32, #tpu.memory_space<hbm>>
          %dma_wait3A_51 = tpu.memref_slice %arg4[%mul3A_32] : memref<320000xi32, #tpu.memory_space<hbm>> -> memref<128xi32, #tpu.memory_space<hbm>>
          tpu.wait_dma2 semaphore(%run_scoped3A : memref<!tpu.dma_semaphore, #tpu.memory_space<semaphore_mem>>) src(%dma_wait3A_51 : memref<128xi32, #tpu.memory_space<hbm>>) dst(%arg8 : memref<128xi32, #tpu.memory_space<vmem>>)
          tpu.yield
        }) : () -> ()
        "tpu.region"() ({
          %run_scoped3A = tpu.sem_alloc : memref<!tpu.dma_semaphore, #tpu.memory_space<semaphore_mem>>
          %dma_start3A_48 = tpu.memref_slice %arg5[%mul3A_32] : memref<320000xf32, #tpu.memory_space<hbm>> -> memref<128xf32, #tpu.memory_space<hbm>>
          %dma_start3A_49 = tpu.memref_slice %arg5[%mul3A_32] : memref<320000xf32, #tpu.memory_space<hbm>> -> memref<128xf32, #tpu.memory_space<hbm>>
          tpu.enqueue_dma source(%dma_start3A_49 : memref<128xf32, #tpu.memory_space<hbm>>) target(%arg9 : memref<128xf32, #tpu.memory_space<vmem>>) target_semaphore(%run_scoped3A : memref<!tpu.dma_semaphore, #tpu.memory_space<semaphore_mem>>)
          %dma_wait3A_50 = tpu.memref_slice %arg5[%mul3A_32] : memref<320000xf32, #tpu.memory_space<hbm>> -> memref<128xf32, #tpu.memory_space<hbm>>
          %dma_wait3A_51 = tpu.memref_slice %arg5[%mul3A_32] : memref<320000xf32, #tpu.memory_space<hbm>> -> memref<128xf32, #tpu.memory_space<hbm>>
          tpu.wait_dma2 semaphore(%run_scoped3A : memref<!tpu.dma_semaphore, #tpu.memory_space<semaphore_mem>>) src(%dma_wait3A_51 : memref<128xf32, #tpu.memory_space<hbm>>) dst(%arg9 : memref<128xf32, #tpu.memory_space<vmem>>)
          tpu.yield
        }) : () -> ()
        %dma_start3A = arith.constant 0 : i32
        %dma_start3A_33 = arith.constant 0 : i32
        %dma_start3A_34 = tpu.memref_slice %arg2[%dma_start3A, %dma_start3A_33] : memref<10000x128xf32, #tpu.memory_space<hbm>> -> memref<10000x128xf32, #tpu.memory_space<hbm>>
        tpu.enqueue_indirect_dma source(%dma_start3A_34 : memref<10000x128xf32, #tpu.memory_space<hbm>>) target(%arg10 : memref<128x128xf32, #tpu.memory_space<vmem>>) offsets(%arg7 : memref<128xi32, #tpu.memory_space<vmem>>) semaphore(%arg12 : memref<!tpu.dma_semaphore, #tpu.memory_space<semaphore_mem>>)
        %dma_wait3A = arith.constant 0 : i32
        %dma_wait3A_35 = arith.constant 0 : i32
        %dma_wait3A_36 = tpu.memref_slice %arg2[%dma_wait3A, %dma_wait3A_35] : memref<10000x128xf32, #tpu.memory_space<hbm>> -> memref<10000x128xf32, #tpu.memory_space<hbm>>
        tpu.wait_indirect_dma semaphore(%arg12 : memref<!tpu.dma_semaphore, #tpu.memory_space<semaphore_mem>>) src(%dma_wait3A_36 : memref<10000x128xf32, #tpu.memory_space<hbm>>) dst(%arg10 : memref<128x128xf32, #tpu.memory_space<vmem>>)
        %scan3A_37 = arith.constant 0 : i32
        %scan3A_38 = arith.constant 8 : i32
        %scan3A_39 = arith.addi %scan3A_37, %scan3A_38 : i32
        %scan3A_40 = arith.constant 1 : i32
        scf.for %scan3A_48 = %scan3A_37 to %scan3A_39 step %scan3A_40  : i32 {
          %mul3A_49 = arith.constant 16 : i32
          %mul3A_50 = arith.muli %scan3A_48, %mul3A_49 : i32
          %add3A_51 = arith.constant 0 : i32
          %add3A_52 = arith.addi %add3A_51, %mul3A_50 : i32
          %get3A = arith.index_cast %add3A_52 : i32 to index
          %get3A_53 = tpu.vector_load %arg9[%get3A] {strides = array<i32>} : memref<128xf32, #tpu.memory_space<vmem>>, vector<16xf32>,
          %get3A_54 = vector.shape_cast %get3A_53 : vector<16xf32> to vector<16xf32>
          %slice3A = vector.extract_strided_slice %get3A_54 {offsets = [0], sizes = [1], strides = [1]} : vector<16xf32> to vector<1xf32>
          %squeeze3A = vector.extract %slice3A[0] : f32 from vector<1xf32>
          %broadcast_in_dim3A = vector.broadcast %squeeze3A : f32 to vector<16xf32>
          %add3A_55 = arith.constant 0 : i32
          %add3A_56 = arith.addi %add3A_52, %add3A_55 : i32
          %get3A_57 = arith.index_cast %add3A_56 : i32 to index
          %get3A_58 = arith.constant 0 : index
          %get3A_59 = tpu.vector_load %arg10[%get3A_57, %get3A_58] {strides = array<i32>} : memref<128x128xf32, #tpu.memory_space<vmem>>, vector<1x16xf32>,
          %get3A_60 = vector.shape_cast %get3A_59 : vector<1x16xf32> to vector<16xf32>
          %mul3A_61 = arith.mulf %get3A_60, %broadcast_in_dim3A : vector<16xf32>
          %swap3A = arith.index_cast %add3A_56 : i32 to index
          %swap3A_62 = arith.constant 0 : index
          %swap3A_63 = tpu.vector_load %arg10[%swap3A, %swap3A_62] {strides = array<i32>} : memref<128x128xf32, #tpu.memory_space<vmem>>, vector<1x16xf32>,
          %swap3A_64 = vector.shape_cast %swap3A_63 : vector<1x16xf32> to vector<16xf32>
          %swap3A_65 = vector.shape_cast %mul3A_61 : vector<16xf32> to vector<1x16xf32>
          tpu.vector_store %arg10[%swap3A, %swap3A_62], %swap3A_65 {strides = array<i32>} : memref<128x128xf32, #tpu.memory_space<vmem>>, vector<1x16xf32>,
          %get3A_66 = arith.index_cast %add3A_56 : i32 to index
          %get3A_67 = arith.constant 16 : index
          %get3A_68 = tpu.vector_load %arg10[%get3A_66, %get3A_67] {strides = array<i32>} : memref<128x128xf32, #tpu.memory_space<vmem>>, vector<1x16xf32>,
          %get3A_69 = vector.shape_cast %get3A_68 : vector<1x16xf32> to vector<16xf32>
          %mul3A_70 = arith.mulf %get3A_69, %broadcast_in_dim3A : vector<16xf32>
          %swap3A_71 = arith.index_cast %add3A_56 : i32 to index
          %swap3A_72 = arith.constant 16 : index
          %swap3A_73 = tpu.vector_load %arg10[%swap3A_71, %swap3A_72] {strides = array<i32>} : memref<128x128xf32, #tpu.memory_space<vmem>>, vector<1x16xf32>,
          %swap3A_74 = vector.shape_cast %swap3A_73 : vector<1x16xf32> to vector<16xf32>
          %swap3A_75 = vector.shape_cast %mul3A_70 : vector<16xf32> to vector<1x16xf32>
          tpu.vector_store %arg10[%swap3A_71, %swap3A_72], %swap3A_75 {strides = array<i32>} : memref<128x128xf32, #tpu.memory_space<vmem>>, vector<1x16xf32>,
          %get3A_76 = arith.index_cast %add3A_56 : i32 to index
          %get3A_77 = arith.constant 32 : index
          %get3A_78 = tpu.vector_load %arg10[%get3A_76, %get3A_77] {strides = array<i32>} : memref<128x128xf32, #tpu.memory_space<vmem>>, vector<1x16xf32>,
          %get3A_79 = vector.shape_cast %get3A_78 : vector<1x16xf32> to vector<16xf32>
          %mul3A_80 = arith.mulf %get3A_79, %broadcast_in_dim3A : vector<16xf32>
          %swap3A_81 = arith.index_cast %add3A_56 : i32 to index
          %swap3A_82 = arith.constant 32 : index
          %swap3A_83 = tpu.vector_load %arg10[%swap3A_81, %swap3A_82] {strides = array<i32>} : memref<128x128xf32, #tpu.memory_space<vmem>>, vector<1x16xf32>,
          %swap3A_84 = vector.shape_cast %swap3A_83 : vector<1x16xf32> to vector<16xf32>
          %swap3A_85 = vector.shape_cast %mul3A_80 : vector<16xf32> to vector<1x16xf32>
          tpu.vector_store %arg10[%swap3A_81, %swap3A_82], %swap3A_85 {strides = array<i32>} : memref<128x128xf32, #tpu.memory_space<vmem>>, vector<1x16xf32>,
          %get3A_86 = arith.index_cast %add3A_56 : i32 to index
          %get3A_87 = arith.constant 48 : index
          %get3A_88 = tpu.vector_load %arg10[%get3A_86, %get3A_87] {strides = array<i32>} : memref<128x128xf32, #tpu.memory_space<vmem>>, vector<1x16xf32>,
          %get3A_89 = vector.shape_cast %get3A_88 : vector<1x16xf32> to vector<16xf32>
          %mul3A_90 = arith.mulf %get3A_89, %broadcast_in_dim3A : vector<16xf32>
          %swap3A_91 = arith.index_cast %add3A_56 : i32 to index
          %swap3A_92 = arith.constant 48 : index
          %swap3A_93 = tpu.vector_load %arg10[%swap3A_91, %swap3A_92] {strides = array<i32>} : memref<128x128xf32, #tpu.memory_space<vmem>>, vector<1x16xf32>,
          %swap3A_94 = vector.shape_cast %swap3A_93 : vector<1x16xf32> to vector<16xf32>
          %swap3A_95 = vector.shape_cast %mul3A_90 : vector<16xf32> to vector<1x16xf32>
          tpu.vector_store %arg10[%swap3A_91, %swap3A_92], %swap3A_95 {strides = array<i32>} : memref<128x128xf32, #tpu.memory_space<vmem>>, vector<1x16xf32>,
          %get3A_96 = arith.index_cast %add3A_56 : i32 to index
          %get3A_97 = arith.constant 64 : index
          %get3A_98 = tpu.vector_load %arg10[%get3A_96, %get3A_97] {strides = array<i32>} : memref<128x128xf32, #tpu.memory_space<vmem>>, vector<1x16xf32>,
          %get3A_99 = vector.shape_cast %get3A_98 : vector<1x16xf32> to vector<16xf32>
          %mul3A_100 = arith.mulf %get3A_99, %broadcast_in_dim3A : vector<16xf32>
          %swap3A_101 = arith.index_cast %add3A_56 : i32 to index
          %swap3A_102 = arith.constant 64 : index
          %swap3A_103 = tpu.vector_load %arg10[%swap3A_101, %swap3A_102] {strides = array<i32>} : memref<128x128xf32, #tpu.memory_space<vmem>>, vector<1x16xf32>,
          %swap3A_104 = vector.shape_cast %swap3A_103 : vector<1x16xf32> to vector<16xf32>
          %swap3A_105 = vector.shape_cast %mul3A_100 : vector<16xf32> to vector<1x16xf32>
          tpu.vector_store %arg10[%swap3A_101, %swap3A_102], %swap3A_105 {strides = array<i32>} : memref<128x128xf32, #tpu.memory_space<vmem>>, vector<1x16xf32>,
          %get3A_106 = arith.index_cast %add3A_56 : i32 to index
          %get3A_107 = arith.constant 80 : index
          %get3A_108 = tpu.vector_load %arg10[%get3A_106, %get3A_107] {strides = array<i32>} : memref<128x128xf32, #tpu.memory_space<vmem>>, vector<1x16xf32>,
          %get3A_109 = vector.shape_cast %get3A_108 : vector<1x16xf32> to vector<16xf32>
          %mul3A_110 = arith.mulf %get3A_109, %broadcast_in_dim3A : vector<16xf32>
          %swap3A_111 = arith.index_cast %add3A_56 : i32 to index
          %swap3A_112 = arith.constant 80 : index
          %swap3A_113 = tpu.vector_load %arg10[%swap3A_111, %swap3A_112] {strides = array<i32>} : memref<128x128xf32, #tpu.memory_space<vmem>>, vector<1x16xf32>,
          %swap3A_114 = vector.shape_cast %swap3A_113 : vector<1x16xf32> to vector<16xf32>
          %swap3A_115 = vector.shape_cast %mul3A_110 : vector<16xf32> to vector<1x16xf32>
          tpu.vector_store %arg10[%swap3A_111, %swap3A_112], %swap3A_115 {strides = array<i32>} : memref<128x128xf32, #tpu.memory_space<vmem>>, vector<1x16xf32>,
          %get3A_116 = arith.index_cast %add3A_56 : i32 to index
          %get3A_117 = arith.constant 96 : index
          %get3A_118 = tpu.vector_load %arg10[%get3A_116, %get3A_117] {strides = array<i32>} : memref<128x128xf32, #tpu.memory_space<vmem>>, vector<1x16xf32>,
          %get3A_119 = vector.shape_cast %get3A_118 : vector<1x16xf32> to vector<16xf32>
          %mul3A_120 = arith.mulf %get3A_119, %broadcast_in_dim3A : vector<16xf32>
          %swap3A_121 = arith.index_cast %add3A_56 : i32 to index
          %swap3A_122 = arith.constant 96 : index
          %swap3A_123 = tpu.vector_load %arg10[%swap3A_121, %swap3A_122] {strides = array<i32>} : memref<128x128xf32, #tpu.memory_space<vmem>>, vector<1x16xf32>,
          %swap3A_124 = vector.shape_cast %swap3A_123 : vector<1x16xf32> to vector<16xf32>
          %swap3A_125 = vector.shape_cast %mul3A_120 : vector<16xf32> to vector<1x16xf32>
          tpu.vector_store %arg10[%swap3A_121, %swap3A_122], %swap3A_125 {strides = array<i32>} : memref<128x128xf32, #tpu.memory_space<vmem>>, vector<1x16xf32>,
          %get3A_126 = arith.index_cast %add3A_56 : i32 to index
          %get3A_127 = arith.constant 112 : index
          %get3A_128 = tpu.vector_load %arg10[%get3A_126, %get3A_127] {strides = array<i32>} : memref<128x128xf32, #tpu.memory_space<vmem>>, vector<1x16xf32>,
          %get3A_129 = vector.shape_cast %get3A_128 : vector<1x16xf32> to vector<16xf32>
          %mul3A_130 = arith.mulf %get3A_129, %broadcast_in_dim3A : vector<16xf32>
          %swap3A_131 = arith.index_cast %add3A_56 : i32 to index
          %swap3A_132 = arith.constant 112 : index
          %swap3A_133 = tpu.vector_load %arg10[%swap3A_131, %swap3A_132] {strides = array<i32>} : memref<128x128xf32, #tpu.memory_space<vmem>>, vector<1x16xf32>,
          %swap3A_134 = vector.shape_cast %swap3A_133 : vector<1x16xf32> to vector<16xf32>
          %swap3A_135 = vector.shape_cast %mul3A_130 : vector<16xf32> to vector<1x16xf32>
          tpu.vector_store %arg10[%swap3A_131, %swap3A_132], %swap3A_135 {strides = array<i32>} : memref<128x128xf32, #tpu.memory_space<vmem>>, vector<1x16xf32>,
          %slice3A_136 = vector.extract_strided_slice %get3A_54 {offsets = [1], sizes = [1], strides = [1]} : vector<16xf32> to vector<1xf32>
          %squeeze3A_137 = vector.extract %slice3A_136[0] : f32 from vector<1xf32>
          %broadcast_in_dim3A_138 = vector.broadcast %squeeze3A_137 : f32 to vector<16xf32>
          %add3A_139 = arith.constant 1 : i32
          %add3A_140 = arith.addi %add3A_52, %add3A_139 : i32
          %get3A_141 = arith.index_cast %add3A_140 : i32 to index
          %get3A_142 = arith.constant 0 : index
          %get3A_143 = tpu.vector_load %arg10[%get3A_141, %get3A_142] {strides = array<i32>} : memref<128x128xf32, #tpu.memory_space<vmem>>, vector<1x16xf32>,
          %get3A_144 = vector.shape_cast %get3A_143 : vector<1x16xf32> to vector<16xf32>
          %mul3A_145 = arith.mulf %get3A_144, %broadcast_in_dim3A_138 : vector<16xf32>
          %swap3A_146 = arith.index_cast %add3A_140 : i32 to index
          %swap3A_147 = arith.constant 0 : index
          %swap3A_148 = tpu.vector_load %arg10[%swap3A_146, %swap3A_147] {strides = array<i32>} : memref<128x128xf32, #tpu.memory_space<vmem>>, vector<1x16xf32>,
          %swap3A_149 = vector.shape_cast %swap3A_148 : vector<1x16xf32> to vector<16xf32>
          %swap3A_150 = vector.shape_cast %mul3A_145 : vector<16xf32> to vector<1x16xf32>
          tpu.vector_store %arg10[%swap3A_146, %swap3A_147], %swap3A_150 {strides = array<i32>} : memref<128x128xf32, #tpu.memory_space<vmem>>, vector<1x16xf32>,
          %get3A_151 = arith.index_cast %add3A_140 : i32 to index
          %get3A_152 = arith.constant 16 : index
          %get3A_153 = tpu.vector_load %arg10[%get3A_151, %get3A_152] {strides = array<i32>} : memref<128x128xf32, #tpu.memory_space<vmem>>, vector<1x16xf32>,
          %get3A_154 = vector.shape_cast %get3A_153 : vector<1x16xf32> to vector<16xf32>
          %mul3A_155 = arith.mulf %get3A_154, %broadcast_in_dim3A_138 : vector<16xf32>
          %swap3A_156 = arith.index_cast %add3A_140 : i32 to index
          %swap3A_157 = arith.constant 16 : index
          %swap3A_158 = tpu.vector_load %arg10[%swap3A_156, %swap3A_157] {strides = array<i32>} : memref<128x128xf32, #tpu.memory_space<vmem>>, vector<1x16xf32>,
          %swap3A_159 = vector.shape_cast %swap3A_158 : vector<1x16xf32> to vector<16xf32>
          %swap3A_160 = vector.shape_cast %mul3A_155 : vector<16xf32> to vector<1x16xf32>
          tpu.vector_store %arg10[%swap3A_156, %swap3A_157], %swap3A_160 {strides = array<i32>} : memref<128x128xf32, #tpu.memory_space<vmem>>, vector<1x16xf32>,
          %get3A_161 = arith.index_cast %add3A_140 : i32 to index
          %get3A_162 = arith.constant 32 : index
          %get3A_163 = tpu.vector_load %arg10[%get3A_161, %get3A_162] {strides = array<i32>} : memref<128x128xf32, #tpu.memory_space<vmem>>, vector<1x16xf32>,
          %get3A_164 = vector.shape_cast %get3A_163 : vector<1x16xf32> to vector<16xf32>
          %mul3A_165 = arith.mulf %get3A_164, %broadcast_in_dim3A_138 : vector<16xf32>
          %swap3A_166 = arith.index_cast %add3A_140 : i32 to index
          %swap3A_167 = arith.constant 32 : index
          %swap3A_168 = tpu.vector_load %arg10[%swap3A_166, %swap3A_167] {strides = array<i32>} : memref<128x128xf32, #tpu.memory_space<vmem>>, vector<1x16xf32>,
          %swap3A_169 = vector.shape_cast %swap3A_168 : vector<1x16xf32> to vector<16xf32>
          %swap3A_170 = vector.shape_cast %mul3A_165 : vector<16xf32> to vector<1x16xf32>
          tpu.vector_store %arg10[%swap3A_166, %swap3A_167], %swap3A_170 {strides = array<i32>} : memref<128x128xf32, #tpu.memory_space<vmem>>, vector<1x16xf32>,
          %get3A_171 = arith.index_cast %add3A_140 : i32 to index
          %get3A_172 = arith.constant 48 : index
          %get3A_173 = tpu.vector_load %arg10[%get3A_171, %get3A_172] {strides = array<i32>} : memref<128x128xf32, #tpu.memory_space<vmem>>, vector<1x16xf32>,
          %get3A_174 = vector.shape_cast %get3A_173 : vector<1x16xf32> to vector<16xf32>
          %mul3A_175 = arith.mulf %get3A_174, %broadcast_in_dim3A_138 : vector<16xf32>
          %swap3A_176 = arith.index_cast %add3A_140 : i32 to index
          %swap3A_177 = arith.constant 48 : index
          %swap3A_178 = tpu.vector_load %arg10[%swap3A_176, %swap3A_177] {strides = array<i32>} : memref<128x128xf32, #tpu.memory_space<vmem>>, vector<1x16xf32>,
          %swap3A_179 = vector.shape_cast %swap3A_178 : vector<1x16xf32> to vector<16xf32>
          %swap3A_180 = vector.shape_cast %mul3A_175 : vector<16xf32> to vector<1x16xf32>
          tpu.vector_store %arg10[%swap3A_176, %swap3A_177], %swap3A_180 {strides = array<i32>} : memref<128x128xf32, #tpu.memory_space<vmem>>, vector<1x16xf32>,
          %get3A_181 = arith.index_cast %add3A_140 : i32 to index
          %get3A_182 = arith.constant 64 : index
          %get3A_183 = tpu.vector_load %arg10[%get3A_181, %get3A_182] {strides = array<i32>} : memref<128x128xf32, #tpu.memory_space<vmem>>, vector<1x16xf32>,
          %get3A_184 = vector.shape_cast %get3A_183 : vector<1x16xf32> to vector<16xf32>
          %mul3A_185 = arith.mulf %get3A_184, %broadcast_in_dim3A_138 : vector<16xf32>
          %swap3A_186 = arith.index_cast %add3A_140 : i32 to index
          %swap3A_187 = arith.constant 64 : index
          %swap3A_188 = tpu.vector_load %arg10[%swap3A_186, %swap3A_187] {strides = array<i32>} : memref<128x128xf32, #tpu.memory_space<vmem>>, vector<1x16xf32>,
          %swap3A_189 = vector.shape_cast %swap3A_188 : vector<1x16xf32> to vector<16xf32>
          %swap3A_190 = vector.shape_cast %mul3A_185 : vector<16xf32> to vector<1x16xf32>
          tpu.vector_store %arg10[%swap3A_186, %swap3A_187], %swap3A_190 {strides = array<i32>} : memref<128x128xf32, #tpu.memory_space<vmem>>, vector<1x16xf32>,
          %get3A_191 = arith.index_cast %add3A_140 : i32 to index
          %get3A_192 = arith.constant 80 : index
          %get3A_193 = tpu.vector_load %arg10[%get3A_191, %get3A_192] {strides = array<i32>} : memref<128x128xf32, #tpu.memory_space<vmem>>, vector<1x16xf32>,
          %get3A_194 = vector.shape_cast %get3A_193 : vector<1x16xf32> to vector<16xf32>
          %mul3A_195 = arith.mulf %get3A_194, %broadcast_in_dim3A_138 : vector<16xf32>
          %swap3A_196 = arith.index_cast %add3A_140 : i32 to index
          %swap3A_197 = arith.constant 80 : index
          %swap3A_198 = tpu.vector_load %arg10[%swap3A_196, %swap3A_197] {strides = array<i32>} : memref<128x128xf32, #tpu.memory_space<vmem>>, vector<1x16xf32>,
          %swap3A_199 = vector.shape_cast %swap3A_198 : vector<1x16xf32> to vector<16xf32>
          %swap3A_200 = vector.shape_cast %mul3A_195 : vector<16xf32> to vector<1x16xf32>
          tpu.vector_store %arg10[%swap3A_196, %swap3A_197], %swap3A_200 {strides = array<i32>} : memref<128x128xf32, #tpu.memory_space<vmem>>, vector<1x16xf32>,
          %get3A_201 = arith.index_cast %add3A_140 : i32 to index
          %get3A_202 = arith.constant 96 : index
          %get3A_203 = tpu.vector_load %arg10[%get3A_201, %get3A_202] {strides = array<i32>} : memref<128x128xf32, #tpu.memory_space<vmem>>, vector<1x16xf32>,
          %get3A_204 = vector.shape_cast %get3A_203 : vector<1x16xf32> to vector<16xf32>
          %mul3A_205 = arith.mulf %get3A_204, %broadcast_in_dim3A_138 : vector<16xf32>
          %swap3A_206 = arith.index_cast %add3A_140 : i32 to index
          %swap3A_207 = arith.constant 96 : index
          %swap3A_208 = tpu.vector_load %arg10[%swap3A_206, %swap3A_207] {strides = array<i32>} : memref<128x128xf32, #tpu.memory_space<vmem>>, vector<1x16xf32>,
          %swap3A_209 = vector.shape_cast %swap3A_208 : vector<1x16xf32> to vector<16xf32>
          %swap3A_210 = vector.shape_cast %mul3A_205 : vector<16xf32> to vector<1x16xf32>
          tpu.vector_store %arg10[%swap3A_206, %swap3A_207], %swap3A_210 {strides = array<i32>} : memref<128x128xf32, #tpu.memory_space<vmem>>, vector<1x16xf32>,
          %get3A_211 = arith.index_cast %add3A_140 : i32 to index
          %get3A_212 = arith.constant 112 : index
          %get3A_213 = tpu.vector_load %arg10[%get3A_211, %get3A_212] {strides = array<i32>} : memref<128x128xf32, #tpu.memory_space<vmem>>, vector<1x16xf32>,
          %get3A_214 = vector.shape_cast %get3A_213 : vector<1x16xf32> to vector<16xf32>
          %mul3A_215 = arith.mulf %get3A_214, %broadcast_in_dim3A_138 : vector<16xf32>
          %swap3A_216 = arith.index_cast %add3A_140 : i32 to index
          %swap3A_217 = arith.constant 112 : index
          %swap3A_218 = tpu.vector_load %arg10[%swap3A_216, %swap3A_217] {strides = array<i32>} : memref<128x128xf32, #tpu.memory_space<vmem>>, vector<1x16xf32>,
          %swap3A_219 = vector.shape_cast %swap3A_218 : vector<1x16xf32> to vector<16xf32>
          %swap3A_220 = vector.shape_cast %mul3A_215 : vector<16xf32> to vector<1x16xf32>
          tpu.vector_store %arg10[%swap3A_216, %swap3A_217], %swap3A_220 {strides = array<i32>} : memref<128x128xf32, #tpu.memory_space<vmem>>, vector<1x16xf32>,
          %slice3A_221 = vector.extract_strided_slice %get3A_54 {offsets = [2], sizes = [1], strides = [1]} : vector<16xf32> to vector<1xf32>
          %squeeze3A_222 = vector.extract %slice3A_221[0] : f32 from vector<1xf32>
          %broadcast_in_dim3A_223 = vector.broadcast %squeeze3A_222 : f32 to vector<16xf32>
          %add3A_224 = arith.constant 2 : i32
          %add3A_225 = arith.addi %add3A_52, %add3A_224 : i32
          %get3A_226 = arith.index_cast %add3A_225 : i32 to index
          %get3A_227 = arith.constant 0 : index
          %get3A_228 = tpu.vector_load %arg10[%get3A_226, %get3A_227] {strides = array<i32>} : memref<128x128xf32, #tpu.memory_space<vmem>>, vector<1x16xf32>,
          %get3A_229 = vector.shape_cast %get3A_228 : vector<1x16xf32> to vector<16xf32>
          %mul3A_230 = arith.mulf %get3A_229, %broadcast_in_dim3A_223 : vector<16xf32>
          %swap3A_231 = arith.index_cast %add3A_225 : i32 to index
          %swap3A_232 = arith.constant 0 : index
          %swap3A_233 = tpu.vector_load %arg10[%swap3A_231, %swap3A_232] {strides = array<i32>} : memref<128x128xf32, #tpu.memory_space<vmem>>, vector<1x16xf32>,
          %swap3A_234 = vector.shape_cast %swap3A_233 : vector<1x16xf32> to vector<16xf32>
          %swap3A_235 = vector.shape_cast %mul3A_230 : vector<16xf32> to vector<1x16xf32>
          tpu.vector_store %arg10[%swap3A_231, %swap3A_232], %swap3A_235 {strides = array<i32>} : memref<128x128xf32, #tpu.memory_space<vmem>>, vector<1x16xf32>,
          %get3A_236 = arith.index_cast %add3A_225 : i32 to index
          %get3A_237 = arith.constant 16 : index
          %get3A_238 = tpu.vector_load %arg10[%get3A_236, %get3A_237] {strides = array<i32>} : memref<128x128xf32, #tpu.memory_space<vmem>>, vector<1x16xf32>,
          %get3A_239 = vector.shape_cast %get3A_238 : vector<1x16xf32> to vector<16xf32>
          %mul3A_240 = arith.mulf %get3A_239, %broadcast_in_dim3A_223 : vector<16xf32>
          %swap3A_241 = arith.index_cast %add3A_225 : i32 to index
          %swap3A_242 = arith.constant 16 : index
          %swap3A_243 = tpu.vector_load %arg10[%swap3A_241, %swap3A_242] {strides = array<i32>} : memref<128x128xf32, #tpu.memory_space<vmem>>, vector<1x16xf32>,
          %swap3A_244 = vector.shape_cast %swap3A_243 : vector<1x16xf32> to vector<16xf32>
          %swap3A_245 = vector.shape_cast %mul3A_240 : vector<16xf32> to vector<1x16xf32>
          tpu.vector_store %arg10[%swap3A_241, %swap3A_242], %swap3A_245 {strides = array<i32>} : memref<128x128xf32, #tpu.memory_space<vmem>>, vector<1x16xf32>,
          %get3A_246 = arith.index_cast %add3A_225 : i32 to index
          %get3A_247 = arith.constant 32 : index
          %get3A_248 = tpu.vector_load %arg10[%get3A_246, %get3A_247] {strides = array<i32>} : memref<128x128xf32, #tpu.memory_space<vmem>>, vector<1x16xf32>,
          %get3A_249 = vector.shape_cast %get3A_248 : vector<1x16xf32> to vector<16xf32>
          %mul3A_250 = arith.mulf %get3A_249, %broadcast_in_dim3A_223 : vector<16xf32>
          %swap3A_251 = arith.index_cast %add3A_225 : i32 to index
          %swap3A_252 = arith.constant 32 : index
          %swap3A_253 = tpu.vector_load %arg10[%swap3A_251, %swap3A_252] {strides = array<i32>} : memref<128x128xf32, #tpu.memory_space<vmem>>, vector<1x16xf32>,
          %swap3A_254 = vector.shape_cast %swap3A_253 : vector<1x16xf32> to vector<16xf32>
          %swap3A_255 = vector.shape_cast %mul3A_250 : vector<16xf32> to vector<1x16xf32>
          tpu.vector_store %arg10[%swap3A_251, %swap3A_252], %swap3A_255 {strides = array<i32>} : memref<128x128xf32, #tpu.memory_space<vmem>>, vector<1x16xf32>,
          %get3A_256 = arith.index_cast %add3A_225 : i32 to index
          %get3A_257 = arith.constant 48 : index
          %get3A_258 = tpu.vector_load %arg10[%get3A_256, %get3A_257] {strides = array<i32>} : memref<128x128xf32, #tpu.memory_space<vmem>>, vector<1x16xf32>,
          %get3A_259 = vector.shape_cast %get3A_258 : vector<1x16xf32> to vector<16xf32>
          %mul3A_260 = arith.mulf %get3A_259, %broadcast_in_dim3A_223 : vector<16xf32>
          %swap3A_261 = arith.index_cast %add3A_225 : i32 to index
          %swap3A_262 = arith.constant 48 : index
          %swap3A_263 = tpu.vector_load %arg10[%swap3A_261, %swap3A_262] {strides = array<i32>} : memref<128x128xf32, #tpu.memory_space<vmem>>, vector<1x16xf32>,
          %swap3A_264 = vector.shape_cast %swap3A_263 : vector<1x16xf32> to vector<16xf32>
          %swap3A_265 = vector.shape_cast %mul3A_260 : vector<16xf32> to vector<1x16xf32>
          tpu.vector_store %arg10[%swap3A_261, %swap3A_262], %swap3A_265 {strides = array<i32>} : memref<128x128xf32, #tpu.memory_space<vmem>>, vector<1x16xf32>,
          %get3A_266 = arith.index_cast %add3A_225 : i32 to index
          %get3A_267 = arith.constant 64 : index
          %get3A_268 = tpu.vector_load %arg10[%get3A_266, %get3A_267] {strides = array<i32>} : memref<128x128xf32, #tpu.memory_space<vmem>>, vector<1x16xf32>,
          %get3A_269 = vector.shape_cast %get3A_268 : vector<1x16xf32> to vector<16xf32>
          %mul3A_270 = arith.mulf %get3A_269, %broadcast_in_dim3A_223 : vector<16xf32>
          %swap3A_271 = arith.index_cast %add3A_225 : i32 to index
          %swap3A_272 = arith.constant 64 : index
          %swap3A_273 = tpu.vector_load %arg10[%swap3A_271, %swap3A_272] {strides = array<i32>} : memref<128x128xf32, #tpu.memory_space<vmem>>, vector<1x16xf32>,
          %swap3A_274 = vector.shape_cast %swap3A_273 : vector<1x16xf32> to vector<16xf32>
          %swap3A_275 = vector.shape_cast %mul3A_270 : vector<16xf32> to vector<1x16xf32>
          tpu.vector_store %arg10[%swap3A_271, %swap3A_272], %swap3A_275 {strides = array<i32>} : memref<128x128xf32, #tpu.memory_space<vmem>>, vector<1x16xf32>,
          %get3A_276 = arith.index_cast %add3A_225 : i32 to index
          %get3A_277 = arith.constant 80 : index
          %get3A_278 = tpu.vector_load %arg10[%get3A_276, %get3A_277] {strides = array<i32>} : memref<128x128xf32, #tpu.memory_space<vmem>>, vector<1x16xf32>,
          %get3A_279 = vector.shape_cast %get3A_278 : vector<1x16xf32> to vector<16xf32>
          %mul3A_280 = arith.mulf %get3A_279, %broadcast_in_dim3A_223 : vector<16xf32>
          %swap3A_281 = arith.index_cast %add3A_225 : i32 to index
          %swap3A_282 = arith.constant 80 : index
          %swap3A_283 = tpu.vector_load %arg10[%swap3A_281, %swap3A_282] {strides = array<i32>} : memref<128x128xf32, #tpu.memory_space<vmem>>, vector<1x16xf32>,
          %swap3A_284 = vector.shape_cast %swap3A_283 : vector<1x16xf32> to vector<16xf32>
          %swap3A_285 = vector.shape_cast %mul3A_280 : vector<16xf32> to vector<1x16xf32>
          tpu.vector_store %arg10[%swap3A_281, %swap3A_282], %swap3A_285 {strides = array<i32>} : memref<128x128xf32, #tpu.memory_space<vmem>>, vector<1x16xf32>,
          %get3A_286 = arith.index_cast %add3A_225 : i32 to index
          %get3A_287 = arith.constant 96 : index
          %get3A_288 = tpu.vector_load %arg10[%get3A_286, %get3A_287] {strides = array<i32>} : memref<128x128xf32, #tpu.memory_space<vmem>>, vector<1x16xf32>,
          %get3A_289 = vector.shape_cast %get3A_288 : vector<1x16xf32> to vector<16xf32>
          %mul3A_290 = arith.mulf %get3A_289, %broadcast_in_dim3A_223 : vector<16xf32>
          %swap3A_291 = arith.index_cast %add3A_225 : i32 to index
          %swap3A_292 = arith.constant 96 : index
          %swap3A_293 = tpu.vector_load %arg10[%swap3A_291, %swap3A_292] {strides = array<i32>} : memref<128x128xf32, #tpu.memory_space<vmem>>, vector<1x16xf32>,
          %swap3A_294 = vector.shape_cast %swap3A_293 : vector<1x16xf32> to vector<16xf32>
          %swap3A_295 = vector.shape_cast %mul3A_290 : vector<16xf32> to vector<1x16xf32>
          tpu.vector_store %arg10[%swap3A_291, %swap3A_292], %swap3A_295 {strides = array<i32>} : memref<128x128xf32, #tpu.memory_space<vmem>>, vector<1x16xf32>,
          %get3A_296 = arith.index_cast %add3A_225 : i32 to index
          %get3A_297 = arith.constant 112 : index
          %get3A_298 = tpu.vector_load %arg10[%get3A_296, %get3A_297] {strides = array<i32>} : memref<128x128xf32, #tpu.memory_space<vmem>>, vector<1x16xf32>,
          %get3A_299 = vector.shape_cast %get3A_298 : vector<1x16xf32> to vector<16xf32>
          %mul3A_300 = arith.mulf %get3A_299, %broadcast_in_dim3A_223 : vector<16xf32>
          %swap3A_301 = arith.index_cast %add3A_225 : i32 to index
          %swap3A_302 = arith.constant 112 : index
          %swap3A_303 = tpu.vector_load %arg10[%swap3A_301, %swap3A_302] {strides = array<i32>} : memref<128x128xf32, #tpu.memory_space<vmem>>, vector<1x16xf32>,
          %swap3A_304 = vector.shape_cast %swap3A_303 : vector<1x16xf32> to vector<16xf32>
          %swap3A_305 = vector.shape_cast %mul3A_300 : vector<16xf32> to vector<1x16xf32>
          tpu.vector_store %arg10[%swap3A_301, %swap3A_302], %swap3A_305 {strides = array<i32>} : memref<128x128xf32, #tpu.memory_space<vmem>>, vector<1x16xf32>,
          %slice3A_306 = vector.extract_strided_slice %get3A_54 {offsets = [3], sizes = [1], strides = [1]} : vector<16xf32> to vector<1xf32>
          %squeeze3A_307 = vector.extract %slice3A_306[0] : f32 from vector<1xf32>
          %broadcast_in_dim3A_308 = vector.broadcast %squeeze3A_307 : f32 to vector<16xf32>
          %add3A_309 = arith.constant 3 : i32
          %add3A_310 = arith.addi %add3A_52, %add3A_309 : i32
          %get3A_311 = arith.index_cast %add3A_310 : i32 to index
          %get3A_312 = arith.constant 0 : index
          %get3A_313 = tpu.vector_load %arg10[%get3A_311, %get3A_312] {strides = array<i32>} : memref<128x128xf32, #tpu.memory_space<vmem>>, vector<1x16xf32>,
          %get3A_314 = vector.shape_cast %get3A_313 : vector<1x16xf32> to vector<16xf32>
          %mul3A_315 = arith.mulf %get3A_314, %broadcast_in_dim3A_308 : vector<16xf32>
          %swap3A_316 = arith.index_cast %add3A_310 : i32 to index
          %swap3A_317 = arith.constant 0 : index
          %swap3A_318 = tpu.vector_load %arg10[%swap3A_316, %swap3A_317] {strides = array<i32>} : memref<128x128xf32, #tpu.memory_space<vmem>>, vector<1x16xf32>,
          %swap3A_319 = vector.shape_cast %swap3A_318 : vector<1x16xf32> to vector<16xf32>
          %swap3A_320 = vector.shape_cast %mul3A_315 : vector<16xf32> to vector<1x16xf32>
          tpu.vector_store %arg10[%swap3A_316, %swap3A_317], %swap3A_320 {strides = array<i32>} : memref<128x128xf32, #tpu.memory_space<vmem>>, vector<1x16xf32>,
          %get3A_321 = arith.index_cast %add3A_310 : i32 to index
          %get3A_322 = arith.constant 16 : index
          %get3A_323 = tpu.vector_load %arg10[%get3A_321, %get3A_322] {strides = array<i32>} : memref<128x128xf32, #tpu.memory_space<vmem>>, vector<1x16xf32>,
          %get3A_324 = vector.shape_cast %get3A_323 : vector<1x16xf32> to vector<16xf32>
          %mul3A_325 = arith.mulf %get3A_324, %broadcast_in_dim3A_308 : vector<16xf32>
          %swap3A_326 = arith.index_cast %add3A_310 : i32 to index
          %swap3A_327 = arith.constant 16 : index
          %swap3A_328 = tpu.vector_load %arg10[%swap3A_326, %swap3A_327] {strides = array<i32>} : memref<128x128xf32, #tpu.memory_space<vmem>>, vector<1x16xf32>,
          %swap3A_329 = vector.shape_cast %swap3A_328 : vector<1x16xf32> to vector<16xf32>
          %swap3A_330 = vector.shape_cast %mul3A_325 : vector<16xf32> to vector<1x16xf32>
          tpu.vector_store %arg10[%swap3A_326, %swap3A_327], %swap3A_330 {strides = array<i32>} : memref<128x128xf32, #tpu.memory_space<vmem>>, vector<1x16xf32>,
          %get3A_331 = arith.index_cast %add3A_310 : i32 to index
          %get3A_332 = arith.constant 32 : index
          %get3A_333 = tpu.vector_load %arg10[%get3A_331, %get3A_332] {strides = array<i32>} : memref<128x128xf32, #tpu.memory_space<vmem>>, vector<1x16xf32>,
          %get3A_334 = vector.shape_cast %get3A_333 : vector<1x16xf32> to vector<16xf32>
          %mul3A_335 = arith.mulf %get3A_334, %broadcast_in_dim3A_308 : vector<16xf32>
          %swap3A_336 = arith.index_cast %add3A_310 : i32 to index
          %swap3A_337 = arith.constant 32 : index
          %swap3A_338 = tpu.vector_load %arg10[%swap3A_336, %swap3A_337] {strides = array<i32>} : memref<128x128xf32, #tpu.memory_space<vmem>>, vector<1x16xf32>,
          %swap3A_339 = vector.shape_cast %swap3A_338 : vector<1x16xf32> to vector<16xf32>
          %swap3A_340 = vector.shape_cast %mul3A_335 : vector<16xf32> to vector<1x16xf32>
          tpu.vector_store %arg10[%swap3A_336, %swap3A_337], %swap3A_340 {strides = array<i32>} : memref<128x128xf32, #tpu.memory_space<vmem>>, vector<1x16xf32>,
          %get3A_341 = arith.index_cast %add3A_310 : i32 to index
          %get3A_342 = arith.constant 48 : index
          %get3A_343 = tpu.vector_load %arg10[%get3A_341, %get3A_342] {strides = array<i32>} : memref<128x128xf32, #tpu.memory_space<vmem>>, vector<1x16xf32>,
          %get3A_344 = vector.shape_cast %get3A_343 : vector<1x16xf32> to vector<16xf32>
          %mul3A_345 = arith.mulf %get3A_344, %broadcast_in_dim3A_308 : vector<16xf32>
          %swap3A_346 = arith.index_cast %add3A_310 : i32 to index
          %swap3A_347 = arith.constant 48 : index
          %swap3A_348 = tpu.vector_load %arg10[%swap3A_346, %swap3A_347] {strides = array<i32>} : memref<128x128xf32, #tpu.memory_space<vmem>>, vector<1x16xf32>,
          %swap3A_349 = vector.shape_cast %swap3A_348 : vector<1x16xf32> to vector<16xf32>
          %swap3A_350 = vector.shape_cast %mul3A_345 : vector<16xf32> to vector<1x16xf32>
          tpu.vector_store %arg10[%swap3A_346, %swap3A_347], %swap3A_350 {strides = array<i32>} : memref<128x128xf32, #tpu.memory_space<vmem>>, vector<1x16xf32>,
          %get3A_351 = arith.index_cast %add3A_310 : i32 to index
          %get3A_352 = arith.constant 64 : index
          %get3A_353 = tpu.vector_load %arg10[%get3A_351, %get3A_352] {strides = array<i32>} : memref<128x128xf32, #tpu.memory_space<vmem>>, vector<1x16xf32>,
          %get3A_354 = vector.shape_cast %get3A_353 : vector<1x16xf32> to vector<16xf32>
          %mul3A_355 = arith.mulf %get3A_354, %broadcast_in_dim3A_308 : vector<16xf32>
          %swap3A_356 = arith.index_cast %add3A_310 : i32 to index
          %swap3A_357 = arith.constant 64 : index
          %swap3A_358 = tpu.vector_load %arg10[%swap3A_356, %swap3A_357] {strides = array<i32>} : memref<128x128xf32, #tpu.memory_space<vmem>>, vector<1x16xf32>,
          %swap3A_359 = vector.shape_cast %swap3A_358 : vector<1x16xf32> to vector<16xf32>
          %swap3A_360 = vector.shape_cast %mul3A_355 : vector<16xf32> to vector<1x16xf32>
          tpu.vector_store %arg10[%swap3A_356, %swap3A_357], %swap3A_360 {strides = array<i32>} : memref<128x128xf32, #tpu.memory_space<vmem>>, vector<1x16xf32>,
          %get3A_361 = arith.index_cast %add3A_310 : i32 to index
          %get3A_362 = arith.constant 80 : index
          %get3A_363 = tpu.vector_load %arg10[%get3A_361, %get3A_362] {strides = array<i32>} : memref<128x128xf32, #tpu.memory_space<vmem>>, vector<1x16xf32>,
          %get3A_364 = vector.shape_cast %get3A_363 : vector<1x16xf32> to vector<16xf32>
          %mul3A_365 = arith.mulf %get3A_364, %broadcast_in_dim3A_308 : vector<16xf32>
          %swap3A_366 = arith.index_cast %add3A_310 : i32 to index
          %swap3A_367 = arith.constant 80 : index
          %swap3A_368 = tpu.vector_load %arg10[%swap3A_366, %swap3A_367] {strides = array<i32>} : memref<128x128xf32, #tpu.memory_space<vmem>>, vector<1x16xf32>,
          %swap3A_369 = vector.shape_cast %swap3A_368 : vector<1x16xf32> to vector<16xf32>
          %swap3A_370 = vector.shape_cast %mul3A_365 : vector<16xf32> to vector<1x16xf32>
          tpu.vector_store %arg10[%swap3A_366, %swap3A_367], %swap3A_370 {strides = array<i32>} : memref<128x128xf32, #tpu.memory_space<vmem>>, vector<1x16xf32>,
          %get3A_371 = arith.index_cast %add3A_310 : i32 to index
          %get3A_372 = arith.constant 96 : index
          %get3A_373 = tpu.vector_load %arg10[%get3A_371, %get3A_372] {strides = array<i32>} : memref<128x128xf32, #tpu.memory_space<vmem>>, vector<1x16xf32>,
          %get3A_374 = vector.shape_cast %get3A_373 : vector<1x16xf32> to vector<16xf32>
          %mul3A_375 = arith.mulf %get3A_374, %broadcast_in_dim3A_308 : vector<16xf32>
          %swap3A_376 = arith.index_cast %add3A_310 : i32 to index
          %swap3A_377 = arith.constant 96 : index
          %swap3A_378 = tpu.vector_load %arg10[%swap3A_376, %swap3A_377] {strides = array<i32>} : memref<128x128xf32, #tpu.memory_space<vmem>>, vector<1x16xf32>,
          %swap3A_379 = vector.shape_cast %swap3A_378 : vector<1x16xf32> to vector<16xf32>
          %swap3A_380 = vector.shape_cast %mul3A_375 : vector<16xf32> to vector<1x16xf32>
          tpu.vector_store %arg10[%swap3A_376, %swap3A_377], %swap3A_380 {strides = array<i32>} : memref<128x128xf32, #tpu.memory_space<vmem>>, vector<1x16xf32>,
          %get3A_381 = arith.index_cast %add3A_310 : i32 to index
          %get3A_382 = arith.constant 112 : index
          %get3A_383 = tpu.vector_load %arg10[%get3A_381, %get3A_382] {strides = array<i32>} : memref<128x128xf32, #tpu.memory_space<vmem>>, vector<1x16xf32>,
          %get3A_384 = vector.shape_cast %get3A_383 : vector<1x16xf32> to vector<16xf32>
          %mul3A_385 = arith.mulf %get3A_384, %broadcast_in_dim3A_308 : vector<16xf32>
          %swap3A_386 = arith.index_cast %add3A_310 : i32 to index
          %swap3A_387 = arith.constant 112 : index
          %swap3A_388 = tpu.vector_load %arg10[%swap3A_386, %swap3A_387] {strides = array<i32>} : memref<128x128xf32, #tpu.memory_space<vmem>>, vector<1x16xf32>,
          %swap3A_389 = vector.shape_cast %swap3A_388 : vector<1x16xf32> to vector<16xf32>
          %swap3A_390 = vector.shape_cast %mul3A_385 : vector<16xf32> to vector<1x16xf32>
          tpu.vector_store %arg10[%swap3A_386, %swap3A_387], %swap3A_390 {strides = array<i32>} : memref<128x128xf32, #tpu.memory_space<vmem>>, vector<1x16xf32>,
          %slice3A_391 = vector.extract_strided_slice %get3A_54 {offsets = [4], sizes = [1], strides = [1]} : vector<16xf32> to vector<1xf32>
          %squeeze3A_392 = vector.extract %slice3A_391[0] : f32 from vector<1xf32>
          %broadcast_in_dim3A_393 = vector.broadcast %squeeze3A_392 : f32 to vector<16xf32>
          %add3A_394 = arith.constant 4 : i32
          %add3A_395 = arith.addi %add3A_52, %add3A_394 : i32
          %get3A_396 = arith.index_cast %add3A_395 : i32 to index
          %get3A_397 = arith.constant 0 : index
          %get3A_398 = tpu.vector_load %arg10[%get3A_396, %get3A_397] {strides = array<i32>} : memref<128x128xf32, #tpu.memory_space<vmem>>, vector<1x16xf32>,
          %get3A_399 = vector.shape_cast %get3A_398 : vector<1x16xf32> to vector<16xf32>
          %mul3A_400 = arith.mulf %get3A_399, %broadcast_in_dim3A_393 : vector<16xf32>
          %swap3A_401 = arith.index_cast %add3A_395 : i32 to index
          %swap3A_402 = arith.constant 0 : index
          %swap3A_403 = tpu.vector_load %arg10[%swap3A_401, %swap3A_402] {strides = array<i32>} : memref<128x128xf32, #tpu.memory_space<vmem>>, vector<1x16xf32>,
          %swap3A_404 = vector.shape_cast %swap3A_403 : vector<1x16xf32> to vector<16xf32>
          %swap3A_405 = vector.shape_cast %mul3A_400 : vector<16xf32> to vector<1x16xf32>
          tpu.vector_store %arg10[%swap3A_401, %swap3A_402], %swap3A_405 {strides = array<i32>} : memref<128x128xf32, #tpu.memory_space<vmem>>, vector<1x16xf32>,
          %get3A_406 = arith.index_cast %add3A_395 : i32 to index
          %get3A_407 = arith.constant 16 : index
          %get3A_408 = tpu.vector_load %arg10[%get3A_406, %get3A_407] {strides = array<i32>} : memref<128x128xf32, #tpu.memory_space<vmem>>, vector<1x16xf32>,
          %get3A_409 = vector.shape_cast %get3A_408 : vector<1x16xf32> to vector<16xf32>
          %mul3A_410 = arith.mulf %get3A_409, %broadcast_in_dim3A_393 : vector<16xf32>
          %swap3A_411 = arith.index_cast %add3A_395 : i32 to index
          %swap3A_412 = arith.constant 16 : index
          %swap3A_413 = tpu.vector_load %arg10[%swap3A_411, %swap3A_412] {strides = array<i32>} : memref<128x128xf32, #tpu.memory_space<vmem>>, vector<1x16xf32>,
          %swap3A_414 = vector.shape_cast %swap3A_413 : vector<1x16xf32> to vector<16xf32>
          %swap3A_415 = vector.shape_cast %mul3A_410 : vector<16xf32> to vector<1x16xf32>
          tpu.vector_store %arg10[%swap3A_411, %swap3A_412], %swap3A_415 {strides = array<i32>} : memref<128x128xf32, #tpu.memory_space<vmem>>, vector<1x16xf32>,
          %get3A_416 = arith.index_cast %add3A_395 : i32 to index
          %get3A_417 = arith.constant 32 : index
          %get3A_418 = tpu.vector_load %arg10[%get3A_416, %get3A_417] {strides = array<i32>} : memref<128x128xf32, #tpu.memory_space<vmem>>, vector<1x16xf32>,
          %get3A_419 = vector.shape_cast %get3A_418 : vector<1x16xf32> to vector<16xf32>
          %mul3A_420 = arith.mulf %get3A_419, %broadcast_in_dim3A_393 : vector<16xf32>
          %swap3A_421 = arith.index_cast %add3A_395 : i32 to index
          %swap3A_422 = arith.constant 32 : index
          %swap3A_423 = tpu.vector_load %arg10[%swap3A_421, %swap3A_422] {strides = array<i32>} : memref<128x128xf32, #tpu.memory_space<vmem>>, vector<1x16xf32>,
          %swap3A_424 = vector.shape_cast %swap3A_423 : vector<1x16xf32> to vector<16xf32>
          %swap3A_425 = vector.shape_cast %mul3A_420 : vector<16xf32> to vector<1x16xf32>
          tpu.vector_store %arg10[%swap3A_421, %swap3A_422], %swap3A_425 {strides = array<i32>} : memref<128x128xf32, #tpu.memory_space<vmem>>, vector<1x16xf32>,
          %get3A_426 = arith.index_cast %add3A_395 : i32 to index
          %get3A_427 = arith.constant 48 : index
          %get3A_428 = tpu.vector_load %arg10[%get3A_426, %get3A_427] {strides = array<i32>} : memref<128x128xf32, #tpu.memory_space<vmem>>, vector<1x16xf32>,
          %get3A_429 = vector.shape_cast %get3A_428 : vector<1x16xf32> to vector<16xf32>
          %mul3A_430 = arith.mulf %get3A_429, %broadcast_in_dim3A_393 : vector<16xf32>
          %swap3A_431 = arith.index_cast %add3A_395 : i32 to index
          %swap3A_432 = arith.constant 48 : index
          %swap3A_433 = tpu.vector_load %arg10[%swap3A_431, %swap3A_432] {strides = array<i32>} : memref<128x128xf32, #tpu.memory_space<vmem>>, vector<1x16xf32>,
          %swap3A_434 = vector.shape_cast %swap3A_433 : vector<1x16xf32> to vector<16xf32>
          %swap3A_435 = vector.shape_cast %mul3A_430 : vector<16xf32> to vector<1x16xf32>
          tpu.vector_store %arg10[%swap3A_431, %swap3A_432], %swap3A_435 {strides = array<i32>} : memref<128x128xf32, #tpu.memory_space<vmem>>, vector<1x16xf32>,
          %get3A_436 = arith.index_cast %add3A_395 : i32 to index
          %get3A_437 = arith.constant 64 : index
          %get3A_438 = tpu.vector_load %arg10[%get3A_436, %get3A_437] {strides = array<i32>} : memref<128x128xf32, #tpu.memory_space<vmem>>, vector<1x16xf32>,
          %get3A_439 = vector.shape_cast %get3A_438 : vector<1x16xf32> to vector<16xf32>
          %mul3A_440 = arith.mulf %get3A_439, %broadcast_in_dim3A_393 : vector<16xf32>
          %swap3A_441 = arith.index_cast %add3A_395 : i32 to index
          %swap3A_442 = arith.constant 64 : index
          %swap3A_443 = tpu.vector_load %arg10[%swap3A_441, %swap3A_442] {strides = array<i32>} : memref<128x128xf32, #tpu.memory_space<vmem>>, vector<1x16xf32>,
          %swap3A_444 = vector.shape_cast %swap3A_443 : vector<1x16xf32> to vector<16xf32>
          %swap3A_445 = vector.shape_cast %mul3A_440 : vector<16xf32> to vector<1x16xf32>
          tpu.vector_store %arg10[%swap3A_441, %swap3A_442], %swap3A_445 {strides = array<i32>} : memref<128x128xf32, #tpu.memory_space<vmem>>, vector<1x16xf32>,
          %get3A_446 = arith.index_cast %add3A_395 : i32 to index
          %get3A_447 = arith.constant 80 : index
          %get3A_448 = tpu.vector_load %arg10[%get3A_446, %get3A_447] {strides = array<i32>} : memref<128x128xf32, #tpu.memory_space<vmem>>, vector<1x16xf32>,
          %get3A_449 = vector.shape_cast %get3A_448 : vector<1x16xf32> to vector<16xf32>
          %mul3A_450 = arith.mulf %get3A_449, %broadcast_in_dim3A_393 : vector<16xf32>
          %swap3A_451 = arith.index_cast %add3A_395 : i32 to index
          %swap3A_452 = arith.constant 80 : index
          %swap3A_453 = tpu.vector_load %arg10[%swap3A_451, %swap3A_452] {strides = array<i32>} : memref<128x128xf32, #tpu.memory_space<vmem>>, vector<1x16xf32>,
          %swap3A_454 = vector.shape_cast %swap3A_453 : vector<1x16xf32> to vector<16xf32>
          %swap3A_455 = vector.shape_cast %mul3A_450 : vector<16xf32> to vector<1x16xf32>
          tpu.vector_store %arg10[%swap3A_451, %swap3A_452], %swap3A_455 {strides = array<i32>} : memref<128x128xf32, #tpu.memory_space<vmem>>, vector<1x16xf32>,
          %get3A_456 = arith.index_cast %add3A_395 : i32 to index
          %get3A_457 = arith.constant 96 : index
          %get3A_458 = tpu.vector_load %arg10[%get3A_456, %get3A_457] {strides = array<i32>} : memref<128x128xf32, #tpu.memory_space<vmem>>, vector<1x16xf32>,
          %get3A_459 = vector.shape_cast %get3A_458 : vector<1x16xf32> to vector<16xf32>
          %mul3A_460 = arith.mulf %get3A_459, %broadcast_in_dim3A_393 : vector<16xf32>
          %swap3A_461 = arith.index_cast %add3A_395 : i32 to index
          %swap3A_462 = arith.constant 96 : index
          %swap3A_463 = tpu.vector_load %arg10[%swap3A_461, %swap3A_462] {strides = array<i32>} : memref<128x128xf32, #tpu.memory_space<vmem>>, vector<1x16xf32>,
          %swap3A_464 = vector.shape_cast %swap3A_463 : vector<1x16xf32> to vector<16xf32>
          %swap3A_465 = vector.shape_cast %mul3A_460 : vector<16xf32> to vector<1x16xf32>
          tpu.vector_store %arg10[%swap3A_461, %swap3A_462], %swap3A_465 {strides = array<i32>} : memref<128x128xf32, #tpu.memory_space<vmem>>, vector<1x16xf32>,
          %get3A_466 = arith.index_cast %add3A_395 : i32 to index
          %get3A_467 = arith.constant 112 : index
          %get3A_468 = tpu.vector_load %arg10[%get3A_466, %get3A_467] {strides = array<i32>} : memref<128x128xf32, #tpu.memory_space<vmem>>, vector<1x16xf32>,
          %get3A_469 = vector.shape_cast %get3A_468 : vector<1x16xf32> to vector<16xf32>
          %mul3A_470 = arith.mulf %get3A_469, %broadcast_in_dim3A_393 : vector<16xf32>
          %swap3A_471 = arith.index_cast %add3A_395 : i32 to index
          %swap3A_472 = arith.constant 112 : index
          %swap3A_473 = tpu.vector_load %arg10[%swap3A_471, %swap3A_472] {strides = array<i32>} : memref<128x128xf32, #tpu.memory_space<vmem>>, vector<1x16xf32>,
          %swap3A_474 = vector.shape_cast %swap3A_473 : vector<1x16xf32> to vector<16xf32>
          %swap3A_475 = vector.shape_cast %mul3A_470 : vector<16xf32> to vector<1x16xf32>
          tpu.vector_store %arg10[%swap3A_471, %swap3A_472], %swap3A_475 {strides = array<i32>} : memref<128x128xf32, #tpu.memory_space<vmem>>, vector<1x16xf32>,
          %slice3A_476 = vector.extract_strided_slice %get3A_54 {offsets = [5], sizes = [1], strides = [1]} : vector<16xf32> to vector<1xf32>
          %squeeze3A_477 = vector.extract %slice3A_476[0] : f32 from vector<1xf32>
          %broadcast_in_dim3A_478 = vector.broadcast %squeeze3A_477 : f32 to vector<16xf32>
          %add3A_479 = arith.constant 5 : i32
          %add3A_480 = arith.addi %add3A_52, %add3A_479 : i32
          %get3A_481 = arith.index_cast %add3A_480 : i32 to index
          %get3A_482 = arith.constant 0 : index
          %get3A_483 = tpu.vector_load %arg10[%get3A_481, %get3A_482] {strides = array<i32>} : memref<128x128xf32, #tpu.memory_space<vmem>>, vector<1x16xf32>,
          %get3A_484 = vector.shape_cast %get3A_483 : vector<1x16xf32> to vector<16xf32>
          %mul3A_485 = arith.mulf %get3A_484, %broadcast_in_dim3A_478 : vector<16xf32>
          %swap3A_486 = arith.index_cast %add3A_480 : i32 to index
          %swap3A_487 = arith.constant 0 : index
          %swap3A_488 = tpu.vector_load %arg10[%swap3A_486, %swap3A_487] {strides = array<i32>} : memref<128x128xf32, #tpu.memory_space<vmem>>, vector<1x16xf32>,
          %swap3A_489 = vector.shape_cast %swap3A_488 : vector<1x16xf32> to vector<16xf32>
          %swap3A_490 = vector.shape_cast %mul3A_485 : vector<16xf32> to vector<1x16xf32>
          tpu.vector_store %arg10[%swap3A_486, %swap3A_487], %swap3A_490 {strides = array<i32>} : memref<128x128xf32, #tpu.memory_space<vmem>>, vector<1x16xf32>,
          %get3A_491 = arith.index_cast %add3A_480 : i32 to index
          %get3A_492 = arith.constant 16 : index
          %get3A_493 = tpu.vector_load %arg10[%get3A_491, %get3A_492] {strides = array<i32>} : memref<128x128xf32, #tpu.memory_space<vmem>>, vector<1x16xf32>,
          %get3A_494 = vector.shape_cast %get3A_493 : vector<1x16xf32> to vector<16xf32>
          %mul3A_495 = arith.mulf %get3A_494, %broadcast_in_dim3A_478 : vector<16xf32>
          %swap3A_496 = arith.index_cast %add3A_480 : i32 to index
          %swap3A_497 = arith.constant 16 : index
          %swap3A_498 = tpu.vector_load %arg10[%swap3A_496, %swap3A_497] {strides = array<i32>} : memref<128x128xf32, #tpu.memory_space<vmem>>, vector<1x16xf32>,
          %swap3A_499 = vector.shape_cast %swap3A_498 : vector<1x16xf32> to vector<16xf32>
          %swap3A_500 = vector.shape_cast %mul3A_495 : vector<16xf32> to vector<1x16xf32>
          tpu.vector_store %arg10[%swap3A_496, %swap3A_497], %swap3A_500 {strides = array<i32>} : memref<128x128xf32, #tpu.memory_space<vmem>>, vector<1x16xf32>,
          %get3A_501 = arith.index_cast %add3A_480 : i32 to index
          %get3A_502 = arith.constant 32 : index
          %get3A_503 = tpu.vector_load %arg10[%get3A_501, %get3A_502] {strides = array<i32>} : memref<128x128xf32, #tpu.memory_space<vmem>>, vector<1x16xf32>,
          %get3A_504 = vector.shape_cast %get3A_503 : vector<1x16xf32> to vector<16xf32>
          %mul3A_505 = arith.mulf %get3A_504, %broadcast_in_dim3A_478 : vector<16xf32>
          %swap3A_506 = arith.index_cast %add3A_480 : i32 to index
          %swap3A_507 = arith.constant 32 : index
          %swap3A_508 = tpu.vector_load %arg10[%swap3A_506, %swap3A_507] {strides = array<i32>} : memref<128x128xf32, #tpu.memory_space<vmem>>, vector<1x16xf32>,
          %swap3A_509 = vector.shape_cast %swap3A_508 : vector<1x16xf32> to vector<16xf32>
          %swap3A_510 = vector.shape_cast %mul3A_505 : vector<16xf32> to vector<1x16xf32>
          tpu.vector_store %arg10[%swap3A_506, %swap3A_507], %swap3A_510 {strides = array<i32>} : memref<128x128xf32, #tpu.memory_space<vmem>>, vector<1x16xf32>,
          %get3A_511 = arith.index_cast %add3A_480 : i32 to index
          %get3A_512 = arith.constant 48 : index
          %get3A_513 = tpu.vector_load %arg10[%get3A_511, %get3A_512] {strides = array<i32>} : memref<128x128xf32, #tpu.memory_space<vmem>>, vector<1x16xf32>,
          %get3A_514 = vector.shape_cast %get3A_513 : vector<1x16xf32> to vector<16xf32>
          %mul3A_515 = arith.mulf %get3A_514, %broadcast_in_dim3A_478 : vector<16xf32>
          %swap3A_516 = arith.index_cast %add3A_480 : i32 to index
          %swap3A_517 = arith.constant 48 : index
          %swap3A_518 = tpu.vector_load %arg10[%swap3A_516, %swap3A_517] {strides = array<i32>} : memref<128x128xf32, #tpu.memory_space<vmem>>, vector<1x16xf32>,
          %swap3A_519 = vector.shape_cast %swap3A_518 : vector<1x16xf32> to vector<16xf32>
          %swap3A_520 = vector.shape_cast %mul3A_515 : vector<16xf32> to vector<1x16xf32>
          tpu.vector_store %arg10[%swap3A_516, %swap3A_517], %swap3A_520 {strides = array<i32>} : memref<128x128xf32, #tpu.memory_space<vmem>>, vector<1x16xf32>,
          %get3A_521 = arith.index_cast %add3A_480 : i32 to index
          %get3A_522 = arith.constant 64 : index
          %get3A_523 = tpu.vector_load %arg10[%get3A_521, %get3A_522] {strides = array<i32>} : memref<128x128xf32, #tpu.memory_space<vmem>>, vector<1x16xf32>,
          %get3A_524 = vector.shape_cast %get3A_523 : vector<1x16xf32> to vector<16xf32>
          %mul3A_525 = arith.mulf %get3A_524, %broadcast_in_dim3A_478 : vector<16xf32>
          %swap3A_526 = arith.index_cast %add3A_480 : i32 to index
          %swap3A_527 = arith.constant 64 : index
          %swap3A_528 = tpu.vector_load %arg10[%swap3A_526, %swap3A_527] {strides = array<i32>} : memref<128x128xf32, #tpu.memory_space<vmem>>, vector<1x16xf32>,
          %swap3A_529 = vector.shape_cast %swap3A_528 : vector<1x16xf32> to vector<16xf32>
          %swap3A_530 = vector.shape_cast %mul3A_525 : vector<16xf32> to vector<1x16xf32>
          tpu.vector_store %arg10[%swap3A_526, %swap3A_527], %swap3A_530 {strides = array<i32>} : memref<128x128xf32, #tpu.memory_space<vmem>>, vector<1x16xf32>,
          %get3A_531 = arith.index_cast %add3A_480 : i32 to index
          %get3A_532 = arith.constant 80 : index
          %get3A_533 = tpu.vector_load %arg10[%get3A_531, %get3A_532] {strides = array<i32>} : memref<128x128xf32, #tpu.memory_space<vmem>>, vector<1x16xf32>,
          %get3A_534 = vector.shape_cast %get3A_533 : vector<1x16xf32> to vector<16xf32>
          %mul3A_535 = arith.mulf %get3A_534, %broadcast_in_dim3A_478 : vector<16xf32>
          %swap3A_536 = arith.index_cast %add3A_480 : i32 to index
          %swap3A_537 = arith.constant 80 : index
          %swap3A_538 = tpu.vector_load %arg10[%swap3A_536, %swap3A_537] {strides = array<i32>} : memref<128x128xf32, #tpu.memory_space<vmem>>, vector<1x16xf32>,
          %swap3A_539 = vector.shape_cast %swap3A_538 : vector<1x16xf32> to vector<16xf32>
          %swap3A_540 = vector.shape_cast %mul3A_535 : vector<16xf32> to vector<1x16xf32>
          tpu.vector_store %arg10[%swap3A_536, %swap3A_537], %swap3A_540 {strides = array<i32>} : memref<128x128xf32, #tpu.memory_space<vmem>>, vector<1x16xf32>,
          %get3A_541 = arith.index_cast %add3A_480 : i32 to index
          %get3A_542 = arith.constant 96 : index
          %get3A_543 = tpu.vector_load %arg10[%get3A_541, %get3A_542] {strides = array<i32>} : memref<128x128xf32, #tpu.memory_space<vmem>>, vector<1x16xf32>,
          %get3A_544 = vector.shape_cast %get3A_543 : vector<1x16xf32> to vector<16xf32>
          %mul3A_545 = arith.mulf %get3A_544, %broadcast_in_dim3A_478 : vector<16xf32>
          %swap3A_546 = arith.index_cast %add3A_480 : i32 to index
          %swap3A_547 = arith.constant 96 : index
          %swap3A_548 = tpu.vector_load %arg10[%swap3A_546, %swap3A_547] {strides = array<i32>} : memref<128x128xf32, #tpu.memory_space<vmem>>, vector<1x16xf32>,
          %swap3A_549 = vector.shape_cast %swap3A_548 : vector<1x16xf32> to vector<16xf32>
          %swap3A_550 = vector.shape_cast %mul3A_545 : vector<16xf32> to vector<1x16xf32>
          tpu.vector_store %arg10[%swap3A_546, %swap3A_547], %swap3A_550 {strides = array<i32>} : memref<128x128xf32, #tpu.memory_space<vmem>>, vector<1x16xf32>,
          %get3A_551 = arith.index_cast %add3A_480 : i32 to index
          %get3A_552 = arith.constant 112 : index
          %get3A_553 = tpu.vector_load %arg10[%get3A_551, %get3A_552] {strides = array<i32>} : memref<128x128xf32, #tpu.memory_space<vmem>>, vector<1x16xf32>,
          %get3A_554 = vector.shape_cast %get3A_553 : vector<1x16xf32> to vector<16xf32>
          %mul3A_555 = arith.mulf %get3A_554, %broadcast_in_dim3A_478 : vector<16xf32>
          %swap3A_556 = arith.index_cast %add3A_480 : i32 to index
          %swap3A_557 = arith.constant 112 : index
          %swap3A_558 = tpu.vector_load %arg10[%swap3A_556, %swap3A_557] {strides = array<i32>} : memref<128x128xf32, #tpu.memory_space<vmem>>, vector<1x16xf32>,
          %swap3A_559 = vector.shape_cast %swap3A_558 : vector<1x16xf32> to vector<16xf32>
          %swap3A_560 = vector.shape_cast %mul3A_555 : vector<16xf32> to vector<1x16xf32>
          tpu.vector_store %arg10[%swap3A_556, %swap3A_557], %swap3A_560 {strides = array<i32>} : memref<128x128xf32, #tpu.memory_space<vmem>>, vector<1x16xf32>,
          %slice3A_561 = vector.extract_strided_slice %get3A_54 {offsets = [6], sizes = [1], strides = [1]} : vector<16xf32> to vector<1xf32>
          %squeeze3A_562 = vector.extract %slice3A_561[0] : f32 from vector<1xf32>
          %broadcast_in_dim3A_563 = vector.broadcast %squeeze3A_562 : f32 to vector<16xf32>
          %add3A_564 = arith.constant 6 : i32
          %add3A_565 = arith.addi %add3A_52, %add3A_564 : i32
          %get3A_566 = arith.index_cast %add3A_565 : i32 to index
          %get3A_567 = arith.constant 0 : index
          %get3A_568 = tpu.vector_load %arg10[%get3A_566, %get3A_567] {strides = array<i32>} : memref<128x128xf32, #tpu.memory_space<vmem>>, vector<1x16xf32>,
          %get3A_569 = vector.shape_cast %get3A_568 : vector<1x16xf32> to vector<16xf32>
          %mul3A_570 = arith.mulf %get3A_569, %broadcast_in_dim3A_563 : vector<16xf32>
          %swap3A_571 = arith.index_cast %add3A_565 : i32 to index
          %swap3A_572 = arith.constant 0 : index
          %swap3A_573 = tpu.vector_load %arg10[%swap3A_571, %swap3A_572] {strides = array<i32>} : memref<128x128xf32, #tpu.memory_space<vmem>>, vector<1x16xf32>,
          %swap3A_574 = vector.shape_cast %swap3A_573 : vector<1x16xf32> to vector<16xf32>
          %swap3A_575 = vector.shape_cast %mul3A_570 : vector<16xf32> to vector<1x16xf32>
          tpu.vector_store %arg10[%swap3A_571, %swap3A_572], %swap3A_575 {strides = array<i32>} : memref<128x128xf32, #tpu.memory_space<vmem>>, vector<1x16xf32>,
          %get3A_576 = arith.index_cast %add3A_565 : i32 to index
          %get3A_577 = arith.constant 16 : index
          %get3A_578 = tpu.vector_load %arg10[%get3A_576, %get3A_577] {strides = array<i32>} : memref<128x128xf32, #tpu.memory_space<vmem>>, vector<1x16xf32>,
          %get3A_579 = vector.shape_cast %get3A_578 : vector<1x16xf32> to vector<16xf32>
          %mul3A_580 = arith.mulf %get3A_579, %broadcast_in_dim3A_563 : vector<16xf32>
          %swap3A_581 = arith.index_cast %add3A_565 : i32 to index
          %swap3A_582 = arith.constant 16 : index
          %swap3A_583 = tpu.vector_load %arg10[%swap3A_581, %swap3A_582] {strides = array<i32>} : memref<128x128xf32, #tpu.memory_space<vmem>>, vector<1x16xf32>,
          %swap3A_584 = vector.shape_cast %swap3A_583 : vector<1x16xf32> to vector<16xf32>
          %swap3A_585 = vector.shape_cast %mul3A_580 : vector<16xf32> to vector<1x16xf32>
          tpu.vector_store %arg10[%swap3A_581, %swap3A_582], %swap3A_585 {strides = array<i32>} : memref<128x128xf32, #tpu.memory_space<vmem>>, vector<1x16xf32>,
          %get3A_586 = arith.index_cast %add3A_565 : i32 to index
          %get3A_587 = arith.constant 32 : index
          %get3A_588 = tpu.vector_load %arg10[%get3A_586, %get3A_587] {strides = array<i32>} : memref<128x128xf32, #tpu.memory_space<vmem>>, vector<1x16xf32>,
          %get3A_589 = vector.shape_cast %get3A_588 : vector<1x16xf32> to vector<16xf32>
          %mul3A_590 = arith.mulf %get3A_589, %broadcast_in_dim3A_563 : vector<16xf32>
          %swap3A_591 = arith.index_cast %add3A_565 : i32 to index
          %swap3A_592 = arith.constant 32 : index
          %swap3A_593 = tpu.vector_load %arg10[%swap3A_591, %swap3A_592] {strides = array<i32>} : memref<128x128xf32, #tpu.memory_space<vmem>>, vector<1x16xf32>,
          %swap3A_594 = vector.shape_cast %swap3A_593 : vector<1x16xf32> to vector<16xf32>
          %swap3A_595 = vector.shape_cast %mul3A_590 : vector<16xf32> to vector<1x16xf32>
          tpu.vector_store %arg10[%swap3A_591, %swap3A_592], %swap3A_595 {strides = array<i32>} : memref<128x128xf32, #tpu.memory_space<vmem>>, vector<1x16xf32>,
          %get3A_596 = arith.index_cast %add3A_565 : i32 to index
          %get3A_597 = arith.constant 48 : index
          %get3A_598 = tpu.vector_load %arg10[%get3A_596, %get3A_597] {strides = array<i32>} : memref<128x128xf32, #tpu.memory_space<vmem>>, vector<1x16xf32>,
          %get3A_599 = vector.shape_cast %get3A_598 : vector<1x16xf32> to vector<16xf32>
          %mul3A_600 = arith.mulf %get3A_599, %broadcast_in_dim3A_563 : vector<16xf32>
          %swap3A_601 = arith.index_cast %add3A_565 : i32 to index
          %swap3A_602 = arith.constant 48 : index
          %swap3A_603 = tpu.vector_load %arg10[%swap3A_601, %swap3A_602] {strides = array<i32>} : memref<128x128xf32, #tpu.memory_space<vmem>>, vector<1x16xf32>,
          %swap3A_604 = vector.shape_cast %swap3A_603 : vector<1x16xf32> to vector<16xf32>
          %swap3A_605 = vector.shape_cast %mul3A_600 : vector<16xf32> to vector<1x16xf32>
          tpu.vector_store %arg10[%swap3A_601, %swap3A_602], %swap3A_605 {strides = array<i32>} : memref<128x128xf32, #tpu.memory_space<vmem>>, vector<1x16xf32>,
          %get3A_606 = arith.index_cast %add3A_565 : i32 to index
          %get3A_607 = arith.constant 64 : index
          %get3A_608 = tpu.vector_load %arg10[%get3A_606, %get3A_607] {strides = array<i32>} : memref<128x128xf32, #tpu.memory_space<vmem>>, vector<1x16xf32>,
          %get3A_609 = vector.shape_cast %get3A_608 : vector<1x16xf32> to vector<16xf32>
          %mul3A_610 = arith.mulf %get3A_609, %broadcast_in_dim3A_563 : vector<16xf32>
          %swap3A_611 = arith.index_cast %add3A_565 : i32 to index
          %swap3A_612 = arith.constant 64 : index
          %swap3A_613 = tpu.vector_load %arg10[%swap3A_611, %swap3A_612] {strides = array<i32>} : memref<128x128xf32, #tpu.memory_space<vmem>>, vector<1x16xf32>,
          %swap3A_614 = vector.shape_cast %swap3A_613 : vector<1x16xf32> to vector<16xf32>
          %swap3A_615 = vector.shape_cast %mul3A_610 : vector<16xf32> to vector<1x16xf32>
          tpu.vector_store %arg10[%swap3A_611, %swap3A_612], %swap3A_615 {strides = array<i32>} : memref<128x128xf32, #tpu.memory_space<vmem>>, vector<1x16xf32>,
          %get3A_616 = arith.index_cast %add3A_565 : i32 to index
          %get3A_617 = arith.constant 80 : index
          %get3A_618 = tpu.vector_load %arg10[%get3A_616, %get3A_617] {strides = array<i32>} : memref<128x128xf32, #tpu.memory_space<vmem>>, vector<1x16xf32>,
          %get3A_619 = vector.shape_cast %get3A_618 : vector<1x16xf32> to vector<16xf32>
          %mul3A_620 = arith.mulf %get3A_619, %broadcast_in_dim3A_563 : vector<16xf32>
          %swap3A_621 = arith.index_cast %add3A_565 : i32 to index
          %swap3A_622 = arith.constant 80 : index
          %swap3A_623 = tpu.vector_load %arg10[%swap3A_621, %swap3A_622] {strides = array<i32>} : memref<128x128xf32, #tpu.memory_space<vmem>>, vector<1x16xf32>,
          %swap3A_624 = vector.shape_cast %swap3A_623 : vector<1x16xf32> to vector<16xf32>
          %swap3A_625 = vector.shape_cast %mul3A_620 : vector<16xf32> to vector<1x16xf32>
          tpu.vector_store %arg10[%swap3A_621, %swap3A_622], %swap3A_625 {strides = array<i32>} : memref<128x128xf32, #tpu.memory_space<vmem>>, vector<1x16xf32>,
          %get3A_626 = arith.index_cast %add3A_565 : i32 to index
          %get3A_627 = arith.constant 96 : index
          %get3A_628 = tpu.vector_load %arg10[%get3A_626, %get3A_627] {strides = array<i32>} : memref<128x128xf32, #tpu.memory_space<vmem>>, vector<1x16xf32>,
          %get3A_629 = vector.shape_cast %get3A_628 : vector<1x16xf32> to vector<16xf32>
          %mul3A_630 = arith.mulf %get3A_629, %broadcast_in_dim3A_563 : vector<16xf32>
          %swap3A_631 = arith.index_cast %add3A_565 : i32 to index
          %swap3A_632 = arith.constant 96 : index
          %swap3A_633 = tpu.vector_load %arg10[%swap3A_631, %swap3A_632] {strides = array<i32>} : memref<128x128xf32, #tpu.memory_space<vmem>>, vector<1x16xf32>,
          %swap3A_634 = vector.shape_cast %swap3A_633 : vector<1x16xf32> to vector<16xf32>
          %swap3A_635 = vector.shape_cast %mul3A_630 : vector<16xf32> to vector<1x16xf32>
          tpu.vector_store %arg10[%swap3A_631, %swap3A_632], %swap3A_635 {strides = array<i32>} : memref<128x128xf32, #tpu.memory_space<vmem>>, vector<1x16xf32>,
          %get3A_636 = arith.index_cast %add3A_565 : i32 to index
          %get3A_637 = arith.constant 112 : index
          %get3A_638 = tpu.vector_load %arg10[%get3A_636, %get3A_637] {strides = array<i32>} : memref<128x128xf32, #tpu.memory_space<vmem>>, vector<1x16xf32>,
          %get3A_639 = vector.shape_cast %get3A_638 : vector<1x16xf32> to vector<16xf32>
          %mul3A_640 = arith.mulf %get3A_639, %broadcast_in_dim3A_563 : vector<16xf32>
          %swap3A_641 = arith.index_cast %add3A_565 : i32 to index
          %swap3A_642 = arith.constant 112 : index
          %swap3A_643 = tpu.vector_load %arg10[%swap3A_641, %swap3A_642] {strides = array<i32>} : memref<128x128xf32, #tpu.memory_space<vmem>>, vector<1x16xf32>,
          %swap3A_644 = vector.shape_cast %swap3A_643 : vector<1x16xf32> to vector<16xf32>
          %swap3A_645 = vector.shape_cast %mul3A_640 : vector<16xf32> to vector<1x16xf32>
          tpu.vector_store %arg10[%swap3A_641, %swap3A_642], %swap3A_645 {strides = array<i32>} : memref<128x128xf32, #tpu.memory_space<vmem>>, vector<1x16xf32>,
          %slice3A_646 = vector.extract_strided_slice %get3A_54 {offsets = [7], sizes = [1], strides = [1]} : vector<16xf32> to vector<1xf32>
          %squeeze3A_647 = vector.extract %slice3A_646[0] : f32 from vector<1xf32>
          %broadcast_in_dim3A_648 = vector.broadcast %squeeze3A_647 : f32 to vector<16xf32>
          %add3A_649 = arith.constant 7 : i32
          %add3A_650 = arith.addi %add3A_52, %add3A_649 : i32
          %get3A_651 = arith.index_cast %add3A_650 : i32 to index
          %get3A_652 = arith.constant 0 : index
          %get3A_653 = tpu.vector_load %arg10[%get3A_651, %get3A_652] {strides = array<i32>} : memref<128x128xf32, #tpu.memory_space<vmem>>, vector<1x16xf32>,
          %get3A_654 = vector.shape_cast %get3A_653 : vector<1x16xf32> to vector<16xf32>
          %mul3A_655 = arith.mulf %get3A_654, %broadcast_in_dim3A_648 : vector<16xf32>
          %swap3A_656 = arith.index_cast %add3A_650 : i32 to index
          %swap3A_657 = arith.constant 0 : index
          %swap3A_658 = tpu.vector_load %arg10[%swap3A_656, %swap3A_657] {strides = array<i32>} : memref<128x128xf32, #tpu.memory_space<vmem>>, vector<1x16xf32>,
          %swap3A_659 = vector.shape_cast %swap3A_658 : vector<1x16xf32> to vector<16xf32>
          %swap3A_660 = vector.shape_cast %mul3A_655 : vector<16xf32> to vector<1x16xf32>
          tpu.vector_store %arg10[%swap3A_656, %swap3A_657], %swap3A_660 {strides = array<i32>} : memref<128x128xf32, #tpu.memory_space<vmem>>, vector<1x16xf32>,
          %get3A_661 = arith.index_cast %add3A_650 : i32 to index
          %get3A_662 = arith.constant 16 : index
          %get3A_663 = tpu.vector_load %arg10[%get3A_661, %get3A_662] {strides = array<i32>} : memref<128x128xf32, #tpu.memory_space<vmem>>, vector<1x16xf32>,
          %get3A_664 = vector.shape_cast %get3A_663 : vector<1x16xf32> to vector<16xf32>
          %mul3A_665 = arith.mulf %get3A_664, %broadcast_in_dim3A_648 : vector<16xf32>
          %swap3A_666 = arith.index_cast %add3A_650 : i32 to index
          %swap3A_667 = arith.constant 16 : index
          %swap3A_668 = tpu.vector_load %arg10[%swap3A_666, %swap3A_667] {strides = array<i32>} : memref<128x128xf32, #tpu.memory_space<vmem>>, vector<1x16xf32>,
          %swap3A_669 = vector.shape_cast %swap3A_668 : vector<1x16xf32> to vector<16xf32>
          %swap3A_670 = vector.shape_cast %mul3A_665 : vector<16xf32> to vector<1x16xf32>
          tpu.vector_store %arg10[%swap3A_666, %swap3A_667], %swap3A_670 {strides = array<i32>} : memref<128x128xf32, #tpu.memory_space<vmem>>, vector<1x16xf32>,
          %get3A_671 = arith.index_cast %add3A_650 : i32 to index
          %get3A_672 = arith.constant 32 : index
          %get3A_673 = tpu.vector_load %arg10[%get3A_671, %get3A_672] {strides = array<i32>} : memref<128x128xf32, #tpu.memory_space<vmem>>, vector<1x16xf32>,
          %get3A_674 = vector.shape_cast %get3A_673 : vector<1x16xf32> to vector<16xf32>
          %mul3A_675 = arith.mulf %get3A_674, %broadcast_in_dim3A_648 : vector<16xf32>
          %swap3A_676 = arith.index_cast %add3A_650 : i32 to index
          %swap3A_677 = arith.constant 32 : index
          %swap3A_678 = tpu.vector_load %arg10[%swap3A_676, %swap3A_677] {strides = array<i32>} : memref<128x128xf32, #tpu.memory_space<vmem>>, vector<1x16xf32>,
          %swap3A_679 = vector.shape_cast %swap3A_678 : vector<1x16xf32> to vector<16xf32>
          %swap3A_680 = vector.shape_cast %mul3A_675 : vector<16xf32> to vector<1x16xf32>
          tpu.vector_store %arg10[%swap3A_676, %swap3A_677], %swap3A_680 {strides = array<i32>} : memref<128x128xf32, #tpu.memory_space<vmem>>, vector<1x16xf32>,
          %get3A_681 = arith.index_cast %add3A_650 : i32 to index
          %get3A_682 = arith.constant 48 : index
          %get3A_683 = tpu.vector_load %arg10[%get3A_681, %get3A_682] {strides = array<i32>} : memref<128x128xf32, #tpu.memory_space<vmem>>, vector<1x16xf32>,
          %get3A_684 = vector.shape_cast %get3A_683 : vector<1x16xf32> to vector<16xf32>
          %mul3A_685 = arith.mulf %get3A_684, %broadcast_in_dim3A_648 : vector<16xf32>
          %swap3A_686 = arith.index_cast %add3A_650 : i32 to index
          %swap3A_687 = arith.constant 48 : index
          %swap3A_688 = tpu.vector_load %arg10[%swap3A_686, %swap3A_687] {strides = array<i32>} : memref<128x128xf32, #tpu.memory_space<vmem>>, vector<1x16xf32>,
          %swap3A_689 = vector.shape_cast %swap3A_688 : vector<1x16xf32> to vector<16xf32>
          %swap3A_690 = vector.shape_cast %mul3A_685 : vector<16xf32> to vector<1x16xf32>
          tpu.vector_store %arg10[%swap3A_686, %swap3A_687], %swap3A_690 {strides = array<i32>} : memref<128x128xf32, #tpu.memory_space<vmem>>, vector<1x16xf32>,
          %get3A_691 = arith.index_cast %add3A_650 : i32 to index
          %get3A_692 = arith.constant 64 : index
          %get3A_693 = tpu.vector_load %arg10[%get3A_691, %get3A_692] {strides = array<i32>} : memref<128x128xf32, #tpu.memory_space<vmem>>, vector<1x16xf32>,
          %get3A_694 = vector.shape_cast %get3A_693 : vector<1x16xf32> to vector<16xf32>
          %mul3A_695 = arith.mulf %get3A_694, %broadcast_in_dim3A_648 : vector<16xf32>
          %swap3A_696 = arith.index_cast %add3A_650 : i32 to index
          %swap3A_697 = arith.constant 64 : index
          %swap3A_698 = tpu.vector_load %arg10[%swap3A_696, %swap3A_697] {strides = array<i32>} : memref<128x128xf32, #tpu.memory_space<vmem>>, vector<1x16xf32>,
          %swap3A_699 = vector.shape_cast %swap3A_698 : vector<1x16xf32> to vector<16xf32>
          %swap3A_700 = vector.shape_cast %mul3A_695 : vector<16xf32> to vector<1x16xf32>
          tpu.vector_store %arg10[%swap3A_696, %swap3A_697], %swap3A_700 {strides = array<i32>} : memref<128x128xf32, #tpu.memory_space<vmem>>, vector<1x16xf32>,
          %get3A_701 = arith.index_cast %add3A_650 : i32 to index
          %get3A_702 = arith.constant 80 : index
          %get3A_703 = tpu.vector_load %arg10[%get3A_701, %get3A_702] {strides = array<i32>} : memref<128x128xf32, #tpu.memory_space<vmem>>, vector<1x16xf32>,
          %get3A_704 = vector.shape_cast %get3A_703 : vector<1x16xf32> to vector<16xf32>
          %mul3A_705 = arith.mulf %get3A_704, %broadcast_in_dim3A_648 : vector<16xf32>
          %swap3A_706 = arith.index_cast %add3A_650 : i32 to index
          %swap3A_707 = arith.constant 80 : index
          %swap3A_708 = tpu.vector_load %arg10[%swap3A_706, %swap3A_707] {strides = array<i32>} : memref<128x128xf32, #tpu.memory_space<vmem>>, vector<1x16xf32>,
          %swap3A_709 = vector.shape_cast %swap3A_708 : vector<1x16xf32> to vector<16xf32>
          %swap3A_710 = vector.shape_cast %mul3A_705 : vector<16xf32> to vector<1x16xf32>
          tpu.vector_store %arg10[%swap3A_706, %swap3A_707], %swap3A_710 {strides = array<i32>} : memref<128x128xf32, #tpu.memory_space<vmem>>, vector<1x16xf32>,
          %get3A_711 = arith.index_cast %add3A_650 : i32 to index
          %get3A_712 = arith.constant 96 : index
          %get3A_713 = tpu.vector_load %arg10[%get3A_711, %get3A_712] {strides = array<i32>} : memref<128x128xf32, #tpu.memory_space<vmem>>, vector<1x16xf32>,
          %get3A_714 = vector.shape_cast %get3A_713 : vector<1x16xf32> to vector<16xf32>
          %mul3A_715 = arith.mulf %get3A_714, %broadcast_in_dim3A_648 : vector<16xf32>
          %swap3A_716 = arith.index_cast %add3A_650 : i32 to index
          %swap3A_717 = arith.constant 96 : index
          %swap3A_718 = tpu.vector_load %arg10[%swap3A_716, %swap3A_717] {strides = array<i32>} : memref<128x128xf32, #tpu.memory_space<vmem>>, vector<1x16xf32>,
          %swap3A_719 = vector.shape_cast %swap3A_718 : vector<1x16xf32> to vector<16xf32>
          %swap3A_720 = vector.shape_cast %mul3A_715 : vector<16xf32> to vector<1x16xf32>
          tpu.vector_store %arg10[%swap3A_716, %swap3A_717], %swap3A_720 {strides = array<i32>} : memref<128x128xf32, #tpu.memory_space<vmem>>, vector<1x16xf32>,
          %get3A_721 = arith.index_cast %add3A_650 : i32 to index
          %get3A_722 = arith.constant 112 : index
          %get3A_723 = tpu.vector_load %arg10[%get3A_721, %get3A_722] {strides = array<i32>} : memref<128x128xf32, #tpu.memory_space<vmem>>, vector<1x16xf32>,
          %get3A_724 = vector.shape_cast %get3A_723 : vector<1x16xf32> to vector<16xf32>
          %mul3A_725 = arith.mulf %get3A_724, %broadcast_in_dim3A_648 : vector<16xf32>
          %swap3A_726 = arith.index_cast %add3A_650 : i32 to index
          %swap3A_727 = arith.constant 112 : index
          %swap3A_728 = tpu.vector_load %arg10[%swap3A_726, %swap3A_727] {strides = array<i32>} : memref<128x128xf32, #tpu.memory_space<vmem>>, vector<1x16xf32>,
          %swap3A_729 = vector.shape_cast %swap3A_728 : vector<1x16xf32> to vector<16xf32>
          %swap3A_730 = vector.shape_cast %mul3A_725 : vector<16xf32> to vector<1x16xf32>
          tpu.vector_store %arg10[%swap3A_726, %swap3A_727], %swap3A_730 {strides = array<i32>} : memref<128x128xf32, #tpu.memory_space<vmem>>, vector<1x16xf32>,
          %slice3A_731 = vector.extract_strided_slice %get3A_54 {offsets = [8], sizes = [1], strides = [1]} : vector<16xf32> to vector<1xf32>
          %squeeze3A_732 = vector.extract %slice3A_731[0] : f32 from vector<1xf32>
          %broadcast_in_dim3A_733 = vector.broadcast %squeeze3A_732 : f32 to vector<16xf32>
          %add3A_734 = arith.constant 8 : i32
          %add3A_735 = arith.addi %add3A_52, %add3A_734 : i32
          %get3A_736 = arith.index_cast %add3A_735 : i32 to index
          %get3A_737 = arith.constant 0 : index
          %get3A_738 = tpu.vector_load %arg10[%get3A_736, %get3A_737] {strides = array<i32>} : memref<128x128xf32, #tpu.memory_space<vmem>>, vector<1x16xf32>,
          %get3A_739 = vector.shape_cast %get3A_738 : vector<1x16xf32> to vector<16xf32>
          %mul3A_740 = arith.mulf %get3A_739, %broadcast_in_dim3A_733 : vector<16xf32>
          %swap3A_741 = arith.index_cast %add3A_735 : i32 to index
          %swap3A_742 = arith.constant 0 : index
          %swap3A_743 = tpu.vector_load %arg10[%swap3A_741, %swap3A_742] {strides = array<i32>} : memref<128x128xf32, #tpu.memory_space<vmem>>, vector<1x16xf32>,
          %swap3A_744 = vector.shape_cast %swap3A_743 : vector<1x16xf32> to vector<16xf32>
          %swap3A_745 = vector.shape_cast %mul3A_740 : vector<16xf32> to vector<1x16xf32>
          tpu.vector_store %arg10[%swap3A_741, %swap3A_742], %swap3A_745 {strides = array<i32>} : memref<128x128xf32, #tpu.memory_space<vmem>>, vector<1x16xf32>,
          %get3A_746 = arith.index_cast %add3A_735 : i32 to index
          %get3A_747 = arith.constant 16 : index
          %get3A_748 = tpu.vector_load %arg10[%get3A_746, %get3A_747] {strides = array<i32>} : memref<128x128xf32, #tpu.memory_space<vmem>>, vector<1x16xf32>,
          %get3A_749 = vector.shape_cast %get3A_748 : vector<1x16xf32> to vector<16xf32>
          %mul3A_750 = arith.mulf %get3A_749, %broadcast_in_dim3A_733 : vector<16xf32>
          %swap3A_751 = arith.index_cast %add3A_735 : i32 to index
          %swap3A_752 = arith.constant 16 : index
          %swap3A_753 = tpu.vector_load %arg10[%swap3A_751, %swap3A_752] {strides = array<i32>} : memref<128x128xf32, #tpu.memory_space<vmem>>, vector<1x16xf32>,
          %swap3A_754 = vector.shape_cast %swap3A_753 : vector<1x16xf32> to vector<16xf32>
          %swap3A_755 = vector.shape_cast %mul3A_750 : vector<16xf32> to vector<1x16xf32>
          tpu.vector_store %arg10[%swap3A_751, %swap3A_752], %swap3A_755 {strides = array<i32>} : memref<128x128xf32, #tpu.memory_space<vmem>>, vector<1x16xf32>,
          %get3A_756 = arith.index_cast %add3A_735 : i32 to index
          %get3A_757 = arith.constant 32 : index
          %get3A_758 = tpu.vector_load %arg10[%get3A_756, %get3A_757] {strides = array<i32>} : memref<128x128xf32, #tpu.memory_space<vmem>>, vector<1x16xf32>,
          %get3A_759 = vector.shape_cast %get3A_758 : vector<1x16xf32> to vector<16xf32>
          %mul3A_760 = arith.mulf %get3A_759, %broadcast_in_dim3A_733 : vector<16xf32>
          %swap3A_761 = arith.index_cast %add3A_735 : i32 to index
          %swap3A_762 = arith.constant 32 : index
          %swap3A_763 = tpu.vector_load %arg10[%swap3A_761, %swap3A_762] {strides = array<i32>} : memref<128x128xf32, #tpu.memory_space<vmem>>, vector<1x16xf32>,
          %swap3A_764 = vector.shape_cast %swap3A_763 : vector<1x16xf32> to vector<16xf32>
          %swap3A_765 = vector.shape_cast %mul3A_760 : vector<16xf32> to vector<1x16xf32>
          tpu.vector_store %arg10[%swap3A_761, %swap3A_762], %swap3A_765 {strides = array<i32>} : memref<128x128xf32, #tpu.memory_space<vmem>>, vector<1x16xf32>,
          %get3A_766 = arith.index_cast %add3A_735 : i32 to index
          %get3A_767 = arith.constant 48 : index
          %get3A_768 = tpu.vector_load %arg10[%get3A_766, %get3A_767] {strides = array<i32>} : memref<128x128xf32, #tpu.memory_space<vmem>>, vector<1x16xf32>,
          %get3A_769 = vector.shape_cast %get3A_768 : vector<1x16xf32> to vector<16xf32>
          %mul3A_770 = arith.mulf %get3A_769, %broadcast_in_dim3A_733 : vector<16xf32>
          %swap3A_771 = arith.index_cast %add3A_735 : i32 to index
          %swap3A_772 = arith.constant 48 : index
          %swap3A_773 = tpu.vector_load %arg10[%swap3A_771, %swap3A_772] {strides = array<i32>} : memref<128x128xf32, #tpu.memory_space<vmem>>, vector<1x16xf32>,
          %swap3A_774 = vector.shape_cast %swap3A_773 : vector<1x16xf32> to vector<16xf32>
          %swap3A_775 = vector.shape_cast %mul3A_770 : vector<16xf32> to vector<1x16xf32>
          tpu.vector_store %arg10[%swap3A_771, %swap3A_772], %swap3A_775 {strides = array<i32>} : memref<128x128xf32, #tpu.memory_space<vmem>>, vector<1x16xf32>,
          %get3A_776 = arith.index_cast %add3A_735 : i32 to index
          %get3A_777 = arith.constant 64 : index
          %get3A_778 = tpu.vector_load %arg10[%get3A_776, %get3A_777] {strides = array<i32>} : memref<128x128xf32, #tpu.memory_space<vmem>>, vector<1x16xf32>,
          %get3A_779 = vector.shape_cast %get3A_778 : vector<1x16xf32> to vector<16xf32>
          %mul3A_780 = arith.mulf %get3A_779, %broadcast_in_dim3A_733 : vector<16xf32>
          %swap3A_781 = arith.index_cast %add3A_735 : i32 to index
          %swap3A_782 = arith.constant 64 : index
          %swap3A_783 = tpu.vector_load %arg10[%swap3A_781, %swap3A_782] {strides = array<i32>} : memref<128x128xf32, #tpu.memory_space<vmem>>, vector<1x16xf32>,
          %swap3A_784 = vector.shape_cast %swap3A_783 : vector<1x16xf32> to vector<16xf32>
          %swap3A_785 = vector.shape_cast %mul3A_780 : vector<16xf32> to vector<1x16xf32>
          tpu.vector_store %arg10[%swap3A_781, %swap3A_782], %swap3A_785 {strides = array<i32>} : memref<128x128xf32, #tpu.memory_space<vmem>>, vector<1x16xf32>,
          %get3A_786 = arith.index_cast %add3A_735 : i32 to index
          %get3A_787 = arith.constant 80 : index
          %get3A_788 = tpu.vector_load %arg10[%get3A_786, %get3A_787] {strides = array<i32>} : memref<128x128xf32, #tpu.memory_space<vmem>>, vector<1x16xf32>,
          %get3A_789 = vector.shape_cast %get3A_788 : vector<1x16xf32> to vector<16xf32>
          %mul3A_790 = arith.mulf %get3A_789, %broadcast_in_dim3A_733 : vector<16xf32>
          %swap3A_791 = arith.index_cast %add3A_735 : i32 to index
          %swap3A_792 = arith.constant 80 : index
          %swap3A_793 = tpu.vector_load %arg10[%swap3A_791, %swap3A_792] {strides = array<i32>} : memref<128x128xf32, #tpu.memory_space<vmem>>, vector<1x16xf32>,
          %swap3A_794 = vector.shape_cast %swap3A_793 : vector<1x16xf32> to vector<16xf32>
          %swap3A_795 = vector.shape_cast %mul3A_790 : vector<16xf32> to vector<1x16xf32>
          tpu.vector_store %arg10[%swap3A_791, %swap3A_792], %swap3A_795 {strides = array<i32>} : memref<128x128xf32, #tpu.memory_space<vmem>>, vector<1x16xf32>,
          %get3A_796 = arith.index_cast %add3A_735 : i32 to index
          %get3A_797 = arith.constant 96 : index
          %get3A_798 = tpu.vector_load %arg10[%get3A_796, %get3A_797] {strides = array<i32>} : memref<128x128xf32, #tpu.memory_space<vmem>>, vector<1x16xf32>,
          %get3A_799 = vector.shape_cast %get3A_798 : vector<1x16xf32> to vector<16xf32>
          %mul3A_800 = arith.mulf %get3A_799, %broadcast_in_dim3A_733 : vector<16xf32>
          %swap3A_801 = arith.index_cast %add3A_735 : i32 to index
          %swap3A_802 = arith.constant 96 : index
          %swap3A_803 = tpu.vector_load %arg10[%swap3A_801, %swap3A_802] {strides = array<i32>} : memref<128x128xf32, #tpu.memory_space<vmem>>, vector<1x16xf32>,
          %swap3A_804 = vector.shape_cast %swap3A_803 : vector<1x16xf32> to vector<16xf32>
          %swap3A_805 = vector.shape_cast %mul3A_800 : vector<16xf32> to vector<1x16xf32>
          tpu.vector_store %arg10[%swap3A_801, %swap3A_802], %swap3A_805 {strides = array<i32>} : memref<128x128xf32, #tpu.memory_space<vmem>>, vector<1x16xf32>,
          %get3A_806 = arith.index_cast %add3A_735 : i32 to index
          %get3A_807 = arith.constant 112 : index
          %get3A_808 = tpu.vector_load %arg10[%get3A_806, %get3A_807] {strides = array<i32>} : memref<128x128xf32, #tpu.memory_space<vmem>>, vector<1x16xf32>,
          %get3A_809 = vector.shape_cast %get3A_808 : vector<1x16xf32> to vector<16xf32>
          %mul3A_810 = arith.mulf %get3A_809, %broadcast_in_dim3A_733 : vector<16xf32>
          %swap3A_811 = arith.index_cast %add3A_735 : i32 to index
          %swap3A_812 = arith.constant 112 : index
          %swap3A_813 = tpu.vector_load %arg10[%swap3A_811, %swap3A_812] {strides = array<i32>} : memref<128x128xf32, #tpu.memory_space<vmem>>, vector<1x16xf32>,
          %swap3A_814 = vector.shape_cast %swap3A_813 : vector<1x16xf32> to vector<16xf32>
          %swap3A_815 = vector.shape_cast %mul3A_810 : vector<16xf32> to vector<1x16xf32>
          tpu.vector_store %arg10[%swap3A_811, %swap3A_812], %swap3A_815 {strides = array<i32>} : memref<128x128xf32, #tpu.memory_space<vmem>>, vector<1x16xf32>,
          %slice3A_816 = vector.extract_strided_slice %get3A_54 {offsets = [9], sizes = [1], strides = [1]} : vector<16xf32> to vector<1xf32>
          %squeeze3A_817 = vector.extract %slice3A_816[0] : f32 from vector<1xf32>
          %broadcast_in_dim3A_818 = vector.broadcast %squeeze3A_817 : f32 to vector<16xf32>
          %add3A_819 = arith.constant 9 : i32
          %add3A_820 = arith.addi %add3A_52, %add3A_819 : i32
          %get3A_821 = arith.index_cast %add3A_820 : i32 to index
          %get3A_822 = arith.constant 0 : index
          %get3A_823 = tpu.vector_load %arg10[%get3A_821, %get3A_822] {strides = array<i32>} : memref<128x128xf32, #tpu.memory_space<vmem>>, vector<1x16xf32>,
          %get3A_824 = vector.shape_cast %get3A_823 : vector<1x16xf32> to vector<16xf32>
          %mul3A_825 = arith.mulf %get3A_824, %broadcast_in_dim3A_818 : vector<16xf32>
          %swap3A_826 = arith.index_cast %add3A_820 : i32 to index
          %swap3A_827 = arith.constant 0 : index
          %swap3A_828 = tpu.vector_load %arg10[%swap3A_826, %swap3A_827] {strides = array<i32>} : memref<128x128xf32, #tpu.memory_space<vmem>>, vector<1x16xf32>,
          %swap3A_829 = vector.shape_cast %swap3A_828 : vector<1x16xf32> to vector<16xf32>
          %swap3A_830 = vector.shape_cast %mul3A_825 : vector<16xf32> to vector<1x16xf32>
          tpu.vector_store %arg10[%swap3A_826, %swap3A_827], %swap3A_830 {strides = array<i32>} : memref<128x128xf32, #tpu.memory_space<vmem>>, vector<1x16xf32>,
          %get3A_831 = arith.index_cast %add3A_820 : i32 to index
          %get3A_832 = arith.constant 16 : index
          %get3A_833 = tpu.vector_load %arg10[%get3A_831, %get3A_832] {strides = array<i32>} : memref<128x128xf32, #tpu.memory_space<vmem>>, vector<1x16xf32>,
          %get3A_834 = vector.shape_cast %get3A_833 : vector<1x16xf32> to vector<16xf32>
          %mul3A_835 = arith.mulf %get3A_834, %broadcast_in_dim3A_818 : vector<16xf32>
          %swap3A_836 = arith.index_cast %add3A_820 : i32 to index
          %swap3A_837 = arith.constant 16 : index
          %swap3A_838 = tpu.vector_load %arg10[%swap3A_836, %swap3A_837] {strides = array<i32>} : memref<128x128xf32, #tpu.memory_space<vmem>>, vector<1x16xf32>,
          %swap3A_839 = vector.shape_cast %swap3A_838 : vector<1x16xf32> to vector<16xf32>
          %swap3A_840 = vector.shape_cast %mul3A_835 : vector<16xf32> to vector<1x16xf32>
          tpu.vector_store %arg10[%swap3A_836, %swap3A_837], %swap3A_840 {strides = array<i32>} : memref<128x128xf32, #tpu.memory_space<vmem>>, vector<1x16xf32>,
          %get3A_841 = arith.index_cast %add3A_820 : i32 to index
          %get3A_842 = arith.constant 32 : index
          %get3A_843 = tpu.vector_load %arg10[%get3A_841, %get3A_842] {strides = array<i32>} : memref<128x128xf32, #tpu.memory_space<vmem>>, vector<1x16xf32>,
          %get3A_844 = vector.shape_cast %get3A_843 : vector<1x16xf32> to vector<16xf32>
          %mul3A_845 = arith.mulf %get3A_844, %broadcast_in_dim3A_818 : vector<16xf32>
          %swap3A_846 = arith.index_cast %add3A_820 : i32 to index
          %swap3A_847 = arith.constant 32 : index
          %swap3A_848 = tpu.vector_load %arg10[%swap3A_846, %swap3A_847] {strides = array<i32>} : memref<128x128xf32, #tpu.memory_space<vmem>>, vector<1x16xf32>,
          %swap3A_849 = vector.shape_cast %swap3A_848 : vector<1x16xf32> to vector<16xf32>
          %swap3A_850 = vector.shape_cast %mul3A_845 : vector<16xf32> to vector<1x16xf32>
          tpu.vector_store %arg10[%swap3A_846, %swap3A_847], %swap3A_850 {strides = array<i32>} : memref<128x128xf32, #tpu.memory_space<vmem>>, vector<1x16xf32>,
          %get3A_851 = arith.index_cast %add3A_820 : i32 to index
          %get3A_852 = arith.constant 48 : index
          %get3A_853 = tpu.vector_load %arg10[%get3A_851, %get3A_852] {strides = array<i32>} : memref<128x128xf32, #tpu.memory_space<vmem>>, vector<1x16xf32>,
          %get3A_854 = vector.shape_cast %get3A_853 : vector<1x16xf32> to vector<16xf32>
          %mul3A_855 = arith.mulf %get3A_854, %broadcast_in_dim3A_818 : vector<16xf32>
          %swap3A_856 = arith.index_cast %add3A_820 : i32 to index
          %swap3A_857 = arith.constant 48 : index
          %swap3A_858 = tpu.vector_load %arg10[%swap3A_856, %swap3A_857] {strides = array<i32>} : memref<128x128xf32, #tpu.memory_space<vmem>>, vector<1x16xf32>,
          %swap3A_859 = vector.shape_cast %swap3A_858 : vector<1x16xf32> to vector<16xf32>
          %swap3A_860 = vector.shape_cast %mul3A_855 : vector<16xf32> to vector<1x16xf32>
          tpu.vector_store %arg10[%swap3A_856, %swap3A_857], %swap3A_860 {strides = array<i32>} : memref<128x128xf32, #tpu.memory_space<vmem>>, vector<1x16xf32>,
          %get3A_861 = arith.index_cast %add3A_820 : i32 to index
          %get3A_862 = arith.constant 64 : index
          %get3A_863 = tpu.vector_load %arg10[%get3A_861, %get3A_862] {strides = array<i32>} : memref<128x128xf32, #tpu.memory_space<vmem>>, vector<1x16xf32>,
          %get3A_864 = vector.shape_cast %get3A_863 : vector<1x16xf32> to vector<16xf32>
          %mul3A_865 = arith.mulf %get3A_864, %broadcast_in_dim3A_818 : vector<16xf32>
          %swap3A_866 = arith.index_cast %add3A_820 : i32 to index
          %swap3A_867 = arith.constant 64 : index
          %swap3A_868 = tpu.vector_load %arg10[%swap3A_866, %swap3A_867] {strides = array<i32>} : memref<128x128xf32, #tpu.memory_space<vmem>>, vector<1x16xf32>,
          %swap3A_869 = vector.shape_cast %swap3A_868 : vector<1x16xf32> to vector<16xf32>
          %swap3A_870 = vector.shape_cast %mul3A_865 : vector<16xf32> to vector<1x16xf32>
          tpu.vector_store %arg10[%swap3A_866, %swap3A_867], %swap3A_870 {strides = array<i32>} : memref<128x128xf32, #tpu.memory_space<vmem>>, vector<1x16xf32>,
          %get3A_871 = arith.index_cast %add3A_820 : i32 to index
          %get3A_872 = arith.constant 80 : index
          %get3A_873 = tpu.vector_load %arg10[%get3A_871, %get3A_872] {strides = array<i32>} : memref<128x128xf32, #tpu.memory_space<vmem>>, vector<1x16xf32>,
          %get3A_874 = vector.shape_cast %get3A_873 : vector<1x16xf32> to vector<16xf32>
          %mul3A_875 = arith.mulf %get3A_874, %broadcast_in_dim3A_818 : vector<16xf32>
          %swap3A_876 = arith.index_cast %add3A_820 : i32 to index
          %swap3A_877 = arith.constant 80 : index
          %swap3A_878 = tpu.vector_load %arg10[%swap3A_876, %swap3A_877] {strides = array<i32>} : memref<128x128xf32, #tpu.memory_space<vmem>>, vector<1x16xf32>,
          %swap3A_879 = vector.shape_cast %swap3A_878 : vector<1x16xf32> to vector<16xf32>
          %swap3A_880 = vector.shape_cast %mul3A_875 : vector<16xf32> to vector<1x16xf32>
          tpu.vector_store %arg10[%swap3A_876, %swap3A_877], %swap3A_880 {strides = array<i32>} : memref<128x128xf32, #tpu.memory_space<vmem>>, vector<1x16xf32>,
          %get3A_881 = arith.index_cast %add3A_820 : i32 to index
          %get3A_882 = arith.constant 96 : index
          %get3A_883 = tpu.vector_load %arg10[%get3A_881, %get3A_882] {strides = array<i32>} : memref<128x128xf32, #tpu.memory_space<vmem>>, vector<1x16xf32>,
          %get3A_884 = vector.shape_cast %get3A_883 : vector<1x16xf32> to vector<16xf32>
          %mul3A_885 = arith.mulf %get3A_884, %broadcast_in_dim3A_818 : vector<16xf32>
          %swap3A_886 = arith.index_cast %add3A_820 : i32 to index
          %swap3A_887 = arith.constant 96 : index
          %swap3A_888 = tpu.vector_load %arg10[%swap3A_886, %swap3A_887] {strides = array<i32>} : memref<128x128xf32, #tpu.memory_space<vmem>>, vector<1x16xf32>,
          %swap3A_889 = vector.shape_cast %swap3A_888 : vector<1x16xf32> to vector<16xf32>
          %swap3A_890 = vector.shape_cast %mul3A_885 : vector<16xf32> to vector<1x16xf32>
          tpu.vector_store %arg10[%swap3A_886, %swap3A_887], %swap3A_890 {strides = array<i32>} : memref<128x128xf32, #tpu.memory_space<vmem>>, vector<1x16xf32>,
          %get3A_891 = arith.index_cast %add3A_820 : i32 to index
          %get3A_892 = arith.constant 112 : index
          %get3A_893 = tpu.vector_load %arg10[%get3A_891, %get3A_892] {strides = array<i32>} : memref<128x128xf32, #tpu.memory_space<vmem>>, vector<1x16xf32>,
          %get3A_894 = vector.shape_cast %get3A_893 : vector<1x16xf32> to vector<16xf32>
          %mul3A_895 = arith.mulf %get3A_894, %broadcast_in_dim3A_818 : vector<16xf32>
          %swap3A_896 = arith.index_cast %add3A_820 : i32 to index
          %swap3A_897 = arith.constant 112 : index
          %swap3A_898 = tpu.vector_load %arg10[%swap3A_896, %swap3A_897] {strides = array<i32>} : memref<128x128xf32, #tpu.memory_space<vmem>>, vector<1x16xf32>,
          %swap3A_899 = vector.shape_cast %swap3A_898 : vector<1x16xf32> to vector<16xf32>
          %swap3A_900 = vector.shape_cast %mul3A_895 : vector<16xf32> to vector<1x16xf32>
          tpu.vector_store %arg10[%swap3A_896, %swap3A_897], %swap3A_900 {strides = array<i32>} : memref<128x128xf32, #tpu.memory_space<vmem>>, vector<1x16xf32>,
          %slice3A_901 = vector.extract_strided_slice %get3A_54 {offsets = [10], sizes = [1], strides = [1]} : vector<16xf32> to vector<1xf32>
          %squeeze3A_902 = vector.extract %slice3A_901[0] : f32 from vector<1xf32>
          %broadcast_in_dim3A_903 = vector.broadcast %squeeze3A_902 : f32 to vector<16xf32>
          %add3A_904 = arith.constant 10 : i32
          %add3A_905 = arith.addi %add3A_52, %add3A_904 : i32
          %get3A_906 = arith.index_cast %add3A_905 : i32 to index
          %get3A_907 = arith.constant 0 : index
          %get3A_908 = tpu.vector_load %arg10[%get3A_906, %get3A_907] {strides = array<i32>} : memref<128x128xf32, #tpu.memory_space<vmem>>, vector<1x16xf32>,
          %get3A_909 = vector.shape_cast %get3A_908 : vector<1x16xf32> to vector<16xf32>
          %mul3A_910 = arith.mulf %get3A_909, %broadcast_in_dim3A_903 : vector<16xf32>
          %swap3A_911 = arith.index_cast %add3A_905 : i32 to index
          %swap3A_912 = arith.constant 0 : index
          %swap3A_913 = tpu.vector_load %arg10[%swap3A_911, %swap3A_912] {strides = array<i32>} : memref<128x128xf32, #tpu.memory_space<vmem>>, vector<1x16xf32>,
          %swap3A_914 = vector.shape_cast %swap3A_913 : vector<1x16xf32> to vector<16xf32>
          %swap3A_915 = vector.shape_cast %mul3A_910 : vector<16xf32> to vector<1x16xf32>
          tpu.vector_store %arg10[%swap3A_911, %swap3A_912], %swap3A_915 {strides = array<i32>} : memref<128x128xf32, #tpu.memory_space<vmem>>, vector<1x16xf32>,
          %get3A_916 = arith.index_cast %add3A_905 : i32 to index
          %get3A_917 = arith.constant 16 : index
          %get3A_918 = tpu.vector_load %arg10[%get3A_916, %get3A_917] {strides = array<i32>} : memref<128x128xf32, #tpu.memory_space<vmem>>, vector<1x16xf32>,
          %get3A_919 = vector.shape_cast %get3A_918 : vector<1x16xf32> to vector<16xf32>
          %mul3A_920 = arith.mulf %get3A_919, %broadcast_in_dim3A_903 : vector<16xf32>
          %swap3A_921 = arith.index_cast %add3A_905 : i32 to index
          %swap3A_922 = arith.constant 16 : index
          %swap3A_923 = tpu.vector_load %arg10[%swap3A_921, %swap3A_922] {strides = array<i32>} : memref<128x128xf32, #tpu.memory_space<vmem>>, vector<1x16xf32>,
          %swap3A_924 = vector.shape_cast %swap3A_923 : vector<1x16xf32> to vector<16xf32>
          %swap3A_925 = vector.shape_cast %mul3A_920 : vector<16xf32> to vector<1x16xf32>
          tpu.vector_store %arg10[%swap3A_921, %swap3A_922], %swap3A_925 {strides = array<i32>} : memref<128x128xf32, #tpu.memory_space<vmem>>, vector<1x16xf32>,
          %get3A_926 = arith.index_cast %add3A_905 : i32 to index
          %get3A_927 = arith.constant 32 : index
          %get3A_928 = tpu.vector_load %arg10[%get3A_926, %get3A_927] {strides = array<i32>} : memref<128x128xf32, #tpu.memory_space<vmem>>, vector<1x16xf32>,
          %get3A_929 = vector.shape_cast %get3A_928 : vector<1x16xf32> to vector<16xf32>
          %mul3A_930 = arith.mulf %get3A_929, %broadcast_in_dim3A_903 : vector<16xf32>
          %swap3A_931 = arith.index_cast %add3A_905 : i32 to index
          %swap3A_932 = arith.constant 32 : index
          %swap3A_933 = tpu.vector_load %arg10[%swap3A_931, %swap3A_932] {strides = array<i32>} : memref<128x128xf32, #tpu.memory_space<vmem>>, vector<1x16xf32>,
          %swap3A_934 = vector.shape_cast %swap3A_933 : vector<1x16xf32> to vector<16xf32>
          %swap3A_935 = vector.shape_cast %mul3A_930 : vector<16xf32> to vector<1x16xf32>
          tpu.vector_store %arg10[%swap3A_931, %swap3A_932], %swap3A_935 {strides = array<i32>} : memref<128x128xf32, #tpu.memory_space<vmem>>, vector<1x16xf32>,
          %get3A_936 = arith.index_cast %add3A_905 : i32 to index
          %get3A_937 = arith.constant 48 : index
          %get3A_938 = tpu.vector_load %arg10[%get3A_936, %get3A_937] {strides = array<i32>} : memref<128x128xf32, #tpu.memory_space<vmem>>, vector<1x16xf32>,
          %get3A_939 = vector.shape_cast %get3A_938 : vector<1x16xf32> to vector<16xf32>
          %mul3A_940 = arith.mulf %get3A_939, %broadcast_in_dim3A_903 : vector<16xf32>
          %swap3A_941 = arith.index_cast %add3A_905 : i32 to index
          %swap3A_942 = arith.constant 48 : index
          %swap3A_943 = tpu.vector_load %arg10[%swap3A_941, %swap3A_942] {strides = array<i32>} : memref<128x128xf32, #tpu.memory_space<vmem>>, vector<1x16xf32>,
          %swap3A_944 = vector.shape_cast %swap3A_943 : vector<1x16xf32> to vector<16xf32>
          %swap3A_945 = vector.shape_cast %mul3A_940 : vector<16xf32> to vector<1x16xf32>
          tpu.vector_store %arg10[%swap3A_941, %swap3A_942], %swap3A_945 {strides = array<i32>} : memref<128x128xf32, #tpu.memory_space<vmem>>, vector<1x16xf32>,
          %get3A_946 = arith.index_cast %add3A_905 : i32 to index
          %get3A_947 = arith.constant 64 : index
          %get3A_948 = tpu.vector_load %arg10[%get3A_946, %get3A_947] {strides = array<i32>} : memref<128x128xf32, #tpu.memory_space<vmem>>, vector<1x16xf32>,
          %get3A_949 = vector.shape_cast %get3A_948 : vector<1x16xf32> to vector<16xf32>
          %mul3A_950 = arith.mulf %get3A_949, %broadcast_in_dim3A_903 : vector<16xf32>
          %swap3A_951 = arith.index_cast %add3A_905 : i32 to index
          %swap3A_952 = arith.constant 64 : index
          %swap3A_953 = tpu.vector_load %arg10[%swap3A_951, %swap3A_952] {strides = array<i32>} : memref<128x128xf32, #tpu.memory_space<vmem>>, vector<1x16xf32>,
          %swap3A_954 = vector.shape_cast %swap3A_953 : vector<1x16xf32> to vector<16xf32>
          %swap3A_955 = vector.shape_cast %mul3A_950 : vector<16xf32> to vector<1x16xf32>
          tpu.vector_store %arg10[%swap3A_951, %swap3A_952], %swap3A_955 {strides = array<i32>} : memref<128x128xf32, #tpu.memory_space<vmem>>, vector<1x16xf32>,
          %get3A_956 = arith.index_cast %add3A_905 : i32 to index
          %get3A_957 = arith.constant 80 : index
          %get3A_958 = tpu.vector_load %arg10[%get3A_956, %get3A_957] {strides = array<i32>} : memref<128x128xf32, #tpu.memory_space<vmem>>, vector<1x16xf32>,
          %get3A_959 = vector.shape_cast %get3A_958 : vector<1x16xf32> to vector<16xf32>
          %mul3A_960 = arith.mulf %get3A_959, %broadcast_in_dim3A_903 : vector<16xf32>
          %swap3A_961 = arith.index_cast %add3A_905 : i32 to index
          %swap3A_962 = arith.constant 80 : index
          %swap3A_963 = tpu.vector_load %arg10[%swap3A_961, %swap3A_962] {strides = array<i32>} : memref<128x128xf32, #tpu.memory_space<vmem>>, vector<1x16xf32>,
          %swap3A_964 = vector.shape_cast %swap3A_963 : vector<1x16xf32> to vector<16xf32>
          %swap3A_965 = vector.shape_cast %mul3A_960 : vector<16xf32> to vector<1x16xf32>
          tpu.vector_store %arg10[%swap3A_961, %swap3A_962], %swap3A_965 {strides = array<i32>} : memref<128x128xf32, #tpu.memory_space<vmem>>, vector<1x16xf32>,
          %get3A_966 = arith.index_cast %add3A_905 : i32 to index
          %get3A_967 = arith.constant 96 : index
          %get3A_968 = tpu.vector_load %arg10[%get3A_966, %get3A_967] {strides = array<i32>} : memref<128x128xf32, #tpu.memory_space<vmem>>, vector<1x16xf32>,
          %get3A_969 = vector.shape_cast %get3A_968 : vector<1x16xf32> to vector<16xf32>
          %mul3A_970 = arith.mulf %get3A_969, %broadcast_in_dim3A_903 : vector<16xf32>
          %swap3A_971 = arith.index_cast %add3A_905 : i32 to index
          %swap3A_972 = arith.constant 96 : index
          %swap3A_973 = tpu.vector_load %arg10[%swap3A_971, %swap3A_972] {strides = array<i32>} : memref<128x128xf32, #tpu.memory_space<vmem>>, vector<1x16xf32>,
          %swap3A_974 = vector.shape_cast %swap3A_973 : vector<1x16xf32> to vector<16xf32>
          %swap3A_975 = vector.shape_cast %mul3A_970 : vector<16xf32> to vector<1x16xf32>
          tpu.vector_store %arg10[%swap3A_971, %swap3A_972], %swap3A_975 {strides = array<i32>} : memref<128x128xf32, #tpu.memory_space<vmem>>, vector<1x16xf32>,
          %get3A_976 = arith.index_cast %add3A_905 : i32 to index
          %get3A_977 = arith.constant 112 : index
          %get3A_978 = tpu.vector_load %arg10[%get3A_976, %get3A_977] {strides = array<i32>} : memref<128x128xf32, #tpu.memory_space<vmem>>, vector<1x16xf32>,
          %get3A_979 = vector.shape_cast %get3A_978 : vector<1x16xf32> to vector<16xf32>
          %mul3A_980 = arith.mulf %get3A_979, %broadcast_in_dim3A_903 : vector<16xf32>
          %swap3A_981 = arith.index_cast %add3A_905 : i32 to index
          %swap3A_982 = arith.constant 112 : index
          %swap3A_983 = tpu.vector_load %arg10[%swap3A_981, %swap3A_982] {strides = array<i32>} : memref<128x128xf32, #tpu.memory_space<vmem>>, vector<1x16xf32>,
          %swap3A_984 = vector.shape_cast %swap3A_983 : vector<1x16xf32> to vector<16xf32>
          %swap3A_985 = vector.shape_cast %mul3A_980 : vector<16xf32> to vector<1x16xf32>
          tpu.vector_store %arg10[%swap3A_981, %swap3A_982], %swap3A_985 {strides = array<i32>} : memref<128x128xf32, #tpu.memory_space<vmem>>, vector<1x16xf32>,
          %slice3A_986 = vector.extract_strided_slice %get3A_54 {offsets = [11], sizes = [1], strides = [1]} : vector<16xf32> to vector<1xf32>
          %squeeze3A_987 = vector.extract %slice3A_986[0] : f32 from vector<1xf32>
          %broadcast_in_dim3A_988 = vector.broadcast %squeeze3A_987 : f32 to vector<16xf32>
          %add3A_989 = arith.constant 11 : i32
          %add3A_990 = arith.addi %add3A_52, %add3A_989 : i32
          %get3A_991 = arith.index_cast %add3A_990 : i32 to index
          %get3A_992 = arith.constant 0 : index
          %get3A_993 = tpu.vector_load %arg10[%get3A_991, %get3A_992] {strides = array<i32>} : memref<128x128xf32, #tpu.memory_space<vmem>>, vector<1x16xf32>,
          %get3A_994 = vector.shape_cast %get3A_993 : vector<1x16xf32> to vector<16xf32>
          %mul3A_995 = arith.mulf %get3A_994, %broadcast_in_dim3A_988 : vector<16xf32>
          %swap3A_996 = arith.index_cast %add3A_990 : i32 to index
          %swap3A_997 = arith.constant 0 : index
          %swap3A_998 = tpu.vector_load %arg10[%swap3A_996, %swap3A_997] {strides = array<i32>} : memref<128x128xf32, #tpu.memory_space<vmem>>, vector<1x16xf32>,
          %swap3A_999 = vector.shape_cast %swap3A_998 : vector<1x16xf32> to vector<16xf32>
          %swap3A_1000 = vector.shape_cast %mul3A_995 : vector<16xf32> to vector<1x16xf32>
          tpu.vector_store %arg10[%swap3A_996, %swap3A_997], %swap3A_1000 {strides = array<i32>} : memref<128x128xf32, #tpu.memory_space<vmem>>, vector<1x16xf32>,
          %get3A_1001 = arith.index_cast %add3A_990 : i32 to index
          %get3A_1002 = arith.constant 16 : index
          %get3A_1003 = tpu.vector_load %arg10[%get3A_1001, %get3A_1002] {strides = array<i32>} : memref<128x128xf32, #tpu.memory_space<vmem>>, vector<1x16xf32>,
          %get3A_1004 = vector.shape_cast %get3A_1003 : vector<1x16xf32> to vector<16xf32>
          %mul3A_1005 = arith.mulf %get3A_1004, %broadcast_in_dim3A_988 : vector<16xf32>
          %swap3A_1006 = arith.index_cast %add3A_990 : i32 to index
          %swap3A_1007 = arith.constant 16 : index
          %swap3A_1008 = tpu.vector_load %arg10[%swap3A_1006, %swap3A_1007] {strides = array<i32>} : memref<128x128xf32, #tpu.memory_space<vmem>>, vector<1x16xf32>,
          %swap3A_1009 = vector.shape_cast %swap3A_1008 : vector<1x16xf32> to vector<16xf32>
          %swap3A_1010 = vector.shape_cast %mul3A_1005 : vector<16xf32> to vector<1x16xf32>
          tpu.vector_store %arg10[%swap3A_1006, %swap3A_1007], %swap3A_1010 {strides = array<i32>} : memref<128x128xf32, #tpu.memory_space<vmem>>, vector<1x16xf32>,
          %get3A_1011 = arith.index_cast %add3A_990 : i32 to index
          %get3A_1012 = arith.constant 32 : index
          %get3A_1013 = tpu.vector_load %arg10[%get3A_1011, %get3A_1012] {strides = array<i32>} : memref<128x128xf32, #tpu.memory_space<vmem>>, vector<1x16xf32>,
          %get3A_1014 = vector.shape_cast %get3A_1013 : vector<1x16xf32> to vector<16xf32>
          %mul3A_1015 = arith.mulf %get3A_1014, %broadcast_in_dim3A_988 : vector<16xf32>
          %swap3A_1016 = arith.index_cast %add3A_990 : i32 to index
          %swap3A_1017 = arith.constant 32 : index
          %swap3A_1018 = tpu.vector_load %arg10[%swap3A_1016, %swap3A_1017] {strides = array<i32>} : memref<128x128xf32, #tpu.memory_space<vmem>>, vector<1x16xf32>,
          %swap3A_1019 = vector.shape_cast %swap3A_1018 : vector<1x16xf32> to vector<16xf32>
          %swap3A_1020 = vector.shape_cast %mul3A_1015 : vector<16xf32> to vector<1x16xf32>
          tpu.vector_store %arg10[%swap3A_1016, %swap3A_1017], %swap3A_1020 {strides = array<i32>} : memref<128x128xf32, #tpu.memory_space<vmem>>, vector<1x16xf32>,
          %get3A_1021 = arith.index_cast %add3A_990 : i32 to index
          %get3A_1022 = arith.constant 48 : index
          %get3A_1023 = tpu.vector_load %arg10[%get3A_1021, %get3A_1022] {strides = array<i32>} : memref<128x128xf32, #tpu.memory_space<vmem>>, vector<1x16xf32>,
          %get3A_1024 = vector.shape_cast %get3A_1023 : vector<1x16xf32> to vector<16xf32>
          %mul3A_1025 = arith.mulf %get3A_1024, %broadcast_in_dim3A_988 : vector<16xf32>
          %swap3A_1026 = arith.index_cast %add3A_990 : i32 to index
          %swap3A_1027 = arith.constant 48 : index
          %swap3A_1028 = tpu.vector_load %arg10[%swap3A_1026, %swap3A_1027] {strides = array<i32>} : memref<128x128xf32, #tpu.memory_space<vmem>>, vector<1x16xf32>,
          %swap3A_1029 = vector.shape_cast %swap3A_1028 : vector<1x16xf32> to vector<16xf32>
          %swap3A_1030 = vector.shape_cast %mul3A_1025 : vector<16xf32> to vector<1x16xf32>
          tpu.vector_store %arg10[%swap3A_1026, %swap3A_1027], %swap3A_1030 {strides = array<i32>} : memref<128x128xf32, #tpu.memory_space<vmem>>, vector<1x16xf32>,
          %get3A_1031 = arith.index_cast %add3A_990 : i32 to index
          %get3A_1032 = arith.constant 64 : index
          %get3A_1033 = tpu.vector_load %arg10[%get3A_1031, %get3A_1032] {strides = array<i32>} : memref<128x128xf32, #tpu.memory_space<vmem>>, vector<1x16xf32>,
          %get3A_1034 = vector.shape_cast %get3A_1033 : vector<1x16xf32> to vector<16xf32>
          %mul3A_1035 = arith.mulf %get3A_1034, %broadcast_in_dim3A_988 : vector<16xf32>
          %swap3A_1036 = arith.index_cast %add3A_990 : i32 to index
          %swap3A_1037 = arith.constant 64 : index
          %swap3A_1038 = tpu.vector_load %arg10[%swap3A_1036, %swap3A_1037] {strides = array<i32>} : memref<128x128xf32, #tpu.memory_space<vmem>>, vector<1x16xf32>,
          %swap3A_1039 = vector.shape_cast %swap3A_1038 : vector<1x16xf32> to vector<16xf32>
          %swap3A_1040 = vector.shape_cast %mul3A_1035 : vector<16xf32> to vector<1x16xf32>
          tpu.vector_store %arg10[%swap3A_1036, %swap3A_1037], %swap3A_1040 {strides = array<i32>} : memref<128x128xf32, #tpu.memory_space<vmem>>, vector<1x16xf32>,
          %get3A_1041 = arith.index_cast %add3A_990 : i32 to index
          %get3A_1042 = arith.constant 80 : index
          %get3A_1043 = tpu.vector_load %arg10[%get3A_1041, %get3A_1042] {strides = array<i32>} : memref<128x128xf32, #tpu.memory_space<vmem>>, vector<1x16xf32>,
          %get3A_1044 = vector.shape_cast %get3A_1043 : vector<1x16xf32> to vector<16xf32>
          %mul3A_1045 = arith.mulf %get3A_1044, %broadcast_in_dim3A_988 : vector<16xf32>
          %swap3A_1046 = arith.index_cast %add3A_990 : i32 to index
          %swap3A_1047 = arith.constant 80 : index
          %swap3A_1048 = tpu.vector_load %arg10[%swap3A_1046, %swap3A_1047] {strides = array<i32>} : memref<128x128xf32, #tpu.memory_space<vmem>>, vector<1x16xf32>,
          %swap3A_1049 = vector.shape_cast %swap3A_1048 : vector<1x16xf32> to vector<16xf32>
          %swap3A_1050 = vector.shape_cast %mul3A_1045 : vector<16xf32> to vector<1x16xf32>
          tpu.vector_store %arg10[%swap3A_1046, %swap3A_1047], %swap3A_1050 {strides = array<i32>} : memref<128x128xf32, #tpu.memory_space<vmem>>, vector<1x16xf32>,
          %get3A_1051 = arith.index_cast %add3A_990 : i32 to index
          %get3A_1052 = arith.constant 96 : index
          %get3A_1053 = tpu.vector_load %arg10[%get3A_1051, %get3A_1052] {strides = array<i32>} : memref<128x128xf32, #tpu.memory_space<vmem>>, vector<1x16xf32>,
          %get3A_1054 = vector.shape_cast %get3A_1053 : vector<1x16xf32> to vector<16xf32>
          %mul3A_1055 = arith.mulf %get3A_1054, %broadcast_in_dim3A_988 : vector<16xf32>
          %swap3A_1056 = arith.index_cast %add3A_990 : i32 to index
          %swap3A_1057 = arith.constant 96 : index
          %swap3A_1058 = tpu.vector_load %arg10[%swap3A_1056, %swap3A_1057] {strides = array<i32>} : memref<128x128xf32, #tpu.memory_space<vmem>>, vector<1x16xf32>,
          %swap3A_1059 = vector.shape_cast %swap3A_1058 : vector<1x16xf32> to vector<16xf32>
          %swap3A_1060 = vector.shape_cast %mul3A_1055 : vector<16xf32> to vector<1x16xf32>
          tpu.vector_store %arg10[%swap3A_1056, %swap3A_1057], %swap3A_1060 {strides = array<i32>} : memref<128x128xf32, #tpu.memory_space<vmem>>, vector<1x16xf32>,
          %get3A_1061 = arith.index_cast %add3A_990 : i32 to index
          %get3A_1062 = arith.constant 112 : index
          %get3A_1063 = tpu.vector_load %arg10[%get3A_1061, %get3A_1062] {strides = array<i32>} : memref<128x128xf32, #tpu.memory_space<vmem>>, vector<1x16xf32>,
          %get3A_1064 = vector.shape_cast %get3A_1063 : vector<1x16xf32> to vector<16xf32>
          %mul3A_1065 = arith.mulf %get3A_1064, %broadcast_in_dim3A_988 : vector<16xf32>
          %swap3A_1066 = arith.index_cast %add3A_990 : i32 to index
          %swap3A_1067 = arith.constant 112 : index
          %swap3A_1068 = tpu.vector_load %arg10[%swap3A_1066, %swap3A_1067] {strides = array<i32>} : memref<128x128xf32, #tpu.memory_space<vmem>>, vector<1x16xf32>,
          %swap3A_1069 = vector.shape_cast %swap3A_1068 : vector<1x16xf32> to vector<16xf32>
          %swap3A_1070 = vector.shape_cast %mul3A_1065 : vector<16xf32> to vector<1x16xf32>
          tpu.vector_store %arg10[%swap3A_1066, %swap3A_1067], %swap3A_1070 {strides = array<i32>} : memref<128x128xf32, #tpu.memory_space<vmem>>, vector<1x16xf32>,
          %slice3A_1071 = vector.extract_strided_slice %get3A_54 {offsets = [12], sizes = [1], strides = [1]} : vector<16xf32> to vector<1xf32>
          %squeeze3A_1072 = vector.extract %slice3A_1071[0] : f32 from vector<1xf32>
          %broadcast_in_dim3A_1073 = vector.broadcast %squeeze3A_1072 : f32 to vector<16xf32>
          %add3A_1074 = arith.constant 12 : i32
          %add3A_1075 = arith.addi %add3A_52, %add3A_1074 : i32
          %get3A_1076 = arith.index_cast %add3A_1075 : i32 to index
          %get3A_1077 = arith.constant 0 : index
          %get3A_1078 = tpu.vector_load %arg10[%get3A_1076, %get3A_1077] {strides = array<i32>} : memref<128x128xf32, #tpu.memory_space<vmem>>, vector<1x16xf32>,
          %get3A_1079 = vector.shape_cast %get3A_1078 : vector<1x16xf32> to vector<16xf32>
          %mul3A_1080 = arith.mulf %get3A_1079, %broadcast_in_dim3A_1073 : vector<16xf32>
          %swap3A_1081 = arith.index_cast %add3A_1075 : i32 to index
          %swap3A_1082 = arith.constant 0 : index
          %swap3A_1083 = tpu.vector_load %arg10[%swap3A_1081, %swap3A_1082] {strides = array<i32>} : memref<128x128xf32, #tpu.memory_space<vmem>>, vector<1x16xf32>,
          %swap3A_1084 = vector.shape_cast %swap3A_1083 : vector<1x16xf32> to vector<16xf32>
          %swap3A_1085 = vector.shape_cast %mul3A_1080 : vector<16xf32> to vector<1x16xf32>
          tpu.vector_store %arg10[%swap3A_1081, %swap3A_1082], %swap3A_1085 {strides = array<i32>} : memref<128x128xf32, #tpu.memory_space<vmem>>, vector<1x16xf32>,
          %get3A_1086 = arith.index_cast %add3A_1075 : i32 to index
          %get3A_1087 = arith.constant 16 : index
          %get3A_1088 = tpu.vector_load %arg10[%get3A_1086, %get3A_1087] {strides = array<i32>} : memref<128x128xf32, #tpu.memory_space<vmem>>, vector<1x16xf32>,
          %get3A_1089 = vector.shape_cast %get3A_1088 : vector<1x16xf32> to vector<16xf32>
          %mul3A_1090 = arith.mulf %get3A_1089, %broadcast_in_dim3A_1073 : vector<16xf32>
          %swap3A_1091 = arith.index_cast %add3A_1075 : i32 to index
          %swap3A_1092 = arith.constant 16 : index
          %swap3A_1093 = tpu.vector_load %arg10[%swap3A_1091, %swap3A_1092] {strides = array<i32>} : memref<128x128xf32, #tpu.memory_space<vmem>>, vector<1x16xf32>,
          %swap3A_1094 = vector.shape_cast %swap3A_1093 : vector<1x16xf32> to vector<16xf32>
          %swap3A_1095 = vector.shape_cast %mul3A_1090 : vector<16xf32> to vector<1x16xf32>
          tpu.vector_store %arg10[%swap3A_1091, %swap3A_1092], %swap3A_1095 {strides = array<i32>} : memref<128x128xf32, #tpu.memory_space<vmem>>, vector<1x16xf32>,
          %get3A_1096 = arith.index_cast %add3A_1075 : i32 to index
          %get3A_1097 = arith.constant 32 : index
          %get3A_1098 = tpu.vector_load %arg10[%get3A_1096, %get3A_1097] {strides = array<i32>} : memref<128x128xf32, #tpu.memory_space<vmem>>, vector<1x16xf32>,
          %get3A_1099 = vector.shape_cast %get3A_1098 : vector<1x16xf32> to vector<16xf32>
          %mul3A_1100 = arith.mulf %get3A_1099, %broadcast_in_dim3A_1073 : vector<16xf32>
          %swap3A_1101 = arith.index_cast %add3A_1075 : i32 to index
          %swap3A_1102 = arith.constant 32 : index
          %swap3A_1103 = tpu.vector_load %arg10[%swap3A_1101, %swap3A_1102] {strides = array<i32>} : memref<128x128xf32, #tpu.memory_space<vmem>>, vector<1x16xf32>,
          %swap3A_1104 = vector.shape_cast %swap3A_1103 : vector<1x16xf32> to vector<16xf32>
          %swap3A_1105 = vector.shape_cast %mul3A_1100 : vector<16xf32> to vector<1x16xf32>
          tpu.vector_store %arg10[%swap3A_1101, %swap3A_1102], %swap3A_1105 {strides = array<i32>} : memref<128x128xf32, #tpu.memory_space<vmem>>, vector<1x16xf32>,
          %get3A_1106 = arith.index_cast %add3A_1075 : i32 to index
          %get3A_1107 = arith.constant 48 : index
          %get3A_1108 = tpu.vector_load %arg10[%get3A_1106, %get3A_1107] {strides = array<i32>} : memref<128x128xf32, #tpu.memory_space<vmem>>, vector<1x16xf32>,
          %get3A_1109 = vector.shape_cast %get3A_1108 : vector<1x16xf32> to vector<16xf32>
          %mul3A_1110 = arith.mulf %get3A_1109, %broadcast_in_dim3A_1073 : vector<16xf32>
          %swap3A_1111 = arith.index_cast %add3A_1075 : i32 to index
          %swap3A_1112 = arith.constant 48 : index
          %swap3A_1113 = tpu.vector_load %arg10[%swap3A_1111, %swap3A_1112] {strides = array<i32>} : memref<128x128xf32, #tpu.memory_space<vmem>>, vector<1x16xf32>,
          %swap3A_1114 = vector.shape_cast %swap3A_1113 : vector<1x16xf32> to vector<16xf32>
          %swap3A_1115 = vector.shape_cast %mul3A_1110 : vector<16xf32> to vector<1x16xf32>
          tpu.vector_store %arg10[%swap3A_1111, %swap3A_1112], %swap3A_1115 {strides = array<i32>} : memref<128x128xf32, #tpu.memory_space<vmem>>, vector<1x16xf32>,
          %get3A_1116 = arith.index_cast %add3A_1075 : i32 to index
          %get3A_1117 = arith.constant 64 : index
          %get3A_1118 = tpu.vector_load %arg10[%get3A_1116, %get3A_1117] {strides = array<i32>} : memref<128x128xf32, #tpu.memory_space<vmem>>, vector<1x16xf32>,
          %get3A_1119 = vector.shape_cast %get3A_1118 : vector<1x16xf32> to vector<16xf32>
          %mul3A_1120 = arith.mulf %get3A_1119, %broadcast_in_dim3A_1073 : vector<16xf32>
          %swap3A_1121 = arith.index_cast %add3A_1075 : i32 to index
          %swap3A_1122 = arith.constant 64 : index
          %swap3A_1123 = tpu.vector_load %arg10[%swap3A_1121, %swap3A_1122] {strides = array<i32>} : memref<128x128xf32, #tpu.memory_space<vmem>>, vector<1x16xf32>,
          %swap3A_1124 = vector.shape_cast %swap3A_1123 : vector<1x16xf32> to vector<16xf32>
          %swap3A_1125 = vector.shape_cast %mul3A_1120 : vector<16xf32> to vector<1x16xf32>
          tpu.vector_store %arg10[%swap3A_1121, %swap3A_1122], %swap3A_1125 {strides = array<i32>} : memref<128x128xf32, #tpu.memory_space<vmem>>, vector<1x16xf32>,
          %get3A_1126 = arith.index_cast %add3A_1075 : i32 to index
          %get3A_1127 = arith.constant 80 : index
          %get3A_1128 = tpu.vector_load %arg10[%get3A_1126, %get3A_1127] {strides = array<i32>} : memref<128x128xf32, #tpu.memory_space<vmem>>, vector<1x16xf32>,
          %get3A_1129 = vector.shape_cast %get3A_1128 : vector<1x16xf32> to vector<16xf32>
          %mul3A_1130 = arith.mulf %get3A_1129, %broadcast_in_dim3A_1073 : vector<16xf32>
          %swap3A_1131 = arith.index_cast %add3A_1075 : i32 to index
          %swap3A_1132 = arith.constant 80 : index
          %swap3A_1133 = tpu.vector_load %arg10[%swap3A_1131, %swap3A_1132] {strides = array<i32>} : memref<128x128xf32, #tpu.memory_space<vmem>>, vector<1x16xf32>,
          %swap3A_1134 = vector.shape_cast %swap3A_1133 : vector<1x16xf32> to vector<16xf32>
          %swap3A_1135 = vector.shape_cast %mul3A_1130 : vector<16xf32> to vector<1x16xf32>
          tpu.vector_store %arg10[%swap3A_1131, %swap3A_1132], %swap3A_1135 {strides = array<i32>} : memref<128x128xf32, #tpu.memory_space<vmem>>, vector<1x16xf32>,
          %get3A_1136 = arith.index_cast %add3A_1075 : i32 to index
          %get3A_1137 = arith.constant 96 : index
          %get3A_1138 = tpu.vector_load %arg10[%get3A_1136, %get3A_1137] {strides = array<i32>} : memref<128x128xf32, #tpu.memory_space<vmem>>, vector<1x16xf32>,
          %get3A_1139 = vector.shape_cast %get3A_1138 : vector<1x16xf32> to vector<16xf32>
          %mul3A_1140 = arith.mulf %get3A_1139, %broadcast_in_dim3A_1073 : vector<16xf32>
          %swap3A_1141 = arith.index_cast %add3A_1075 : i32 to index
          %swap3A_1142 = arith.constant 96 : index
          %swap3A_1143 = tpu.vector_load %arg10[%swap3A_1141, %swap3A_1142] {strides = array<i32>} : memref<128x128xf32, #tpu.memory_space<vmem>>, vector<1x16xf32>,
          %swap3A_1144 = vector.shape_cast %swap3A_1143 : vector<1x16xf32> to vector<16xf32>
          %swap3A_1145 = vector.shape_cast %mul3A_1140 : vector<16xf32> to vector<1x16xf32>
          tpu.vector_store %arg10[%swap3A_1141, %swap3A_1142], %swap3A_1145 {strides = array<i32>} : memref<128x128xf32, #tpu.memory_space<vmem>>, vector<1x16xf32>,
          %get3A_1146 = arith.index_cast %add3A_1075 : i32 to index
          %get3A_1147 = arith.constant 112 : index
          %get3A_1148 = tpu.vector_load %arg10[%get3A_1146, %get3A_1147] {strides = array<i32>} : memref<128x128xf32, #tpu.memory_space<vmem>>, vector<1x16xf32>,
          %get3A_1149 = vector.shape_cast %get3A_1148 : vector<1x16xf32> to vector<16xf32>
          %mul3A_1150 = arith.mulf %get3A_1149, %broadcast_in_dim3A_1073 : vector<16xf32>
          %swap3A_1151 = arith.index_cast %add3A_1075 : i32 to index
          %swap3A_1152 = arith.constant 112 : index
          %swap3A_1153 = tpu.vector_load %arg10[%swap3A_1151, %swap3A_1152] {strides = array<i32>} : memref<128x128xf32, #tpu.memory_space<vmem>>, vector<1x16xf32>,
          %swap3A_1154 = vector.shape_cast %swap3A_1153 : vector<1x16xf32> to vector<16xf32>
          %swap3A_1155 = vector.shape_cast %mul3A_1150 : vector<16xf32> to vector<1x16xf32>
          tpu.vector_store %arg10[%swap3A_1151, %swap3A_1152], %swap3A_1155 {strides = array<i32>} : memref<128x128xf32, #tpu.memory_space<vmem>>, vector<1x16xf32>,
          %slice3A_1156 = vector.extract_strided_slice %get3A_54 {offsets = [13], sizes = [1], strides = [1]} : vector<16xf32> to vector<1xf32>
          %squeeze3A_1157 = vector.extract %slice3A_1156[0] : f32 from vector<1xf32>
          %broadcast_in_dim3A_1158 = vector.broadcast %squeeze3A_1157 : f32 to vector<16xf32>
          %add3A_1159 = arith.constant 13 : i32
          %add3A_1160 = arith.addi %add3A_52, %add3A_1159 : i32
          %get3A_1161 = arith.index_cast %add3A_1160 : i32 to index
          %get3A_1162 = arith.constant 0 : index
          %get3A_1163 = tpu.vector_load %arg10[%get3A_1161, %get3A_1162] {strides = array<i32>} : memref<128x128xf32, #tpu.memory_space<vmem>>, vector<1x16xf32>,
          %get3A_1164 = vector.shape_cast %get3A_1163 : vector<1x16xf32> to vector<16xf32>
          %mul3A_1165 = arith.mulf %get3A_1164, %broadcast_in_dim3A_1158 : vector<16xf32>
          %swap3A_1166 = arith.index_cast %add3A_1160 : i32 to index
          %swap3A_1167 = arith.constant 0 : index
          %swap3A_1168 = tpu.vector_load %arg10[%swap3A_1166, %swap3A_1167] {strides = array<i32>} : memref<128x128xf32, #tpu.memory_space<vmem>>, vector<1x16xf32>,
          %swap3A_1169 = vector.shape_cast %swap3A_1168 : vector<1x16xf32> to vector<16xf32>
          %swap3A_1170 = vector.shape_cast %mul3A_1165 : vector<16xf32> to vector<1x16xf32>
          tpu.vector_store %arg10[%swap3A_1166, %swap3A_1167], %swap3A_1170 {strides = array<i32>} : memref<128x128xf32, #tpu.memory_space<vmem>>, vector<1x16xf32>,
          %get3A_1171 = arith.index_cast %add3A_1160 : i32 to index
          %get3A_1172 = arith.constant 16 : index
          %get3A_1173 = tpu.vector_load %arg10[%get3A_1171, %get3A_1172] {strides = array<i32>} : memref<128x128xf32, #tpu.memory_space<vmem>>, vector<1x16xf32>,
          %get3A_1174 = vector.shape_cast %get3A_1173 : vector<1x16xf32> to vector<16xf32>
          %mul3A_1175 = arith.mulf %get3A_1174, %broadcast_in_dim3A_1158 : vector<16xf32>
          %swap3A_1176 = arith.index_cast %add3A_1160 : i32 to index
          %swap3A_1177 = arith.constant 16 : index
          %swap3A_1178 = tpu.vector_load %arg10[%swap3A_1176, %swap3A_1177] {strides = array<i32>} : memref<128x128xf32, #tpu.memory_space<vmem>>, vector<1x16xf32>,
          %swap3A_1179 = vector.shape_cast %swap3A_1178 : vector<1x16xf32> to vector<16xf32>
          %swap3A_1180 = vector.shape_cast %mul3A_1175 : vector<16xf32> to vector<1x16xf32>
          tpu.vector_store %arg10[%swap3A_1176, %swap3A_1177], %swap3A_1180 {strides = array<i32>} : memref<128x128xf32, #tpu.memory_space<vmem>>, vector<1x16xf32>,
          %get3A_1181 = arith.index_cast %add3A_1160 : i32 to index
          %get3A_1182 = arith.constant 32 : index
          %get3A_1183 = tpu.vector_load %arg10[%get3A_1181, %get3A_1182] {strides = array<i32>} : memref<128x128xf32, #tpu.memory_space<vmem>>, vector<1x16xf32>,
          %get3A_1184 = vector.shape_cast %get3A_1183 : vector<1x16xf32> to vector<16xf32>
          %mul3A_1185 = arith.mulf %get3A_1184, %broadcast_in_dim3A_1158 : vector<16xf32>
          %swap3A_1186 = arith.index_cast %add3A_1160 : i32 to index
          %swap3A_1187 = arith.constant 32 : index
          %swap3A_1188 = tpu.vector_load %arg10[%swap3A_1186, %swap3A_1187] {strides = array<i32>} : memref<128x128xf32, #tpu.memory_space<vmem>>, vector<1x16xf32>,
          %swap3A_1189 = vector.shape_cast %swap3A_1188 : vector<1x16xf32> to vector<16xf32>
          %swap3A_1190 = vector.shape_cast %mul3A_1185 : vector<16xf32> to vector<1x16xf32>
          tpu.vector_store %arg10[%swap3A_1186, %swap3A_1187], %swap3A_1190 {strides = array<i32>} : memref<128x128xf32, #tpu.memory_space<vmem>>, vector<1x16xf32>,
          %get3A_1191 = arith.index_cast %add3A_1160 : i32 to index
          %get3A_1192 = arith.constant 48 : index
          %get3A_1193 = tpu.vector_load %arg10[%get3A_1191, %get3A_1192] {strides = array<i32>} : memref<128x128xf32, #tpu.memory_space<vmem>>, vector<1x16xf32>,
          %get3A_1194 = vector.shape_cast %get3A_1193 : vector<1x16xf32> to vector<16xf32>
          %mul3A_1195 = arith.mulf %get3A_1194, %broadcast_in_dim3A_1158 : vector<16xf32>
          %swap3A_1196 = arith.index_cast %add3A_1160 : i32 to index
          %swap3A_1197 = arith.constant 48 : index
          %swap3A_1198 = tpu.vector_load %arg10[%swap3A_1196, %swap3A_1197] {strides = array<i32>} : memref<128x128xf32, #tpu.memory_space<vmem>>, vector<1x16xf32>,
          %swap3A_1199 = vector.shape_cast %swap3A_1198 : vector<1x16xf32> to vector<16xf32>
          %swap3A_1200 = vector.shape_cast %mul3A_1195 : vector<16xf32> to vector<1x16xf32>
          tpu.vector_store %arg10[%swap3A_1196, %swap3A_1197], %swap3A_1200 {strides = array<i32>} : memref<128x128xf32, #tpu.memory_space<vmem>>, vector<1x16xf32>,
          %get3A_1201 = arith.index_cast %add3A_1160 : i32 to index
          %get3A_1202 = arith.constant 64 : index
          %get3A_1203 = tpu.vector_load %arg10[%get3A_1201, %get3A_1202] {strides = array<i32>} : memref<128x128xf32, #tpu.memory_space<vmem>>, vector<1x16xf32>,
          %get3A_1204 = vector.shape_cast %get3A_1203 : vector<1x16xf32> to vector<16xf32>
          %mul3A_1205 = arith.mulf %get3A_1204, %broadcast_in_dim3A_1158 : vector<16xf32>
          %swap3A_1206 = arith.index_cast %add3A_1160 : i32 to index
          %swap3A_1207 = arith.constant 64 : index
          %swap3A_1208 = tpu.vector_load %arg10[%swap3A_1206, %swap3A_1207] {strides = array<i32>} : memref<128x128xf32, #tpu.memory_space<vmem>>, vector<1x16xf32>,
          %swap3A_1209 = vector.shape_cast %swap3A_1208 : vector<1x16xf32> to vector<16xf32>
          %swap3A_1210 = vector.shape_cast %mul3A_1205 : vector<16xf32> to vector<1x16xf32>
          tpu.vector_store %arg10[%swap3A_1206, %swap3A_1207], %swap3A_1210 {strides = array<i32>} : memref<128x128xf32, #tpu.memory_space<vmem>>, vector<1x16xf32>,
          %get3A_1211 = arith.index_cast %add3A_1160 : i32 to index
          %get3A_1212 = arith.constant 80 : index
          %get3A_1213 = tpu.vector_load %arg10[%get3A_1211, %get3A_1212] {strides = array<i32>} : memref<128x128xf32, #tpu.memory_space<vmem>>, vector<1x16xf32>,
          %get3A_1214 = vector.shape_cast %get3A_1213 : vector<1x16xf32> to vector<16xf32>
          %mul3A_1215 = arith.mulf %get3A_1214, %broadcast_in_dim3A_1158 : vector<16xf32>
          %swap3A_1216 = arith.index_cast %add3A_1160 : i32 to index
          %swap3A_1217 = arith.constant 80 : index
          %swap3A_1218 = tpu.vector_load %arg10[%swap3A_1216, %swap3A_1217] {strides = array<i32>} : memref<128x128xf32, #tpu.memory_space<vmem>>, vector<1x16xf32>,
          %swap3A_1219 = vector.shape_cast %swap3A_1218 : vector<1x16xf32> to vector<16xf32>
          %swap3A_1220 = vector.shape_cast %mul3A_1215 : vector<16xf32> to vector<1x16xf32>
          tpu.vector_store %arg10[%swap3A_1216, %swap3A_1217], %swap3A_1220 {strides = array<i32>} : memref<128x128xf32, #tpu.memory_space<vmem>>, vector<1x16xf32>,
          %get3A_1221 = arith.index_cast %add3A_1160 : i32 to index
          %get3A_1222 = arith.constant 96 : index
          %get3A_1223 = tpu.vector_load %arg10[%get3A_1221, %get3A_1222] {strides = array<i32>} : memref<128x128xf32, #tpu.memory_space<vmem>>, vector<1x16xf32>,
          %get3A_1224 = vector.shape_cast %get3A_1223 : vector<1x16xf32> to vector<16xf32>
          %mul3A_1225 = arith.mulf %get3A_1224, %broadcast_in_dim3A_1158 : vector<16xf32>
          %swap3A_1226 = arith.index_cast %add3A_1160 : i32 to index
          %swap3A_1227 = arith.constant 96 : index
          %swap3A_1228 = tpu.vector_load %arg10[%swap3A_1226, %swap3A_1227] {strides = array<i32>} : memref<128x128xf32, #tpu.memory_space<vmem>>, vector<1x16xf32>,
          %swap3A_1229 = vector.shape_cast %swap3A_1228 : vector<1x16xf32> to vector<16xf32>
          %swap3A_1230 = vector.shape_cast %mul3A_1225 : vector<16xf32> to vector<1x16xf32>
          tpu.vector_store %arg10[%swap3A_1226, %swap3A_1227], %swap3A_1230 {strides = array<i32>} : memref<128x128xf32, #tpu.memory_space<vmem>>, vector<1x16xf32>,
          %get3A_1231 = arith.index_cast %add3A_1160 : i32 to index
          %get3A_1232 = arith.constant 112 : index
          %get3A_1233 = tpu.vector_load %arg10[%get3A_1231, %get3A_1232] {strides = array<i32>} : memref<128x128xf32, #tpu.memory_space<vmem>>, vector<1x16xf32>,
          %get3A_1234 = vector.shape_cast %get3A_1233 : vector<1x16xf32> to vector<16xf32>
          %mul3A_1235 = arith.mulf %get3A_1234, %broadcast_in_dim3A_1158 : vector<16xf32>
          %swap3A_1236 = arith.index_cast %add3A_1160 : i32 to index
          %swap3A_1237 = arith.constant 112 : index
          %swap3A_1238 = tpu.vector_load %arg10[%swap3A_1236, %swap3A_1237] {strides = array<i32>} : memref<128x128xf32, #tpu.memory_space<vmem>>, vector<1x16xf32>,
          %swap3A_1239 = vector.shape_cast %swap3A_1238 : vector<1x16xf32> to vector<16xf32>
          %swap3A_1240 = vector.shape_cast %mul3A_1235 : vector<16xf32> to vector<1x16xf32>
          tpu.vector_store %arg10[%swap3A_1236, %swap3A_1237], %swap3A_1240 {strides = array<i32>} : memref<128x128xf32, #tpu.memory_space<vmem>>, vector<1x16xf32>,
          %slice3A_1241 = vector.extract_strided_slice %get3A_54 {offsets = [14], sizes = [1], strides = [1]} : vector<16xf32> to vector<1xf32>
          %squeeze3A_1242 = vector.extract %slice3A_1241[0] : f32 from vector<1xf32>
          %broadcast_in_dim3A_1243 = vector.broadcast %squeeze3A_1242 : f32 to vector<16xf32>
          %add3A_1244 = arith.constant 14 : i32
          %add3A_1245 = arith.addi %add3A_52, %add3A_1244 : i32
          %get3A_1246 = arith.index_cast %add3A_1245 : i32 to index
          %get3A_1247 = arith.constant 0 : index
          %get3A_1248 = tpu.vector_load %arg10[%get3A_1246, %get3A_1247] {strides = array<i32>} : memref<128x128xf32, #tpu.memory_space<vmem>>, vector<1x16xf32>,
          %get3A_1249 = vector.shape_cast %get3A_1248 : vector<1x16xf32> to vector<16xf32>
          %mul3A_1250 = arith.mulf %get3A_1249, %broadcast_in_dim3A_1243 : vector<16xf32>
          %swap3A_1251 = arith.index_cast %add3A_1245 : i32 to index
          %swap3A_1252 = arith.constant 0 : index
          %swap3A_1253 = tpu.vector_load %arg10[%swap3A_1251, %swap3A_1252] {strides = array<i32>} : memref<128x128xf32, #tpu.memory_space<vmem>>, vector<1x16xf32>,
          %swap3A_1254 = vector.shape_cast %swap3A_1253 : vector<1x16xf32> to vector<16xf32>
          %swap3A_1255 = vector.shape_cast %mul3A_1250 : vector<16xf32> to vector<1x16xf32>
          tpu.vector_store %arg10[%swap3A_1251, %swap3A_1252], %swap3A_1255 {strides = array<i32>} : memref<128x128xf32, #tpu.memory_space<vmem>>, vector<1x16xf32>,
          %get3A_1256 = arith.index_cast %add3A_1245 : i32 to index
          %get3A_1257 = arith.constant 16 : index
          %get3A_1258 = tpu.vector_load %arg10[%get3A_1256, %get3A_1257] {strides = array<i32>} : memref<128x128xf32, #tpu.memory_space<vmem>>, vector<1x16xf32>,
          %get3A_1259 = vector.shape_cast %get3A_1258 : vector<1x16xf32> to vector<16xf32>
          %mul3A_1260 = arith.mulf %get3A_1259, %broadcast_in_dim3A_1243 : vector<16xf32>
          %swap3A_1261 = arith.index_cast %add3A_1245 : i32 to index
          %swap3A_1262 = arith.constant 16 : index
          %swap3A_1263 = tpu.vector_load %arg10[%swap3A_1261, %swap3A_1262] {strides = array<i32>} : memref<128x128xf32, #tpu.memory_space<vmem>>, vector<1x16xf32>,
          %swap3A_1264 = vector.shape_cast %swap3A_1263 : vector<1x16xf32> to vector<16xf32>
          %swap3A_1265 = vector.shape_cast %mul3A_1260 : vector<16xf32> to vector<1x16xf32>
          tpu.vector_store %arg10[%swap3A_1261, %swap3A_1262], %swap3A_1265 {strides = array<i32>} : memref<128x128xf32, #tpu.memory_space<vmem>>, vector<1x16xf32>,
          %get3A_1266 = arith.index_cast %add3A_1245 : i32 to index
          %get3A_1267 = arith.constant 32 : index
          %get3A_1268 = tpu.vector_load %arg10[%get3A_1266, %get3A_1267] {strides = array<i32>} : memref<128x128xf32, #tpu.memory_space<vmem>>, vector<1x16xf32>,
          %get3A_1269 = vector.shape_cast %get3A_1268 : vector<1x16xf32> to vector<16xf32>
          %mul3A_1270 = arith.mulf %get3A_1269, %broadcast_in_dim3A_1243 : vector<16xf32>
          %swap3A_1271 = arith.index_cast %add3A_1245 : i32 to index
          %swap3A_1272 = arith.constant 32 : index
          %swap3A_1273 = tpu.vector_load %arg10[%swap3A_1271, %swap3A_1272] {strides = array<i32>} : memref<128x128xf32, #tpu.memory_space<vmem>>, vector<1x16xf32>,
          %swap3A_1274 = vector.shape_cast %swap3A_1273 : vector<1x16xf32> to vector<16xf32>
          %swap3A_1275 = vector.shape_cast %mul3A_1270 : vector<16xf32> to vector<1x16xf32>
          tpu.vector_store %arg10[%swap3A_1271, %swap3A_1272], %swap3A_1275 {strides = array<i32>} : memref<128x128xf32, #tpu.memory_space<vmem>>, vector<1x16xf32>,
          %get3A_1276 = arith.index_cast %add3A_1245 : i32 to index
          %get3A_1277 = arith.constant 48 : index
          %get3A_1278 = tpu.vector_load %arg10[%get3A_1276, %get3A_1277] {strides = array<i32>} : memref<128x128xf32, #tpu.memory_space<vmem>>, vector<1x16xf32>,
          %get3A_1279 = vector.shape_cast %get3A_1278 : vector<1x16xf32> to vector<16xf32>
          %mul3A_1280 = arith.mulf %get3A_1279, %broadcast_in_dim3A_1243 : vector<16xf32>
          %swap3A_1281 = arith.index_cast %add3A_1245 : i32 to index
          %swap3A_1282 = arith.constant 48 : index
          %swap3A_1283 = tpu.vector_load %arg10[%swap3A_1281, %swap3A_1282] {strides = array<i32>} : memref<128x128xf32, #tpu.memory_space<vmem>>, vector<1x16xf32>,
          %swap3A_1284 = vector.shape_cast %swap3A_1283 : vector<1x16xf32> to vector<16xf32>
          %swap3A_1285 = vector.shape_cast %mul3A_1280 : vector<16xf32> to vector<1x16xf32>
          tpu.vector_store %arg10[%swap3A_1281, %swap3A_1282], %swap3A_1285 {strides = array<i32>} : memref<128x128xf32, #tpu.memory_space<vmem>>, vector<1x16xf32>,
          %get3A_1286 = arith.index_cast %add3A_1245 : i32 to index
          %get3A_1287 = arith.constant 64 : index
          %get3A_1288 = tpu.vector_load %arg10[%get3A_1286, %get3A_1287] {strides = array<i32>} : memref<128x128xf32, #tpu.memory_space<vmem>>, vector<1x16xf32>,
          %get3A_1289 = vector.shape_cast %get3A_1288 : vector<1x16xf32> to vector<16xf32>
          %mul3A_1290 = arith.mulf %get3A_1289, %broadcast_in_dim3A_1243 : vector<16xf32>
          %swap3A_1291 = arith.index_cast %add3A_1245 : i32 to index
          %swap3A_1292 = arith.constant 64 : index
          %swap3A_1293 = tpu.vector_load %arg10[%swap3A_1291, %swap3A_1292] {strides = array<i32>} : memref<128x128xf32, #tpu.memory_space<vmem>>, vector<1x16xf32>,
          %swap3A_1294 = vector.shape_cast %swap3A_1293 : vector<1x16xf32> to vector<16xf32>
          %swap3A_1295 = vector.shape_cast %mul3A_1290 : vector<16xf32> to vector<1x16xf32>
          tpu.vector_store %arg10[%swap3A_1291, %swap3A_1292], %swap3A_1295 {strides = array<i32>} : memref<128x128xf32, #tpu.memory_space<vmem>>, vector<1x16xf32>,
          %get3A_1296 = arith.index_cast %add3A_1245 : i32 to index
          %get3A_1297 = arith.constant 80 : index
          %get3A_1298 = tpu.vector_load %arg10[%get3A_1296, %get3A_1297] {strides = array<i32>} : memref<128x128xf32, #tpu.memory_space<vmem>>, vector<1x16xf32>,
          %get3A_1299 = vector.shape_cast %get3A_1298 : vector<1x16xf32> to vector<16xf32>
          %mul3A_1300 = arith.mulf %get3A_1299, %broadcast_in_dim3A_1243 : vector<16xf32>
          %swap3A_1301 = arith.index_cast %add3A_1245 : i32 to index
          %swap3A_1302 = arith.constant 80 : index
          %swap3A_1303 = tpu.vector_load %arg10[%swap3A_1301, %swap3A_1302] {strides = array<i32>} : memref<128x128xf32, #tpu.memory_space<vmem>>, vector<1x16xf32>,
          %swap3A_1304 = vector.shape_cast %swap3A_1303 : vector<1x16xf32> to vector<16xf32>
          %swap3A_1305 = vector.shape_cast %mul3A_1300 : vector<16xf32> to vector<1x16xf32>
          tpu.vector_store %arg10[%swap3A_1301, %swap3A_1302], %swap3A_1305 {strides = array<i32>} : memref<128x128xf32, #tpu.memory_space<vmem>>, vector<1x16xf32>,
          %get3A_1306 = arith.index_cast %add3A_1245 : i32 to index
          %get3A_1307 = arith.constant 96 : index
          %get3A_1308 = tpu.vector_load %arg10[%get3A_1306, %get3A_1307] {strides = array<i32>} : memref<128x128xf32, #tpu.memory_space<vmem>>, vector<1x16xf32>,
          %get3A_1309 = vector.shape_cast %get3A_1308 : vector<1x16xf32> to vector<16xf32>
          %mul3A_1310 = arith.mulf %get3A_1309, %broadcast_in_dim3A_1243 : vector<16xf32>
          %swap3A_1311 = arith.index_cast %add3A_1245 : i32 to index
          %swap3A_1312 = arith.constant 96 : index
          %swap3A_1313 = tpu.vector_load %arg10[%swap3A_1311, %swap3A_1312] {strides = array<i32>} : memref<128x128xf32, #tpu.memory_space<vmem>>, vector<1x16xf32>,
          %swap3A_1314 = vector.shape_cast %swap3A_1313 : vector<1x16xf32> to vector<16xf32>
          %swap3A_1315 = vector.shape_cast %mul3A_1310 : vector<16xf32> to vector<1x16xf32>
          tpu.vector_store %arg10[%swap3A_1311, %swap3A_1312], %swap3A_1315 {strides = array<i32>} : memref<128x128xf32, #tpu.memory_space<vmem>>, vector<1x16xf32>,
          %get3A_1316 = arith.index_cast %add3A_1245 : i32 to index
          %get3A_1317 = arith.constant 112 : index
          %get3A_1318 = tpu.vector_load %arg10[%get3A_1316, %get3A_1317] {strides = array<i32>} : memref<128x128xf32, #tpu.memory_space<vmem>>, vector<1x16xf32>,
          %get3A_1319 = vector.shape_cast %get3A_1318 : vector<1x16xf32> to vector<16xf32>
          %mul3A_1320 = arith.mulf %get3A_1319, %broadcast_in_dim3A_1243 : vector<16xf32>
          %swap3A_1321 = arith.index_cast %add3A_1245 : i32 to index
          %swap3A_1322 = arith.constant 112 : index
          %swap3A_1323 = tpu.vector_load %arg10[%swap3A_1321, %swap3A_1322] {strides = array<i32>} : memref<128x128xf32, #tpu.memory_space<vmem>>, vector<1x16xf32>,
          %swap3A_1324 = vector.shape_cast %swap3A_1323 : vector<1x16xf32> to vector<16xf32>
          %swap3A_1325 = vector.shape_cast %mul3A_1320 : vector<16xf32> to vector<1x16xf32>
          tpu.vector_store %arg10[%swap3A_1321, %swap3A_1322], %swap3A_1325 {strides = array<i32>} : memref<128x128xf32, #tpu.memory_space<vmem>>, vector<1x16xf32>,
          %slice3A_1326 = vector.extract_strided_slice %get3A_54 {offsets = [15], sizes = [1], strides = [1]} : vector<16xf32> to vector<1xf32>
          %squeeze3A_1327 = vector.extract %slice3A_1326[0] : f32 from vector<1xf32>
          %broadcast_in_dim3A_1328 = vector.broadcast %squeeze3A_1327 : f32 to vector<16xf32>
          %add3A_1329 = arith.constant 15 : i32
          %add3A_1330 = arith.addi %add3A_52, %add3A_1329 : i32
          %get3A_1331 = arith.index_cast %add3A_1330 : i32 to index
          %get3A_1332 = arith.constant 0 : index
          %get3A_1333 = tpu.vector_load %arg10[%get3A_1331, %get3A_1332] {strides = array<i32>} : memref<128x128xf32, #tpu.memory_space<vmem>>, vector<1x16xf32>,
          %get3A_1334 = vector.shape_cast %get3A_1333 : vector<1x16xf32> to vector<16xf32>
          %mul3A_1335 = arith.mulf %get3A_1334, %broadcast_in_dim3A_1328 : vector<16xf32>
          %swap3A_1336 = arith.index_cast %add3A_1330 : i32 to index
          %swap3A_1337 = arith.constant 0 : index
          %swap3A_1338 = tpu.vector_load %arg10[%swap3A_1336, %swap3A_1337] {strides = array<i32>} : memref<128x128xf32, #tpu.memory_space<vmem>>, vector<1x16xf32>,
          %swap3A_1339 = vector.shape_cast %swap3A_1338 : vector<1x16xf32> to vector<16xf32>
          %swap3A_1340 = vector.shape_cast %mul3A_1335 : vector<16xf32> to vector<1x16xf32>
          tpu.vector_store %arg10[%swap3A_1336, %swap3A_1337], %swap3A_1340 {strides = array<i32>} : memref<128x128xf32, #tpu.memory_space<vmem>>, vector<1x16xf32>,
          %get3A_1341 = arith.index_cast %add3A_1330 : i32 to index
          %get3A_1342 = arith.constant 16 : index
          %get3A_1343 = tpu.vector_load %arg10[%get3A_1341, %get3A_1342] {strides = array<i32>} : memref<128x128xf32, #tpu.memory_space<vmem>>, vector<1x16xf32>,
          %get3A_1344 = vector.shape_cast %get3A_1343 : vector<1x16xf32> to vector<16xf32>
          %mul3A_1345 = arith.mulf %get3A_1344, %broadcast_in_dim3A_1328 : vector<16xf32>
          %swap3A_1346 = arith.index_cast %add3A_1330 : i32 to index
          %swap3A_1347 = arith.constant 16 : index
          %swap3A_1348 = tpu.vector_load %arg10[%swap3A_1346, %swap3A_1347] {strides = array<i32>} : memref<128x128xf32, #tpu.memory_space<vmem>>, vector<1x16xf32>,
          %swap3A_1349 = vector.shape_cast %swap3A_1348 : vector<1x16xf32> to vector<16xf32>
          %swap3A_1350 = vector.shape_cast %mul3A_1345 : vector<16xf32> to vector<1x16xf32>
          tpu.vector_store %arg10[%swap3A_1346, %swap3A_1347], %swap3A_1350 {strides = array<i32>} : memref<128x128xf32, #tpu.memory_space<vmem>>, vector<1x16xf32>,
          %get3A_1351 = arith.index_cast %add3A_1330 : i32 to index
          %get3A_1352 = arith.constant 32 : index
          %get3A_1353 = tpu.vector_load %arg10[%get3A_1351, %get3A_1352] {strides = array<i32>} : memref<128x128xf32, #tpu.memory_space<vmem>>, vector<1x16xf32>,
          %get3A_1354 = vector.shape_cast %get3A_1353 : vector<1x16xf32> to vector<16xf32>
          %mul3A_1355 = arith.mulf %get3A_1354, %broadcast_in_dim3A_1328 : vector<16xf32>
          %swap3A_1356 = arith.index_cast %add3A_1330 : i32 to index
          %swap3A_1357 = arith.constant 32 : index
          %swap3A_1358 = tpu.vector_load %arg10[%swap3A_1356, %swap3A_1357] {strides = array<i32>} : memref<128x128xf32, #tpu.memory_space<vmem>>, vector<1x16xf32>,
          %swap3A_1359 = vector.shape_cast %swap3A_1358 : vector<1x16xf32> to vector<16xf32>
          %swap3A_1360 = vector.shape_cast %mul3A_1355 : vector<16xf32> to vector<1x16xf32>
          tpu.vector_store %arg10[%swap3A_1356, %swap3A_1357], %swap3A_1360 {strides = array<i32>} : memref<128x128xf32, #tpu.memory_space<vmem>>, vector<1x16xf32>,
          %get3A_1361 = arith.index_cast %add3A_1330 : i32 to index
          %get3A_1362 = arith.constant 48 : index
          %get3A_1363 = tpu.vector_load %arg10[%get3A_1361, %get3A_1362] {strides = array<i32>} : memref<128x128xf32, #tpu.memory_space<vmem>>, vector<1x16xf32>,
          %get3A_1364 = vector.shape_cast %get3A_1363 : vector<1x16xf32> to vector<16xf32>
          %mul3A_1365 = arith.mulf %get3A_1364, %broadcast_in_dim3A_1328 : vector<16xf32>
          %swap3A_1366 = arith.index_cast %add3A_1330 : i32 to index
          %swap3A_1367 = arith.constant 48 : index
          %swap3A_1368 = tpu.vector_load %arg10[%swap3A_1366, %swap3A_1367] {strides = array<i32>} : memref<128x128xf32, #tpu.memory_space<vmem>>, vector<1x16xf32>,
          %swap3A_1369 = vector.shape_cast %swap3A_1368 : vector<1x16xf32> to vector<16xf32>
          %swap3A_1370 = vector.shape_cast %mul3A_1365 : vector<16xf32> to vector<1x16xf32>
          tpu.vector_store %arg10[%swap3A_1366, %swap3A_1367], %swap3A_1370 {strides = array<i32>} : memref<128x128xf32, #tpu.memory_space<vmem>>, vector<1x16xf32>,
          %get3A_1371 = arith.index_cast %add3A_1330 : i32 to index
          %get3A_1372 = arith.constant 64 : index
          %get3A_1373 = tpu.vector_load %arg10[%get3A_1371, %get3A_1372] {strides = array<i32>} : memref<128x128xf32, #tpu.memory_space<vmem>>, vector<1x16xf32>,
          %get3A_1374 = vector.shape_cast %get3A_1373 : vector<1x16xf32> to vector<16xf32>
          %mul3A_1375 = arith.mulf %get3A_1374, %broadcast_in_dim3A_1328 : vector<16xf32>
          %swap3A_1376 = arith.index_cast %add3A_1330 : i32 to index
          %swap3A_1377 = arith.constant 64 : index
          %swap3A_1378 = tpu.vector_load %arg10[%swap3A_1376, %swap3A_1377] {strides = array<i32>} : memref<128x128xf32, #tpu.memory_space<vmem>>, vector<1x16xf32>,
          %swap3A_1379 = vector.shape_cast %swap3A_1378 : vector<1x16xf32> to vector<16xf32>
          %swap3A_1380 = vector.shape_cast %mul3A_1375 : vector<16xf32> to vector<1x16xf32>
          tpu.vector_store %arg10[%swap3A_1376, %swap3A_1377], %swap3A_1380 {strides = array<i32>} : memref<128x128xf32, #tpu.memory_space<vmem>>, vector<1x16xf32>,
          %get3A_1381 = arith.index_cast %add3A_1330 : i32 to index
          %get3A_1382 = arith.constant 80 : index
          %get3A_1383 = tpu.vector_load %arg10[%get3A_1381, %get3A_1382] {strides = array<i32>} : memref<128x128xf32, #tpu.memory_space<vmem>>, vector<1x16xf32>,
          %get3A_1384 = vector.shape_cast %get3A_1383 : vector<1x16xf32> to vector<16xf32>
          %mul3A_1385 = arith.mulf %get3A_1384, %broadcast_in_dim3A_1328 : vector<16xf32>
          %swap3A_1386 = arith.index_cast %add3A_1330 : i32 to index
          %swap3A_1387 = arith.constant 80 : index
          %swap3A_1388 = tpu.vector_load %arg10[%swap3A_1386, %swap3A_1387] {strides = array<i32>} : memref<128x128xf32, #tpu.memory_space<vmem>>, vector<1x16xf32>,
          %swap3A_1389 = vector.shape_cast %swap3A_1388 : vector<1x16xf32> to vector<16xf32>
          %swap3A_1390 = vector.shape_cast %mul3A_1385 : vector<16xf32> to vector<1x16xf32>
          tpu.vector_store %arg10[%swap3A_1386, %swap3A_1387], %swap3A_1390 {strides = array<i32>} : memref<128x128xf32, #tpu.memory_space<vmem>>, vector<1x16xf32>,
          %get3A_1391 = arith.index_cast %add3A_1330 : i32 to index
          %get3A_1392 = arith.constant 96 : index
          %get3A_1393 = tpu.vector_load %arg10[%get3A_1391, %get3A_1392] {strides = array<i32>} : memref<128x128xf32, #tpu.memory_space<vmem>>, vector<1x16xf32>,
          %get3A_1394 = vector.shape_cast %get3A_1393 : vector<1x16xf32> to vector<16xf32>
          %mul3A_1395 = arith.mulf %get3A_1394, %broadcast_in_dim3A_1328 : vector<16xf32>
          %swap3A_1396 = arith.index_cast %add3A_1330 : i32 to index
          %swap3A_1397 = arith.constant 96 : index
          %swap3A_1398 = tpu.vector_load %arg10[%swap3A_1396, %swap3A_1397] {strides = array<i32>} : memref<128x128xf32, #tpu.memory_space<vmem>>, vector<1x16xf32>,
          %swap3A_1399 = vector.shape_cast %swap3A_1398 : vector<1x16xf32> to vector<16xf32>
          %swap3A_1400 = vector.shape_cast %mul3A_1395 : vector<16xf32> to vector<1x16xf32>
          tpu.vector_store %arg10[%swap3A_1396, %swap3A_1397], %swap3A_1400 {strides = array<i32>} : memref<128x128xf32, #tpu.memory_space<vmem>>, vector<1x16xf32>,
          %get3A_1401 = arith.index_cast %add3A_1330 : i32 to index
          %get3A_1402 = arith.constant 112 : index
          %get3A_1403 = tpu.vector_load %arg10[%get3A_1401, %get3A_1402] {strides = array<i32>} : memref<128x128xf32, #tpu.memory_space<vmem>>, vector<1x16xf32>,
          %get3A_1404 = vector.shape_cast %get3A_1403 : vector<1x16xf32> to vector<16xf32>
          %mul3A_1405 = arith.mulf %get3A_1404, %broadcast_in_dim3A_1328 : vector<16xf32>
          %swap3A_1406 = arith.index_cast %add3A_1330 : i32 to index
          %swap3A_1407 = arith.constant 112 : index
          %swap3A_1408 = tpu.vector_load %arg10[%swap3A_1406, %swap3A_1407] {strides = array<i32>} : memref<128x128xf32, #tpu.memory_space<vmem>>, vector<1x16xf32>,
          %swap3A_1409 = vector.shape_cast %swap3A_1408 : vector<1x16xf32> to vector<16xf32>
          %swap3A_1410 = vector.shape_cast %mul3A_1405 : vector<16xf32> to vector<1x16xf32>
          tpu.vector_store %arg10[%swap3A_1406, %swap3A_1407], %swap3A_1410 {strides = array<i32>} : memref<128x128xf32, #tpu.memory_space<vmem>>, vector<1x16xf32>,
        }
        %scan3A_41 = arith.constant 8 : i32
        %dma_start3A_42 = arith.constant 0 : i32
        %dma_start3A_43 = arith.constant 0 : i32
        %dma_start3A_44 = tpu.memref_slice %arg11[%dma_start3A_42, %dma_start3A_43] : memref<10240x128xf32, #tpu.memory_space<vmem_shared>> -> memref<10240x128xf32, #tpu.memory_space<vmem_shared>>
        tpu.enqueue_indirect_dma source(%arg10 : memref<128x128xf32, #tpu.memory_space<vmem>>) target(%dma_start3A_44 : memref<10240x128xf32, #tpu.memory_space<vmem_shared>>) offsets(%arg8 : memref<128xi32, #tpu.memory_space<vmem>>) semaphore(%arg12 : memref<!tpu.dma_semaphore, #tpu.memory_space<semaphore_mem>>) {add = true}
        %dma_wait3A_45 = arith.constant 0 : i32
        %dma_wait3A_46 = arith.constant 0 : i32
        %dma_wait3A_47 = tpu.memref_slice %arg11[%dma_wait3A_45, %dma_wait3A_46] : memref<10240x128xf32, #tpu.memory_space<vmem_shared>> -> memref<10240x128xf32, #tpu.memory_space<vmem_shared>>
        tpu.wait_indirect_dma semaphore(%arg12 : memref<!tpu.dma_semaphore, #tpu.memory_space<semaphore_mem>>) src(%arg10 : memref<128x128xf32, #tpu.memory_space<vmem>>) dst(%dma_wait3A_47 : memref<10240x128xf32, #tpu.memory_space<vmem_shared>>)
      } else {
      }
    }
    %scan3A_14 = arith.constant 79 : i32
    %barrier3A_15 = arith.constant 0 : index
    tpu.barrier barrier_id(%barrier3A_15)
    %scan3A_16 = arith.constant 0 : i32
    %scan3A_17 = arith.constant 5 : i32
    %scan3A_18 = arith.addi %scan3A_16, %scan3A_17 : i32
    %scan3A_19 = arith.constant 1 : i32
    scf.for %scan3A_21 = %scan3A_16 to %scan3A_18 step %scan3A_19  : i32 {
      %mul3A_22 = arith.constant 1 : i32
      %mul3A_23 = arith.muli %scan3A_21, %mul3A_22 : i32
      %add3A_24 = arith.constant 0 : i32
      %add3A_25 = arith.addi %add3A_24, %mul3A_23 : i32
      %mul3A_26 = arith.constant 640 : i32
      %mul3A_27 = arith.muli %arg1, %mul3A_26 : i32
      %mul3A_28 = arith.constant 128 : i32
      %mul3A_29 = arith.muli %add3A_25, %mul3A_28 : i32
      %add3A_30 = arith.addi %mul3A_27, %mul3A_29 : i32
      "tpu.region"() ({
        %run_scoped3A = tpu.sem_alloc : memref<!tpu.dma_semaphore, #tpu.memory_space<semaphore_mem>>
        %dma_start3A = arith.constant 0 : i32
        %dma_start3A_31 = tpu.memref_slice %arg6[%arg0, %add3A_30, %dma_start3A] : memref<2x10240x128xf32, #tpu.memory_space<hbm>> -> memref<1x128x128xf32, #tpu.memory_space<hbm>>
        %dma_start3A_32 = tpu.memref_squeeze %dma_start3A_31 : memref<1x128x128xf32, #tpu.memory_space<hbm>> -> memref<128x128xf32, #tpu.memory_space<hbm>>
        %dma_start3A_33 = arith.constant 0 : i32
        %dma_start3A_34 = tpu.memref_slice %arg11[%add3A_30, %dma_start3A_33] : memref<10240x128xf32, #tpu.memory_space<vmem_shared>> -> memref<128x128xf32, #tpu.memory_space<vmem_shared>>
        tpu.enqueue_dma source(%dma_start3A_34 : memref<128x128xf32, #tpu.memory_space<vmem_shared>>) target(%dma_start3A_32 : memref<128x128xf32, #tpu.memory_space<hbm>>) target_semaphore(%run_scoped3A : memref<!tpu.dma_semaphore, #tpu.memory_space<semaphore_mem>>)
        %dma_wait3A = arith.constant 0 : i32
        %dma_wait3A_35 = tpu.memref_slice %arg6[%arg0, %add3A_30, %dma_wait3A] : memref<2x10240x128xf32, #tpu.memory_space<hbm>> -> memref<1x128x128xf32, #tpu.memory_space<hbm>>
        %dma_wait3A_36 = tpu.memref_squeeze %dma_wait3A_35 : memref<1x128x128xf32, #tpu.memory_space<hbm>> -> memref<128x128xf32, #tpu.memory_space<hbm>>
        %dma_wait3A_37 = arith.constant 0 : i32
        %dma_wait3A_38 = tpu.memref_slice %arg11[%add3A_30, %dma_wait3A_37] : memref<10240x128xf32, #tpu.memory_space<vmem_shared>> -> memref<128x128xf32, #tpu.memory_space<vmem_shared>>
        tpu.wait_dma2 semaphore(%run_scoped3A : memref<!tpu.dma_semaphore, #tpu.memory_space<semaphore_mem>>) src(%dma_wait3A_38 : memref<128x128xf32, #tpu.memory_space<vmem_shared>>) dst(%dma_wait3A_36 : memref<128x128xf32, #tpu.memory_space<hbm>>)
        tpu.yield
      }) : () -> ()
    }
    %scan3A_20 = arith.constant 5 : i32
    return
  }
}

module attributes {stable_mosaic.version = 14 : i64} {
  func.func @_tc_prep_body(%arg0: i32, %arg1: memref<1000x128xf32, #tpu.memory_space<vmem>>, %arg2: memref<1000x1xf32, #tpu.memory_space<vmem>>, %arg3: memref<128x128xf32, #tpu.memory_space<vmem>>, %arg4: memref<1000x128xf32, #tpu.memory_space<vmem>>) attributes {dimension_semantics = [#tpu.dimension_semantics<arbitrary>], iteration_bounds = array<i64: 10>, scalar_prefetch = 0 : i64, scratch_operands = 0 : i64, tpu.core_type = #tpu.core_type<tc>, window_params = [{transform_indices = @transform_0, window_bounds = array<i64: 1000, 128>}, {transform_indices = @transform_1, window_bounds = array<i64: 1000, 1>}, {pipeline_mode = #tpu.pipeline_mode<synchronous>, transform_indices = @transform_2, window_bounds = array<i64: 128, 128>}, {transform_indices = @transform_3, window_bounds = array<i64: 1000, 128>}]} {
    %get3A = arith.constant 0 : index
    %get3A_0 = arith.constant 0 : index
    %get3A_1 = vector.load %arg1[%get3A, %get3A_0] : memref<1000x128xf32, #tpu.memory_space<vmem>>, vector<1000x128xf32>
    %get3A_2 = arith.constant 0 : index
    %get3A_3 = arith.constant 0 : index
    %get3A_4 = vector.load %arg3[%get3A_2, %get3A_3] : memref<128x128xf32, #tpu.memory_space<vmem>>, vector<128x128xf32>
    %dot_general3A = arith.constant dense<0.000000e+00> : vector<1000x128xf32>
    %dot_general3A_5 = tpu.matmul %get3A_1, %get3A_4, %dot_general3A {dimension_numbers = #tpu.dot_dimension_numbers<[1], [0], [0], [1], [0, 0, 1, 1], [], []>, transpose_lhs_hint = false} : vector<1000x128xf32>, vector<128x128xf32>, vector<1000x128xf32> -> vector<1000x128xf32>
    %get3A_6 = arith.constant 0 : index
    %get3A_7 = arith.constant 0 : index
    %get3A_8 = vector.load %arg2[%get3A_6, %get3A_7] : memref<1000x1xf32, #tpu.memory_space<vmem>>, vector<1000x1xf32>
    %mul3A = vector.broadcast %get3A_8 : vector<1000x1xf32> to vector<1000x128xf32>
    %mul3A_9 = arith.mulf %dot_general3A_5, %mul3A : vector<1000x128xf32>
    %swap3A = arith.constant 0 : index
    %swap3A_10 = arith.constant 0 : index
    %swap3A_11 = vector.load %arg4[%swap3A, %swap3A_10] : memref<1000x128xf32, #tpu.memory_space<vmem>>, vector<1000x128xf32>
    tpu.vector_store %arg4[%swap3A, %swap3A_10], %mul3A_9 {strides = array<i32>} : memref<1000x128xf32, #tpu.memory_space<vmem>>, vector<1000x128xf32>,
    return
  }
  func.func @transform_0(%arg0: i32) -> (i32, i32) {
    %c0_i32 = arith.constant 0 : i32
    %c0_i32_0 = arith.constant 0 : i32
    return %arg0, %c0_i32 : i32, i32
  }
  func.func @transform_1(%arg0: i32) -> (i32, i32) {
    %c0_i32 = arith.constant 0 : i32
    %c0_i32_0 = arith.constant 0 : i32
    return %arg0, %c0_i32 : i32, i32
  }
  func.func @transform_2(%arg0: i32) -> (i32, i32) {
    %c0_i32 = arith.constant 0 : i32
    %c0_i32_0 = arith.constant 0 : i32
    %c0_i32_1 = arith.constant 0 : i32
    return %c0_i32, %c0_i32_0 : i32, i32
  }
  func.func @transform_3(%arg0: i32) -> (i32, i32) {
    %c0_i32 = arith.constant 0 : i32
    %c0_i32_0 = arith.constant 0 : i32
    return %arg0, %c0_i32 : i32, i32
  }
}

module attributes {stable_mosaic.version = 14 : i64} {
  func.func @_tc_fin_body(%arg0: i32, %arg1: memref<1x1000x128xf32, #tpu.memory_space<vmem>>, %arg2: memref<1x1000x128xf32, #tpu.memory_space<vmem>>, %arg3: memref<1000x128xf32, #tpu.memory_space<vmem>>, %arg4: memref<1000x1xf32, #tpu.memory_space<vmem>>, %arg5: memref<1x128xf32, #tpu.memory_space<vmem>>, %arg6: memref<1000x128xf32, #tpu.memory_space<vmem>>) attributes {dimension_semantics = [#tpu.dimension_semantics<arbitrary>], iteration_bounds = array<i64: 10>, scalar_prefetch = 0 : i64, scratch_operands = 0 : i64, tpu.core_type = #tpu.core_type<tc>, window_params = [{transform_indices = @transform_0, window_bounds = array<i64: 1, 1000, 128>}, {transform_indices = @transform_1, window_bounds = array<i64: 1, 1000, 128>}, {transform_indices = @transform_2, window_bounds = array<i64: 1000, 128>}, {transform_indices = @transform_3, window_bounds = array<i64: 1000, 1>}, {pipeline_mode = #tpu.pipeline_mode<synchronous>, transform_indices = @transform_4, window_bounds = array<i64: 1, 128>}, {transform_indices = @transform_5, window_bounds = array<i64: 1000, 128>}]} {
    %get3A = arith.constant 0 : index
    %get3A_0 = arith.constant 0 : index
    %get3A_1 = arith.constant 0 : index
    %get3A_2 = vector.load %arg1[%get3A, %get3A_0, %get3A_1] : memref<1x1000x128xf32, #tpu.memory_space<vmem>>, vector<1x1000x128xf32>
    %get3A_3 = vector.shape_cast %get3A_2 : vector<1x1000x128xf32> to vector<1000x128xf32>
    %get3A_4 = arith.constant 0 : index
    %get3A_5 = arith.constant 0 : index
    %get3A_6 = arith.constant 0 : index
    %get3A_7 = vector.load %arg2[%get3A_4, %get3A_5, %get3A_6] : memref<1x1000x128xf32, #tpu.memory_space<vmem>>, vector<1x1000x128xf32>
    %get3A_8 = vector.shape_cast %get3A_7 : vector<1x1000x128xf32> to vector<1000x128xf32>
    %add3A = arith.addf %get3A_3, %get3A_8 : vector<1000x128xf32>
    %get3A_9 = arith.constant 0 : index
    %get3A_10 = arith.constant 0 : index
    %get3A_11 = vector.load %arg3[%get3A_9, %get3A_10] : memref<1000x128xf32, #tpu.memory_space<vmem>>, vector<1000x128xf32>
    %add3A_12 = arith.addf %add3A, %get3A_11 : vector<1000x128xf32>
    %get3A_13 = arith.constant 0 : index
    %get3A_14 = arith.constant 0 : index
    %get3A_15 = vector.load %arg4[%get3A_13, %get3A_14] : memref<1000x1xf32, #tpu.memory_space<vmem>>, vector<1000x1xf32>
    %mul3A = vector.broadcast %get3A_15 : vector<1000x1xf32> to vector<1000x128xf32>
    %mul3A_16 = arith.mulf %add3A_12, %mul3A : vector<1000x128xf32>
    %get3A_17 = arith.constant 0 : index
    %get3A_18 = arith.constant 0 : index
    %get3A_19 = vector.load %arg5[%get3A_17, %get3A_18] : memref<1x128xf32, #tpu.memory_space<vmem>>, vector<1x128xf32>
    %add3A_20 = vector.broadcast %get3A_19 : vector<1x128xf32> to vector<1000x128xf32>
    %add3A_21 = arith.addf %mul3A_16, %add3A_20 : vector<1000x128xf32>
    %swap3A = arith.constant 0 : index
    %swap3A_22 = arith.constant 0 : index
    %swap3A_23 = vector.load %arg6[%swap3A, %swap3A_22] : memref<1000x128xf32, #tpu.memory_space<vmem>>, vector<1000x128xf32>
    tpu.vector_store %arg6[%swap3A, %swap3A_22], %add3A_21 {strides = array<i32>} : memref<1000x128xf32, #tpu.memory_space<vmem>>, vector<1000x128xf32>,
    return
  }
  func.func @transform_0(%arg0: i32) -> (i32, i32, i32) {
    %c0_i32 = arith.constant 0 : i32
    %c0_i32_0 = arith.constant 0 : i32
    %c0_i32_1 = arith.constant 0 : i32
    return %c0_i32, %arg0, %c0_i32_0 : i32, i32, i32
  }
  func.func @transform_1(%arg0: i32) -> (i32, i32, i32) {
    %c1_i32 = arith.constant 1 : i32
    %c0_i32 = arith.constant 0 : i32
    %c0_i32_0 = arith.constant 0 : i32
    return %c1_i32, %arg0, %c0_i32 : i32, i32, i32
  }
  func.func @transform_2(%arg0: i32) -> (i32, i32) {
    %c0_i32 = arith.constant 0 : i32
    %c0_i32_0 = arith.constant 0 : i32
    return %arg0, %c0_i32 : i32, i32
  }
  func.func @transform_3(%arg0: i32) -> (i32, i32) {
    %c0_i32 = arith.constant 0 : i32
    %c0_i32_0 = arith.constant 0 : i32
    return %arg0, %c0_i32 : i32, i32
  }
  func.func @transform_4(%arg0: i32) -> (i32, i32) {
    %c0_i32 = arith.constant 0 : i32
    %c0_i32_0 = arith.constant 0 : i32
    %c0_i32_1 = arith.constant 0 : i32
    return %c0_i32, %c0_i32_0 : i32, i32
  }
  func.func @transform_5(%arg0: i32) -> (i32, i32) {
    %c0_i32 = arith.constant 0 : i32
    %c0_i32_0 = arith.constant 0 : i32
    return %arg0, %c0_i32 : i32, i32
  }
}

module attributes {stable_mosaic.version = 14 : i64} {
  func.func @_tc_mid_body(%arg0: i32, %arg1: memref<1x1000x128xf32, #tpu.memory_space<vmem>>, %arg2: memref<1x1000x128xf32, #tpu.memory_space<vmem>>, %arg3: memref<1000x128xf32, #tpu.memory_space<vmem>>, %arg4: memref<1000x1xf32, #tpu.memory_space<vmem>>, %arg5: memref<1x128xf32, #tpu.memory_space<vmem>>, %arg6: memref<128x128xf32, #tpu.memory_space<vmem>>, %arg7: memref<1000x128xf32, #tpu.memory_space<vmem>>) attributes {dimension_semantics = [#tpu.dimension_semantics<arbitrary>], iteration_bounds = array<i64: 10>, scalar_prefetch = 0 : i64, scratch_operands = 0 : i64, tpu.core_type = #tpu.core_type<tc>, window_params = [{transform_indices = @transform_0, window_bounds = array<i64: 1, 1000, 128>}, {transform_indices = @transform_1, window_bounds = array<i64: 1, 1000, 128>}, {transform_indices = @transform_2, window_bounds = array<i64: 1000, 128>}, {transform_indices = @transform_3, window_bounds = array<i64: 1000, 1>}, {pipeline_mode = #tpu.pipeline_mode<synchronous>, transform_indices = @transform_4, window_bounds = array<i64: 1, 128>}, {pipeline_mode = #tpu.pipeline_mode<synchronous>, transform_indices = @transform_5, window_bounds = array<i64: 128, 128>}, {transform_indices = @transform_6, window_bounds = array<i64: 1000, 128>}]} {
    %get3A = arith.constant 0 : index
    %get3A_0 = arith.constant 0 : index
    %get3A_1 = vector.load %arg4[%get3A, %get3A_0] : memref<1000x1xf32, #tpu.memory_space<vmem>>, vector<1000x1xf32>
    %get3A_2 = arith.constant 0 : index
    %get3A_3 = arith.constant 0 : index
    %get3A_4 = arith.constant 0 : index
    %get3A_5 = vector.load %arg1[%get3A_2, %get3A_3, %get3A_4] : memref<1x1000x128xf32, #tpu.memory_space<vmem>>, vector<1x1000x128xf32>
    %get3A_6 = vector.shape_cast %get3A_5 : vector<1x1000x128xf32> to vector<1000x128xf32>
    %get3A_7 = arith.constant 0 : index
    %get3A_8 = arith.constant 0 : index
    %get3A_9 = arith.constant 0 : index
    %get3A_10 = vector.load %arg2[%get3A_7, %get3A_8, %get3A_9] : memref<1x1000x128xf32, #tpu.memory_space<vmem>>, vector<1x1000x128xf32>
    %get3A_11 = vector.shape_cast %get3A_10 : vector<1x1000x128xf32> to vector<1000x128xf32>
    %add3A = arith.addf %get3A_6, %get3A_11 : vector<1000x128xf32>
    %get3A_12 = arith.constant 0 : index
    %get3A_13 = arith.constant 0 : index
    %get3A_14 = vector.load %arg3[%get3A_12, %get3A_13] : memref<1000x128xf32, #tpu.memory_space<vmem>>, vector<1000x128xf32>
    %add3A_15 = arith.addf %add3A, %get3A_14 : vector<1000x128xf32>
    %mul3A = vector.broadcast %get3A_1 : vector<1000x1xf32> to vector<1000x128xf32>
    %mul3A_16 = arith.mulf %add3A_15, %mul3A : vector<1000x128xf32>
    %get3A_17 = arith.constant 0 : index
    %get3A_18 = arith.constant 0 : index
    %get3A_19 = vector.load %arg5[%get3A_17, %get3A_18] : memref<1x128xf32, #tpu.memory_space<vmem>>, vector<1x128xf32>
    %add3A_20 = vector.broadcast %get3A_19 : vector<1x128xf32> to vector<1000x128xf32>
    %add3A_21 = arith.addf %mul3A_16, %add3A_20 : vector<1000x128xf32>
    %max3A = arith.constant 0.000000e+00 : f32
    %max3A_22 = vector.broadcast %max3A : f32 to vector<1000x128xf32>
    %max3A_23 = arith.maximumf %add3A_21, %max3A_22 : vector<1000x128xf32>
    %get3A_24 = arith.constant 0 : index
    %get3A_25 = arith.constant 0 : index
    %get3A_26 = vector.load %arg6[%get3A_24, %get3A_25] : memref<128x128xf32, #tpu.memory_space<vmem>>, vector<128x128xf32>
    %dot_general3A = arith.constant dense<0.000000e+00> : vector<1000x128xf32>
    %dot_general3A_27 = tpu.matmul %max3A_23, %get3A_26, %dot_general3A {dimension_numbers = #tpu.dot_dimension_numbers<[1], [0], [0], [1], [0, 0, 1, 1], [], []>, transpose_lhs_hint = false} : vector<1000x128xf32>, vector<128x128xf32>, vector<1000x128xf32> -> vector<1000x128xf32>
    %mul3A_28 = vector.broadcast %get3A_1 : vector<1000x1xf32> to vector<1000x128xf32>
    %mul3A_29 = arith.mulf %dot_general3A_27, %mul3A_28 : vector<1000x128xf32>
    %swap3A = arith.constant 0 : index
    %swap3A_30 = arith.constant 0 : index
    %swap3A_31 = vector.load %arg7[%swap3A, %swap3A_30] : memref<1000x128xf32, #tpu.memory_space<vmem>>, vector<1000x128xf32>
    tpu.vector_store %arg7[%swap3A, %swap3A_30], %mul3A_29 {strides = array<i32>} : memref<1000x128xf32, #tpu.memory_space<vmem>>, vector<1000x128xf32>,
    return
  }
  func.func @transform_0(%arg0: i32) -> (i32, i32, i32) {
    %c0_i32 = arith.constant 0 : i32
    %c0_i32_0 = arith.constant 0 : i32
    %c0_i32_1 = arith.constant 0 : i32
    return %c0_i32, %arg0, %c0_i32_0 : i32, i32, i32
  }
  func.func @transform_1(%arg0: i32) -> (i32, i32, i32) {
    %c1_i32 = arith.constant 1 : i32
    %c0_i32 = arith.constant 0 : i32
    %c0_i32_0 = arith.constant 0 : i32
    return %c1_i32, %arg0, %c0_i32 : i32, i32, i32
  }
  func.func @transform_2(%arg0: i32) -> (i32, i32) {
    %c0_i32 = arith.constant 0 : i32
    %c0_i32_0 = arith.constant 0 : i32
    return %arg0, %c0_i32 : i32, i32
  }
  func.func @transform_3(%arg0: i32) -> (i32, i32) {
    %c0_i32 = arith.constant 0 : i32
    %c0_i32_0 = arith.constant 0 : i32
    return %arg0, %c0_i32 : i32, i32
  }
  func.func @transform_4(%arg0: i32) -> (i32, i32) {
    %c0_i32 = arith.constant 0 : i32
    %c0_i32_0 = arith.constant 0 : i32
    %c0_i32_1 = arith.constant 0 : i32
    return %c0_i32, %c0_i32_0 : i32, i32
  }
  func.func @transform_5(%arg0: i32) -> (i32, i32) {
    %c0_i32 = arith.constant 0 : i32
    %c0_i32_0 = arith.constant 0 : i32
    %c0_i32_1 = arith.constant 0 : i32
    return %c0_i32, %c0_i32_0 : i32, i32
  }
  func.func @transform_6(%arg0: i32) -> (i32, i32) {
    %c0_i32 = arith.constant 0 : i32
    %c0_i32_0 = arith.constant 0 : i32
    return %arg0, %c0_i32 : i32, i32
  }
}

module attributes {stable_mosaic.version = 14 : i64} {
  func.func @_tc_dinv_body(%arg0: i32, %arg1: memref<32x10000xf32, #tpu.memory_space<vmem>>, %arg2: memref<10000x1xf32, #tpu.memory_space<vmem>>) attributes {dimension_semantics = [#tpu.dimension_semantics<arbitrary>], iteration_bounds = array<i64: 1>, scalar_prefetch = 0 : i64, scratch_operands = 0 : i64, tpu.core_type = #tpu.core_type<tc>, window_params = [{pipeline_mode = #tpu.pipeline_mode<synchronous>, transform_indices = @transform_0, window_bounds = array<i64: 32, 10000>}, {pipeline_mode = #tpu.pipeline_mode<synchronous>, transform_indices = @transform_1, window_bounds = array<i64: 10000, 1>}]} {
    %get3A = arith.constant 0 : index
    %get3A_0 = arith.constant 0 : index
    %get3A_1 = vector.load %arg1[%get3A, %get3A_0] : memref<32x10000xf32, #tpu.memory_space<vmem>>, vector<32x10000xf32>
    %reduce_sum3A = arith.constant dense<0.000000e+00> : vector<10000xf32>
    %reduce_sum3A_2 = vector.multi_reduction <add>, %get3A_1, %reduce_sum3A [0] : vector<32x10000xf32> to vector<10000xf32>
    %add3A = arith.constant 1.000000e+00 : f32
    %add3A_3 = vector.broadcast %add3A : f32 to vector<10000xf32>
    %add3A_4 = arith.addf %reduce_sum3A_2, %add3A_3 : vector<10000xf32>
    %gt3A = arith.constant 0.000000e+00 : f32
    %gt3A_5 = vector.broadcast %gt3A : f32 to vector<10000xf32>
    %gt3A_6 = arith.cmpf ogt, %add3A_4, %gt3A_5 : vector<10000xf32>
    %jit3A = arith.constant 1.000000e+00 : f32
    %broadcast_in_dim3A = vector.broadcast %jit3A : f32 to vector<10000xf32>
    %select_n3A = arith.select %gt3A_6, %add3A_4, %broadcast_in_dim3A : vector<10000xi1>, vector<10000xf32>
    %gt3A_7 = arith.constant 0.000000e+00 : f32
    %gt3A_8 = vector.broadcast %gt3A_7 : f32 to vector<10000xf32>
    %gt3A_9 = arith.cmpf ogt, %add3A_4, %gt3A_8 : vector<10000xf32>
    %rsqrt3A = math.rsqrt %select_n3A : vector<10000xf32>
    %jit3A_10 = arith.constant 0.000000e+00 : f32
    %broadcast_in_dim3A_11 = vector.broadcast %jit3A_10 : f32 to vector<10000xf32>
    %select_n3A_12 = arith.select %gt3A_9, %rsqrt3A, %broadcast_in_dim3A_11 : vector<10000xi1>, vector<10000xf32>
    %broadcast_in_dim3A_13 = vector.shape_cast %select_n3A_12 : vector<10000xf32> to vector<10000x1xf32>
    %swap3A = arith.constant 0 : index
    %swap3A_14 = arith.constant 0 : index
    %swap3A_15 = vector.load %arg2[%swap3A, %swap3A_14] : memref<10000x1xf32, #tpu.memory_space<vmem>>, vector<10000x1xf32>
    tpu.vector_store %arg2[%swap3A, %swap3A_14], %broadcast_in_dim3A_13 {strides = array<i32>} : memref<10000x1xf32, #tpu.memory_space<vmem>>, vector<10000x1xf32>,
    return
  }
  func.func @transform_0(%arg0: i32) -> (i32, i32) {
    %c0_i32 = arith.constant 0 : i32
    %c0_i32_0 = arith.constant 0 : i32
    %c0_i32_1 = arith.constant 0 : i32
    return %c0_i32, %c0_i32_0 : i32, i32
  }
  func.func @transform_1(%arg0: i32) -> (i32, i32) {
    %c0_i32 = arith.constant 0 : i32
    %c0_i32_0 = arith.constant 0 : i32
    %c0_i32_1 = arith.constant 0 : i32
    return %c0_i32, %c0_i32_0 : i32, i32
  }
}

</mosaic_0001>

<sc_bundles>
// kernel: kernel.12.cloned.1.call-start
scs
__scs_entry_jumppad:
0x0: {  	(pc) =	sbr.rel $0x88, $3  }
0x1: {  	(tag) =	ssettag $0x0;
	lr =	simm.s32 $0x1  }
0x2: {  	[smem:$0x3F9A] =	sst lr;
	_ =	strace $0xD0000000  }
0x3: {  	_ = 	snop  }
0x4: {  	_ = 	snop  }
0x5: {  	_ = 	snop  }
0x6: {  	_ = 	snop  }
0x7: {  	_ = 	snop  }
__scs_overlays_trampoline_lowered:
0x8: {  	[smem:$0x3FA9] =	sst s0  }
0x9: {  	[smem:$0x3FAA] =	sst s1  }
0xa: {  	[smem:$0x3FAB] =	sst s2  }
0xb: {  	[smem:$0x3FAC] =	sst s3  }
0xc: {  	[smem:$0x3FAD] =	sst s4  }
0xd: {  	[smem:$0x3FAE] =	sst s5  }
0xe: {  	[smem:$0x3FAF] =	sst s6  }
0xf: {  	[smem:$0x3FB0] =	sst s7  }
0x10: {  	[smem:$0x3FB1] =	sst s8  }
0x11: {  	[smem:$0x3FB2] =	sst s9;
	s0 =	simm.s32 @!p0 $0x0  }
0x12: {  	s1 =	sld [smem:$0x3F98];
	s0 =	simm.s32 @p0 $0x1  }
0x13: {  	[smem:$0x3FB3] =	sst s0;
	s0 =	simm.s32 @!p1 $0x0  }
0x14: {  	s2 =	sld [smem:$0x3F97];
	s0 =	simm.s32 @p1 $0x1  }
0x15: {  	[smem:$0x3FB4] =	sst s0;
	s0 =	simm.s32 @!p2 $0x0  }
0x16: {  	s3 =	sld [smem:$0x3FDB];
	s0 =	simm.s32 @p2 $0x1  }
0x17: {  	s4 =	simm.s32 $0x1BF5;
	[smem:$0x3FB6] =	sst s0  }
0x18: {  	s0 =	sld [smem:$0x3F99];
	_ =	swait.ge [sflag:s4], $0x0  }
0x19: {  	s7 =	sld [smem:$0x3F9A]  }
0x1a: {  	s8 =	sadd.s32 $0xFFFFE003, lr  }
0x1b: {  	s9 =	sadd.s32 $0xFFFFFEF7, lr;
	s5 =	simm.s32 $0xFFFFFFFF;
	p2 =	slt.u32 s8, $0xFFFFF086  }
0x1c: {  	p1 =	slt.u32 s9, $0xF7A;
	s5 =	simm.s32 @!p2 $0x0  }
0x1d: {  	s5 =	simm.s32 @p1 $0x1;
	p0 =	seq.s32 s7, s2  }
0x1e: {  	s7 =	smul.u32 @!p0 $0xF7A, s2;
	p2 =	seq.s32 @!p0 s5, $0x0  }
0x1f: {  	s9 =	smul.u32 $0xF7A, s1;
	s8 =	simm.s32 @!p0 $0x1BF5;
	p2 =	por !p2, p0  }
0x20: {  	[sflag:s8] =	ssyncset.s32 @!p0 $0xFFFFF086;
	s6 =	sadd.s32 @!p0 s3, s7;
	s7 =	simm.s32 @!p0 $0x108  }
0x21: {  	s3 =	sadd.s32 s3, s9;
	s6 =	sadd.s32 @!p0 $0x88, s6;
	s7 =	simm.s32 @p2 $0x1082  }
0x22: {  	[simem:s7], [sflag:s8] =	dma.local @!p0 [hbm:s6], $0xF7A  }
0x23: {  	s9 =	sor.u32 $0xD0000000, s2;
	s6 =	simm.s32 $0x108;
	_ =	swait.ge @!p0 [sflag:s8], $0x0  }
0x24: {  	s3 =	sadd.s32 $0x88, s3;
	s6 =	simm.s32 @!p1 $0x1082;
	[sflag:s4] =	ssyncset.s32 $0xFFFFF086  }
0x25: {  	[simem:s6], [sflag:s4] =	dma.local [hbm:s3], $0xF7A  }
0x26: {  	[smem:$0x3F9A] =	sst s1;
	(tag) =	ssettag s2;
	_ =	strace s9  }
0x27: {  	s1 =	sld [smem:$0x3FAA]  }
0x28: {  	s2 =	sld [smem:$0x3FAB]  }
0x29: {  	s4 =	sld [smem:$0x3FAD]  }
0x2a: {  	p0 =	seq.s32 s5, $0x0;
	s5 =	sld [smem:$0x3FAE]  }
0x2b: {  	s6 =	sld [smem:$0x3FAF]  }
0x2c: {  	s7 =	sld [smem:$0x3FB0]  }
0x2d: {  	s3 =	simm.s32 $0x108;
	s8 =	sld [smem:$0x3FB1]  }
0x2e: {  	s3 =	simm.s32 @!p0 $0x1082;
	s9 =	sld [smem:$0x3FB2]  }
0x2f: {  	lr =	sadd.s32 s0, s3;
	s0 =	sld [smem:$0x3FA9]  }
0x30: {  	s3 =	sld [smem:$0x3FAC]  }
0x31: {  	[smem:$0x3FB5] =	sst s10  }
0x32: {  	s10 =	sld [smem:$0x3FB3];
	_ =	sdelay $0x3  }
0x33: {  	p0 =	seq.s32 s10, $0x1;
	s10 =	sld [smem:$0x3FB5];
	_ =	sdelay $0x3  }
0x34: {  	[smem:$0x3FB5] =	sst s10  }
0x35: {  	s10 =	sld [smem:$0x3FB4];
	_ =	sdelay $0x3  }
0x36: {  	p1 =	seq.s32 s10, $0x1;
	s10 =	sld [smem:$0x3FB5];
	_ =	sdelay $0x3  }
0x37: {  	[smem:$0x3FB5] =	sst s10  }
0x38: {  	s10 =	sld [smem:$0x3FB6]  }
0x39: {  	_ = 	snop;
	(pc) =	sbr.ind lr, $3  }
0x3a: {  	_ = 	snop  }
0x3b: {  	_ = 	snop  }
0x3c: {  	p2 =	seq.s32 s10, $0x1;
	s10 =	sld [smem:$0x3FB5]  }
0x3d: {  	_ =	shalt  }
0x3e: {  	_ =	shalt  }
0x3f: {  	_ =	shalt  }
0x40: {  	_ =	shalt  }
0x41: {  	_ =	shalt  }
0x42: {  	_ =	shalt  }
0x43: {  	_ =	shalt  }
0x44: {  	_ =	shalt  }
0x45: {  	_ =	shalt  }
0x46: {  	_ =	shalt  }
0x47: {  	_ =	shalt  }
0x48: {  	_ =	shalt  }
0x49: {  	_ =	shalt  }
0x4a: {  	_ =	shalt  }
0x4b: {  	_ =	shalt  }
0x4c: {  	_ =	shalt  }
0x4d: {  	_ =	shalt  }
0x4e: {  	_ =	shalt  }
0x4f: {  	_ =	shalt  }
0x50: {  	_ =	shalt  }
0x51: {  	_ =	shalt  }
0x52: {  	_ =	shalt  }
0x53: {  	_ =	shalt  }
0x54: {  	_ =	shalt  }
0x55: {  	_ =	shalt  }
0x56: {  	_ =	shalt  }
0x57: {  	_ =	shalt  }
0x58: {  	_ =	shalt  }
0x59: {  	_ =	shalt  }
0x5a: {  	_ =	shalt  }
0x5b: {  	_ =	shalt  }
0x5c: {  	_ =	shalt  }
0x5d: {  	_ =	shalt  }
0x5e: {  	_ =	shalt  }
0x5f: {  	_ =	shalt  }
0x60: {  	_ =	shalt  }
0x61: {  	_ =	shalt  }
0x62: {  	_ =	shalt  }
0x63: {  	_ =	shalt  }
0x64: {  	_ =	shalt  }
0x65: {  	_ =	shalt  }
0x66: {  	_ =	shalt  }
0x67: {  	_ =	shalt  }
0x68: {  	_ =	shalt  }
0x69: {  	_ =	shalt  }
0x6a: {  	_ =	shalt  }
0x6b: {  	_ =	shalt  }
0x6c: {  	_ =	shalt  }
0x6d: {  	_ =	shalt  }
0x6e: {  	_ =	shalt  }
0x6f: {  	_ =	shalt  }
0x70: {  	_ =	shalt  }
0x71: {  	_ =	shalt  }
0x72: {  	_ =	shalt  }
0x73: {  	_ =	shalt  }
0x74: {  	_ =	shalt  }
0x75: {  	_ =	shalt  }
0x76: {  	_ =	shalt  }
0x77: {  	_ =	shalt  }
0x78: {  	_ =	shalt  }
0x79: {  	_ =	shalt  }
0x7a: {  	_ =	shalt  }
0x7b: {  	_ =	shalt  }
0x7c: {  	_ =	shalt  }
0x7d: {  	_ =	shalt  }
0x7e: {  	_ =	shalt  }
0x7f: {  	_ =	shalt  }
0x80: {  	_ =	shalt  }
0x81: {  	_ =	shalt  }
0x82: {  	_ =	shalt  }
0x83: {  	_ =	shalt  }
0x84: {  	_ =	shalt  }
0x85: {  	_ =	shalt  }
0x86: {  	_ =	shalt  }
0x87: {  	_ =	shalt  }
.Lfunc_end0:
.L_simem_size_0:
called_computation.1_lowered:
.L_overlay_start_0:
0x88: {  	s2 =	sld [smem:$0x3FD9]  }
0x89: {  	s3 =	sld [smem:$0x3FFE];
	_ =	sdelay $0x1  }
0x8a: {  	s1 =	srdreg.scid  }
0x8b: {  	s0 =	sand.u32 $0x1, s1  }
0x8c: {  	s17 =	sshll.u32 s0, $0xA;
	s2 =	sadd.s32 s3, s2  }
0x8d: {  	s2 =	sadd.s32 s2, s17  }
0x8e: {  	[smem:$0x3FC1] =	sst s2  }
0x8f: {  	_ = 	snop  }
0x90: {  	s2 =	sld [smem:$0x3FC7]  }
0x91: {  	s18 =	sld [smem:$0x3FD0];
	(tm) =	ssettm $0x1  }
0x92: {  	s4 =	sld [smem:$0x3FFB];
	_ =	sdelay $0x3  }
0x93: {  	_ =	strace s4  }
0x94: {  	s4 =	sld [smem:$0x3FFC];
	_ =	sdelay $0x3  }
0x95: {  	_ =	strace s4  }
0x96: {  	s4 =	sld [smem:$0x3FFD];
	_ =	sdelay $0x3  }
0x97: {  	_ =	strace s4  }
0x98: {  	_ =	strace $0x8FFFFFFF  }
0x99: {  	s19 =	sld [smem:$0x3FDB];
	_ =	sdelay $0x1  }
0x9a: {  	s5 =	simm.s32 $_scs_section_size  }
0x9b: {  	s6 =	simm.s32 $_size__tile_overlayer_lowered;
	s7 =	simm.s32 $_tile_overlayer_lowered  }
0x9c: {  	s22 =	simm.s32 $0x1BFF;
	s21 =	sshll.u32 s7, $0x1;
	s4 =	sadd.s32 s5, s19  }
0x9d: {  	s8 =	simm.s32 $0x0;
	s20 =	sshll.u32 s6, $0x1;
	s6 =	sadd.s32 s21, s4  }
0x9e: {  	[timem:s8], [sflag:s22] =	dma.local [hbm:s6], s20  }
0x9f: {  	_ =	swait.ge [sflag:s22], s20  }
0xa0: {  	s5 =	ssub.s32 $0x0, s20;
	[sflag:s22] =	ssyncset.done $0x0  }
0xa1: {  	[sflag:s22] =	ssyncadd.s32 s5;
	_ =	sdelay $0x1  }
0xa2: {  	s23 =	simm.s32 $0x1B8B  }
0xa3: {  	_ =	swait.ge [sflag:s23], $0x1  }
0xa4: {  	[sflag:s23] =	ssyncset.done $0x0  }
0xa5: {  	s25 =	simm.s32 $0x1B8E;
	s24 =	sld [smem:$0x3FFE];
	[sflag:s23] =	ssyncadd.s32 $0xFFFFFFFF  }
0xa6: {  	s26 =	simm.s32 $execute0_lowered;
	[smem:$0x3FD2] =	sst s25  }
0xa7: {  	s6 =	sshll.u32 s26, $0x1;
	_ =	strace $0x80000049;
	[dreg:$0x1] =	wrdreg $0xFFFFFFFF  }
0xa8: {  	s28 =	simm.s32 $_size_execute0_lowered;
	s4 =	sadd.s32 s4, s6;
	[dreg:$0x0] =	wrdreg $0x0  }
0xa9: {  	s6 =	sshll.u32 s28, $0x1;
	[dreg:$0x2] =	wrdreg s4  }
0xaa: {  	[dreg:$0x3] =	wrdreg s6  }
0xab: {  	[dreg:$0x4] =	wrdreg $0xC0  }
0xac: {  	_ =	task [dreg:s8], $0x5FFFF  }
0xad: {  	[dreg:$0x1] =	wrdreg $0xFFFFFFFF  }
0xae: {  	[dreg:$0x0] =	wrdreg $0x60  }
0xaf: {  	[dreg:$0x2] =	wrdreg s18  }
0xb0: {  	[dreg:$0x3] =	wrdreg s24  }
0xb1: {  	[dreg:$0x4] =	wrdreg s2  }
0xb2: {  	[dreg:$0x5] =	wrdreg $0x41800  }
0xb3: {  	[dreg:$0x6] =	wrdreg $0x9  }
0xb4: {  	_ =	task.clear_ibuf [dreg:s8], $0x7FFFF;
	_ =	strace $0x90000049  }
0xb5: {  	s29 =	simm.s32 $0x9;
	_ =	strace $0x8000004B  }
0xb6: {  	_ =	swait.ge [sflag:s29], $0x1  }
0xb7: {  	[sflag:s29] =	ssyncadd.s32 $0xFFFFFFFF  }
0xb8: {  	_ =	strace $0x9000004B  }
0xb9: {  	_ =	sfence  }
0xba: {  	s30 =	sld [smem:$0x0];
	_ =	sdelay $0x2  }
0xbb: {  	s31 =	sshll.u32 s1, $0xD;
	s1 =	sshrl.u32 s1, $0x2  }
0xbc: {  	s3 =	sand.u32 $0x4000, s31;
	s1 =	sadd.s32 s1, s30  }
0xbd: {  	s0 =	sor.u32 s3, s0;
	s1 =	sshll.u32 s1, $0x11  }
0xbe: {  	s0 =	sor.u32 s1, s0  }
0xbf: {  	s0 =	sadd.s32 $0x8F2B, s0  }
0xc0: {  	[sflag:s0] =	ssyncadd.remote.s32 $0x1  }
0xc1: {  	_ =	sfence.sel $0xFFFF  }
0xc2: {  	[dreg:$0x0] =	wrdreg $0xFFFFFFFF;
	(pc) =	sbr.abs _section_cstart, $3  }
0xc3: {  	[dreg:$0x1] =	wrdreg $0xFFFFFFFF  }
0xc4: {  	_ =	task.clear_ibuf [dreg:s8], $0x2FFFF;
	_ =	strace $0x9FFFFFFF  }
0xc5: {  	(tm) =	ssettm $0x7FFFFFFF  }
tec
execute0_lowered:
.L_overlay_start_1:
0x0: {  	(tag) =	ssettag $0x1  }
0x1: {  	s1 =	rddreg [dreg:$0x0]  }
0x2: {  	s0 =	rddreg [dreg:$0x1]  }
0x3: {  	s2 =	rddreg [dreg:$0x2]  }
0x4: {  	s3 =	rddreg [dreg:$0x3]  }
0x5: {  	s4 =	simm.s32 $0x0;
	s5 =	srdreg.scid;
	s13 =	stileid.u32  }
0x6: {  	s28 =	simm.s32 $0x80;
	s29 =	simm.s32 $0x100;
	s30 =	simm.s32 $0x1  }
0x7: {  	[smem:$0x7FF] =	sst s4;
	s6 =	sand.u32 $0x1, s5;
	s18 =	smul.u32 $0x14000, s13  }
0x8: {  	s7 =	sadd.s32 $0x2600, s0;
	s8 =	sadd.s32 $0xC400, s0;
	s11 =	smul.u32 $0x50000, s13  }
0x9: {  	s0 =	sadd.s32 $0x16200, s0;
	_ =	strace $0x8000004A;
	s9 =	ssub.s32 $0x2, s6  }
0xa: {  	s5 =	smul.u32 $0x140000, s6;
	s10 =	sshrl.u32 s9, $0x1;
	s11 =	sshrl.u32 s11, $0x2  }
0xb: {  	s19 =	sadd.s32 $0x4000, s18;
	s20 =	sadd.s32 $0x8000, s18;
	s12 =	ssub.s32 s9, s10  }
0xc: {  	s21 =	sadd.s32 s5, s18;
	s9 =	sshll.u32 s13, $0x1;
	s10 =	sadd.s32 s11, s3  }
0xd: {  	s16 =	sadd.s32 s5, s19;
	s24 =	sadd.s32 s5, s20;
	s26 =	sadd.s32 s20, s3  }
0xe: {  	s22 =	sshrl.u32 s21, $0x3;
	s12 =	smax.u32 s12, $0x1;
	s13 =	sadd.s32 $0x4000, s10  }
0xf: {  	s14 =	sadd.s32 $0x8000, s10;
	s15 =	sadd.s32 $0xC000, s10;
	s17 =	sshrl.u32 s16, $0x3  }
0x10: {  	s16 =	sadd.s32 $0x10000, s10;
	s21 =	sadd.s32 $0xC000, s18;
	s23 =	sadd.s32 s0, s22  }
0x11: {  	s17 =	sadd.s32 s0, s17;
	s22 =	sadd.s32 s19, s3;
	s19 =	sshrl.u32 s24, $0x3  }
0x12: {  	s24 =	sadd.s32 $0x10000, s18;
	[dreg:$0x5] =	wrdreg s23;
	s23 =	sadd.s32 s5, s21  }
.Ltmp0:
0x13: {  	s18 =	sadd.s32 s0, s19;
	s5 =	sadd.s32 s5, s24;
	(pc) =	sbr.rel .LBB2_1-.Ltmp0, $4  }
0x14: {  	s31 =	sadd.s32 s24, s3;
	s22 =	sshrl.u32 s22, $0x3;
	s25 =	sshrl.u32 s23, $0x3  }
0x15: {  	s5 =	sshrl.u32 s5, $0x3;
	s23 =	sshrl.u32 s26, $0x3;
	s26 =	simm.s32 $0x2  }
0x16: {  	s19 =	sadd.s32 s0, s25;
	s25 =	sadd.s32 s21, s3;
	s20 =	sadd.s32 s0, s5  }
0x17: {  	v0 =	vimm.f32 $0.0e+00;
	s21 =	simm.s32 $0x180;
	s24 =	sshrl.u32 s25, $0x3;
	s25 =	sshrl.u32 s31, $0x3  }
.LBB2_9:
0x18: {  	s0 =	stileid.u32  }
0x19: {  	[bflag:$0x0] =	sbarrier.arrive $0xFFFF;
	s0 =	sshll.u32 s0, $0x6  }
0x1a: {  	s5 =	sshrl.u32 s10, $0x3;
	s11 =	rddreg [dreg:$0x5];
	s0 =	sor.u32 $0x1C02, s0  }
0x1b: {  	[hbm:s11], [sflag:s0] =	dma.local [spmem:s5], $0x800  }
0x1c: {  	_ =	swait.ge [sflag:s26], $0x800  }
0x1d: {  	[sflag:s26] =	ssyncset.done $0x0  }
0x1e: {  	[sflag:s26] =	ssyncadd.s32 $0xFFFFF800  }
0x1f: {  	[hbm:s17], [sflag:s0] =	dma.local [spmem:s22], $0x800  }
0x20: {  	_ =	swait.ge [sflag:s26], $0x800  }
0x21: {  	[sflag:s26] =	ssyncset.done $0x0  }
0x22: {  	[sflag:s26] =	ssyncadd.s32 $0xFFFFF800  }
0x23: {  	[hbm:s18], [sflag:s0] =	dma.local [spmem:s23], $0x800  }
0x24: {  	_ =	swait.ge [sflag:s26], $0x800  }
0x25: {  	[sflag:s26] =	ssyncset.done $0x0  }
0x26: {  	[sflag:s26] =	ssyncadd.s32 $0xFFFFF800  }
0x27: {  	[hbm:s19], [sflag:s0] =	dma.local [spmem:s24], $0x800  }
0x28: {  	s4 =	sadd.s32 $0x1, s4;
	_ =	swait.ge [sflag:s26], $0x800  }
0x29: {  	p0 =	sne.s32 s4, s12;
	[sflag:s26] =	ssyncset.done $0x0  }
.Ltmp1:
0x2a: {  	[sflag:s26] =	ssyncadd.s32 $0xFFFFF800;
	(pc) =	sbr.rel @!p0 .LBB2_10-.Ltmp1, $4  }
0x2b: {  	[hbm:s20], [sflag:s0] =	dma.local [spmem:s25], $0x800  }
0x2c: {  	_ =	swait.ge [sflag:s26], $0x800  }
0x2d: {  	[sflag:s26] =	ssyncset.done $0x0  }
0x2e: {  	[sflag:s26] =	ssyncadd.s32 $0xFFFFF800  }
.LBB2_1:
0x2f: {  	s0 =	simm.s32 $0x0;
	s5 =	simm.s32 $0x200  }
.LBB2_2:
0x30: {  	p0 =	sne.s32 s5, $0xFE00;
	[tilespmem:s0+$0x1F0] =	vst v0  }
0x31: {  	[tilespmem:s0+$0x180] =	vst v0  }
0x32: {  	[tilespmem:s0+$0x190] =	vst v0  }
.Ltmp2:
0x33: {  	[tilespmem:s0+$0x1A0] =	vst v0;
	(pc) =	sbr.rel @p0 .LBB2_2-.Ltmp2, $4  }
0x34: {  	[tilespmem:s0+$0x1B0] =	vst v0  }
0x35: {  	[tilespmem:s0+$0x1C0] =	vst v0  }
0x36: {  	[tilespmem:s0+$0x1D0] =	vst v0  }
0x37: {  	[tilespmem:s0+$0x1E0] =	vst v0;
	s0 =	sshra.s32 s5, $0x2;
	s5 =	sadd.s32 $0x200, s5  }
0x38: {  	[tilespmem:s0+$0x1F0] =	vst v0  }
0x39: {  	[tilespmem:s0+$0x180] =	vst v0  }
0x3a: {  	[tilespmem:s0+$0x190] =	vst v0  }
0x3b: {  	[tilespmem:s0+$0x1A0] =	vst v0  }
0x3c: {  	[tilespmem:s0+$0x1B0] =	vst v0  }
0x3d: {  	[tilespmem:s0+$0x1C0] =	vst v0  }
0x3e: {  	[tilespmem:s0+$0x1D0] =	vst v0  }
0x3f: {  	[tilespmem:s0+$0x1E0] =	vst v0  }
0x40: {  	[spmem:s10] =	stream.linear.scatter [tilespmem:s21], [sflag:$0x2], $0x4000, $0x38;
	[tilespmem:$0x18180] =	vst v63  }
0x41: {  	_ =	swait.ge [sflag:s26], $0x4000  }
0x42: {  	[sflag:s26] =	ssyncset.done $0x0  }
0x43: {  	[sflag:s26] =	ssyncadd.s32 $0xFFFFC000  }
0x44: {  	[spmem:s13] =	stream.linear.scatter [tilespmem:s21], [sflag:$0x2], $0x4000, $0x38;
	[tilespmem:$0x18180] =	vst v63  }
0x45: {  	_ =	swait.ge [sflag:s26], $0x4000  }
0x46: {  	[sflag:s26] =	ssyncset.done $0x0  }
0x47: {  	[sflag:s26] =	ssyncadd.s32 $0xFFFFC000  }
0x48: {  	[spmem:s14] =	stream.linear.scatter [tilespmem:s21], [sflag:$0x2], $0x4000, $0x38;
	[tilespmem:$0x18180] =	vst v63  }
0x49: {  	_ =	swait.ge [sflag:s26], $0x4000  }
0x4a: {  	[sflag:s26] =	ssyncset.done $0x0  }
0x4b: {  	[sflag:s26] =	ssyncadd.s32 $0xFFFFC000  }
0x4c: {  	[spmem:s15] =	stream.linear.scatter [tilespmem:s21], [sflag:$0x2], $0x4000, $0x38;
	[tilespmem:$0x18180] =	vst v63  }
0x4d: {  	_ =	swait.ge [sflag:s26], $0x4000  }
0x4e: {  	[sflag:s26] =	ssyncset.done $0x0  }
0x4f: {  	[sflag:s26] =	ssyncadd.s32 $0xFFFFC000  }
0x50: {  	[spmem:s16] =	stream.linear.scatter [tilespmem:s21], [sflag:$0x2], $0x4000, $0x38;
	[tilespmem:$0x18180] =	vst v63  }
.Ltmp3:
0x51: {  	_ =	swait.ge [sflag:s26], $0x4000;
	(pc) =	sbr.rel .LBB2_4-.Ltmp3, $4  }
0x52: {  	[sflag:s26] =	ssyncset.done $0x0  }
0x53: {  	[sflag:s26] =	ssyncadd.s32 $0xFFFFC000  }
0x54: {  	[bflag:$0x0] =	sbarrier.arrive $0xFFFF  }
0x55: {  	s31 =	simm.s32 $0x0  }
.LBB2_8:
0x56: {  	s31 =	sadd.s32 $0x1, s31  }
0x57: {  	p0 =	sne.s32 s31, $0x4F  }
.Ltmp4:
0x58: {  	_ = 	snop;
	(pc) =	sbr.rel @!p0 .LBB2_9-.Ltmp4, $1  }
0x59: {  	_ =	sdelay $0x3  }
.LBB2_4:
0x5a: {  	s0 =	sshll.u32 s31, $0x5  }
0x5b: {  	s0 =	sor.u32 s9, s0  }
0x5c: {  	p0 =	sgt.u32 s0, $0x9C3  }
.Ltmp5:
0x5d: {  	_ = 	snop;
	(pc) =	sbr.rel @p0 .LBB2_8-.Ltmp5, $1  }
0x5e: {  	_ =	sdelay $0x3  }
0x5f: {  	s0 =	sor.u32 s6, s0  }
0x60: {  	s5 =	sshll.u32 s0, $0x4  }
0x61: {  	s0 =	simm.s32 $0x0;
	s11 =	sadd.s32 s7, s5  }
0x62: {  	[tilespmem:s0], [sflag:$0x2] =	stream.linear.gather [hbm4b:s11+s0], $0x80, $0x38;
	[tilespmem:$0x18180] =	vst v63  }
0x63: {  	_ =	swait.ge [sflag:s26], $0x80  }
0x64: {  	[sflag:s26] =	ssyncset.done $0x0  }
0x65: {  	s11 =	sadd.s32 s8, s5;
	[sflag:s26] =	ssyncadd.s32 $0xFFFFFF80  }
0x66: {  	[tilespmem:s28], [sflag:$0x2] =	stream.linear.gather [hbm4b:s11+s0], $0x80, $0x38;
	[tilespmem:$0x18180] =	vst v63  }
0x67: {  	_ =	swait.ge [sflag:s26], $0x80  }
0x68: {  	[sflag:s26] =	ssyncset.done $0x0  }
0x69: {  	s5 =	sadd.s32 s2, s5;
	[sflag:s26] =	ssyncadd.s32 $0xFFFFFF80  }
0x6a: {  	[tilespmem:s29], [sflag:$0x2] =	stream.linear.gather [hbm4b:s5+s0], $0x80, $0x38;
	[tilespmem:$0x18180] =	vst v63  }
0x6b: {  	_ =	swait.ge [sflag:s26], $0x80  }
0x6c: {  	[sflag:s26] =	ssyncset.done $0x0  }
0x6d: {  	[sflag:s26] =	ssyncadd.s32 $0xFFFFFF80  }
0x6e: {  	[tilespmem:s21], [sflag:$0x1] =	stream.indirect.gather [hbm4b:s1+s28], $0x80, s0, s28, $0xb8;
	[tilespmem:$0x18180] =	vst v63  }
0x6f: {  	_ =	swait.ge [sflag:s30], $0x4000  }
0x70: {  	[sflag:s30] =	ssyncset.done $0x0  }
0x71: {  	[sflag:s30] =	ssyncadd.s32 $0xFFFFC000  }
.LBB2_6:
0x72: {  	s5 =	sshll.u32 s0, $0x4  }
0x73: {  	s5 =	sand.u32 $0x3FFFFFF0, s5  }
0x74: {  	s11 =	sshll.u32 s0, $0xB;
	v1 =	vld [tilespmem:s5+$0x100]  }
0x75: {  	s5 =	sand.u32 $0x3FFFF800, s11  }
0x76: {  	v2 =	vld [tilespmem:s5+$0x180]  }
0x77: {  	v3 =	vld [tilespmem:s5+$0x190]  }
0x78: {  	v4 =	vld [tilespmem:s5+$0x1A0]  }
0x79: {  	v6 =	vld [tilespmem:s5+$0x1B0];
	v5 =	vbroadcast v1, $0x0  }
0x7a: {  	v7 =	vld [tilespmem:s5+$0x1C0]  }
0x7b: {  	v8 =	vld [tilespmem:s5+$0x1D0];
	v2 =	vmul.f32 v5, v2  }
0x7c: {  	v9 =	vld [tilespmem:s5+$0x1E0];
	v3 =	vmul.f32 v3, v5  }
0x7d: {  	v34 =	vld [tilespmem:s5+$0x1F0];
	[tilespmem:s5+$0x180] =	vst v2;
	v2 =	vmul.f32 v4, v5  }
0x7e: {  	v35 =	vld [tilespmem:s5+$0x200];
	[tilespmem:s5+$0x190] =	vst v3;
	v3 =	vmul.f32 v6, v5  }
0x7f: {  	v36 =	vld [tilespmem:s5+$0x210];
	[tilespmem:s5+$0x1A0] =	vst v2;
	v2 =	vmul.f32 v7, v5  }
0x80: {  	v37 =	vld [tilespmem:s5+$0x220];
	[tilespmem:s5+$0x1B0] =	vst v3;
	v3 =	vmul.f32 v8, v5  }
0x81: {  	v10 =	vld [tilespmem:s5+$0x230];
	v38 =	vbroadcast v1, $0x1;
	[tilespmem:s5+$0x1C0] =	vst v2;
	v2 =	vmul.f32 v9, v5  }
0x82: {  	v39 =	vld [tilespmem:s5+$0x240];
	[tilespmem:s5+$0x1D0] =	vst v3;
	v3 =	vmul.f32 v34, v5  }
0x83: {  	v40 =	vld [tilespmem:s5+$0x250];
	[tilespmem:s5+$0x1E0] =	vst v2;
	v2 =	vmul.f32 v35, v38  }
0x84: {  	v41 =	vld [tilespmem:s5+$0x260];
	[tilespmem:s5+$0x1F0] =	vst v3;
	v3 =	vmul.f32 v36, v38  }
0x85: {  	v42 =	vld [tilespmem:s5+$0x270];
	[tilespmem:s5+$0x200] =	vst v2;
	v2 =	vmul.f32 v37, v38  }
0x86: {  	v43 =	vld [tilespmem:s5+$0x280];
	[tilespmem:s5+$0x210] =	vst v3;
	v3 =	vmul.f32 v10, v38  }
0x87: {  	v44 =	vld [tilespmem:s5+$0x290];
	[tilespmem:s5+$0x220] =	vst v2;
	v2 =	vmul.f32 v39, v38  }
0x88: {  	v45 =	vld [tilespmem:s5+$0x2A0];
	[tilespmem:s5+$0x230] =	vst v3;
	v3 =	vmul.f32 v40, v38  }
0x89: {  	v47 =	vld [tilespmem:s5+$0x2B0];
	v46 =	vbroadcast v1, $0x2;
	[tilespmem:s5+$0x240] =	vst v2;
	v2 =	vmul.f32 v41, v38  }
0x8a: {  	v48 =	vld [tilespmem:s5+$0x2C0];
	[tilespmem:s5+$0x250] =	vst v3;
	v3 =	vmul.f32 v42, v38  }
0x8b: {  	v49 =	vld [tilespmem:s5+$0x2D0];
	[tilespmem:s5+$0x260] =	vst v2;
	v2 =	vmul.f32 v43, v46  }
0x8c: {  	v50 =	vld [tilespmem:s5+$0x2E0];
	[tilespmem:s5+$0x270] =	vst v3;
	v3 =	vmul.f32 v44, v46  }
0x8d: {  	v51 =	vld [tilespmem:s5+$0x2F0];
	[tilespmem:s5+$0x280] =	vst v2;
	v2 =	vmul.f32 v45, v46  }
0x8e: {  	v52 =	vld [tilespmem:s5+$0x300];
	[tilespmem:s5+$0x290] =	vst v3;
	v3 =	vmul.f32 v47, v46  }
0x8f: {  	v53 =	vld [tilespmem:s5+$0x310];
	[tilespmem:s5+$0x2A0] =	vst v2;
	v2 =	vmul.f32 v48, v46  }
0x90: {  	v54 =	vld [tilespmem:s5+$0x320];
	[tilespmem:s5+$0x2B0] =	vst v3;
	v3 =	vmul.f32 v49, v46  }
0x91: {  	v56 =	vld [tilespmem:s5+$0x330];
	v55 =	vbroadcast v1, $0x3;
	[tilespmem:s5+$0x2C0] =	vst v2;
	v2 =	vmul.f32 v50, v46  }
0x92: {  	v57 =	vld [tilespmem:s5+$0x340];
	[tilespmem:s5+$0x2D0] =	vst v3;
	v3 =	vmul.f32 v51, v46  }
0x93: {  	v58 =	vld [tilespmem:s5+$0x350];
	[tilespmem:s5+$0x2E0] =	vst v2;
	v2 =	vmul.f32 v52, v55  }
0x94: {  	v59 =	vld [tilespmem:s5+$0x360];
	[tilespmem:s5+$0x2F0] =	vst v3;
	v3 =	vmul.f32 v53, v55  }
0x95: {  	v60 =	vld [tilespmem:s5+$0x370];
	[tilespmem:s5+$0x300] =	vst v2;
	v2 =	vmul.f32 v54, v55  }
0x96: {  	v61 =	vld [tilespmem:s5+$0x380];
	[tilespmem:s5+$0x310] =	vst v3;
	v3 =	vmul.f32 v56, v55  }
0x97: {  	v62 =	vld [tilespmem:s5+$0x390];
	[tilespmem:s5+$0x320] =	vst v2;
	v2 =	vmul.f32 v57, v55  }
0x98: {  	v63 =	vld [tilespmem:s5+$0x3A0];
	[tilespmem:s5+$0x330] =	vst v3;
	v3 =	vmul.f32 v58, v55  }
0x99: {  	v13 =	vld [tilespmem:s5+$0x3B0];
	v12 =	vbroadcast v1, $0x4;
	[tilespmem:s5+$0x340] =	vst v2;
	v2 =	vmul.f32 v59, v55  }
0x9a: {  	v14 =	vld [tilespmem:s5+$0x3C0];
	[tilespmem:s5+$0x350] =	vst v3;
	v3 =	vmul.f32 v60, v55  }
0x9b: {  	v15 =	vld [tilespmem:s5+$0x3D0];
	[tilespmem:s5+$0x360] =	vst v2;
	v2 =	vmul.f32 v61, v12  }
0x9c: {  	v16 =	vld [tilespmem:s5+$0x3E0];
	[tilespmem:s5+$0x370] =	vst v3;
	v3 =	vmul.f32 v62, v12  }
0x9d: {  	v17 =	vld [tilespmem:s5+$0x3F0];
	[tilespmem:s5+$0x380] =	vst v2;
	v2 =	vmul.f32 v63, v12  }
0x9e: {  	v18 =	vld [tilespmem:s5+$0x400];
	[tilespmem:s5+$0x390] =	vst v3;
	v3 =	vmul.f32 v13, v12  }
0x9f: {  	v19 =	vld [tilespmem:s5+$0x410];
	[tilespmem:s5+$0x3A0] =	vst v2;
	v2 =	vmul.f32 v14, v12  }
0xa0: {  	v20 =	vld [tilespmem:s5+$0x420];
	[tilespmem:s5+$0x3B0] =	vst v3;
	v3 =	vmul.f32 v15, v12  }
0xa1: {  	v22 =	vld [tilespmem:s5+$0x430];
	v21 =	vbroadcast v1, $0x5;
	[tilespmem:s5+$0x3C0] =	vst v2;
	v2 =	vmul.f32 v16, v12  }
0xa2: {  	v23 =	vld [tilespmem:s5+$0x440];
	[tilespmem:s5+$0x3D0] =	vst v3;
	v3 =	vmul.f32 v17, v12  }
0xa3: {  	v24 =	vld [tilespmem:s5+$0x450];
	[tilespmem:s5+$0x3E0] =	vst v2;
	v2 =	vmul.f32 v18, v21  }
0xa4: {  	v25 =	vld [tilespmem:s5+$0x460];
	[tilespmem:s5+$0x3F0] =	vst v3;
	v3 =	vmul.f32 v19, v21  }
0xa5: {  	v26 =	vld [tilespmem:s5+$0x470];
	[tilespmem:s5+$0x400] =	vst v2;
	v2 =	vmul.f32 v20, v21  }
0xa6: {  	v27 =	vld [tilespmem:s5+$0x480];
	[tilespmem:s5+$0x410] =	vst v3;
	v3 =	vmul.f32 v22, v21  }
0xa7: {  	v28 =	vld [tilespmem:s5+$0x490];
	[tilespmem:s5+$0x420] =	vst v2;
	v2 =	vmul.f32 v23, v21  }
0xa8: {  	v29 =	vld [tilespmem:s5+$0x4A0];
	[tilespmem:s5+$0x430] =	vst v3;
	v3 =	vmul.f32 v24, v21  }
0xa9: {  	v31 =	vld [tilespmem:s5+$0x4B0];
	v30 =	vbroadcast v1, $0x6;
	[tilespmem:s5+$0x440] =	vst v2;
	v2 =	vmul.f32 v25, v21  }
0xaa: {  	v32 =	vld [tilespmem:s5+$0x4C0];
	[tilespmem:s5+$0x450] =	vst v3;
	v3 =	vmul.f32 v26, v21  }
0xab: {  	v33 =	vld [tilespmem:s5+$0x4D0];
	[tilespmem:s5+$0x460] =	vst v2;
	v2 =	vmul.f32 v27, v30  }
0xac: {  	v34 =	vld [tilespmem:s5+$0x4E0];
	[tilespmem:s5+$0x470] =	vst v3;
	v3 =	vmul.f32 v28, v30  }
0xad: {  	v35 =	vld [tilespmem:s5+$0x4F0];
	[tilespmem:s5+$0x480] =	vst v2;
	v2 =	vmul.f32 v29, v30  }
0xae: {  	v36 =	vld [tilespmem:s5+$0x500];
	[tilespmem:s5+$0x490] =	vst v3;
	v3 =	vmul.f32 v31, v30  }
0xaf: {  	v37 =	vld [tilespmem:s5+$0x510];
	[tilespmem:s5+$0x4A0] =	vst v2;
	v2 =	vmul.f32 v32, v30  }
0xb0: {  	v38 =	vld [tilespmem:s5+$0x520];
	[tilespmem:s5+$0x4B0] =	vst v3;
	v3 =	vmul.f32 v33, v30  }
0xb1: {  	v39 =	vbroadcast v1, $0x7;
	v40 =	vld [tilespmem:s5+$0x530];
	[tilespmem:s5+$0x4C0] =	vst v2;
	v2 =	vmul.f32 v34, v30  }
0xb2: {  	v41 =	vld [tilespmem:s5+$0x540];
	[tilespmem:s5+$0x4D0] =	vst v3;
	v3 =	vmul.f32 v35, v30  }
0xb3: {  	v42 =	vld [tilespmem:s5+$0x550];
	[tilespmem:s5+$0x4E0] =	vst v2;
	v2 =	vmul.f32 v36, v39  }
0xb4: {  	v43 =	vld [tilespmem:s5+$0x560];
	[tilespmem:s5+$0x4F0] =	vst v3;
	v3 =	vmul.f32 v37, v39  }
0xb5: {  	v44 =	vld [tilespmem:s5+$0x570];
	[tilespmem:s5+$0x500] =	vst v2;
	v2 =	vmul.f32 v38, v39  }
0xb6: {  	v45 =	vld [tilespmem:s5+$0x580];
	[tilespmem:s5+$0x510] =	vst v3;
	v3 =	vmul.f32 v40, v39  }
0xb7: {  	v46 =	vld [tilespmem:s5+$0x590];
	[tilespmem:s5+$0x520] =	vst v2;
	v2 =	vmul.f32 v41, v39  }
0xb8: {  	v47 =	vld [tilespmem:s5+$0x5A0];
	[tilespmem:s5+$0x530] =	vst v3;
	v3 =	vmul.f32 v42, v39  }
0xb9: {  	v48 =	vbroadcast v1, $0x8;
	v49 =	vld [tilespmem:s5+$0x5B0];
	[tilespmem:s5+$0x540] =	vst v2;
	v2 =	vmul.f32 v43, v39  }
0xba: {  	v50 =	vld [tilespmem:s5+$0x5C0];
	[tilespmem:s5+$0x550] =	vst v3;
	v3 =	vmul.f32 v44, v39  }
0xbb: {  	v51 =	vld [tilespmem:s5+$0x5D0];
	[tilespmem:s5+$0x560] =	vst v2;
	v2 =	vmul.f32 v45, v48  }
0xbc: {  	v52 =	vld [tilespmem:s5+$0x5E0];
	[tilespmem:s5+$0x570] =	vst v3;
	v3 =	vmul.f32 v46, v48  }
0xbd: {  	v53 =	vld [tilespmem:s5+$0x5F0];
	[tilespmem:s5+$0x580] =	vst v2;
	v2 =	vmul.f32 v47, v48  }
0xbe: {  	v54 =	vld [tilespmem:s5+$0x600];
	[tilespmem:s5+$0x590] =	vst v3;
	v3 =	vmul.f32 v49, v48  }
0xbf: {  	v55 =	vld [tilespmem:s5+$0x610];
	[tilespmem:s5+$0x5A0] =	vst v2;
	v2 =	vmul.f32 v50, v48  }
0xc0: {  	v56 =	vld [tilespmem:s5+$0x620];
	[tilespmem:s5+$0x5B0] =	vst v3;
	v3 =	vmul.f32 v51, v48  }
0xc1: {  	v57 =	vbroadcast v1, $0x9;
	v58 =	vld [tilespmem:s5+$0x630];
	[tilespmem:s5+$0x5C0] =	vst v2;
	v2 =	vmul.f32 v52, v48  }
0xc2: {  	v59 =	vld [tilespmem:s5+$0x640];
	[tilespmem:s5+$0x5D0] =	vst v3;
	v3 =	vmul.f32 v53, v48  }
0xc3: {  	v60 =	vld [tilespmem:s5+$0x650];
	[tilespmem:s5+$0x5E0] =	vst v2;
	v2 =	vmul.f32 v54, v57  }
0xc4: {  	v61 =	vld [tilespmem:s5+$0x660];
	[tilespmem:s5+$0x5F0] =	vst v3;
	v3 =	vmul.f32 v55, v57  }
0xc5: {  	v62 =	vld [tilespmem:s5+$0x670];
	[tilespmem:s5+$0x600] =	vst v2;
	v2 =	vmul.f32 v56, v57  }
0xc6: {  	v63 =	vld [tilespmem:s5+$0x680];
	[tilespmem:s5+$0x610] =	vst v3;
	v3 =	vmul.f32 v58, v57  }
0xc7: {  	v12 =	vld [tilespmem:s5+$0x690];
	[tilespmem:s5+$0x620] =	vst v2;
	v2 =	vmul.f32 v59, v57  }
0xc8: {  	v13 =	vld [tilespmem:s5+$0x6A0];
	[tilespmem:s5+$0x630] =	vst v3;
	v3 =	vmul.f32 v60, v57  }
0xc9: {  	v14 =	vbroadcast v1, $0xA;
	v15 =	vld [tilespmem:s5+$0x6B0];
	[tilespmem:s5+$0x640] =	vst v2;
	v2 =	vmul.f32 v61, v57  }
0xca: {  	v16 =	vld [tilespmem:s5+$0x6C0];
	[tilespmem:s5+$0x650] =	vst v3;
	v3 =	vmul.f32 v62, v57  }
0xcb: {  	v17 =	vld [tilespmem:s5+$0x6D0];
	[tilespmem:s5+$0x660] =	vst v2;
	v2 =	vmul.f32 v63, v14  }
0xcc: {  	v18 =	vld [tilespmem:s5+$0x6E0];
	[tilespmem:s5+$0x670] =	vst v3;
	v3 =	vmul.f32 v12, v14  }
0xcd: {  	v19 =	vld [tilespmem:s5+$0x6F0];
	[tilespmem:s5+$0x680] =	vst v2;
	v2 =	vmul.f32 v13, v14  }
0xce: {  	v20 =	vld [tilespmem:s5+$0x700];
	[tilespmem:s5+$0x690] =	vst v3;
	v3 =	vmul.f32 v15, v14  }
0xcf: {  	v21 =	vld [tilespmem:s5+$0x710];
	[tilespmem:s5+$0x6A0] =	vst v2;
	v2 =	vmul.f32 v16, v14  }
0xd0: {  	v22 =	vld [tilespmem:s5+$0x720];
	[tilespmem:s5+$0x6B0] =	vst v3;
	v3 =	vmul.f32 v17, v14  }
0xd1: {  	v23 =	vbroadcast v1, $0xB;
	v24 =	vld [tilespmem:s5+$0x730];
	[tilespmem:s5+$0x6C0] =	vst v2;
	v2 =	vmul.f32 v18, v14  }
0xd2: {  	v25 =	vld [tilespmem:s5+$0x740];
	[tilespmem:s5+$0x6D0] =	vst v3;
	v3 =	vmul.f32 v19, v14  }
0xd3: {  	v26 =	vld [tilespmem:s5+$0x750];
	[tilespmem:s5+$0x6E0] =	vst v2;
	v2 =	vmul.f32 v20, v23  }
0xd4: {  	v27 =	vld [tilespmem:s5+$0x760];
	[tilespmem:s5+$0x6F0] =	vst v3;
	v3 =	vmul.f32 v21, v23  }
0xd5: {  	v28 =	vld [tilespmem:s5+$0x770];
	[tilespmem:s5+$0x700] =	vst v2;
	v2 =	vmul.f32 v22, v23  }
0xd6: {  	v29 =	vld [tilespmem:s5+$0x780];
	[tilespmem:s5+$0x710] =	vst v3;
	v3 =	vmul.f32 v24, v23  }
0xd7: {  	v30 =	vld [tilespmem:s5+$0x790];
	[tilespmem:s5+$0x720] =	vst v2;
	v2 =	vmul.f32 v25, v23  }
0xd8: {  	v31 =	vld [tilespmem:s5+$0x7A0];
	[tilespmem:s5+$0x730] =	vst v3;
	v3 =	vmul.f32 v26, v23  }
0xd9: {  	v32 =	vbroadcast v1, $0xC;
	v33 =	vld [tilespmem:s5+$0x7B0];
	[tilespmem:s5+$0x740] =	vst v2;
	v2 =	vmul.f32 v27, v23  }
0xda: {  	v34 =	vld [tilespmem:s5+$0x7C0];
	[tilespmem:s5+$0x750] =	vst v3;
	v3 =	vmul.f32 v28, v23  }
0xdb: {  	v35 =	vld [tilespmem:s5+$0x7D0];
	[tilespmem:s5+$0x760] =	vst v2;
	v2 =	vmul.f32 v29, v32  }
0xdc: {  	v36 =	vld [tilespmem:s5+$0x7E0];
	[tilespmem:s5+$0x770] =	vst v3;
	v3 =	vmul.f32 v30, v32  }
0xdd: {  	v37 =	vld [tilespmem:s5+$0x7F0];
	[tilespmem:s5+$0x780] =	vst v2;
	v2 =	vmul.f32 v31, v32  }
0xde: {  	v38 =	vld [tilespmem:s5+$0x800];
	[tilespmem:s5+$0x790] =	vst v3;
	v3 =	vmul.f32 v33, v32  }
0xdf: {  	v39 =	vld [tilespmem:s5+$0x810];
	[tilespmem:s5+$0x7A0] =	vst v2;
	v2 =	vmul.f32 v34, v32  }
0xe0: {  	v40 =	vld [tilespmem:s5+$0x820];
	[tilespmem:s5+$0x7B0] =	vst v3;
	v3 =	vmul.f32 v35, v32  }
0xe1: {  	v41 =	vbroadcast v1, $0xD;
	v42 =	vld [tilespmem:s5+$0x830];
	[tilespmem:s5+$0x7C0] =	vst v2;
	v2 =	vmul.f32 v36, v32  }
0xe2: {  	v43 =	vld [tilespmem:s5+$0x840];
	[tilespmem:s5+$0x7D0] =	vst v3;
	v3 =	vmul.f32 v37, v32  }
0xe3: {  	v44 =	vld [tilespmem:s5+$0x850];
	[tilespmem:s5+$0x7E0] =	vst v2;
	v2 =	vmul.f32 v38, v41  }
0xe4: {  	v45 =	vld [tilespmem:s5+$0x860];
	[tilespmem:s5+$0x7F0] =	vst v3;
	v3 =	vmul.f32 v39, v41  }
0xe5: {  	v46 =	vld [tilespmem:s5+$0x870];
	[tilespmem:s5+$0x800] =	vst v2;
	v2 =	vmul.f32 v40, v41  }
0xe6: {  	v47 =	vld [tilespmem:s5+$0x880];
	[tilespmem:s5+$0x810] =	vst v3;
	v3 =	vmul.f32 v42, v41  }
0xe7: {  	v48 =	vld [tilespmem:s5+$0x890];
	[tilespmem:s5+$0x820] =	vst v2;
	v2 =	vmul.f32 v43, v41  }
0xe8: {  	v49 =	vld [tilespmem:s5+$0x8A0];
	[tilespmem:s5+$0x830] =	vst v3;
	v3 =	vmul.f32 v44, v41  }
0xe9: {  	v50 =	vbroadcast v1, $0xE;
	v51 =	vld [tilespmem:s5+$0x8B0];
	[tilespmem:s5+$0x840] =	vst v2;
	v2 =	vmul.f32 v45, v41  }
0xea: {  	v52 =	vld [tilespmem:s5+$0x8C0];
	[tilespmem:s5+$0x850] =	vst v3;
	v3 =	vmul.f32 v46, v41  }
0xeb: {  	v53 =	vld [tilespmem:s5+$0x8D0];
	[tilespmem:s5+$0x860] =	vst v2;
	v2 =	vmul.f32 v47, v50  }
0xec: {  	v54 =	vld [tilespmem:s5+$0x8E0];
	[tilespmem:s5+$0x870] =	vst v3;
	v3 =	vmul.f32 v48, v50  }
0xed: {  	v55 =	vld [tilespmem:s5+$0x8F0];
	[tilespmem:s5+$0x880] =	vst v2;
	v2 =	vmul.f32 v49, v50  }
0xee: {  	v56 =	vld [tilespmem:s5+$0x900];
	[tilespmem:s5+$0x890] =	vst v3;
	v3 =	vmul.f32 v51, v50  }
0xef: {  	v57 =	vld [tilespmem:s5+$0x910];
	[tilespmem:s5+$0x8A0] =	vst v2;
	v2 =	vmul.f32 v52, v50  }
0xf0: {  	v58 =	vld [tilespmem:s5+$0x920];
	[tilespmem:s5+$0x8B0] =	vst v3;
	v3 =	vmul.f32 v53, v50  }
0xf1: {  	v1 =	vbroadcast v1, $0xF;
	v59 =	vld [tilespmem:s5+$0x930];
	[tilespmem:s5+$0x8C0] =	vst v2;
	v2 =	vmul.f32 v54, v50  }
0xf2: {  	v60 =	vld [tilespmem:s5+$0x940];
	[tilespmem:s5+$0x8D0] =	vst v3;
	v3 =	vmul.f32 v55, v50  }
0xf3: {  	v61 =	vld [tilespmem:s5+$0x950];
	[tilespmem:s5+$0x8E0] =	vst v2;
	v2 =	vmul.f32 v56, v1  }
0xf4: {  	v62 =	vld [tilespmem:s5+$0x960];
	[tilespmem:s5+$0x8F0] =	vst v3;
	v3 =	vmul.f32 v57, v1  }
0xf5: {  	v63 =	vld [tilespmem:s5+$0x970];
	[tilespmem:s5+$0x900] =	vst v2;
	v2 =	vmul.f32 v58, v1  }
0xf6: {  	[tilespmem:s5+$0x910] =	vst v3;
	v3 =	vmul.f32 v59, v1  }
0xf7: {  	p0 =	sne.s32 s0, $0x7;
	[tilespmem:s5+$0x920] =	vst v2;
	v2 =	vmul.f32 v60, v1  }
.Ltmp6:
0xf8: {  	[tilespmem:s5+$0x930] =	vst v3;
	v3 =	vmul.f32 v61, v1;
	(pc) =	sbr.rel @p0 .LBB2_6-.Ltmp6, $4  }
0xf9: {  	[tilespmem:s5+$0x940] =	vst v2;
	v2 =	vmul.f32 v62, v1  }
0xfa: {  	[tilespmem:s5+$0x950] =	vst v3;
	v1 =	vmul.f32 v63, v1  }
0xfb: {  	[tilespmem:s5+$0x960] =	vst v2  }
0xfc: {  	s0 =	sadd.s32 $0x1, s0;
	[tilespmem:s5+$0x970] =	vst v1  }
.Ltmp7:
0xfd: {  	(pc) =	sbr.rel .LBB2_8-.Ltmp7, $4  }
0xfe: {  	[spmem:s3] =	stream.indirect.scatter.add.f32 [tilespmem:s21], [sflag:$0x1], $0x80, s28, s28, $0xb8;
	[tilespmem:$0x18180] =	vst v63  }
0xff: {  	_ =	swait.ge [sflag:s30], $0x4000  }
0x100: {  	[sflag:s30] =	ssyncset.done $0x0  }
0x101: {  	[sflag:s30] =	ssyncadd.s32 $0xFFFFC000  }
.LBB2_10:
0x102: {  	_ =	sfence.sel $0x180000  }
0x103: {  	[bflag:$0x0] =	sbarrier.arrive $0xFFFF  }
0x104: {  	_ =	strace $0x9000004A  }
0x105: {  	s0 =	stileid.u32;
	[bflag:$0x2] =	sbarrier.arrive $0xFFFF  }
0x106: {  	p0 =	sne.s32 s0, $0x0;
	s0 =	rddreg [dreg:$0x4]  }
0x107: {  	s0 =	sadd.s32 @!p0 $0x100000, s0  }
0x108: {  	[sflag:s0] =	ssyncadd.tile.s32 @!p0 $0x1;
	_ =	shalt  }
.Lfunc_end2:
_tile_overlayer_lowered:
.L_overlay_start_2:
0x109: {  	(tag) =	ssettag $0x2  }
0x10a: {  	s0 =	rddreg [dreg:$0x0];
	s2 =	stileid.u32  }
0x10b: {  	s1 =	rddreg [dreg:$0x1];
	p0 =	sne.s32 s2, $0x0  }
0x10c: {  	s3 =	rddreg [dreg:$0x2];
	[bflag:$0x3] =	sbarrier.arrive $0xFFFF;
	s2 =	simm.s32 @!p0 $0x1C02  }
0x10d: {  	[timem:s3], [sflag:s2] =	dma.local @!p0 [hbm:s0], s1  }
0x10e: {  	s0 =	simm.s32 @!p0 $0x2  }
0x10f: {  	_ =	swait.ge @!p0 [sflag:s0], s1  }
0x110: {  	s1 =	ssub.s32 @!p0 $0x0, s1;
	[sflag:s0] =	ssyncset.done @!p0 $0x0  }
0x111: {  	[sflag:s0] =	ssyncadd.s32 @!p0 s1  }
0x112: {  	[bflag:$0x3] =	sbarrier.arrive $0xFFFF  }
0x113: {  	_ =	shalt  }

// kernel: kernel.15.cloned.1.call-start
scs
__scs_entry_jumppad:
0x0: {  	(pc) =	sbr.rel $0x88, $3  }
0x1: {  	(tag) =	ssettag $0x0;
	lr =	simm.s32 $0x1  }
0x2: {  	[smem:$0x3F9A] =	sst lr;
	_ =	strace $0xD0000000  }
0x3: {  	_ = 	snop  }
0x4: {  	_ = 	snop  }
0x5: {  	_ = 	snop  }
0x6: {  	_ = 	snop  }
0x7: {  	_ = 	snop  }
__scs_overlays_trampoline_lowered:
0x8: {  	[smem:$0x3FA9] =	sst s0  }
0x9: {  	[smem:$0x3FAA] =	sst s1  }
0xa: {  	[smem:$0x3FAB] =	sst s2  }
0xb: {  	[smem:$0x3FAC] =	sst s3  }
0xc: {  	[smem:$0x3FAD] =	sst s4  }
0xd: {  	[smem:$0x3FAE] =	sst s5  }
0xe: {  	[smem:$0x3FAF] =	sst s6  }
0xf: {  	[smem:$0x3FB0] =	sst s7  }
0x10: {  	[smem:$0x3FB1] =	sst s8  }
0x11: {  	[smem:$0x3FB2] =	sst s9;
	s0 =	simm.s32 @!p0 $0x0  }
0x12: {  	s1 =	sld [smem:$0x3F98];
	s0 =	simm.s32 @p0 $0x1  }
0x13: {  	[smem:$0x3FB3] =	sst s0;
	s0 =	simm.s32 @!p1 $0x0  }
0x14: {  	s2 =	sld [smem:$0x3F97];
	s0 =	simm.s32 @p1 $0x1  }
0x15: {  	[smem:$0x3FB4] =	sst s0;
	s0 =	simm.s32 @!p2 $0x0  }
0x16: {  	s3 =	sld [smem:$0x3FDB];
	s0 =	simm.s32 @p2 $0x1  }
0x17: {  	s4 =	simm.s32 $0x1BF5;
	[smem:$0x3FB6] =	sst s0  }
0x18: {  	s0 =	sld [smem:$0x3F99];
	_ =	swait.ge [sflag:s4], $0x0  }
0x19: {  	s7 =	sld [smem:$0x3F9A]  }
0x1a: {  	s8 =	sadd.s32 $0xFFFFE003, lr  }
0x1b: {  	s9 =	sadd.s32 $0xFFFFFEF7, lr;
	s5 =	simm.s32 $0xFFFFFFFF;
	p2 =	slt.u32 s8, $0xFFFFF086  }
0x1c: {  	p1 =	slt.u32 s9, $0xF7A;
	s5 =	simm.s32 @!p2 $0x0  }
0x1d: {  	s5 =	simm.s32 @p1 $0x1;
	p0 =	seq.s32 s7, s2  }
0x1e: {  	s7 =	smul.u32 @!p0 $0xF7A, s2;
	p2 =	seq.s32 @!p0 s5, $0x0  }
0x1f: {  	s9 =	smul.u32 $0xF7A, s1;
	s8 =	simm.s32 @!p0 $0x1BF5;
	p2 =	por !p2, p0  }
0x20: {  	[sflag:s8] =	ssyncset.s32 @!p0 $0xFFFFF086;
	s6 =	sadd.s32 @!p0 s3, s7;
	s7 =	simm.s32 @!p0 $0x108  }
0x21: {  	s3 =	sadd.s32 s3, s9;
	s6 =	sadd.s32 @!p0 $0x88, s6;
	s7 =	simm.s32 @p2 $0x1082  }
0x22: {  	[simem:s7], [sflag:s8] =	dma.local @!p0 [hbm:s6], $0xF7A  }
0x23: {  	s9 =	sor.u32 $0xD0000000, s2;
	s6 =	simm.s32 $0x108;
	_ =	swait.ge @!p0 [sflag:s8], $0x0  }
0x24: {  	s3 =	sadd.s32 $0x88, s3;
	s6 =	simm.s32 @!p1 $0x1082;
	[sflag:s4] =	ssyncset.s32 $0xFFFFF086  }
0x25: {  	[simem:s6], [sflag:s4] =	dma.local [hbm:s3], $0xF7A  }
0x26: {  	[smem:$0x3F9A] =	sst s1;
	(tag) =	ssettag s2;
	_ =	strace s9  }
0x27: {  	s1 =	sld [smem:$0x3FAA]  }
0x28: {  	s2 =	sld [smem:$0x3FAB]  }
0x29: {  	s4 =	sld [smem:$0x3FAD]  }
0x2a: {  	p0 =	seq.s32 s5, $0x0;
	s5 =	sld [smem:$0x3FAE]  }
0x2b: {  	s6 =	sld [smem:$0x3FAF]  }
0x2c: {  	s7 =	sld [smem:$0x3FB0]  }
0x2d: {  	s3 =	simm.s32 $0x108;
	s8 =	sld [smem:$0x3FB1]  }
0x2e: {  	s3 =	simm.s32 @!p0 $0x1082;
	s9 =	sld [smem:$0x3FB2]  }
0x2f: {  	lr =	sadd.s32 s0, s3;
	s0 =	sld [smem:$0x3FA9]  }
0x30: {  	s3 =	sld [smem:$0x3FAC]  }
0x31: {  	[smem:$0x3FB5] =	sst s10  }
0x32: {  	s10 =	sld [smem:$0x3FB3];
	_ =	sdelay $0x3  }
0x33: {  	p0 =	seq.s32 s10, $0x1;
	s10 =	sld [smem:$0x3FB5];
	_ =	sdelay $0x3  }
0x34: {  	[smem:$0x3FB5] =	sst s10  }
0x35: {  	s10 =	sld [smem:$0x3FB4];
	_ =	sdelay $0x3  }
0x36: {  	p1 =	seq.s32 s10, $0x1;
	s10 =	sld [smem:$0x3FB5];
	_ =	sdelay $0x3  }
0x37: {  	[smem:$0x3FB5] =	sst s10  }
0x38: {  	s10 =	sld [smem:$0x3FB6]  }
0x39: {  	_ = 	snop;
	(pc) =	sbr.ind lr, $3  }
0x3a: {  	_ = 	snop  }
0x3b: {  	_ = 	snop  }
0x3c: {  	p2 =	seq.s32 s10, $0x1;
	s10 =	sld [smem:$0x3FB5]  }
0x3d: {  	_ =	shalt  }
0x3e: {  	_ =	shalt  }
0x3f: {  	_ =	shalt  }
0x40: {  	_ =	shalt  }
0x41: {  	_ =	shalt  }
0x42: {  	_ =	shalt  }
0x43: {  	_ =	shalt  }
0x44: {  	_ =	shalt  }
0x45: {  	_ =	shalt  }
0x46: {  	_ =	shalt  }
0x47: {  	_ =	shalt  }
0x48: {  	_ =	shalt  }
0x49: {  	_ =	shalt  }
0x4a: {  	_ =	shalt  }
0x4b: {  	_ =	shalt  }
0x4c: {  	_ =	shalt  }
0x4d: {  	_ =	shalt  }
0x4e: {  	_ =	shalt  }
0x4f: {  	_ =	shalt  }
0x50: {  	_ =	shalt  }
0x51: {  	_ =	shalt  }
0x52: {  	_ =	shalt  }
0x53: {  	_ =	shalt  }
0x54: {  	_ =	shalt  }
0x55: {  	_ =	shalt  }
0x56: {  	_ =	shalt  }
0x57: {  	_ =	shalt  }
0x58: {  	_ =	shalt  }
0x59: {  	_ =	shalt  }
0x5a: {  	_ =	shalt  }
0x5b: {  	_ =	shalt  }
0x5c: {  	_ =	shalt  }
0x5d: {  	_ =	shalt  }
0x5e: {  	_ =	shalt  }
0x5f: {  	_ =	shalt  }
0x60: {  	_ =	shalt  }
0x61: {  	_ =	shalt  }
0x62: {  	_ =	shalt  }
0x63: {  	_ =	shalt  }
0x64: {  	_ =	shalt  }
0x65: {  	_ =	shalt  }
0x66: {  	_ =	shalt  }
0x67: {  	_ =	shalt  }
0x68: {  	_ =	shalt  }
0x69: {  	_ =	shalt  }
0x6a: {  	_ =	shalt  }
0x6b: {  	_ =	shalt  }
0x6c: {  	_ =	shalt  }
0x6d: {  	_ =	shalt  }
0x6e: {  	_ =	shalt  }
0x6f: {  	_ =	shalt  }
0x70: {  	_ =	shalt  }
0x71: {  	_ =	shalt  }
0x72: {  	_ =	shalt  }
0x73: {  	_ =	shalt  }
0x74: {  	_ =	shalt  }
0x75: {  	_ =	shalt  }
0x76: {  	_ =	shalt  }
0x77: {  	_ =	shalt  }
0x78: {  	_ =	shalt  }
0x79: {  	_ =	shalt  }
0x7a: {  	_ =	shalt  }
0x7b: {  	_ =	shalt  }
0x7c: {  	_ =	shalt  }
0x7d: {  	_ =	shalt  }
0x7e: {  	_ =	shalt  }
0x7f: {  	_ =	shalt  }
0x80: {  	_ =	shalt  }
0x81: {  	_ =	shalt  }
0x82: {  	_ =	shalt  }
0x83: {  	_ =	shalt  }
0x84: {  	_ =	shalt  }
0x85: {  	_ =	shalt  }
0x86: {  	_ =	shalt  }
0x87: {  	_ =	shalt  }
.Lfunc_end0:
.L_simem_size_0:
called_computation.2_lowered:
.L_overlay_start_0:
0x88: {  	s2 =	sld [smem:$0x3FD9]  }
0x89: {  	s3 =	sld [smem:$0x3FFE];
	_ =	sdelay $0x1  }
0x8a: {  	s1 =	srdreg.scid  }
0x8b: {  	s0 =	sand.u32 $0x1, s1  }
0x8c: {  	s17 =	sshll.u32 s0, $0xA;
	s2 =	sadd.s32 s3, s2  }
0x8d: {  	s2 =	sadd.s32 s2, s17  }
0x8e: {  	[smem:$0x3FC1] =	sst s2  }
0x8f: {  	_ = 	snop  }
0x90: {  	s2 =	sld [smem:$0x3FC7]  }
0x91: {  	s18 =	sld [smem:$0x3FD0];
	(tm) =	ssettm $0x1  }
0x92: {  	s4 =	sld [smem:$0x3FFB];
	_ =	sdelay $0x3  }
0x93: {  	_ =	strace s4  }
0x94: {  	s4 =	sld [smem:$0x3FFC];
	_ =	sdelay $0x3  }
0x95: {  	_ =	strace s4  }
0x96: {  	s4 =	sld [smem:$0x3FFD];
	_ =	sdelay $0x3  }
0x97: {  	_ =	strace s4  }
0x98: {  	_ =	strace $0x8FFFFFFF  }
0x99: {  	s19 =	sld [smem:$0x3FDB];
	_ =	sdelay $0x1  }
0x9a: {  	s5 =	simm.s32 $_scs_section_size  }
0x9b: {  	s6 =	simm.s32 $_size__tile_overlayer_lowered;
	s7 =	simm.s32 $_tile_overlayer_lowered  }
0x9c: {  	s22 =	simm.s32 $0x1BFF;
	s21 =	sshll.u32 s7, $0x1;
	s4 =	sadd.s32 s5, s19  }
0x9d: {  	s8 =	simm.s32 $0x0;
	s20 =	sshll.u32 s6, $0x1;
	s6 =	sadd.s32 s21, s4  }
0x9e: {  	[timem:s8], [sflag:s22] =	dma.local [hbm:s6], s20  }
0x9f: {  	_ =	swait.ge [sflag:s22], s20  }
0xa0: {  	s5 =	ssub.s32 $0x0, s20;
	[sflag:s22] =	ssyncset.done $0x0  }
0xa1: {  	[sflag:s22] =	ssyncadd.s32 s5;
	_ =	sdelay $0x1  }
0xa2: {  	s23 =	simm.s32 $0x1B8B  }
0xa3: {  	_ =	swait.ge [sflag:s23], $0x1  }
0xa4: {  	[sflag:s23] =	ssyncset.done $0x0  }
0xa5: {  	s25 =	simm.s32 $0x1B8E;
	s24 =	sld [smem:$0x3FFE];
	[sflag:s23] =	ssyncadd.s32 $0xFFFFFFFF  }
0xa6: {  	s26 =	simm.s32 $execute0_lowered;
	[smem:$0x3FD2] =	sst s25  }
0xa7: {  	s6 =	sshll.u32 s26, $0x1;
	_ =	strace $0x8000004C;
	[dreg:$0x1] =	wrdreg $0xFFFFFFFF  }
0xa8: {  	s28 =	simm.s32 $_size_execute0_lowered;
	s4 =	sadd.s32 s4, s6;
	[dreg:$0x0] =	wrdreg $0x0  }
0xa9: {  	s6 =	sshll.u32 s28, $0x1;
	[dreg:$0x2] =	wrdreg s4  }
0xaa: {  	[dreg:$0x3] =	wrdreg s6  }
0xab: {  	[dreg:$0x4] =	wrdreg $0xC0  }
0xac: {  	_ =	task [dreg:s8], $0x5FFFF  }
0xad: {  	[dreg:$0x1] =	wrdreg $0xFFFFFFFF  }
0xae: {  	[dreg:$0x0] =	wrdreg $0x60  }
0xaf: {  	[dreg:$0x2] =	wrdreg s18  }
0xb0: {  	[dreg:$0x3] =	wrdreg s24  }
0xb1: {  	[dreg:$0x4] =	wrdreg s2  }
0xb2: {  	[dreg:$0x5] =	wrdreg $0x41800  }
0xb3: {  	[dreg:$0x6] =	wrdreg $0x9  }
0xb4: {  	_ =	task.clear_ibuf [dreg:s8], $0x7FFFF;
	_ =	strace $0x9000004C  }
0xb5: {  	s29 =	simm.s32 $0x9;
	_ =	strace $0x8000004E  }
0xb6: {  	_ =	swait.ge [sflag:s29], $0x1  }
0xb7: {  	[sflag:s29] =	ssyncadd.s32 $0xFFFFFFFF  }
0xb8: {  	_ =	strace $0x9000004E  }
0xb9: {  	_ =	sfence  }
0xba: {  	s30 =	sld [smem:$0x0];
	_ =	sdelay $0x2  }
0xbb: {  	s31 =	sshll.u32 s1, $0xD;
	s1 =	sshrl.u32 s1, $0x2  }
0xbc: {  	s3 =	sand.u32 $0x4000, s31;
	s1 =	sadd.s32 s1, s30  }
0xbd: {  	s0 =	sor.u32 s3, s0;
	s1 =	sshll.u32 s1, $0x11  }
0xbe: {  	s0 =	sor.u32 s1, s0  }
0xbf: {  	s0 =	sadd.s32 $0x8F2B, s0  }
0xc0: {  	[sflag:s0] =	ssyncadd.remote.s32 $0x1  }
0xc1: {  	_ =	sfence.sel $0xFFFF  }
0xc2: {  	[dreg:$0x0] =	wrdreg $0xFFFFFFFF;
	(pc) =	sbr.abs _section_cstart, $3  }
0xc3: {  	[dreg:$0x1] =	wrdreg $0xFFFFFFFF  }
0xc4: {  	_ =	task.clear_ibuf [dreg:s8], $0x2FFFF;
	_ =	strace $0x9FFFFFFF  }
0xc5: {  	(tm) =	ssettm $0x7FFFFFFF  }
tec
execute0_lowered:
.L_overlay_start_1:
0x0: {  	(tag) =	ssettag $0x1  }
0x1: {  	s1 =	rddreg [dreg:$0x0]  }
0x2: {  	s0 =	rddreg [dreg:$0x1]  }
0x3: {  	s2 =	rddreg [dreg:$0x2]  }
0x4: {  	s3 =	rddreg [dreg:$0x3]  }
0x5: {  	s4 =	simm.s32 $0x0;
	s5 =	srdreg.scid;
	s13 =	stileid.u32  }
0x6: {  	s28 =	simm.s32 $0x80;
	s29 =	simm.s32 $0x100;
	s30 =	simm.s32 $0x1  }
0x7: {  	[smem:$0x7FF] =	sst s4;
	s6 =	sand.u32 $0x1, s5;
	s18 =	smul.u32 $0x14000, s13  }
0x8: {  	s7 =	sadd.s32 $0x2600, s0;
	s8 =	sadd.s32 $0xC400, s0;
	s11 =	smul.u32 $0x50000, s13  }
0x9: {  	s0 =	sadd.s32 $0x16200, s0;
	_ =	strace $0x8000004D;
	s9 =	ssub.s32 $0x2, s6  }
0xa: {  	s5 =	smul.u32 $0x140000, s6;
	s10 =	sshrl.u32 s9, $0x1;
	s11 =	sshrl.u32 s11, $0x2  }
0xb: {  	s19 =	sadd.s32 $0x4000, s18;
	s20 =	sadd.s32 $0x8000, s18;
	s12 =	ssub.s32 s9, s10  }
0xc: {  	s21 =	sadd.s32 s5, s18;
	s9 =	sshll.u32 s13, $0x1;
	s10 =	sadd.s32 s11, s3  }
0xd: {  	s16 =	sadd.s32 s5, s19;
	s24 =	sadd.s32 s5, s20;
	s26 =	sadd.s32 s20, s3  }
0xe: {  	s22 =	sshrl.u32 s21, $0x3;
	s12 =	smax.u32 s12, $0x1;
	s13 =	sadd.s32 $0x4000, s10  }
0xf: {  	s14 =	sadd.s32 $0x8000, s10;
	s15 =	sadd.s32 $0xC000, s10;
	s17 =	sshrl.u32 s16, $0x3  }
0x10: {  	s16 =	sadd.s32 $0x10000, s10;
	s21 =	sadd.s32 $0xC000, s18;
	s23 =	sadd.s32 s0, s22  }
0x11: {  	s17 =	sadd.s32 s0, s17;
	s22 =	sadd.s32 s19, s3;
	s19 =	sshrl.u32 s24, $0x3  }
0x12: {  	s24 =	sadd.s32 $0x10000, s18;
	[dreg:$0x5] =	wrdreg s23;
	s23 =	sadd.s32 s5, s21  }
.Ltmp0:
0x13: {  	s18 =	sadd.s32 s0, s19;
	s5 =	sadd.s32 s5, s24;
	(pc) =	sbr.rel .LBB2_1-.Ltmp0, $4  }
0x14: {  	s31 =	sadd.s32 s24, s3;
	s22 =	sshrl.u32 s22, $0x3;
	s25 =	sshrl.u32 s23, $0x3  }
0x15: {  	s5 =	sshrl.u32 s5, $0x3;
	s23 =	sshrl.u32 s26, $0x3;
	s26 =	simm.s32 $0x2  }
0x16: {  	s19 =	sadd.s32 s0, s25;
	s25 =	sadd.s32 s21, s3;
	s20 =	sadd.s32 s0, s5  }
0x17: {  	v0 =	vimm.f32 $0.0e+00;
	s21 =	simm.s32 $0x180;
	s24 =	sshrl.u32 s25, $0x3;
	s25 =	sshrl.u32 s31, $0x3  }
.LBB2_9:
0x18: {  	s0 =	stileid.u32  }
0x19: {  	[bflag:$0x0] =	sbarrier.arrive $0xFFFF;
	s0 =	sshll.u32 s0, $0x6  }
0x1a: {  	s5 =	sshrl.u32 s10, $0x3;
	s11 =	rddreg [dreg:$0x5];
	s0 =	sor.u32 $0x1C02, s0  }
0x1b: {  	[hbm:s11], [sflag:s0] =	dma.local [spmem:s5], $0x800  }
0x1c: {  	_ =	swait.ge [sflag:s26], $0x800  }
0x1d: {  	[sflag:s26] =	ssyncset.done $0x0  }
0x1e: {  	[sflag:s26] =	ssyncadd.s32 $0xFFFFF800  }
0x1f: {  	[hbm:s17], [sflag:s0] =	dma.local [spmem:s22], $0x800  }
0x20: {  	_ =	swait.ge [sflag:s26], $0x800  }
0x21: {  	[sflag:s26] =	ssyncset.done $0x0  }
0x22: {  	[sflag:s26] =	ssyncadd.s32 $0xFFFFF800  }
0x23: {  	[hbm:s18], [sflag:s0] =	dma.local [spmem:s23], $0x800  }
0x24: {  	_ =	swait.ge [sflag:s26], $0x800  }
0x25: {  	[sflag:s26] =	ssyncset.done $0x0  }
0x26: {  	[sflag:s26] =	ssyncadd.s32 $0xFFFFF800  }
0x27: {  	[hbm:s19], [sflag:s0] =	dma.local [spmem:s24], $0x800  }
0x28: {  	s4 =	sadd.s32 $0x1, s4;
	_ =	swait.ge [sflag:s26], $0x800  }
0x29: {  	p0 =	sne.s32 s4, s12;
	[sflag:s26] =	ssyncset.done $0x0  }
.Ltmp1:
0x2a: {  	[sflag:s26] =	ssyncadd.s32 $0xFFFFF800;
	(pc) =	sbr.rel @!p0 .LBB2_10-.Ltmp1, $4  }
0x2b: {  	[hbm:s20], [sflag:s0] =	dma.local [spmem:s25], $0x800  }
0x2c: {  	_ =	swait.ge [sflag:s26], $0x800  }
0x2d: {  	[sflag:s26] =	ssyncset.done $0x0  }
0x2e: {  	[sflag:s26] =	ssyncadd.s32 $0xFFFFF800  }
.LBB2_1:
0x2f: {  	s0 =	simm.s32 $0x0;
	s5 =	simm.s32 $0x200  }
.LBB2_2:
0x30: {  	p0 =	sne.s32 s5, $0xFE00;
	[tilespmem:s0+$0x1F0] =	vst v0  }
0x31: {  	[tilespmem:s0+$0x180] =	vst v0  }
0x32: {  	[tilespmem:s0+$0x190] =	vst v0  }
.Ltmp2:
0x33: {  	[tilespmem:s0+$0x1A0] =	vst v0;
	(pc) =	sbr.rel @p0 .LBB2_2-.Ltmp2, $4  }
0x34: {  	[tilespmem:s0+$0x1B0] =	vst v0  }
0x35: {  	[tilespmem:s0+$0x1C0] =	vst v0  }
0x36: {  	[tilespmem:s0+$0x1D0] =	vst v0  }
0x37: {  	[tilespmem:s0+$0x1E0] =	vst v0;
	s0 =	sshra.s32 s5, $0x2;
	s5 =	sadd.s32 $0x200, s5  }
0x38: {  	[tilespmem:s0+$0x1F0] =	vst v0  }
0x39: {  	[tilespmem:s0+$0x180] =	vst v0  }
0x3a: {  	[tilespmem:s0+$0x190] =	vst v0  }
0x3b: {  	[tilespmem:s0+$0x1A0] =	vst v0  }
0x3c: {  	[tilespmem:s0+$0x1B0] =	vst v0  }
0x3d: {  	[tilespmem:s0+$0x1C0] =	vst v0  }
0x3e: {  	[tilespmem:s0+$0x1D0] =	vst v0  }
0x3f: {  	[tilespmem:s0+$0x1E0] =	vst v0  }
0x40: {  	[spmem:s10] =	stream.linear.scatter [tilespmem:s21], [sflag:$0x2], $0x4000, $0x38;
	[tilespmem:$0x18180] =	vst v63  }
0x41: {  	_ =	swait.ge [sflag:s26], $0x4000  }
0x42: {  	[sflag:s26] =	ssyncset.done $0x0  }
0x43: {  	[sflag:s26] =	ssyncadd.s32 $0xFFFFC000  }
0x44: {  	[spmem:s13] =	stream.linear.scatter [tilespmem:s21], [sflag:$0x2], $0x4000, $0x38;
	[tilespmem:$0x18180] =	vst v63  }
0x45: {  	_ =	swait.ge [sflag:s26], $0x4000  }
0x46: {  	[sflag:s26] =	ssyncset.done $0x0  }
0x47: {  	[sflag:s26] =	ssyncadd.s32 $0xFFFFC000  }
0x48: {  	[spmem:s14] =	stream.linear.scatter [tilespmem:s21], [sflag:$0x2], $0x4000, $0x38;
	[tilespmem:$0x18180] =	vst v63  }
0x49: {  	_ =	swait.ge [sflag:s26], $0x4000  }
0x4a: {  	[sflag:s26] =	ssyncset.done $0x0  }
0x4b: {  	[sflag:s26] =	ssyncadd.s32 $0xFFFFC000  }
0x4c: {  	[spmem:s15] =	stream.linear.scatter [tilespmem:s21], [sflag:$0x2], $0x4000, $0x38;
	[tilespmem:$0x18180] =	vst v63  }
0x4d: {  	_ =	swait.ge [sflag:s26], $0x4000  }
0x4e: {  	[sflag:s26] =	ssyncset.done $0x0  }
0x4f: {  	[sflag:s26] =	ssyncadd.s32 $0xFFFFC000  }
0x50: {  	[spmem:s16] =	stream.linear.scatter [tilespmem:s21], [sflag:$0x2], $0x4000, $0x38;
	[tilespmem:$0x18180] =	vst v63  }
.Ltmp3:
0x51: {  	_ =	swait.ge [sflag:s26], $0x4000;
	(pc) =	sbr.rel .LBB2_4-.Ltmp3, $4  }
0x52: {  	[sflag:s26] =	ssyncset.done $0x0  }
0x53: {  	[sflag:s26] =	ssyncadd.s32 $0xFFFFC000  }
0x54: {  	[bflag:$0x0] =	sbarrier.arrive $0xFFFF  }
0x55: {  	s31 =	simm.s32 $0x0  }
.LBB2_8:
0x56: {  	s31 =	sadd.s32 $0x1, s31  }
0x57: {  	p0 =	sne.s32 s31, $0x4F  }
.Ltmp4:
0x58: {  	_ = 	snop;
	(pc) =	sbr.rel @!p0 .LBB2_9-.Ltmp4, $1  }
0x59: {  	_ =	sdelay $0x3  }
.LBB2_4:
0x5a: {  	s0 =	sshll.u32 s31, $0x5  }
0x5b: {  	s0 =	sor.u32 s9, s0  }
0x5c: {  	p0 =	sgt.u32 s0, $0x9C3  }
.Ltmp5:
0x5d: {  	_ = 	snop;
	(pc) =	sbr.rel @p0 .LBB2_8-.Ltmp5, $1  }
0x5e: {  	_ =	sdelay $0x3  }
0x5f: {  	s0 =	sor.u32 s6, s0  }
0x60: {  	s5 =	sshll.u32 s0, $0x4  }
0x61: {  	s0 =	simm.s32 $0x0;
	s11 =	sadd.s32 s7, s5  }
0x62: {  	[tilespmem:s0], [sflag:$0x2] =	stream.linear.gather [hbm4b:s11+s0], $0x80, $0x38;
	[tilespmem:$0x18180] =	vst v63  }
0x63: {  	_ =	swait.ge [sflag:s26], $0x80  }
0x64: {  	[sflag:s26] =	ssyncset.done $0x0  }
0x65: {  	s11 =	sadd.s32 s8, s5;
	[sflag:s26] =	ssyncadd.s32 $0xFFFFFF80  }
0x66: {  	[tilespmem:s28], [sflag:$0x2] =	stream.linear.gather [hbm4b:s11+s0], $0x80, $0x38;
	[tilespmem:$0x18180] =	vst v63  }
0x67: {  	_ =	swait.ge [sflag:s26], $0x80  }
0x68: {  	[sflag:s26] =	ssyncset.done $0x0  }
0x69: {  	s5 =	sadd.s32 s2, s5;
	[sflag:s26] =	ssyncadd.s32 $0xFFFFFF80  }
0x6a: {  	[tilespmem:s29], [sflag:$0x2] =	stream.linear.gather [hbm4b:s5+s0], $0x80, $0x38;
	[tilespmem:$0x18180] =	vst v63  }
0x6b: {  	_ =	swait.ge [sflag:s26], $0x80  }
0x6c: {  	[sflag:s26] =	ssyncset.done $0x0  }
0x6d: {  	[sflag:s26] =	ssyncadd.s32 $0xFFFFFF80  }
0x6e: {  	[tilespmem:s21], [sflag:$0x1] =	stream.indirect.gather [hbm4b:s1+s28], $0x80, s0, s28, $0xb8;
	[tilespmem:$0x18180] =	vst v63  }
0x6f: {  	_ =	swait.ge [sflag:s30], $0x4000  }
0x70: {  	[sflag:s30] =	ssyncset.done $0x0  }
0x71: {  	[sflag:s30] =	ssyncadd.s32 $0xFFFFC000  }
.LBB2_6:
0x72: {  	s5 =	sshll.u32 s0, $0x4  }
0x73: {  	s5 =	sand.u32 $0x3FFFFFF0, s5  }
0x74: {  	s11 =	sshll.u32 s0, $0xB;
	v1 =	vld [tilespmem:s5+$0x100]  }
0x75: {  	s5 =	sand.u32 $0x3FFFF800, s11  }
0x76: {  	v2 =	vld [tilespmem:s5+$0x180]  }
0x77: {  	v3 =	vld [tilespmem:s5+$0x190]  }
0x78: {  	v4 =	vld [tilespmem:s5+$0x1A0]  }
0x79: {  	v6 =	vld [tilespmem:s5+$0x1B0];
	v5 =	vbroadcast v1, $0x0  }
0x7a: {  	v7 =	vld [tilespmem:s5+$0x1C0]  }
0x7b: {  	v8 =	vld [tilespmem:s5+$0x1D0];
	v2 =	vmul.f32 v5, v2  }
0x7c: {  	v9 =	vld [tilespmem:s5+$0x1E0];
	v3 =	vmul.f32 v3, v5  }
0x7d: {  	v34 =	vld [tilespmem:s5+$0x1F0];
	[tilespmem:s5+$0x180] =	vst v2;
	v2 =	vmul.f32 v4, v5  }
0x7e: {  	v35 =	vld [tilespmem:s5+$0x200];
	[tilespmem:s5+$0x190] =	vst v3;
	v3 =	vmul.f32 v6, v5  }
0x7f: {  	v36 =	vld [tilespmem:s5+$0x210];
	[tilespmem:s5+$0x1A0] =	vst v2;
	v2 =	vmul.f32 v7, v5  }
0x80: {  	v37 =	vld [tilespmem:s5+$0x220];
	[tilespmem:s5+$0x1B0] =	vst v3;
	v3 =	vmul.f32 v8, v5  }
0x81: {  	v10 =	vld [tilespmem:s5+$0x230];
	v38 =	vbroadcast v1, $0x1;
	[tilespmem:s5+$0x1C0] =	vst v2;
	v2 =	vmul.f32 v9, v5  }
0x82: {  	v39 =	vld [tilespmem:s5+$0x240];
	[tilespmem:s5+$0x1D0] =	vst v3;
	v3 =	vmul.f32 v34, v5  }
0x83: {  	v40 =	vld [tilespmem:s5+$0x250];
	[tilespmem:s5+$0x1E0] =	vst v2;
	v2 =	vmul.f32 v35, v38  }
0x84: {  	v41 =	vld [tilespmem:s5+$0x260];
	[tilespmem:s5+$0x1F0] =	vst v3;
	v3 =	vmul.f32 v36, v38  }
0x85: {  	v42 =	vld [tilespmem:s5+$0x270];
	[tilespmem:s5+$0x200] =	vst v2;
	v2 =	vmul.f32 v37, v38  }
0x86: {  	v43 =	vld [tilespmem:s5+$0x280];
	[tilespmem:s5+$0x210] =	vst v3;
	v3 =	vmul.f32 v10, v38  }
0x87: {  	v44 =	vld [tilespmem:s5+$0x290];
	[tilespmem:s5+$0x220] =	vst v2;
	v2 =	vmul.f32 v39, v38  }
0x88: {  	v45 =	vld [tilespmem:s5+$0x2A0];
	[tilespmem:s5+$0x230] =	vst v3;
	v3 =	vmul.f32 v40, v38  }
0x89: {  	v47 =	vld [tilespmem:s5+$0x2B0];
	v46 =	vbroadcast v1, $0x2;
	[tilespmem:s5+$0x240] =	vst v2;
	v2 =	vmul.f32 v41, v38  }
0x8a: {  	v48 =	vld [tilespmem:s5+$0x2C0];
	[tilespmem:s5+$0x250] =	vst v3;
	v3 =	vmul.f32 v42, v38  }
0x8b: {  	v49 =	vld [tilespmem:s5+$0x2D0];
	[tilespmem:s5+$0x260] =	vst v2;
	v2 =	vmul.f32 v43, v46  }
0x8c: {  	v50 =	vld [tilespmem:s5+$0x2E0];
	[tilespmem:s5+$0x270] =	vst v3;
	v3 =	vmul.f32 v44, v46  }
0x8d: {  	v51 =	vld [tilespmem:s5+$0x2F0];
	[tilespmem:s5+$0x280] =	vst v2;
	v2 =	vmul.f32 v45, v46  }
0x8e: {  	v52 =	vld [tilespmem:s5+$0x300];
	[tilespmem:s5+$0x290] =	vst v3;
	v3 =	vmul.f32 v47, v46  }
0x8f: {  	v53 =	vld [tilespmem:s5+$0x310];
	[tilespmem:s5+$0x2A0] =	vst v2;
	v2 =	vmul.f32 v48, v46  }
0x90: {  	v54 =	vld [tilespmem:s5+$0x320];
	[tilespmem:s5+$0x2B0] =	vst v3;
	v3 =	vmul.f32 v49, v46  }
0x91: {  	v56 =	vld [tilespmem:s5+$0x330];
	v55 =	vbroadcast v1, $0x3;
	[tilespmem:s5+$0x2C0] =	vst v2;
	v2 =	vmul.f32 v50, v46  }
0x92: {  	v57 =	vld [tilespmem:s5+$0x340];
	[tilespmem:s5+$0x2D0] =	vst v3;
	v3 =	vmul.f32 v51, v46  }
0x93: {  	v58 =	vld [tilespmem:s5+$0x350];
	[tilespmem:s5+$0x2E0] =	vst v2;
	v2 =	vmul.f32 v52, v55  }
0x94: {  	v59 =	vld [tilespmem:s5+$0x360];
	[tilespmem:s5+$0x2F0] =	vst v3;
	v3 =	vmul.f32 v53, v55  }
0x95: {  	v60 =	vld [tilespmem:s5+$0x370];
	[tilespmem:s5+$0x300] =	vst v2;
	v2 =	vmul.f32 v54, v55  }
0x96: {  	v61 =	vld [tilespmem:s5+$0x380];
	[tilespmem:s5+$0x310] =	vst v3;
	v3 =	vmul.f32 v56, v55  }
0x97: {  	v62 =	vld [tilespmem:s5+$0x390];
	[tilespmem:s5+$0x320] =	vst v2;
	v2 =	vmul.f32 v57, v55  }
0x98: {  	v63 =	vld [tilespmem:s5+$0x3A0];
	[tilespmem:s5+$0x330] =	vst v3;
	v3 =	vmul.f32 v58, v55  }
0x99: {  	v13 =	vld [tilespmem:s5+$0x3B0];
	v12 =	vbroadcast v1, $0x4;
	[tilespmem:s5+$0x340] =	vst v2;
	v2 =	vmul.f32 v59, v55  }
0x9a: {  	v14 =	vld [tilespmem:s5+$0x3C0];
	[tilespmem:s5+$0x350] =	vst v3;
	v3 =	vmul.f32 v60, v55  }
0x9b: {  	v15 =	vld [tilespmem:s5+$0x3D0];
	[tilespmem:s5+$0x360] =	vst v2;
	v2 =	vmul.f32 v61, v12  }
0x9c: {  	v16 =	vld [tilespmem:s5+$0x3E0];
	[tilespmem:s5+$0x370] =	vst v3;
	v3 =	vmul.f32 v62, v12  }
0x9d: {  	v17 =	vld [tilespmem:s5+$0x3F0];
	[tilespmem:s5+$0x380] =	vst v2;
	v2 =	vmul.f32 v63, v12  }
0x9e: {  	v18 =	vld [tilespmem:s5+$0x400];
	[tilespmem:s5+$0x390] =	vst v3;
	v3 =	vmul.f32 v13, v12  }
0x9f: {  	v19 =	vld [tilespmem:s5+$0x410];
	[tilespmem:s5+$0x3A0] =	vst v2;
	v2 =	vmul.f32 v14, v12  }
0xa0: {  	v20 =	vld [tilespmem:s5+$0x420];
	[tilespmem:s5+$0x3B0] =	vst v3;
	v3 =	vmul.f32 v15, v12  }
0xa1: {  	v22 =	vld [tilespmem:s5+$0x430];
	v21 =	vbroadcast v1, $0x5;
	[tilespmem:s5+$0x3C0] =	vst v2;
	v2 =	vmul.f32 v16, v12  }
0xa2: {  	v23 =	vld [tilespmem:s5+$0x440];
	[tilespmem:s5+$0x3D0] =	vst v3;
	v3 =	vmul.f32 v17, v12  }
0xa3: {  	v24 =	vld [tilespmem:s5+$0x450];
	[tilespmem:s5+$0x3E0] =	vst v2;
	v2 =	vmul.f32 v18, v21  }
0xa4: {  	v25 =	vld [tilespmem:s5+$0x460];
	[tilespmem:s5+$0x3F0] =	vst v3;
	v3 =	vmul.f32 v19, v21  }
0xa5: {  	v26 =	vld [tilespmem:s5+$0x470];
	[tilespmem:s5+$0x400] =	vst v2;
	v2 =	vmul.f32 v20, v21  }
0xa6: {  	v27 =	vld [tilespmem:s5+$0x480];
	[tilespmem:s5+$0x410] =	vst v3;
	v3 =	vmul.f32 v22, v21  }
0xa7: {  	v28 =	vld [tilespmem:s5+$0x490];
	[tilespmem:s5+$0x420] =	vst v2;
	v2 =	vmul.f32 v23, v21  }
0xa8: {  	v29 =	vld [tilespmem:s5+$0x4A0];
	[tilespmem:s5+$0x430] =	vst v3;
	v3 =	vmul.f32 v24, v21  }
0xa9: {  	v31 =	vld [tilespmem:s5+$0x4B0];
	v30 =	vbroadcast v1, $0x6;
	[tilespmem:s5+$0x440] =	vst v2;
	v2 =	vmul.f32 v25, v21  }
0xaa: {  	v32 =	vld [tilespmem:s5+$0x4C0];
	[tilespmem:s5+$0x450] =	vst v3;
	v3 =	vmul.f32 v26, v21  }
0xab: {  	v33 =	vld [tilespmem:s5+$0x4D0];
	[tilespmem:s5+$0x460] =	vst v2;
	v2 =	vmul.f32 v27, v30  }
0xac: {  	v34 =	vld [tilespmem:s5+$0x4E0];
	[tilespmem:s5+$0x470] =	vst v3;
	v3 =	vmul.f32 v28, v30  }
0xad: {  	v35 =	vld [tilespmem:s5+$0x4F0];
	[tilespmem:s5+$0x480] =	vst v2;
	v2 =	vmul.f32 v29, v30  }
0xae: {  	v36 =	vld [tilespmem:s5+$0x500];
	[tilespmem:s5+$0x490] =	vst v3;
	v3 =	vmul.f32 v31, v30  }
0xaf: {  	v37 =	vld [tilespmem:s5+$0x510];
	[tilespmem:s5+$0x4A0] =	vst v2;
	v2 =	vmul.f32 v32, v30  }
0xb0: {  	v38 =	vld [tilespmem:s5+$0x520];
	[tilespmem:s5+$0x4B0] =	vst v3;
	v3 =	vmul.f32 v33, v30  }
0xb1: {  	v39 =	vbroadcast v1, $0x7;
	v40 =	vld [tilespmem:s5+$0x530];
	[tilespmem:s5+$0x4C0] =	vst v2;
	v2 =	vmul.f32 v34, v30  }
0xb2: {  	v41 =	vld [tilespmem:s5+$0x540];
	[tilespmem:s5+$0x4D0] =	vst v3;
	v3 =	vmul.f32 v35, v30  }
0xb3: {  	v42 =	vld [tilespmem:s5+$0x550];
	[tilespmem:s5+$0x4E0] =	vst v2;
	v2 =	vmul.f32 v36, v39  }
0xb4: {  	v43 =	vld [tilespmem:s5+$0x560];
	[tilespmem:s5+$0x4F0] =	vst v3;
	v3 =	vmul.f32 v37, v39  }
0xb5: {  	v44 =	vld [tilespmem:s5+$0x570];
	[tilespmem:s5+$0x500] =	vst v2;
	v2 =	vmul.f32 v38, v39  }
0xb6: {  	v45 =	vld [tilespmem:s5+$0x580];
	[tilespmem:s5+$0x510] =	vst v3;
	v3 =	vmul.f32 v40, v39  }
0xb7: {  	v46 =	vld [tilespmem:s5+$0x590];
	[tilespmem:s5+$0x520] =	vst v2;
	v2 =	vmul.f32 v41, v39  }
0xb8: {  	v47 =	vld [tilespmem:s5+$0x5A0];
	[tilespmem:s5+$0x530] =	vst v3;
	v3 =	vmul.f32 v42, v39  }
0xb9: {  	v48 =	vbroadcast v1, $0x8;
	v49 =	vld [tilespmem:s5+$0x5B0];
	[tilespmem:s5+$0x540] =	vst v2;
	v2 =	vmul.f32 v43, v39  }
0xba: {  	v50 =	vld [tilespmem:s5+$0x5C0];
	[tilespmem:s5+$0x550] =	vst v3;
	v3 =	vmul.f32 v44, v39  }
0xbb: {  	v51 =	vld [tilespmem:s5+$0x5D0];
	[tilespmem:s5+$0x560] =	vst v2;
	v2 =	vmul.f32 v45, v48  }
0xbc: {  	v52 =	vld [tilespmem:s5+$0x5E0];
	[tilespmem:s5+$0x570] =	vst v3;
	v3 =	vmul.f32 v46, v48  }
0xbd: {  	v53 =	vld [tilespmem:s5+$0x5F0];
	[tilespmem:s5+$0x580] =	vst v2;
	v2 =	vmul.f32 v47, v48  }
0xbe: {  	v54 =	vld [tilespmem:s5+$0x600];
	[tilespmem:s5+$0x590] =	vst v3;
	v3 =	vmul.f32 v49, v48  }
0xbf: {  	v55 =	vld [tilespmem:s5+$0x610];
	[tilespmem:s5+$0x5A0] =	vst v2;
	v2 =	vmul.f32 v50, v48  }
0xc0: {  	v56 =	vld [tilespmem:s5+$0x620];
	[tilespmem:s5+$0x5B0] =	vst v3;
	v3 =	vmul.f32 v51, v48  }
0xc1: {  	v57 =	vbroadcast v1, $0x9;
	v58 =	vld [tilespmem:s5+$0x630];
	[tilespmem:s5+$0x5C0] =	vst v2;
	v2 =	vmul.f32 v52, v48  }
0xc2: {  	v59 =	vld [tilespmem:s5+$0x640];
	[tilespmem:s5+$0x5D0] =	vst v3;
	v3 =	vmul.f32 v53, v48  }
0xc3: {  	v60 =	vld [tilespmem:s5+$0x650];
	[tilespmem:s5+$0x5E0] =	vst v2;
	v2 =	vmul.f32 v54, v57  }
0xc4: {  	v61 =	vld [tilespmem:s5+$0x660];
	[tilespmem:s5+$0x5F0] =	vst v3;
	v3 =	vmul.f32 v55, v57  }
0xc5: {  	v62 =	vld [tilespmem:s5+$0x670];
	[tilespmem:s5+$0x600] =	vst v2;
	v2 =	vmul.f32 v56, v57  }
0xc6: {  	v63 =	vld [tilespmem:s5+$0x680];
	[tilespmem:s5+$0x610] =	vst v3;
	v3 =	vmul.f32 v58, v57  }
0xc7: {  	v12 =	vld [tilespmem:s5+$0x690];
	[tilespmem:s5+$0x620] =	vst v2;
	v2 =	vmul.f32 v59, v57  }
0xc8: {  	v13 =	vld [tilespmem:s5+$0x6A0];
	[tilespmem:s5+$0x630] =	vst v3;
	v3 =	vmul.f32 v60, v57  }
0xc9: {  	v14 =	vbroadcast v1, $0xA;
	v15 =	vld [tilespmem:s5+$0x6B0];
	[tilespmem:s5+$0x640] =	vst v2;
	v2 =	vmul.f32 v61, v57  }
0xca: {  	v16 =	vld [tilespmem:s5+$0x6C0];
	[tilespmem:s5+$0x650] =	vst v3;
	v3 =	vmul.f32 v62, v57  }
0xcb: {  	v17 =	vld [tilespmem:s5+$0x6D0];
	[tilespmem:s5+$0x660] =	vst v2;
	v2 =	vmul.f32 v63, v14  }
0xcc: {  	v18 =	vld [tilespmem:s5+$0x6E0];
	[tilespmem:s5+$0x670] =	vst v3;
	v3 =	vmul.f32 v12, v14  }
0xcd: {  	v19 =	vld [tilespmem:s5+$0x6F0];
	[tilespmem:s5+$0x680] =	vst v2;
	v2 =	vmul.f32 v13, v14  }
0xce: {  	v20 =	vld [tilespmem:s5+$0x700];
	[tilespmem:s5+$0x690] =	vst v3;
	v3 =	vmul.f32 v15, v14  }
0xcf: {  	v21 =	vld [tilespmem:s5+$0x710];
	[tilespmem:s5+$0x6A0] =	vst v2;
	v2 =	vmul.f32 v16, v14  }
0xd0: {  	v22 =	vld [tilespmem:s5+$0x720];
	[tilespmem:s5+$0x6B0] =	vst v3;
	v3 =	vmul.f32 v17, v14  }
0xd1: {  	v23 =	vbroadcast v1, $0xB;
	v24 =	vld [tilespmem:s5+$0x730];
	[tilespmem:s5+$0x6C0] =	vst v2;
	v2 =	vmul.f32 v18, v14  }
0xd2: {  	v25 =	vld [tilespmem:s5+$0x740];
	[tilespmem:s5+$0x6D0] =	vst v3;
	v3 =	vmul.f32 v19, v14  }
0xd3: {  	v26 =	vld [tilespmem:s5+$0x750];
	[tilespmem:s5+$0x6E0] =	vst v2;
	v2 =	vmul.f32 v20, v23  }
0xd4: {  	v27 =	vld [tilespmem:s5+$0x760];
	[tilespmem:s5+$0x6F0] =	vst v3;
	v3 =	vmul.f32 v21, v23  }
0xd5: {  	v28 =	vld [tilespmem:s5+$0x770];
	[tilespmem:s5+$0x700] =	vst v2;
	v2 =	vmul.f32 v22, v23  }
0xd6: {  	v29 =	vld [tilespmem:s5+$0x780];
	[tilespmem:s5+$0x710] =	vst v3;
	v3 =	vmul.f32 v24, v23  }
0xd7: {  	v30 =	vld [tilespmem:s5+$0x790];
	[tilespmem:s5+$0x720] =	vst v2;
	v2 =	vmul.f32 v25, v23  }
0xd8: {  	v31 =	vld [tilespmem:s5+$0x7A0];
	[tilespmem:s5+$0x730] =	vst v3;
	v3 =	vmul.f32 v26, v23  }
0xd9: {  	v32 =	vbroadcast v1, $0xC;
	v33 =	vld [tilespmem:s5+$0x7B0];
	[tilespmem:s5+$0x740] =	vst v2;
	v2 =	vmul.f32 v27, v23  }
0xda: {  	v34 =	vld [tilespmem:s5+$0x7C0];
	[tilespmem:s5+$0x750] =	vst v3;
	v3 =	vmul.f32 v28, v23  }
0xdb: {  	v35 =	vld [tilespmem:s5+$0x7D0];
	[tilespmem:s5+$0x760] =	vst v2;
	v2 =	vmul.f32 v29, v32  }
0xdc: {  	v36 =	vld [tilespmem:s5+$0x7E0];
	[tilespmem:s5+$0x770] =	vst v3;
	v3 =	vmul.f32 v30, v32  }
0xdd: {  	v37 =	vld [tilespmem:s5+$0x7F0];
	[tilespmem:s5+$0x780] =	vst v2;
	v2 =	vmul.f32 v31, v32  }
0xde: {  	v38 =	vld [tilespmem:s5+$0x800];
	[tilespmem:s5+$0x790] =	vst v3;
	v3 =	vmul.f32 v33, v32  }
0xdf: {  	v39 =	vld [tilespmem:s5+$0x810];
	[tilespmem:s5+$0x7A0] =	vst v2;
	v2 =	vmul.f32 v34, v32  }
0xe0: {  	v40 =	vld [tilespmem:s5+$0x820];
	[tilespmem:s5+$0x7B0] =	vst v3;
	v3 =	vmul.f32 v35, v32  }
0xe1: {  	v41 =	vbroadcast v1, $0xD;
	v42 =	vld [tilespmem:s5+$0x830];
	[tilespmem:s5+$0x7C0] =	vst v2;
	v2 =	vmul.f32 v36, v32  }
0xe2: {  	v43 =	vld [tilespmem:s5+$0x840];
	[tilespmem:s5+$0x7D0] =	vst v3;
	v3 =	vmul.f32 v37, v32  }
0xe3: {  	v44 =	vld [tilespmem:s5+$0x850];
	[tilespmem:s5+$0x7E0] =	vst v2;
	v2 =	vmul.f32 v38, v41  }
0xe4: {  	v45 =	vld [tilespmem:s5+$0x860];
	[tilespmem:s5+$0x7F0] =	vst v3;
	v3 =	vmul.f32 v39, v41  }
0xe5: {  	v46 =	vld [tilespmem:s5+$0x870];
	[tilespmem:s5+$0x800] =	vst v2;
	v2 =	vmul.f32 v40, v41  }
0xe6: {  	v47 =	vld [tilespmem:s5+$0x880];
	[tilespmem:s5+$0x810] =	vst v3;
	v3 =	vmul.f32 v42, v41  }
0xe7: {  	v48 =	vld [tilespmem:s5+$0x890];
	[tilespmem:s5+$0x820] =	vst v2;
	v2 =	vmul.f32 v43, v41  }
0xe8: {  	v49 =	vld [tilespmem:s5+$0x8A0];
	[tilespmem:s5+$0x830] =	vst v3;
	v3 =	vmul.f32 v44, v41  }
0xe9: {  	v50 =	vbroadcast v1, $0xE;
	v51 =	vld [tilespmem:s5+$0x8B0];
	[tilespmem:s5+$0x840] =	vst v2;
	v2 =	vmul.f32 v45, v41  }
0xea: {  	v52 =	vld [tilespmem:s5+$0x8C0];
	[tilespmem:s5+$0x850] =	vst v3;
	v3 =	vmul.f32 v46, v41  }
0xeb: {  	v53 =	vld [tilespmem:s5+$0x8D0];
	[tilespmem:s5+$0x860] =	vst v2;
	v2 =	vmul.f32 v47, v50  }
0xec: {  	v54 =	vld [tilespmem:s5+$0x8E0];
	[tilespmem:s5+$0x870] =	vst v3;
	v3 =	vmul.f32 v48, v50  }
0xed: {  	v55 =	vld [tilespmem:s5+$0x8F0];
	[tilespmem:s5+$0x880] =	vst v2;
	v2 =	vmul.f32 v49, v50  }
0xee: {  	v56 =	vld [tilespmem:s5+$0x900];
	[tilespmem:s5+$0x890] =	vst v3;
	v3 =	vmul.f32 v51, v50  }
0xef: {  	v57 =	vld [tilespmem:s5+$0x910];
	[tilespmem:s5+$0x8A0] =	vst v2;
	v2 =	vmul.f32 v52, v50  }
0xf0: {  	v58 =	vld [tilespmem:s5+$0x920];
	[tilespmem:s5+$0x8B0] =	vst v3;
	v3 =	vmul.f32 v53, v50  }
0xf1: {  	v1 =	vbroadcast v1, $0xF;
	v59 =	vld [tilespmem:s5+$0x930];
	[tilespmem:s5+$0x8C0] =	vst v2;
	v2 =	vmul.f32 v54, v50  }
0xf2: {  	v60 =	vld [tilespmem:s5+$0x940];
	[tilespmem:s5+$0x8D0] =	vst v3;
	v3 =	vmul.f32 v55, v50  }
0xf3: {  	v61 =	vld [tilespmem:s5+$0x950];
	[tilespmem:s5+$0x8E0] =	vst v2;
	v2 =	vmul.f32 v56, v1  }
0xf4: {  	v62 =	vld [tilespmem:s5+$0x960];
	[tilespmem:s5+$0x8F0] =	vst v3;
	v3 =	vmul.f32 v57, v1  }
0xf5: {  	v63 =	vld [tilespmem:s5+$0x970];
	[tilespmem:s5+$0x900] =	vst v2;
	v2 =	vmul.f32 v58, v1  }
0xf6: {  	[tilespmem:s5+$0x910] =	vst v3;
	v3 =	vmul.f32 v59, v1  }
0xf7: {  	p0 =	sne.s32 s0, $0x7;
	[tilespmem:s5+$0x920] =	vst v2;
	v2 =	vmul.f32 v60, v1  }
.Ltmp6:
0xf8: {  	[tilespmem:s5+$0x930] =	vst v3;
	v3 =	vmul.f32 v61, v1;
	(pc) =	sbr.rel @p0 .LBB2_6-.Ltmp6, $4  }
0xf9: {  	[tilespmem:s5+$0x940] =	vst v2;
	v2 =	vmul.f32 v62, v1  }
0xfa: {  	[tilespmem:s5+$0x950] =	vst v3;
	v1 =	vmul.f32 v63, v1  }
0xfb: {  	[tilespmem:s5+$0x960] =	vst v2  }
0xfc: {  	s0 =	sadd.s32 $0x1, s0;
	[tilespmem:s5+$0x970] =	vst v1  }
.Ltmp7:
0xfd: {  	(pc) =	sbr.rel .LBB2_8-.Ltmp7, $4  }
0xfe: {  	[spmem:s3] =	stream.indirect.scatter.add.f32 [tilespmem:s21], [sflag:$0x1], $0x80, s28, s28, $0xb8;
	[tilespmem:$0x18180] =	vst v63  }
0xff: {  	_ =	swait.ge [sflag:s30], $0x4000  }
0x100: {  	[sflag:s30] =	ssyncset.done $0x0  }
0x101: {  	[sflag:s30] =	ssyncadd.s32 $0xFFFFC000  }
.LBB2_10:
0x102: {  	_ =	sfence.sel $0x180000  }
0x103: {  	[bflag:$0x0] =	sbarrier.arrive $0xFFFF  }
0x104: {  	_ =	strace $0x9000004D  }
0x105: {  	s0 =	stileid.u32;
	[bflag:$0x2] =	sbarrier.arrive $0xFFFF  }
0x106: {  	p0 =	sne.s32 s0, $0x0;
	s0 =	rddreg [dreg:$0x4]  }
0x107: {  	s0 =	sadd.s32 @!p0 $0x100000, s0  }
0x108: {  	[sflag:s0] =	ssyncadd.tile.s32 @!p0 $0x1;
	_ =	shalt  }
.Lfunc_end2:
_tile_overlayer_lowered:
.L_overlay_start_2:
0x109: {  	(tag) =	ssettag $0x2  }
0x10a: {  	s0 =	rddreg [dreg:$0x0];
	s2 =	stileid.u32  }
0x10b: {  	s1 =	rddreg [dreg:$0x1];
	p0 =	sne.s32 s2, $0x0  }
0x10c: {  	s3 =	rddreg [dreg:$0x2];
	[bflag:$0x3] =	sbarrier.arrive $0xFFFF;
	s2 =	simm.s32 @!p0 $0x1C02  }
0x10d: {  	[timem:s3], [sflag:s2] =	dma.local @!p0 [hbm:s0], s1  }
0x10e: {  	s0 =	simm.s32 @!p0 $0x2  }
0x10f: {  	_ =	swait.ge @!p0 [sflag:s0], s1  }
0x110: {  	s1 =	ssub.s32 @!p0 $0x0, s1;
	[sflag:s0] =	ssyncset.done @!p0 $0x0  }
0x111: {  	[sflag:s0] =	ssyncadd.s32 @!p0 s1  }
0x112: {  	[bflag:$0x3] =	sbarrier.arrive $0xFFFF  }
0x113: {  	_ =	shalt  }

// kernel: kernel.9.cloned.1.call-start
scs
__scs_entry_jumppad:
0x0: {  	(pc) =	sbr.rel $0x88, $3  }
0x1: {  	(tag) =	ssettag $0x0;
	lr =	simm.s32 $0x1  }
0x2: {  	[smem:$0x3F9A] =	sst lr;
	_ =	strace $0xD0000000  }
0x3: {  	_ = 	snop  }
0x4: {  	_ = 	snop  }
0x5: {  	_ = 	snop  }
0x6: {  	_ = 	snop  }
0x7: {  	_ = 	snop  }
__scs_overlays_trampoline_lowered:
0x8: {  	[smem:$0x3FA9] =	sst s0  }
0x9: {  	[smem:$0x3FAA] =	sst s1  }
0xa: {  	[smem:$0x3FAB] =	sst s2  }
0xb: {  	[smem:$0x3FAC] =	sst s3  }
0xc: {  	[smem:$0x3FAD] =	sst s4  }
0xd: {  	[smem:$0x3FAE] =	sst s5  }
0xe: {  	[smem:$0x3FAF] =	sst s6  }
0xf: {  	[smem:$0x3FB0] =	sst s7  }
0x10: {  	[smem:$0x3FB1] =	sst s8  }
0x11: {  	[smem:$0x3FB2] =	sst s9;
	s0 =	simm.s32 @!p0 $0x0  }
0x12: {  	s1 =	sld [smem:$0x3F98];
	s0 =	simm.s32 @p0 $0x1  }
0x13: {  	[smem:$0x3FB3] =	sst s0;
	s0 =	simm.s32 @!p1 $0x0  }
0x14: {  	s2 =	sld [smem:$0x3F97];
	s0 =	simm.s32 @p1 $0x1  }
0x15: {  	[smem:$0x3FB4] =	sst s0;
	s0 =	simm.s32 @!p2 $0x0  }
0x16: {  	s3 =	sld [smem:$0x3FDB];
	s0 =	simm.s32 @p2 $0x1  }
0x17: {  	s4 =	simm.s32 $0x1BF5;
	[smem:$0x3FB6] =	sst s0  }
0x18: {  	s0 =	sld [smem:$0x3F99];
	_ =	swait.ge [sflag:s4], $0x0  }
0x19: {  	s7 =	sld [smem:$0x3F9A]  }
0x1a: {  	s8 =	sadd.s32 $0xFFFFE003, lr  }
0x1b: {  	s9 =	sadd.s32 $0xFFFFFEF7, lr;
	s5 =	simm.s32 $0xFFFFFFFF;
	p2 =	slt.u32 s8, $0xFFFFF086  }
0x1c: {  	p1 =	slt.u32 s9, $0xF7A;
	s5 =	simm.s32 @!p2 $0x0  }
0x1d: {  	s5 =	simm.s32 @p1 $0x1;
	p0 =	seq.s32 s7, s2  }
0x1e: {  	s7 =	smul.u32 @!p0 $0xF7A, s2;
	p2 =	seq.s32 @!p0 s5, $0x0  }
0x1f: {  	s9 =	smul.u32 $0xF7A, s1;
	s8 =	simm.s32 @!p0 $0x1BF5;
	p2 =	por !p2, p0  }
0x20: {  	[sflag:s8] =	ssyncset.s32 @!p0 $0xFFFFF086;
	s6 =	sadd.s32 @!p0 s3, s7;
	s7 =	simm.s32 @!p0 $0x108  }
0x21: {  	s3 =	sadd.s32 s3, s9;
	s6 =	sadd.s32 @!p0 $0x88, s6;
	s7 =	simm.s32 @p2 $0x1082  }
0x22: {  	[simem:s7], [sflag:s8] =	dma.local @!p0 [hbm:s6], $0xF7A  }
0x23: {  	s9 =	sor.u32 $0xD0000000, s2;
	s6 =	simm.s32 $0x108;
	_ =	swait.ge @!p0 [sflag:s8], $0x0  }
0x24: {  	s3 =	sadd.s32 $0x88, s3;
	s6 =	simm.s32 @!p1 $0x1082;
	[sflag:s4] =	ssyncset.s32 $0xFFFFF086  }
0x25: {  	[simem:s6], [sflag:s4] =	dma.local [hbm:s3], $0xF7A  }
0x26: {  	[smem:$0x3F9A] =	sst s1;
	(tag) =	ssettag s2;
	_ =	strace s9  }
0x27: {  	s1 =	sld [smem:$0x3FAA]  }
0x28: {  	s2 =	sld [smem:$0x3FAB]  }
0x29: {  	s4 =	sld [smem:$0x3FAD]  }
0x2a: {  	p0 =	seq.s32 s5, $0x0;
	s5 =	sld [smem:$0x3FAE]  }
0x2b: {  	s6 =	sld [smem:$0x3FAF]  }
0x2c: {  	s7 =	sld [smem:$0x3FB0]  }
0x2d: {  	s3 =	simm.s32 $0x108;
	s8 =	sld [smem:$0x3FB1]  }
0x2e: {  	s3 =	simm.s32 @!p0 $0x1082;
	s9 =	sld [smem:$0x3FB2]  }
0x2f: {  	lr =	sadd.s32 s0, s3;
	s0 =	sld [smem:$0x3FA9]  }
0x30: {  	s3 =	sld [smem:$0x3FAC]  }
0x31: {  	[smem:$0x3FB5] =	sst s10  }
0x32: {  	s10 =	sld [smem:$0x3FB3];
	_ =	sdelay $0x3  }
0x33: {  	p0 =	seq.s32 s10, $0x1;
	s10 =	sld [smem:$0x3FB5];
	_ =	sdelay $0x3  }
0x34: {  	[smem:$0x3FB5] =	sst s10  }
0x35: {  	s10 =	sld [smem:$0x3FB4];
	_ =	sdelay $0x3  }
0x36: {  	p1 =	seq.s32 s10, $0x1;
	s10 =	sld [smem:$0x3FB5];
	_ =	sdelay $0x3  }
0x37: {  	[smem:$0x3FB5] =	sst s10  }
0x38: {  	s10 =	sld [smem:$0x3FB6]  }
0x39: {  	_ = 	snop;
	(pc) =	sbr.ind lr, $3  }
0x3a: {  	_ = 	snop  }
0x3b: {  	_ = 	snop  }
0x3c: {  	p2 =	seq.s32 s10, $0x1;
	s10 =	sld [smem:$0x3FB5]  }
0x3d: {  	_ =	shalt  }
0x3e: {  	_ =	shalt  }
0x3f: {  	_ =	shalt  }
0x40: {  	_ =	shalt  }
0x41: {  	_ =	shalt  }
0x42: {  	_ =	shalt  }
0x43: {  	_ =	shalt  }
0x44: {  	_ =	shalt  }
0x45: {  	_ =	shalt  }
0x46: {  	_ =	shalt  }
0x47: {  	_ =	shalt  }
0x48: {  	_ =	shalt  }
0x49: {  	_ =	shalt  }
0x4a: {  	_ =	shalt  }
0x4b: {  	_ =	shalt  }
0x4c: {  	_ =	shalt  }
0x4d: {  	_ =	shalt  }
0x4e: {  	_ =	shalt  }
0x4f: {  	_ =	shalt  }
0x50: {  	_ =	shalt  }
0x51: {  	_ =	shalt  }
0x52: {  	_ =	shalt  }
0x53: {  	_ =	shalt  }
0x54: {  	_ =	shalt  }
0x55: {  	_ =	shalt  }
0x56: {  	_ =	shalt  }
0x57: {  	_ =	shalt  }
0x58: {  	_ =	shalt  }
0x59: {  	_ =	shalt  }
0x5a: {  	_ =	shalt  }
0x5b: {  	_ =	shalt  }
0x5c: {  	_ =	shalt  }
0x5d: {  	_ =	shalt  }
0x5e: {  	_ =	shalt  }
0x5f: {  	_ =	shalt  }
0x60: {  	_ =	shalt  }
0x61: {  	_ =	shalt  }
0x62: {  	_ =	shalt  }
0x63: {  	_ =	shalt  }
0x64: {  	_ =	shalt  }
0x65: {  	_ =	shalt  }
0x66: {  	_ =	shalt  }
0x67: {  	_ =	shalt  }
0x68: {  	_ =	shalt  }
0x69: {  	_ =	shalt  }
0x6a: {  	_ =	shalt  }
0x6b: {  	_ =	shalt  }
0x6c: {  	_ =	shalt  }
0x6d: {  	_ =	shalt  }
0x6e: {  	_ =	shalt  }
0x6f: {  	_ =	shalt  }
0x70: {  	_ =	shalt  }
0x71: {  	_ =	shalt  }
0x72: {  	_ =	shalt  }
0x73: {  	_ =	shalt  }
0x74: {  	_ =	shalt  }
0x75: {  	_ =	shalt  }
0x76: {  	_ =	shalt  }
0x77: {  	_ =	shalt  }
0x78: {  	_ =	shalt  }
0x79: {  	_ =	shalt  }
0x7a: {  	_ =	shalt  }
0x7b: {  	_ =	shalt  }
0x7c: {  	_ =	shalt  }
0x7d: {  	_ =	shalt  }
0x7e: {  	_ =	shalt  }
0x7f: {  	_ =	shalt  }
0x80: {  	_ =	shalt  }
0x81: {  	_ =	shalt  }
0x82: {  	_ =	shalt  }
0x83: {  	_ =	shalt  }
0x84: {  	_ =	shalt  }
0x85: {  	_ =	shalt  }
0x86: {  	_ =	shalt  }
0x87: {  	_ =	shalt  }
.Lfunc_end0:
.L_simem_size_0:
called_computation_lowered:
.L_overlay_start_0:
0x88: {  	s2 =	sld [smem:$0x3FD9]  }
0x89: {  	s3 =	sld [smem:$0x3FFE];
	_ =	sdelay $0x1  }
0x8a: {  	s1 =	srdreg.scid  }
0x8b: {  	s0 =	sand.u32 $0x1, s1  }
0x8c: {  	s17 =	sshll.u32 s0, $0xA;
	s2 =	sadd.s32 s3, s2  }
0x8d: {  	s2 =	sadd.s32 s2, s17  }
0x8e: {  	[smem:$0x3FC1] =	sst s2  }
0x8f: {  	_ = 	snop  }
0x90: {  	s2 =	sld [smem:$0x3FC7]  }
0x91: {  	s18 =	sld [smem:$0x3FD0];
	(tm) =	ssettm $0x1  }
0x92: {  	s4 =	sld [smem:$0x3FFB];
	_ =	sdelay $0x3  }
0x93: {  	_ =	strace s4  }
0x94: {  	s4 =	sld [smem:$0x3FFC];
	_ =	sdelay $0x3  }
0x95: {  	_ =	strace s4  }
0x96: {  	s4 =	sld [smem:$0x3FFD];
	_ =	sdelay $0x3  }
0x97: {  	_ =	strace s4  }
0x98: {  	_ =	strace $0x8FFFFFFF  }
0x99: {  	s19 =	sld [smem:$0x3FDB];
	_ =	sdelay $0x1  }
0x9a: {  	s5 =	simm.s32 $_scs_section_size  }
0x9b: {  	s6 =	simm.s32 $_size__tile_overlayer_lowered;
	s7 =	simm.s32 $_tile_overlayer_lowered  }
0x9c: {  	s22 =	simm.s32 $0x1BFF;
	s21 =	sshll.u32 s7, $0x1;
	s4 =	sadd.s32 s5, s19  }
0x9d: {  	s8 =	simm.s32 $0x0;
	s20 =	sshll.u32 s6, $0x1;
	s6 =	sadd.s32 s21, s4  }
0x9e: {  	[timem:s8], [sflag:s22] =	dma.local [hbm:s6], s20  }
0x9f: {  	_ =	swait.ge [sflag:s22], s20  }
0xa0: {  	s5 =	ssub.s32 $0x0, s20;
	[sflag:s22] =	ssyncset.done $0x0  }
0xa1: {  	[sflag:s22] =	ssyncadd.s32 s5;
	_ =	sdelay $0x1  }
0xa2: {  	s23 =	simm.s32 $0x1B8B  }
0xa3: {  	_ =	swait.ge [sflag:s23], $0x1  }
0xa4: {  	[sflag:s23] =	ssyncset.done $0x0  }
0xa5: {  	s25 =	simm.s32 $0x1B8E;
	s24 =	sld [smem:$0x3FFE];
	[sflag:s23] =	ssyncadd.s32 $0xFFFFFFFF  }
0xa6: {  	s26 =	simm.s32 $execute0_lowered;
	[smem:$0x3FD2] =	sst s25  }
0xa7: {  	s6 =	sshll.u32 s26, $0x1;
	_ =	strace $0x80000046;
	[dreg:$0x1] =	wrdreg $0xFFFFFFFF  }
0xa8: {  	s28 =	simm.s32 $_size_execute0_lowered;
	s4 =	sadd.s32 s4, s6;
	[dreg:$0x0] =	wrdreg $0x0  }
0xa9: {  	s6 =	sshll.u32 s28, $0x1;
	[dreg:$0x2] =	wrdreg s4  }
0xaa: {  	[dreg:$0x3] =	wrdreg s6  }
0xab: {  	[dreg:$0x4] =	wrdreg $0xC0  }
0xac: {  	_ =	task [dreg:s8], $0x5FFFF  }
0xad: {  	[dreg:$0x1] =	wrdreg $0xFFFFFFFF  }
0xae: {  	[dreg:$0x0] =	wrdreg $0x60  }
0xaf: {  	[dreg:$0x2] =	wrdreg s24  }
0xb0: {  	[dreg:$0x3] =	wrdreg s2  }
0xb1: {  	[dreg:$0x4] =	wrdreg s18  }
0xb2: {  	[dreg:$0x5] =	wrdreg $0x9  }
0xb3: {  	_ =	task.clear_ibuf [dreg:s8], $0x6FFFF;
	_ =	strace $0x90000046  }
0xb4: {  	s29 =	simm.s32 $0x9;
	_ =	strace $0x80000048  }
0xb5: {  	_ =	swait.ge [sflag:s29], $0x1  }
0xb6: {  	[sflag:s29] =	ssyncadd.s32 $0xFFFFFFFF  }
0xb7: {  	_ =	strace $0x90000048  }
0xb8: {  	_ =	sfence  }
0xb9: {  	s30 =	sld [smem:$0x0];
	_ =	sdelay $0x2  }
0xba: {  	s31 =	sshll.u32 s1, $0xD;
	s1 =	sshrl.u32 s1, $0x2  }
0xbb: {  	s3 =	sand.u32 $0x4000, s31;
	s1 =	sadd.s32 s1, s30  }
0xbc: {  	s0 =	sor.u32 s3, s0;
	s1 =	sshll.u32 s1, $0x11  }
0xbd: {  	s0 =	sor.u32 s1, s0  }
0xbe: {  	s0 =	sadd.s32 $0x8F2B, s0  }
0xbf: {  	[sflag:s0] =	ssyncadd.remote.s32 $0x1  }
0xc0: {  	_ =	sfence.sel $0xFFFF  }
0xc1: {  	[dreg:$0x0] =	wrdreg $0xFFFFFFFF;
	(pc) =	sbr.abs _section_cstart, $3  }
0xc2: {  	[dreg:$0x1] =	wrdreg $0xFFFFFFFF  }
0xc3: {  	_ =	task.clear_ibuf [dreg:s8], $0x2FFFF;
	_ =	strace $0x9FFFFFFF  }
0xc4: {  	(tm) =	ssettm $0x7FFFFFFF  }
0xc5: {  	_ =	shalt  }
tec
execute0_lowered:
.L_overlay_start_1:
0x0: {  	(tag) =	ssettag $0x1  }
0x1: {  	s4 =	rddreg [dreg:$0x0]  }
0x2: {  	s2 =	rddreg [dreg:$0x1]  }
0x3: {  	s1 =	srdreg.scid;
	s0 =	stileid.u32  }
0x4: {  	s6 =	rddreg [dreg:$0x2];
	s11 =	simm.s32 $0x80;
	s12 =	simm.s32 $0x400  }
0x5: {  	s13 =	simm.s32 $0x0;
	s5 =	sand.u32 $0x1, s1;
	s3 =	sshll.u32 s0, $0x1  }
0x6: {  	s1 =	rddreg [dreg:$0x3];
	s8 =	sshrl.u32 s0, $0x2;
	s4 =	sadd.s32 $0xC400, s4  }
0x7: {  	s7 =	sor.u32 s5, s3;
	s3 =	simm.s32 $0x0;
	s8 =	smul.u32 $0x13C00, s8  }
0x8: {  	s5 =	ssub.s32 $0x2, s5;
	s9 =	sshll.u32 s7, $0x7;
	[smem:$0x7FF] =	sst s3  }
0x9: {  	s10 =	sshrl.u32 s5, $0x1;
	s9 =	sand.u32 $0x380, s9;
	_ =	strace $0x80000047  }
0xa: {  	s31 =	ssub.s32 s5, s10;
	s5 =	smul.u32 $0x2710, s7;
	s8 =	sor.u32 s8, s9  }
0xb: {  	s10 =	simm.s32 $0x2F80;
	s7 =	smax.u32 s31, $0x1;
	s8 =	sshrl.u32 s8, $0x3  }
0xc: {  	v0 =	vimm.f32 $0.0e+00;
	s9 =	simm.s32 $0x1;
	s6 =	sadd.s32 s6, s8;
	s8 =	simm.s32 $0x2780  }
.LBB2_1:
0xd: {  	s14 =	simm.s32 $0x40;
	s15 =	simm.s32 $0x0  }
.LBB2_2:
0xe: {  	p0 =	sne.s32 s14, $0x9C00;
	[tilespmem:s15+$0x0] =	vst v0;
	s15 =	smov.u32 s14;
	s14 =	sadd.s32 $0x40, s14  }
.Ltmp0:
0xf: {  	(pc) =	sbr.rel @p0 .LBB2_2-.Ltmp0, $2  }
0x10: {  	_ =	sdelay $0x2  }
0x11: {  	s15 =	sshra.s32 s15, $0x2  }
0x12: {  	[tilespmem:s15+$0x0] =	vst v0;
	s14 =	simm.s32 $0x0;
	s15 =	simm.s32 $0x0  }
.LBB2_4:
0x13: {  	s16 =	smul.u32 $0x7D0, s15;
	_ =	sdelay $0x1  }
0x14: {  	s16 =	sadd.s32 s5, s16  }
0x15: {  	s16 =	sshrl.u32 s16, $0x3  }
0x16: {  	s17 =	sadd.s32 s4, s16  }
0x17: {  	[tilespmem:s8], [sflag:$0x1] =	stream.linear.gather [hbm4b:s17+s14], $0x7D0, $0x38;
	[tilespmem:$0x3780] =	vst v63  }
0x18: {  	_ =	swait.ge [sflag:s9], $0x7D0  }
0x19: {  	[sflag:s9] =	ssyncset.done $0x0  }
0x1a: {  	s16 =	sadd.s32 s2, s16;
	[sflag:s9] =	ssyncadd.s32 $0xFFFFF830  }
0x1b: {  	[tilespmem:s10], [sflag:$0x1] =	stream.linear.gather [hbm4b:s16+s14], $0x7D0, $0x38;
	[tilespmem:$0x3780] =	vst v63  }
0x1c: {  	_ =	swait.ge [sflag:s9], $0x7D0  }
0x1d: {  	[sflag:s9] =	ssyncset.done $0x0  }
0x1e: {  	s17 =	simm.s32 $0x0;
	s16 =	simm.s32 $0x40;
	[sflag:s9] =	ssyncadd.s32 $0xFFFFF830  }
.LBB2_5:
0x1f: {  	p0 =	sne.s32 s16, $0x1F00;
	v1 =	vld [tilespmem:s17+$0x2780];
	_ =	sdelay $0x2  }
0x20: {  	v2 =	vld [tilespmem:s17+$0x2F80]  }
.Ltmp1:
0x21: {  	(pc) =	sbr.rel @p0 .LBB2_5-.Ltmp1, $2  }
0x22: {  	_ =	sdelay $0x2  }
0x23: {  	s17 =	sshra.s32 s16, $0x2;
	s16 =	sadd.s32 $0x40, s16;
	[tilespmem:v1+s3+$0x0] =	vst.idx.add.f32.msk $0xffff, v2  }
0x24: {  	v1 =	vld [tilespmem:s17+$0x2780];
	_ =	sdelay $0x1  }
0x25: {  	s15 =	sadd.s32 $0x1, s15  }
0x26: {  	v2 =	vld [tilespmem:s17+$0x2F80];
	p0 =	sne.s32 s15, $0x5  }
.Ltmp2:
0x27: {  	_ = 	snop;
	(pc) =	sbr.rel @p0 .LBB2_4-.Ltmp2, $2  }
0x28: {  	_ =	sdelay $0x2  }
0x29: {  	[tilespmem:v1+s3+$0x0] =	vst.idx.add.f32.msk $0xffff, v2  }
0x2a: {  	s13 =	sadd.s32 $0x1, s13  }
0x2b: {  	p0 =	sne.s32 s13, s7  }
.Ltmp3:
0x2c: {  	_ = 	snop;
	(pc) =	sbr.rel @p0 .LBB2_1-.Ltmp3, $4  }
0x2d: {  	[hbm4b:s6+s11] =	stream.strided.scatter [tilespmem:s3], [sflag:$0x1], $0x2780, s12, s11, $0x38;
	[tilespmem:$0x3780] =	vst v63  }
0x2e: {  	_ =	swait.ge [sflag:s9], $0x2780  }
0x2f: {  	[sflag:s9] =	ssyncset.done $0x0  }
0x30: {  	[sflag:s9] =	ssyncadd.s32 $0xFFFFD880  }
0x31: {  	_ =	sfence.sel $0x180000  }
0x32: {  	[bflag:$0x0] =	sbarrier.arrive $0xFFFF  }
0x33: {  	p0 =	sne.s32 s0, $0x0;
	_ =	strace $0x90000047  }
0x34: {  	s0 =	sadd.s32 @!p0 $0x100000, s1;
	[bflag:$0x2] =	sbarrier.arrive $0xFFFF  }
0x35: {  	[sflag:s0] =	ssyncadd.tile.s32 @!p0 $0x1;
	_ =	shalt  }
.Lfunc_end2:
_tile_overlayer_lowered:
.L_overlay_start_2:
0x36: {  	(tag) =	ssettag $0x2  }
0x37: {  	s0 =	rddreg [dreg:$0x0];
	s2 =	stileid.u32  }
0x38: {  	s1 =	rddreg [dreg:$0x1];
	p0 =	sne.s32 s2, $0x0  }
0x39: {  	s3 =	rddreg [dreg:$0x2];
	[bflag:$0x3] =	sbarrier.arrive $0xFFFF;
	s2 =	simm.s32 @!p0 $0x1C01  }
0x3a: {  	[timem:s3], [sflag:s2] =	dma.local @!p0 [hbm:s0], s1  }
0x3b: {  	s0 =	simm.s32 @!p0 $0x1  }
0x3c: {  	_ =	swait.ge @!p0 [sflag:s0], s1  }
0x3d: {  	s1 =	ssub.s32 @!p0 $0x0, s1;
	[sflag:s0] =	ssyncset.done @!p0 $0x0  }
0x3e: {  	[sflag:s0] =	ssyncadd.s32 @!p0 s1  }
0x3f: {  	[bflag:$0x3] =	sbarrier.arrive $0xFFFF  }
0x40: {  	_ =	shalt  }

</sc_bundles>
